<compile_context>
chip_gen: v7x
topology: tpu7x:2x2x1
jax: 0.10.2.dev20260603
libtpu: 0.0.44.dev20260713+nightly
codegen_flags: <defaults>
</compile_context>

<pallas_src>
import functools

import jax
import jax.numpy as jnp
from jax import lax
from jax.experimental import pallas as pl
from jax.experimental.pallas import tpu as pltpu
from jax.experimental.pallas import tpu_sc as plsc

B, N, H, E_FEAT, T, OUT = 16, 128, 128, 16, 3, 128
NB = B * N
ROW = N * E_FEAT
EH = E_FEAT // 2

NC, NS, L = 2, 16, 16
NW = NC * NS
NB_SC = 512
NB_TC = NB - NB_SC
RPW = NB_SC // NW
CHUNK = 8
NCH = RPW // CHUNK
NBUF = 4

_HI = lax.Precision.HIGHEST


def _round_bf16(v):
    c = v * 65537.0
    return c - (c - v)


def _sc_esum_body(e_hbm, out_hbm, buf0, buf1, buf2, buf3, accv,
                  sem0, sem1, sem2, sem3, osem):
    wid = lax.axis_index("s") * NC + lax.axis_index("c")
    base = wid * RPW

    bufs = (buf0, buf1, buf2, buf3)
    sems = (sem0, sem1, sem2, sem3)

    def issue(c):
        return pltpu.async_copy(
            e_hbm.at[pl.ds((base + c * CHUNK) * ROW, CHUNK * ROW)],
            bufs[c % NBUF], sems[c % NBUF])

    pending = [issue(c) for c in range(min(NBUF, NCH))]
    for c in range(NCH):
        pending[c % NBUF].wait()
        buf = bufs[c % NBUF]

        def row_body(rr, _, buf=buf, c=c):
            o = rr * ROW
            ob = (c * CHUNK + rr) * (EH * L)
            for fb in range(0, E_FEAT, 2):
                va = [_round_bf16(buf[pl.ds(o + fb * N + u * L, L)])
                      for u in range(N // L)]
                vb = [_round_bf16(buf[pl.ds(o + (fb + 1) * N + u * L, L)])
                      for u in range(N // L)]
                pa = ((va[0] + va[1]) + (va[2] + va[3])) + \
                     ((va[4] + va[5]) + (va[6] + va[7]))
                pb = ((vb[0] + vb[1]) + (vb[2] + vb[3])) + \
                     ((vb[4] + vb[5]) + (vb[6] + vb[7]))
                half = fb // EH
                fh = fb % EH
                accv[pl.ds(half * (RPW * EH * L) + ob + fh * L, L)] = pa
                halfb = (fb + 1) // EH
                fhb = (fb + 1) % EH
                accv[pl.ds(halfb * (RPW * EH * L) + ob + fhb * L, L)] = pb
            return 0

        lax.fori_loop(0, CHUNK, row_body, 0)
        if c + NBUF < NCH:
            pending[c % NBUF] = issue(c + NBUF)

    hw = RPW * EH * L
    ca = pltpu.async_copy(
        accv.at[pl.ds(0, hw)], out_hbm.at[pl.ds(base * (EH * L), hw)], osem)
    cb = pltpu.async_copy(
        accv.at[pl.ds(hw, hw)],
        out_hbm.at[pl.ds((NB_SC + base) * (EH * L), hw)], osem)
    ca.wait()
    cb.wait()


@functools.cache
def _sc_esum():
    return functools.partial(
        pl.kernel,
        out_type=jax.ShapeDtypeStruct((2 * NB_SC * EH * L,), jnp.float32),
        mesh=plsc.VectorSubcoreMesh(
            core_axis_name="c", subcore_axis_name="s",
            num_cores=NC, num_subcores=NS),
        scratch_types=[
            pltpu.VMEM((CHUNK * ROW,), jnp.float32),
            pltpu.VMEM((CHUNK * ROW,), jnp.float32),
            pltpu.VMEM((CHUNK * ROW,), jnp.float32),
            pltpu.VMEM((CHUNK * ROW,), jnp.float32),
            pltpu.VMEM((2 * RPW * EH * L,), jnp.float32),
            pltpu.SemaphoreType.DMA,
            pltpu.SemaphoreType.DMA,
            pltpu.SemaphoreType.DMA,
            pltpu.SemaphoreType.DMA,
            pltpu.SemaphoreType.DMA,
        ],
    )(_sc_esum_body)


TRBLK = 2048


def _tcred_body(x_ref, out_ref):
    x = x_ref[...]
    c = x * 65537.0
    r = c - (c - x)
    out_ref[...] = jnp.sum(r.reshape(TRBLK // E_FEAT, E_FEAT, N), axis=2)


_tcred_call = pl.pallas_call(
    _tcred_body,
    grid=(NB_TC * E_FEAT // TRBLK,),
    in_specs=[pl.BlockSpec((TRBLK, N),
                           lambda i: (NB_SC * E_FEAT // TRBLK + i, 0))],
    out_specs=pl.BlockSpec((TRBLK // E_FEAT, E_FEAT), lambda i: (i, 0)),
    out_shape=jax.ShapeDtypeStruct((NB_TC, E_FEAT), jnp.float32),
)


def _tc_body(nodes_ref, psum_ref, etc_ref, we_ref, wu_ref, wm_ref, wr_ref,
             out_ref):
    f32 = jnp.float32
    bf16 = jnp.bfloat16
    nodes = nodes_ref[...]
    top = psum_ref[0:NB_SC, :]
    bot = psum_ref[NB_SC:, :]
    pc = lax.broadcasted_iota(jnp.int32, (EH * L, EH), 0) // L
    pf = lax.broadcasted_iota(jnp.int32, (EH * L, EH), 1)
    rsel = (pc == pf).astype(f32)
    ql = jnp.dot(top, rsel, precision=_HI)
    qh = jnp.dot(bot, rsel, precision=_HI)
    esum_tc = etc_ref[...]
    we_bf = we_ref[...].astype(bf16).astype(f32)
    m0_sc = (jnp.dot(ql, we_bf[:EH], precision=_HI)
             + jnp.dot(qh, we_bf[EH:], precision=_HI))
    m0_tc = jnp.dot(esum_tc, we_bf, precision=_HI)
    m0 = jnp.concatenate([m0_sc, m0_tc], axis=0)
    asum = jnp.concatenate(
        [jnp.sum(ql, axis=1, keepdims=True)
         + jnp.sum(qh, axis=1, keepdims=True),
         jnp.sum(esum_tc, axis=1, keepdims=True)], axis=0)
    mask = (asum != 0.0).astype(f32)

    wu_bf = wu_ref[...].astype(bf16)
    wm_bf = wm_ref[...].astype(bf16)
    hidden = nodes
    for _ in range(T):
        s = jnp.sum(hidden.reshape(B, N, H), axis=1)
        sfull = jnp.broadcast_to(s[:, None, :], (B, N, H)).reshape(NB, H)
        messages = sfull + m0
        pre = (jnp.dot(hidden.astype(bf16), wu_bf, preferred_element_type=f32)
               + jnp.dot(messages.astype(bf16), wm_bf,
                         preferred_element_type=f32))
        hidden = jnp.tanh(pre)

    wr_bf = wr_ref[...].astype(bf16)
    r = jnp.tanh(jnp.dot(hidden.astype(bf16), wr_bf[:H],
                         preferred_element_type=f32)
                 + jnp.dot(nodes.astype(bf16), wr_bf[H:],
                           preferred_element_type=f32))
    rm = r * mask
    out_ref[...] = jnp.sum(rm.reshape(B, N, OUT), axis=1)


_tc_call = pl.pallas_call(
    _tc_body,
    out_shape=jax.ShapeDtypeStruct((B, OUT), jnp.float32),
)


def kernel(nodes, edges, W_e, W_u, W_m, W_r):
    e_flat = jnp.transpose(edges, (0, 1, 3, 2)).reshape(NB * ROW)
    psum = _sc_esum()(e_flat).reshape(2 * NB_SC, EH * L)
    esum_tc = _tcred_call(e_flat.reshape(NB * E_FEAT, N))
    nodes2 = nodes.reshape(NB, H)
    return _tc_call(nodes2, psum, esum_tc, W_e, W_u, W_m, W_r)

# --- scband reference (transcript-rebuilt; emitter-appended) ---
"""Pipeline reference for scband-aggregation-mpnn-19868518711811 (READ-ONLY COPY).

The authoritative reference and input builder live on the scoring server;
editing this copy changes nothing except your own understanding.
"""

import jax, jax.numpy as jnp
import numpy as np

B, N, H, E_FEAT, T, OUT = 16, 128, 128, 16, 3, 128

def setup_inputs(seed: int = 0):
    key = jax.random.key(seed)
    ks = jax.random.split(key, 6)
    nodes = jax.random.normal(ks[0], (B, N, H), dtype=jnp.float32)
    edges = jax.random.uniform(ks[1], (B, N, N, E_FEAT), dtype=jnp.float32)
    W_e = jax.random.normal(ks[2], (E_FEAT, H), dtype=jnp.float32) / np.sqrt(E_FEAT)
    W_u = jax.random.normal(ks[3], (H, H), dtype=jnp.float32) / np.sqrt(H)
    W_m = jax.random.normal(ks[4], (H, H), dtype=jnp.float32) / np.sqrt(H)
    W_r = jax.random.normal(ks[5], (2 * H, OUT), dtype=jnp.float32) / np.sqrt(2 * H)
    return {"nodes": nodes, "edges": edges, "W_e": W_e, "W_u": W_u, "W_m": W_m, "W_r": W_r}

def reference(nodes, edges, W_e, W_u, W_m, W_r):
    # adjacency: (B, N, N); with fill=rand all entries are strictly positive, so the
    # graph is fully dense and every node has degree N (max_node_degree = N).
    adjacency = edges.sum(axis=3)
    bb, ni, nj = jnp.meshgrid(jnp.arange(B), jnp.arange(N), jnp.arange(N), indexing="ij")
    e_batch = bb.reshape(-1)  # edge_batch_batch_idc
    e_node = ni.reshape(-1)   # edge_batch_node_idc
    e_nghb = nj.reshape(-1)   # edge_batch_nghb_idc
    nb_batch = jnp.repeat(jnp.arange(B), N)  # node_batch_batch_idc
    nb_node = jnp.tile(jnp.arange(N), B)     # node_batch_node_idc
    NB = B * N
    MAX_DEG = N
    row_idx = jnp.repeat(jnp.arange(NB), MAX_DEG)  # edge_batch_node_batch_idc
    col_idx = jnp.tile(jnp.arange(MAX_DEG), NB)    # node_batch_nghb_nghb_idc
    # scatter-overwrite: node_batch_edges[row, col, :] = edges[e_batch, e_node, e_nghb, :]
    nb_edges = jnp.zeros((NB, MAX_DEG, E_FEAT), dtype=edges.dtype).at[row_idx, col_idx].set(
        edges[e_batch, e_node, e_nghb, :])
    nb_mask = jnp.zeros((NB, MAX_DEG), dtype=nodes.dtype).at[row_idx, col_idx].set(1.0)
    # hidden_nodes initialized from nodes (node feat dim == hidden_node_features, no padding needed)
    hidden = nodes
    for _ in range(T):
        # gather current states of the nodes in the node batch
        nb_nodes = hidden[nb_batch, nb_node, :]  # (NB, H)
        # gather neighbour states and scatter into (NB, MAX_DEG, H)
        nb_nghbs = jnp.zeros((NB, MAX_DEG, H), dtype=hidden.dtype).at[row_idx, col_idx].set(
            hidden[e_batch, e_nghb, :])
        # aggregate_message (concrete impl): masked sum over neighbours of
        # (neighbour state + projected edge features)
        msg_pre = nb_nghbs + nb_edges @ W_e
        messages = jnp.sum(msg_pre * nb_mask[:, :, None], axis=1)  # (NB, H)
        # update (concrete impl): single-layer mixing of node state and message
        updated = jnp.tanh(nb_nodes @ W_u + messages @ W_m)
        # scatter-overwrite back into hidden
        hidden = hidden.at[nb_batch, nb_node, :].set(updated)
    node_mask = (adjacency.sum(-1) != 0).astype(nodes.dtype)  # (B, N)
    # readout (concrete impl): masked sum over nodes of projected [hidden ; input]
    cat = jnp.concatenate([hidden, nodes], axis=-1)  # (B, N, 2H)
    output = jnp.sum(node_mask[:, :, None] * jnp.tanh(cat @ W_r), axis=1)  # (B, OUT)
    return output

if __name__ == "__main__":
    import jax
    _d = setup_inputs()
    print(jax.jit(kernel)(*tuple(_d.values())))

</pallas_src>

<mosaic_0001>
#map = affine_map<(d0, d1) -> (0)>
module attributes {stable_mosaic.version = 14 : i64} {
  func.func @_sc_esum_body(%arg0: i32, %arg1: i32, %arg2: memref<4194304xf32, #tpu.memory_space<hbm>>, %arg3: memref<131072xf32, #tpu.memory_space<hbm>>, %arg4: memref<16384xf32, #tpu.memory_space<vmem>>, %arg5: memref<16384xf32, #tpu.memory_space<vmem>>, %arg6: memref<16384xf32, #tpu.memory_space<vmem>>, %arg7: memref<16384xf32, #tpu.memory_space<vmem>>, %arg8: memref<4096xf32, #tpu.memory_space<vmem>>, %arg9: memref<!tpu.dma_semaphore, #tpu.memory_space<semaphore_mem>>, %arg10: memref<!tpu.dma_semaphore, #tpu.memory_space<semaphore_mem>>, %arg11: memref<!tpu.dma_semaphore, #tpu.memory_space<semaphore_mem>>, %arg12: memref<!tpu.dma_semaphore, #tpu.memory_space<semaphore_mem>>, %arg13: memref<!tpu.dma_semaphore, #tpu.memory_space<semaphore_mem>>) attributes {dimension_semantics = [#tpu.dimension_semantics<core_parallel>, #tpu.dimension_semantics<subcore_parallel>], iteration_bounds = array<i64: 2, 16>, scalar_prefetch = 0 : i64, scratch_operands = 10 : i64, tpu.core_type = #tpu.core_type<sc_vector_subcore>, window_params = [{transform_indices = #map}, {transform_indices = #map}]} {
    %mul3A = arith.constant 2 : i32
    %mul3A_0 = arith.muli %arg1, %mul3A : i32
    %add3A = arith.addi %mul3A_0, %arg0 : i32
    %mul3A_1 = arith.constant 16 : i32
    %mul3A_2 = arith.muli %add3A, %mul3A_1 : i32
    %add3A_3 = arith.constant 0 : i32
    %add3A_4 = arith.addi %mul3A_2, %add3A_3 : i32
    %mul3A_5 = arith.constant 2048 : i32
    %mul3A_6 = arith.muli %add3A_4, %mul3A_5 : i32
    %dma_start3A = tpu.memref_slice %arg2[%mul3A_6] : memref<4194304xf32, #tpu.memory_space<hbm>> -> memref<16384xf32, #tpu.memory_space<hbm>>
    %dma_start3A_7 = tpu.memref_slice %arg2[%mul3A_6] : memref<4194304xf32, #tpu.memory_space<hbm>> -> memref<16384xf32, #tpu.memory_space<hbm>>
    tpu.enqueue_dma source(%dma_start3A_7 : memref<16384xf32, #tpu.memory_space<hbm>>) target(%arg4 : memref<16384xf32, #tpu.memory_space<vmem>>) target_semaphore(%arg9 : memref<!tpu.dma_semaphore, #tpu.memory_space<semaphore_mem>>)
    %add3A_8 = arith.constant 8 : i32
    %add3A_9 = arith.addi %mul3A_2, %add3A_8 : i32
    %mul3A_10 = arith.constant 2048 : i32
    %mul3A_11 = arith.muli %add3A_9, %mul3A_10 : i32
    %dma_start3A_12 = tpu.memref_slice %arg2[%mul3A_11] : memref<4194304xf32, #tpu.memory_space<hbm>> -> memref<16384xf32, #tpu.memory_space<hbm>>
    %dma_start3A_13 = tpu.memref_slice %arg2[%mul3A_11] : memref<4194304xf32, #tpu.memory_space<hbm>> -> memref<16384xf32, #tpu.memory_space<hbm>>
    tpu.enqueue_dma source(%dma_start3A_13 : memref<16384xf32, #tpu.memory_space<hbm>>) target(%arg5 : memref<16384xf32, #tpu.memory_space<vmem>>) target_semaphore(%arg10 : memref<!tpu.dma_semaphore, #tpu.memory_space<semaphore_mem>>)
    %dma_wait3A = tpu.memref_slice %arg2[%mul3A_6] : memref<4194304xf32, #tpu.memory_space<hbm>> -> memref<16384xf32, #tpu.memory_space<hbm>>
    %dma_wait3A_14 = tpu.memref_slice %arg2[%mul3A_6] : memref<4194304xf32, #tpu.memory_space<hbm>> -> memref<16384xf32, #tpu.memory_space<hbm>>
    tpu.wait_dma2 semaphore(%arg9 : memref<!tpu.dma_semaphore, #tpu.memory_space<semaphore_mem>>) src(%dma_wait3A_14 : memref<16384xf32, #tpu.memory_space<hbm>>) dst(%arg4 : memref<16384xf32, #tpu.memory_space<vmem>>)
    %scan3A = arith.constant 0 : i32
    %scan3A_15 = arith.constant 0 : i32
    %scan3A_16 = arith.constant 8 : i32
    %scan3A_17 = arith.addi %scan3A_15, %scan3A_16 : i32
    %scan3A_18 = arith.constant 1 : i32
    %scan3A_19 = scf.for %scan3A_60 = %scan3A_15 to %scan3A_17 step %scan3A_18 iter_args(%scan3A_61 = %scan3A) -> (i32)  : i32 {
      %mul3A_62 = arith.constant 2048 : i32
      %mul3A_63 = arith.muli %scan3A_60, %mul3A_62 : i32
      %add3A_64 = arith.constant 0 : i32
      %add3A_65 = arith.addi %add3A_64, %scan3A_60 : i32
      %mul3A_66 = arith.constant 128 : i32
      %mul3A_67 = arith.muli %add3A_65, %mul3A_66 : i32
      %add3A_68 = arith.constant 0 : i32
      %add3A_69 = arith.addi %mul3A_63, %add3A_68 : i32
      %add3A_70 = arith.constant 0 : i32
      %add3A_71 = arith.addi %add3A_69, %add3A_70 : i32
      %get3A = arith.index_cast %add3A_71 : i32 to index
      %get3A_72 = tpu.vector_load %arg4[%get3A] {strides = array<i32>} : memref<16384xf32, #tpu.memory_space<vmem>>, vector<16xf32>,
      %get3A_73 = vector.shape_cast %get3A_72 : vector<16xf32> to vector<16xf32>
      %mul3A_74 = arith.constant 6.553700e+04 : f32
      %mul3A_75 = vector.broadcast %mul3A_74 : f32 to vector<16xf32>
      %mul3A_76 = arith.mulf %get3A_73, %mul3A_75 : vector<16xf32>
      %sub3A = arith.subf %mul3A_76, %get3A_73 : vector<16xf32>
      %sub3A_77 = arith.subf %mul3A_76, %sub3A : vector<16xf32>
      %add3A_78 = arith.constant 0 : i32
      %add3A_79 = arith.addi %mul3A_63, %add3A_78 : i32
      %add3A_80 = arith.constant 16 : i32
      %add3A_81 = arith.addi %add3A_79, %add3A_80 : i32
      %get3A_82 = arith.index_cast %add3A_81 : i32 to index
      %get3A_83 = tpu.vector_load %arg4[%get3A_82] {strides = array<i32>} : memref<16384xf32, #tpu.memory_space<vmem>>, vector<16xf32>,
      %get3A_84 = vector.shape_cast %get3A_83 : vector<16xf32> to vector<16xf32>
      %mul3A_85 = arith.constant 6.553700e+04 : f32
      %mul3A_86 = vector.broadcast %mul3A_85 : f32 to vector<16xf32>
      %mul3A_87 = arith.mulf %get3A_84, %mul3A_86 : vector<16xf32>
      %sub3A_88 = arith.subf %mul3A_87, %get3A_84 : vector<16xf32>
      %sub3A_89 = arith.subf %mul3A_87, %sub3A_88 : vector<16xf32>
      %add3A_90 = arith.constant 0 : i32
      %add3A_91 = arith.addi %mul3A_63, %add3A_90 : i32
      %add3A_92 = arith.constant 32 : i32
      %add3A_93 = arith.addi %add3A_91, %add3A_92 : i32
      %get3A_94 = arith.index_cast %add3A_93 : i32 to index
      %get3A_95 = tpu.vector_load %arg4[%get3A_94] {strides = array<i32>} : memref<16384xf32, #tpu.memory_space<vmem>>, vector<16xf32>,
      %get3A_96 = vector.shape_cast %get3A_95 : vector<16xf32> to vector<16xf32>
      %mul3A_97 = arith.constant 6.553700e+04 : f32
      %mul3A_98 = vector.broadcast %mul3A_97 : f32 to vector<16xf32>
      %mul3A_99 = arith.mulf %get3A_96, %mul3A_98 : vector<16xf32>
      %sub3A_100 = arith.subf %mul3A_99, %get3A_96 : vector<16xf32>
      %sub3A_101 = arith.subf %mul3A_99, %sub3A_100 : vector<16xf32>
      %add3A_102 = arith.constant 0 : i32
      %add3A_103 = arith.addi %mul3A_63, %add3A_102 : i32
      %add3A_104 = arith.constant 48 : i32
      %add3A_105 = arith.addi %add3A_103, %add3A_104 : i32
      %get3A_106 = arith.index_cast %add3A_105 : i32 to index
      %get3A_107 = tpu.vector_load %arg4[%get3A_106] {strides = array<i32>} : memref<16384xf32, #tpu.memory_space<vmem>>, vector<16xf32>,
      %get3A_108 = vector.shape_cast %get3A_107 : vector<16xf32> to vector<16xf32>
      %mul3A_109 = arith.constant 6.553700e+04 : f32
      %mul3A_110 = vector.broadcast %mul3A_109 : f32 to vector<16xf32>
      %mul3A_111 = arith.mulf %get3A_108, %mul3A_110 : vector<16xf32>
      %sub3A_112 = arith.subf %mul3A_111, %get3A_108 : vector<16xf32>
      %sub3A_113 = arith.subf %mul3A_111, %sub3A_112 : vector<16xf32>
      %add3A_114 = arith.constant 0 : i32
      %add3A_115 = arith.addi %mul3A_63, %add3A_114 : i32
      %add3A_116 = arith.constant 64 : i32
      %add3A_117 = arith.addi %add3A_115, %add3A_116 : i32
      %get3A_118 = arith.index_cast %add3A_117 : i32 to index
      %get3A_119 = tpu.vector_load %arg4[%get3A_118] {strides = array<i32>} : memref<16384xf32, #tpu.memory_space<vmem>>, vector<16xf32>,
      %get3A_120 = vector.shape_cast %get3A_119 : vector<16xf32> to vector<16xf32>
      %mul3A_121 = arith.constant 6.553700e+04 : f32
      %mul3A_122 = vector.broadcast %mul3A_121 : f32 to vector<16xf32>
      %mul3A_123 = arith.mulf %get3A_120, %mul3A_122 : vector<16xf32>
      %sub3A_124 = arith.subf %mul3A_123, %get3A_120 : vector<16xf32>
      %sub3A_125 = arith.subf %mul3A_123, %sub3A_124 : vector<16xf32>
      %add3A_126 = arith.constant 0 : i32
      %add3A_127 = arith.addi %mul3A_63, %add3A_126 : i32
      %add3A_128 = arith.constant 80 : i32
      %add3A_129 = arith.addi %add3A_127, %add3A_128 : i32
      %get3A_130 = arith.index_cast %add3A_129 : i32 to index
      %get3A_131 = tpu.vector_load %arg4[%get3A_130] {strides = array<i32>} : memref<16384xf32, #tpu.memory_space<vmem>>, vector<16xf32>,
      %get3A_132 = vector.shape_cast %get3A_131 : vector<16xf32> to vector<16xf32>
      %mul3A_133 = arith.constant 6.553700e+04 : f32
      %mul3A_134 = vector.broadcast %mul3A_133 : f32 to vector<16xf32>
      %mul3A_135 = arith.mulf %get3A_132, %mul3A_134 : vector<16xf32>
      %sub3A_136 = arith.subf %mul3A_135, %get3A_132 : vector<16xf32>
      %sub3A_137 = arith.subf %mul3A_135, %sub3A_136 : vector<16xf32>
      %add3A_138 = arith.constant 0 : i32
      %add3A_139 = arith.addi %mul3A_63, %add3A_138 : i32
      %add3A_140 = arith.constant 96 : i32
      %add3A_141 = arith.addi %add3A_139, %add3A_140 : i32
      %get3A_142 = arith.index_cast %add3A_141 : i32 to index
      %get3A_143 = tpu.vector_load %arg4[%get3A_142] {strides = array<i32>} : memref<16384xf32, #tpu.memory_space<vmem>>, vector<16xf32>,
      %get3A_144 = vector.shape_cast %get3A_143 : vector<16xf32> to vector<16xf32>
      %mul3A_145 = arith.constant 6.553700e+04 : f32
      %mul3A_146 = vector.broadcast %mul3A_145 : f32 to vector<16xf32>
      %mul3A_147 = arith.mulf %get3A_144, %mul3A_146 : vector<16xf32>
      %sub3A_148 = arith.subf %mul3A_147, %get3A_144 : vector<16xf32>
      %sub3A_149 = arith.subf %mul3A_147, %sub3A_148 : vector<16xf32>
      %add3A_150 = arith.constant 0 : i32
      %add3A_151 = arith.addi %mul3A_63, %add3A_150 : i32
      %add3A_152 = arith.constant 112 : i32
      %add3A_153 = arith.addi %add3A_151, %add3A_152 : i32
      %get3A_154 = arith.index_cast %add3A_153 : i32 to index
      %get3A_155 = tpu.vector_load %arg4[%get3A_154] {strides = array<i32>} : memref<16384xf32, #tpu.memory_space<vmem>>, vector<16xf32>,
      %get3A_156 = vector.shape_cast %get3A_155 : vector<16xf32> to vector<16xf32>
      %mul3A_157 = arith.constant 6.553700e+04 : f32
      %mul3A_158 = vector.broadcast %mul3A_157 : f32 to vector<16xf32>
      %mul3A_159 = arith.mulf %get3A_156, %mul3A_158 : vector<16xf32>
      %sub3A_160 = arith.subf %mul3A_159, %get3A_156 : vector<16xf32>
      %sub3A_161 = arith.subf %mul3A_159, %sub3A_160 : vector<16xf32>
      %add3A_162 = arith.constant 128 : i32
      %add3A_163 = arith.addi %mul3A_63, %add3A_162 : i32
      %add3A_164 = arith.constant 0 : i32
      %add3A_165 = arith.addi %add3A_163, %add3A_164 : i32
      %get3A_166 = arith.index_cast %add3A_165 : i32 to index
      %get3A_167 = tpu.vector_load %arg4[%get3A_166] {strides = array<i32>} : memref<16384xf32, #tpu.memory_space<vmem>>, vector<16xf32>,
      %get3A_168 = vector.shape_cast %get3A_167 : vector<16xf32> to vector<16xf32>
      %mul3A_169 = arith.constant 6.553700e+04 : f32
      %mul3A_170 = vector.broadcast %mul3A_169 : f32 to vector<16xf32>
      %mul3A_171 = arith.mulf %get3A_168, %mul3A_170 : vector<16xf32>
      %sub3A_172 = arith.subf %mul3A_171, %get3A_168 : vector<16xf32>
      %sub3A_173 = arith.subf %mul3A_171, %sub3A_172 : vector<16xf32>
      %add3A_174 = arith.constant 128 : i32
      %add3A_175 = arith.addi %mul3A_63, %add3A_174 : i32
      %add3A_176 = arith.constant 16 : i32
      %add3A_177 = arith.addi %add3A_175, %add3A_176 : i32
      %get3A_178 = arith.index_cast %add3A_177 : i32 to index
      %get3A_179 = tpu.vector_load %arg4[%get3A_178] {strides = array<i32>} : memref<16384xf32, #tpu.memory_space<vmem>>, vector<16xf32>,
      %get3A_180 = vector.shape_cast %get3A_179 : vector<16xf32> to vector<16xf32>
      %mul3A_181 = arith.constant 6.553700e+04 : f32
      %mul3A_182 = vector.broadcast %mul3A_181 : f32 to vector<16xf32>
      %mul3A_183 = arith.mulf %get3A_180, %mul3A_182 : vector<16xf32>
      %sub3A_184 = arith.subf %mul3A_183, %get3A_180 : vector<16xf32>
      %sub3A_185 = arith.subf %mul3A_183, %sub3A_184 : vector<16xf32>
      %add3A_186 = arith.constant 128 : i32
      %add3A_187 = arith.addi %mul3A_63, %add3A_186 : i32
      %add3A_188 = arith.constant 32 : i32
      %add3A_189 = arith.addi %add3A_187, %add3A_188 : i32
      %get3A_190 = arith.index_cast %add3A_189 : i32 to index
      %get3A_191 = tpu.vector_load %arg4[%get3A_190] {strides = array<i32>} : memref<16384xf32, #tpu.memory_space<vmem>>, vector<16xf32>,
      %get3A_192 = vector.shape_cast %get3A_191 : vector<16xf32> to vector<16xf32>
      %mul3A_193 = arith.constant 6.553700e+04 : f32
      %mul3A_194 = vector.broadcast %mul3A_193 : f32 to vector<16xf32>
      %mul3A_195 = arith.mulf %get3A_192, %mul3A_194 : vector<16xf32>
      %sub3A_196 = arith.subf %mul3A_195, %get3A_192 : vector<16xf32>
      %sub3A_197 = arith.subf %mul3A_195, %sub3A_196 : vector<16xf32>
      %add3A_198 = arith.constant 128 : i32
      %add3A_199 = arith.addi %mul3A_63, %add3A_198 : i32
      %add3A_200 = arith.constant 48 : i32
      %add3A_201 = arith.addi %add3A_199, %add3A_200 : i32
      %get3A_202 = arith.index_cast %add3A_201 : i32 to index
      %get3A_203 = tpu.vector_load %arg4[%get3A_202] {strides = array<i32>} : memref<16384xf32, #tpu.memory_space<vmem>>, vector<16xf32>,
      %get3A_204 = vector.shape_cast %get3A_203 : vector<16xf32> to vector<16xf32>
      %mul3A_205 = arith.constant 6.553700e+04 : f32
      %mul3A_206 = vector.broadcast %mul3A_205 : f32 to vector<16xf32>
      %mul3A_207 = arith.mulf %get3A_204, %mul3A_206 : vector<16xf32>
      %sub3A_208 = arith.subf %mul3A_207, %get3A_204 : vector<16xf32>
      %sub3A_209 = arith.subf %mul3A_207, %sub3A_208 : vector<16xf32>
      %add3A_210 = arith.constant 128 : i32
      %add3A_211 = arith.addi %mul3A_63, %add3A_210 : i32
      %add3A_212 = arith.constant 64 : i32
      %add3A_213 = arith.addi %add3A_211, %add3A_212 : i32
      %get3A_214 = arith.index_cast %add3A_213 : i32 to index
      %get3A_215 = tpu.vector_load %arg4[%get3A_214] {strides = array<i32>} : memref<16384xf32, #tpu.memory_space<vmem>>, vector<16xf32>,
      %get3A_216 = vector.shape_cast %get3A_215 : vector<16xf32> to vector<16xf32>
      %mul3A_217 = arith.constant 6.553700e+04 : f32
      %mul3A_218 = vector.broadcast %mul3A_217 : f32 to vector<16xf32>
      %mul3A_219 = arith.mulf %get3A_216, %mul3A_218 : vector<16xf32>
      %sub3A_220 = arith.subf %mul3A_219, %get3A_216 : vector<16xf32>
      %sub3A_221 = arith.subf %mul3A_219, %sub3A_220 : vector<16xf32>
      %add3A_222 = arith.constant 128 : i32
      %add3A_223 = arith.addi %mul3A_63, %add3A_222 : i32
      %add3A_224 = arith.constant 80 : i32
      %add3A_225 = arith.addi %add3A_223, %add3A_224 : i32
      %get3A_226 = arith.index_cast %add3A_225 : i32 to index
      %get3A_227 = tpu.vector_load %arg4[%get3A_226] {strides = array<i32>} : memref<16384xf32, #tpu.memory_space<vmem>>, vector<16xf32>,
      %get3A_228 = vector.shape_cast %get3A_227 : vector<16xf32> to vector<16xf32>
      %mul3A_229 = arith.constant 6.553700e+04 : f32
      %mul3A_230 = vector.broadcast %mul3A_229 : f32 to vector<16xf32>
      %mul3A_231 = arith.mulf %get3A_228, %mul3A_230 : vector<16xf32>
      %sub3A_232 = arith.subf %mul3A_231, %get3A_228 : vector<16xf32>
      %sub3A_233 = arith.subf %mul3A_231, %sub3A_232 : vector<16xf32>
      %add3A_234 = arith.constant 128 : i32
      %add3A_235 = arith.addi %mul3A_63, %add3A_234 : i32
      %add3A_236 = arith.constant 96 : i32
      %add3A_237 = arith.addi %add3A_235, %add3A_236 : i32
      %get3A_238 = arith.index_cast %add3A_237 : i32 to index
      %get3A_239 = tpu.vector_load %arg4[%get3A_238] {strides = array<i32>} : memref<16384xf32, #tpu.memory_space<vmem>>, vector<16xf32>,
      %get3A_240 = vector.shape_cast %get3A_239 : vector<16xf32> to vector<16xf32>
      %mul3A_241 = arith.constant 6.553700e+04 : f32
      %mul3A_242 = vector.broadcast %mul3A_241 : f32 to vector<16xf32>
      %mul3A_243 = arith.mulf %get3A_240, %mul3A_242 : vector<16xf32>
      %sub3A_244 = arith.subf %mul3A_243, %get3A_240 : vector<16xf32>
      %sub3A_245 = arith.subf %mul3A_243, %sub3A_244 : vector<16xf32>
      %add3A_246 = arith.constant 128 : i32
      %add3A_247 = arith.addi %mul3A_63, %add3A_246 : i32
      %add3A_248 = arith.constant 112 : i32
      %add3A_249 = arith.addi %add3A_247, %add3A_248 : i32
      %get3A_250 = arith.index_cast %add3A_249 : i32 to index
      %get3A_251 = tpu.vector_load %arg4[%get3A_250] {strides = array<i32>} : memref<16384xf32, #tpu.memory_space<vmem>>, vector<16xf32>,
      %get3A_252 = vector.shape_cast %get3A_251 : vector<16xf32> to vector<16xf32>
      %mul3A_253 = arith.constant 6.553700e+04 : f32
      %mul3A_254 = vector.broadcast %mul3A_253 : f32 to vector<16xf32>
      %mul3A_255 = arith.mulf %get3A_252, %mul3A_254 : vector<16xf32>
      %sub3A_256 = arith.subf %mul3A_255, %get3A_252 : vector<16xf32>
      %sub3A_257 = arith.subf %mul3A_255, %sub3A_256 : vector<16xf32>
      %add3A_258 = arith.addf %sub3A_77, %sub3A_89 : vector<16xf32>
      %add3A_259 = arith.addf %sub3A_101, %sub3A_113 : vector<16xf32>
      %add3A_260 = arith.addf %add3A_258, %add3A_259 : vector<16xf32>
      %add3A_261 = arith.addf %sub3A_125, %sub3A_137 : vector<16xf32>
      %add3A_262 = arith.addf %sub3A_149, %sub3A_161 : vector<16xf32>
      %add3A_263 = arith.addf %add3A_261, %add3A_262 : vector<16xf32>
      %add3A_264 = arith.addf %add3A_260, %add3A_263 : vector<16xf32>
      %add3A_265 = arith.addf %sub3A_173, %sub3A_185 : vector<16xf32>
      %add3A_266 = arith.addf %sub3A_197, %sub3A_209 : vector<16xf32>
      %add3A_267 = arith.addf %add3A_265, %add3A_266 : vector<16xf32>
      %add3A_268 = arith.addf %sub3A_221, %sub3A_233 : vector<16xf32>
      %add3A_269 = arith.addf %sub3A_245, %sub3A_257 : vector<16xf32>
      %add3A_270 = arith.addf %add3A_268, %add3A_269 : vector<16xf32>
      %add3A_271 = arith.addf %add3A_267, %add3A_270 : vector<16xf32>
      %add3A_272 = arith.constant 0 : i32
      %add3A_273 = arith.addi %add3A_272, %mul3A_67 : i32
      %add3A_274 = arith.constant 0 : i32
      %add3A_275 = arith.addi %add3A_273, %add3A_274 : i32
      %swap3A = arith.index_cast %add3A_275 : i32 to index
      %swap3A_276 = tpu.vector_load %arg8[%swap3A] {strides = array<i32>} : memref<4096xf32, #tpu.memory_space<vmem>>, vector<16xf32>,
      %swap3A_277 = vector.shape_cast %swap3A_276 : vector<16xf32> to vector<16xf32>
      %swap3A_278 = vector.shape_cast %add3A_264 : vector<16xf32> to vector<16xf32>
      tpu.vector_store %arg8[%swap3A], %swap3A_278 {strides = array<i32>} : memref<4096xf32, #tpu.memory_space<vmem>>, vector<16xf32>,
      %add3A_279 = arith.constant 0 : i32
      %add3A_280 = arith.addi %add3A_279, %mul3A_67 : i32
      %add3A_281 = arith.constant 16 : i32
      %add3A_282 = arith.addi %add3A_280, %add3A_281 : i32
      %swap3A_283 = arith.index_cast %add3A_282 : i32 to index
      %swap3A_284 = tpu.vector_load %arg8[%swap3A_283] {strides = array<i32>} : memref<4096xf32, #tpu.memory_space<vmem>>, vector<16xf32>,
      %swap3A_285 = vector.shape_cast %swap3A_284 : vector<16xf32> to vector<16xf32>
      %swap3A_286 = vector.shape_cast %add3A_271 : vector<16xf32> to vector<16xf32>
      tpu.vector_store %arg8[%swap3A_283], %swap3A_286 {strides = array<i32>} : memref<4096xf32, #tpu.memory_space<vmem>>, vector<16xf32>,
      %add3A_287 = arith.constant 256 : i32
      %add3A_288 = arith.addi %mul3A_63, %add3A_287 : i32
      %add3A_289 = arith.constant 0 : i32
      %add3A_290 = arith.addi %add3A_288, %add3A_289 : i32
      %get3A_291 = arith.index_cast %add3A_290 : i32 to index
      %get3A_292 = tpu.vector_load %arg4[%get3A_291] {strides = array<i32>} : memref<16384xf32, #tpu.memory_space<vmem>>, vector<16xf32>,
      %get3A_293 = vector.shape_cast %get3A_292 : vector<16xf32> to vector<16xf32>
      %mul3A_294 = arith.constant 6.553700e+04 : f32
      %mul3A_295 = vector.broadcast %mul3A_294 : f32 to vector<16xf32>
      %mul3A_296 = arith.mulf %get3A_293, %mul3A_295 : vector<16xf32>
      %sub3A_297 = arith.subf %mul3A_296, %get3A_293 : vector<16xf32>
      %sub3A_298 = arith.subf %mul3A_296, %sub3A_297 : vector<16xf32>
      %add3A_299 = arith.constant 256 : i32
      %add3A_300 = arith.addi %mul3A_63, %add3A_299 : i32
      %add3A_301 = arith.constant 16 : i32
      %add3A_302 = arith.addi %add3A_300, %add3A_301 : i32
      %get3A_303 = arith.index_cast %add3A_302 : i32 to index
      %get3A_304 = tpu.vector_load %arg4[%get3A_303] {strides = array<i32>} : memref<16384xf32, #tpu.memory_space<vmem>>, vector<16xf32>,
      %get3A_305 = vector.shape_cast %get3A_304 : vector<16xf32> to vector<16xf32>
      %mul3A_306 = arith.constant 6.553700e+04 : f32
      %mul3A_307 = vector.broadcast %mul3A_306 : f32 to vector<16xf32>
      %mul3A_308 = arith.mulf %get3A_305, %mul3A_307 : vector<16xf32>
      %sub3A_309 = arith.subf %mul3A_308, %get3A_305 : vector<16xf32>
      %sub3A_310 = arith.subf %mul3A_308, %sub3A_309 : vector<16xf32>
      %add3A_311 = arith.constant 256 : i32
      %add3A_312 = arith.addi %mul3A_63, %add3A_311 : i32
      %add3A_313 = arith.constant 32 : i32
      %add3A_314 = arith.addi %add3A_312, %add3A_313 : i32
      %get3A_315 = arith.index_cast %add3A_314 : i32 to index
      %get3A_316 = tpu.vector_load %arg4[%get3A_315] {strides = array<i32>} : memref<16384xf32, #tpu.memory_space<vmem>>, vector<16xf32>,
      %get3A_317 = vector.shape_cast %get3A_316 : vector<16xf32> to vector<16xf32>
      %mul3A_318 = arith.constant 6.553700e+04 : f32
      %mul3A_319 = vector.broadcast %mul3A_318 : f32 to vector<16xf32>
      %mul3A_320 = arith.mulf %get3A_317, %mul3A_319 : vector<16xf32>
      %sub3A_321 = arith.subf %mul3A_320, %get3A_317 : vector<16xf32>
      %sub3A_322 = arith.subf %mul3A_320, %sub3A_321 : vector<16xf32>
      %add3A_323 = arith.constant 256 : i32
      %add3A_324 = arith.addi %mul3A_63, %add3A_323 : i32
      %add3A_325 = arith.constant 48 : i32
      %add3A_326 = arith.addi %add3A_324, %add3A_325 : i32
      %get3A_327 = arith.index_cast %add3A_326 : i32 to index
      %get3A_328 = tpu.vector_load %arg4[%get3A_327] {strides = array<i32>} : memref<16384xf32, #tpu.memory_space<vmem>>, vector<16xf32>,
      %get3A_329 = vector.shape_cast %get3A_328 : vector<16xf32> to vector<16xf32>
      %mul3A_330 = arith.constant 6.553700e+04 : f32
      %mul3A_331 = vector.broadcast %mul3A_330 : f32 to vector<16xf32>
      %mul3A_332 = arith.mulf %get3A_329, %mul3A_331 : vector<16xf32>
      %sub3A_333 = arith.subf %mul3A_332, %get3A_329 : vector<16xf32>
      %sub3A_334 = arith.subf %mul3A_332, %sub3A_333 : vector<16xf32>
      %add3A_335 = arith.constant 256 : i32
      %add3A_336 = arith.addi %mul3A_63, %add3A_335 : i32
      %add3A_337 = arith.constant 64 : i32
      %add3A_338 = arith.addi %add3A_336, %add3A_337 : i32
      %get3A_339 = arith.index_cast %add3A_338 : i32 to index
      %get3A_340 = tpu.vector_load %arg4[%get3A_339] {strides = array<i32>} : memref<16384xf32, #tpu.memory_space<vmem>>, vector<16xf32>,
      %get3A_341 = vector.shape_cast %get3A_340 : vector<16xf32> to vector<16xf32>
      %mul3A_342 = arith.constant 6.553700e+04 : f32
      %mul3A_343 = vector.broadcast %mul3A_342 : f32 to vector<16xf32>
      %mul3A_344 = arith.mulf %get3A_341, %mul3A_343 : vector<16xf32>
      %sub3A_345 = arith.subf %mul3A_344, %get3A_341 : vector<16xf32>
      %sub3A_346 = arith.subf %mul3A_344, %sub3A_345 : vector<16xf32>
      %add3A_347 = arith.constant 256 : i32
      %add3A_348 = arith.addi %mul3A_63, %add3A_347 : i32
      %add3A_349 = arith.constant 80 : i32
      %add3A_350 = arith.addi %add3A_348, %add3A_349 : i32
      %get3A_351 = arith.index_cast %add3A_350 : i32 to index
      %get3A_352 = tpu.vector_load %arg4[%get3A_351] {strides = array<i32>} : memref<16384xf32, #tpu.memory_space<vmem>>, vector<16xf32>,
      %get3A_353 = vector.shape_cast %get3A_352 : vector<16xf32> to vector<16xf32>
      %mul3A_354 = arith.constant 6.553700e+04 : f32
      %mul3A_355 = vector.broadcast %mul3A_354 : f32 to vector<16xf32>
      %mul3A_356 = arith.mulf %get3A_353, %mul3A_355 : vector<16xf32>
      %sub3A_357 = arith.subf %mul3A_356, %get3A_353 : vector<16xf32>
      %sub3A_358 = arith.subf %mul3A_356, %sub3A_357 : vector<16xf32>
      %add3A_359 = arith.constant 256 : i32
      %add3A_360 = arith.addi %mul3A_63, %add3A_359 : i32
      %add3A_361 = arith.constant 96 : i32
      %add3A_362 = arith.addi %add3A_360, %add3A_361 : i32
      %get3A_363 = arith.index_cast %add3A_362 : i32 to index
      %get3A_364 = tpu.vector_load %arg4[%get3A_363] {strides = array<i32>} : memref<16384xf32, #tpu.memory_space<vmem>>, vector<16xf32>,
      %get3A_365 = vector.shape_cast %get3A_364 : vector<16xf32> to vector<16xf32>
      %mul3A_366 = arith.constant 6.553700e+04 : f32
      %mul3A_367 = vector.broadcast %mul3A_366 : f32 to vector<16xf32>
      %mul3A_368 = arith.mulf %get3A_365, %mul3A_367 : vector<16xf32>
      %sub3A_369 = arith.subf %mul3A_368, %get3A_365 : vector<16xf32>
      %sub3A_370 = arith.subf %mul3A_368, %sub3A_369 : vector<16xf32>
      %add3A_371 = arith.constant 256 : i32
      %add3A_372 = arith.addi %mul3A_63, %add3A_371 : i32
      %add3A_373 = arith.constant 112 : i32
      %add3A_374 = arith.addi %add3A_372, %add3A_373 : i32
      %get3A_375 = arith.index_cast %add3A_374 : i32 to index
      %get3A_376 = tpu.vector_load %arg4[%get3A_375] {strides = array<i32>} : memref<16384xf32, #tpu.memory_space<vmem>>, vector<16xf32>,
      %get3A_377 = vector.shape_cast %get3A_376 : vector<16xf32> to vector<16xf32>
      %mul3A_378 = arith.constant 6.553700e+04 : f32
      %mul3A_379 = vector.broadcast %mul3A_378 : f32 to vector<16xf32>
      %mul3A_380 = arith.mulf %get3A_377, %mul3A_379 : vector<16xf32>
      %sub3A_381 = arith.subf %mul3A_380, %get3A_377 : vector<16xf32>
      %sub3A_382 = arith.subf %mul3A_380, %sub3A_381 : vector<16xf32>
      %add3A_383 = arith.constant 384 : i32
      %add3A_384 = arith.addi %mul3A_63, %add3A_383 : i32
      %add3A_385 = arith.constant 0 : i32
      %add3A_386 = arith.addi %add3A_384, %add3A_385 : i32
      %get3A_387 = arith.index_cast %add3A_386 : i32 to index
      %get3A_388 = tpu.vector_load %arg4[%get3A_387] {strides = array<i32>} : memref<16384xf32, #tpu.memory_space<vmem>>, vector<16xf32>,
      %get3A_389 = vector.shape_cast %get3A_388 : vector<16xf32> to vector<16xf32>
      %mul3A_390 = arith.constant 6.553700e+04 : f32
      %mul3A_391 = vector.broadcast %mul3A_390 : f32 to vector<16xf32>
      %mul3A_392 = arith.mulf %get3A_389, %mul3A_391 : vector<16xf32>
      %sub3A_393 = arith.subf %mul3A_392, %get3A_389 : vector<16xf32>
      %sub3A_394 = arith.subf %mul3A_392, %sub3A_393 : vector<16xf32>
      %add3A_395 = arith.constant 384 : i32
      %add3A_396 = arith.addi %mul3A_63, %add3A_395 : i32
      %add3A_397 = arith.constant 16 : i32
      %add3A_398 = arith.addi %add3A_396, %add3A_397 : i32
      %get3A_399 = arith.index_cast %add3A_398 : i32 to index
      %get3A_400 = tpu.vector_load %arg4[%get3A_399] {strides = array<i32>} : memref<16384xf32, #tpu.memory_space<vmem>>, vector<16xf32>,
      %get3A_401 = vector.shape_cast %get3A_400 : vector<16xf32> to vector<16xf32>
      %mul3A_402 = arith.constant 6.553700e+04 : f32
      %mul3A_403 = vector.broadcast %mul3A_402 : f32 to vector<16xf32>
      %mul3A_404 = arith.mulf %get3A_401, %mul3A_403 : vector<16xf32>
      %sub3A_405 = arith.subf %mul3A_404, %get3A_401 : vector<16xf32>
      %sub3A_406 = arith.subf %mul3A_404, %sub3A_405 : vector<16xf32>
      %add3A_407 = arith.constant 384 : i32
      %add3A_408 = arith.addi %mul3A_63, %add3A_407 : i32
      %add3A_409 = arith.constant 32 : i32
      %add3A_410 = arith.addi %add3A_408, %add3A_409 : i32
      %get3A_411 = arith.index_cast %add3A_410 : i32 to index
      %get3A_412 = tpu.vector_load %arg4[%get3A_411] {strides = array<i32>} : memref<16384xf32, #tpu.memory_space<vmem>>, vector<16xf32>,
      %get3A_413 = vector.shape_cast %get3A_412 : vector<16xf32> to vector<16xf32>
      %mul3A_414 = arith.constant 6.553700e+04 : f32
      %mul3A_415 = vector.broadcast %mul3A_414 : f32 to vector<16xf32>
      %mul3A_416 = arith.mulf %get3A_413, %mul3A_415 : vector<16xf32>
      %sub3A_417 = arith.subf %mul3A_416, %get3A_413 : vector<16xf32>
      %sub3A_418 = arith.subf %mul3A_416, %sub3A_417 : vector<16xf32>
      %add3A_419 = arith.constant 384 : i32
      %add3A_420 = arith.addi %mul3A_63, %add3A_419 : i32
      %add3A_421 = arith.constant 48 : i32
      %add3A_422 = arith.addi %add3A_420, %add3A_421 : i32
      %get3A_423 = arith.index_cast %add3A_422 : i32 to index
      %get3A_424 = tpu.vector_load %arg4[%get3A_423] {strides = array<i32>} : memref<16384xf32, #tpu.memory_space<vmem>>, vector<16xf32>,
      %get3A_425 = vector.shape_cast %get3A_424 : vector<16xf32> to vector<16xf32>
      %mul3A_426 = arith.constant 6.553700e+04 : f32
      %mul3A_427 = vector.broadcast %mul3A_426 : f32 to vector<16xf32>
      %mul3A_428 = arith.mulf %get3A_425, %mul3A_427 : vector<16xf32>
      %sub3A_429 = arith.subf %mul3A_428, %get3A_425 : vector<16xf32>
      %sub3A_430 = arith.subf %mul3A_428, %sub3A_429 : vector<16xf32>
      %add3A_431 = arith.constant 384 : i32
      %add3A_432 = arith.addi %mul3A_63, %add3A_431 : i32
      %add3A_433 = arith.constant 64 : i32
      %add3A_434 = arith.addi %add3A_432, %add3A_433 : i32
      %get3A_435 = arith.index_cast %add3A_434 : i32 to index
      %get3A_436 = tpu.vector_load %arg4[%get3A_435] {strides = array<i32>} : memref<16384xf32, #tpu.memory_space<vmem>>, vector<16xf32>,
      %get3A_437 = vector.shape_cast %get3A_436 : vector<16xf32> to vector<16xf32>
      %mul3A_438 = arith.constant 6.553700e+04 : f32
      %mul3A_439 = vector.broadcast %mul3A_438 : f32 to vector<16xf32>
      %mul3A_440 = arith.mulf %get3A_437, %mul3A_439 : vector<16xf32>
      %sub3A_441 = arith.subf %mul3A_440, %get3A_437 : vector<16xf32>
      %sub3A_442 = arith.subf %mul3A_440, %sub3A_441 : vector<16xf32>
      %add3A_443 = arith.constant 384 : i32
      %add3A_444 = arith.addi %mul3A_63, %add3A_443 : i32
      %add3A_445 = arith.constant 80 : i32
      %add3A_446 = arith.addi %add3A_444, %add3A_445 : i32
      %get3A_447 = arith.index_cast %add3A_446 : i32 to index
      %get3A_448 = tpu.vector_load %arg4[%get3A_447] {strides = array<i32>} : memref<16384xf32, #tpu.memory_space<vmem>>, vector<16xf32>,
      %get3A_449 = vector.shape_cast %get3A_448 : vector<16xf32> to vector<16xf32>
      %mul3A_450 = arith.constant 6.553700e+04 : f32
      %mul3A_451 = vector.broadcast %mul3A_450 : f32 to vector<16xf32>
      %mul3A_452 = arith.mulf %get3A_449, %mul3A_451 : vector<16xf32>
      %sub3A_453 = arith.subf %mul3A_452, %get3A_449 : vector<16xf32>
      %sub3A_454 = arith.subf %mul3A_452, %sub3A_453 : vector<16xf32>
      %add3A_455 = arith.constant 384 : i32
      %add3A_456 = arith.addi %mul3A_63, %add3A_455 : i32
      %add3A_457 = arith.constant 96 : i32
      %add3A_458 = arith.addi %add3A_456, %add3A_457 : i32
      %get3A_459 = arith.index_cast %add3A_458 : i32 to index
      %get3A_460 = tpu.vector_load %arg4[%get3A_459] {strides = array<i32>} : memref<16384xf32, #tpu.memory_space<vmem>>, vector<16xf32>,
      %get3A_461 = vector.shape_cast %get3A_460 : vector<16xf32> to vector<16xf32>
      %mul3A_462 = arith.constant 6.553700e+04 : f32
      %mul3A_463 = vector.broadcast %mul3A_462 : f32 to vector<16xf32>
      %mul3A_464 = arith.mulf %get3A_461, %mul3A_463 : vector<16xf32>
      %sub3A_465 = arith.subf %mul3A_464, %get3A_461 : vector<16xf32>
      %sub3A_466 = arith.subf %mul3A_464, %sub3A_465 : vector<16xf32>
      %add3A_467 = arith.constant 384 : i32
      %add3A_468 = arith.addi %mul3A_63, %add3A_467 : i32
      %add3A_469 = arith.constant 112 : i32
      %add3A_470 = arith.addi %add3A_468, %add3A_469 : i32
      %get3A_471 = arith.index_cast %add3A_470 : i32 to index
      %get3A_472 = tpu.vector_load %arg4[%get3A_471] {strides = array<i32>} : memref<16384xf32, #tpu.memory_space<vmem>>, vector<16xf32>,
      %get3A_473 = vector.shape_cast %get3A_472 : vector<16xf32> to vector<16xf32>
      %mul3A_474 = arith.constant 6.553700e+04 : f32
      %mul3A_475 = vector.broadcast %mul3A_474 : f32 to vector<16xf32>
      %mul3A_476 = arith.mulf %get3A_473, %mul3A_475 : vector<16xf32>
      %sub3A_477 = arith.subf %mul3A_476, %get3A_473 : vector<16xf32>
      %sub3A_478 = arith.subf %mul3A_476, %sub3A_477 : vector<16xf32>
      %add3A_479 = arith.addf %sub3A_298, %sub3A_310 : vector<16xf32>
      %add3A_480 = arith.addf %sub3A_322, %sub3A_334 : vector<16xf32>
      %add3A_481 = arith.addf %add3A_479, %add3A_480 : vector<16xf32>
      %add3A_482 = arith.addf %sub3A_346, %sub3A_358 : vector<16xf32>
      %add3A_483 = arith.addf %sub3A_370, %sub3A_382 : vector<16xf32>
      %add3A_484 = arith.addf %add3A_482, %add3A_483 : vector<16xf32>
      %add3A_485 = arith.addf %add3A_481, %add3A_484 : vector<16xf32>
      %add3A_486 = arith.addf %sub3A_394, %sub3A_406 : vector<16xf32>
      %add3A_487 = arith.addf %sub3A_418, %sub3A_430 : vector<16xf32>
      %add3A_488 = arith.addf %add3A_486, %add3A_487 : vector<16xf32>
      %add3A_489 = arith.addf %sub3A_442, %sub3A_454 : vector<16xf32>
      %add3A_490 = arith.addf %sub3A_466, %sub3A_478 : vector<16xf32>
      %add3A_491 = arith.addf %add3A_489, %add3A_490 : vector<16xf32>
      %add3A_492 = arith.addf %add3A_488, %add3A_491 : vector<16xf32>
      %add3A_493 = arith.constant 0 : i32
      %add3A_494 = arith.addi %add3A_493, %mul3A_67 : i32
      %add3A_495 = arith.constant 32 : i32
      %add3A_496 = arith.addi %add3A_494, %add3A_495 : i32
      %swap3A_497 = arith.index_cast %add3A_496 : i32 to index
      %swap3A_498 = tpu.vector_load %arg8[%swap3A_497] {strides = array<i32>} : memref<4096xf32, #tpu.memory_space<vmem>>, vector<16xf32>,
      %swap3A_499 = vector.shape_cast %swap3A_498 : vector<16xf32> to vector<16xf32>
      %swap3A_500 = vector.shape_cast %add3A_485 : vector<16xf32> to vector<16xf32>
      tpu.vector_store %arg8[%swap3A_497], %swap3A_500 {strides = array<i32>} : memref<4096xf32, #tpu.memory_space<vmem>>, vector<16xf32>,
      %add3A_501 = arith.constant 0 : i32
      %add3A_502 = arith.addi %add3A_501, %mul3A_67 : i32
      %add3A_503 = arith.constant 48 : i32
      %add3A_504 = arith.addi %add3A_502, %add3A_503 : i32
      %swap3A_505 = arith.index_cast %add3A_504 : i32 to index
      %swap3A_506 = tpu.vector_load %arg8[%swap3A_505] {strides = array<i32>} : memref<4096xf32, #tpu.memory_space<vmem>>, vector<16xf32>,
      %swap3A_507 = vector.shape_cast %swap3A_506 : vector<16xf32> to vector<16xf32>
      %swap3A_508 = vector.shape_cast %add3A_492 : vector<16xf32> to vector<16xf32>
      tpu.vector_store %arg8[%swap3A_505], %swap3A_508 {strides = array<i32>} : memref<4096xf32, #tpu.memory_space<vmem>>, vector<16xf32>,
      %add3A_509 = arith.constant 512 : i32
      %add3A_510 = arith.addi %mul3A_63, %add3A_509 : i32
      %add3A_511 = arith.constant 0 : i32
      %add3A_512 = arith.addi %add3A_510, %add3A_511 : i32
      %get3A_513 = arith.index_cast %add3A_512 : i32 to index
      %get3A_514 = tpu.vector_load %arg4[%get3A_513] {strides = array<i32>} : memref<16384xf32, #tpu.memory_space<vmem>>, vector<16xf32>,
      %get3A_515 = vector.shape_cast %get3A_514 : vector<16xf32> to vector<16xf32>
      %mul3A_516 = arith.constant 6.553700e+04 : f32
      %mul3A_517 = vector.broadcast %mul3A_516 : f32 to vector<16xf32>
      %mul3A_518 = arith.mulf %get3A_515, %mul3A_517 : vector<16xf32>
      %sub3A_519 = arith.subf %mul3A_518, %get3A_515 : vector<16xf32>
      %sub3A_520 = arith.subf %mul3A_518, %sub3A_519 : vector<16xf32>
      %add3A_521 = arith.constant 512 : i32
      %add3A_522 = arith.addi %mul3A_63, %add3A_521 : i32
      %add3A_523 = arith.constant 16 : i32
      %add3A_524 = arith.addi %add3A_522, %add3A_523 : i32
      %get3A_525 = arith.index_cast %add3A_524 : i32 to index
      %get3A_526 = tpu.vector_load %arg4[%get3A_525] {strides = array<i32>} : memref<16384xf32, #tpu.memory_space<vmem>>, vector<16xf32>,
      %get3A_527 = vector.shape_cast %get3A_526 : vector<16xf32> to vector<16xf32>
      %mul3A_528 = arith.constant 6.553700e+04 : f32
      %mul3A_529 = vector.broadcast %mul3A_528 : f32 to vector<16xf32>
      %mul3A_530 = arith.mulf %get3A_527, %mul3A_529 : vector<16xf32>
      %sub3A_531 = arith.subf %mul3A_530, %get3A_527 : vector<16xf32>
      %sub3A_532 = arith.subf %mul3A_530, %sub3A_531 : vector<16xf32>
      %add3A_533 = arith.constant 512 : i32
      %add3A_534 = arith.addi %mul3A_63, %add3A_533 : i32
      %add3A_535 = arith.constant 32 : i32
      %add3A_536 = arith.addi %add3A_534, %add3A_535 : i32
      %get3A_537 = arith.index_cast %add3A_536 : i32 to index
      %get3A_538 = tpu.vector_load %arg4[%get3A_537] {strides = array<i32>} : memref<16384xf32, #tpu.memory_space<vmem>>, vector<16xf32>,
      %get3A_539 = vector.shape_cast %get3A_538 : vector<16xf32> to vector<16xf32>
      %mul3A_540 = arith.constant 6.553700e+04 : f32
      %mul3A_541 = vector.broadcast %mul3A_540 : f32 to vector<16xf32>
      %mul3A_542 = arith.mulf %get3A_539, %mul3A_541 : vector<16xf32>
      %sub3A_543 = arith.subf %mul3A_542, %get3A_539 : vector<16xf32>
      %sub3A_544 = arith.subf %mul3A_542, %sub3A_543 : vector<16xf32>
      %add3A_545 = arith.constant 512 : i32
      %add3A_546 = arith.addi %mul3A_63, %add3A_545 : i32
      %add3A_547 = arith.constant 48 : i32
      %add3A_548 = arith.addi %add3A_546, %add3A_547 : i32
      %get3A_549 = arith.index_cast %add3A_548 : i32 to index
      %get3A_550 = tpu.vector_load %arg4[%get3A_549] {strides = array<i32>} : memref<16384xf32, #tpu.memory_space<vmem>>, vector<16xf32>,
      %get3A_551 = vector.shape_cast %get3A_550 : vector<16xf32> to vector<16xf32>
      %mul3A_552 = arith.constant 6.553700e+04 : f32
      %mul3A_553 = vector.broadcast %mul3A_552 : f32 to vector<16xf32>
      %mul3A_554 = arith.mulf %get3A_551, %mul3A_553 : vector<16xf32>
      %sub3A_555 = arith.subf %mul3A_554, %get3A_551 : vector<16xf32>
      %sub3A_556 = arith.subf %mul3A_554, %sub3A_555 : vector<16xf32>
      %add3A_557 = arith.constant 512 : i32
      %add3A_558 = arith.addi %mul3A_63, %add3A_557 : i32
      %add3A_559 = arith.constant 64 : i32
      %add3A_560 = arith.addi %add3A_558, %add3A_559 : i32
      %get3A_561 = arith.index_cast %add3A_560 : i32 to index
      %get3A_562 = tpu.vector_load %arg4[%get3A_561] {strides = array<i32>} : memref<16384xf32, #tpu.memory_space<vmem>>, vector<16xf32>,
      %get3A_563 = vector.shape_cast %get3A_562 : vector<16xf32> to vector<16xf32>
      %mul3A_564 = arith.constant 6.553700e+04 : f32
      %mul3A_565 = vector.broadcast %mul3A_564 : f32 to vector<16xf32>
      %mul3A_566 = arith.mulf %get3A_563, %mul3A_565 : vector<16xf32>
      %sub3A_567 = arith.subf %mul3A_566, %get3A_563 : vector<16xf32>
      %sub3A_568 = arith.subf %mul3A_566, %sub3A_567 : vector<16xf32>
      %add3A_569 = arith.constant 512 : i32
      %add3A_570 = arith.addi %mul3A_63, %add3A_569 : i32
      %add3A_571 = arith.constant 80 : i32
      %add3A_572 = arith.addi %add3A_570, %add3A_571 : i32
      %get3A_573 = arith.index_cast %add3A_572 : i32 to index
      %get3A_574 = tpu.vector_load %arg4[%get3A_573] {strides = array<i32>} : memref<16384xf32, #tpu.memory_space<vmem>>, vector<16xf32>,
      %get3A_575 = vector.shape_cast %get3A_574 : vector<16xf32> to vector<16xf32>
      %mul3A_576 = arith.constant 6.553700e+04 : f32
      %mul3A_577 = vector.broadcast %mul3A_576 : f32 to vector<16xf32>
      %mul3A_578 = arith.mulf %get3A_575, %mul3A_577 : vector<16xf32>
      %sub3A_579 = arith.subf %mul3A_578, %get3A_575 : vector<16xf32>
      %sub3A_580 = arith.subf %mul3A_578, %sub3A_579 : vector<16xf32>
      %add3A_581 = arith.constant 512 : i32
      %add3A_582 = arith.addi %mul3A_63, %add3A_581 : i32
      %add3A_583 = arith.constant 96 : i32
      %add3A_584 = arith.addi %add3A_582, %add3A_583 : i32
      %get3A_585 = arith.index_cast %add3A_584 : i32 to index
      %get3A_586 = tpu.vector_load %arg4[%get3A_585] {strides = array<i32>} : memref<16384xf32, #tpu.memory_space<vmem>>, vector<16xf32>,
      %get3A_587 = vector.shape_cast %get3A_586 : vector<16xf32> to vector<16xf32>
      %mul3A_588 = arith.constant 6.553700e+04 : f32
      %mul3A_589 = vector.broadcast %mul3A_588 : f32 to vector<16xf32>
      %mul3A_590 = arith.mulf %get3A_587, %mul3A_589 : vector<16xf32>
      %sub3A_591 = arith.subf %mul3A_590, %get3A_587 : vector<16xf32>
      %sub3A_592 = arith.subf %mul3A_590, %sub3A_591 : vector<16xf32>
      %add3A_593 = arith.constant 512 : i32
      %add3A_594 = arith.addi %mul3A_63, %add3A_593 : i32
      %add3A_595 = arith.constant 112 : i32
      %add3A_596 = arith.addi %add3A_594, %add3A_595 : i32
      %get3A_597 = arith.index_cast %add3A_596 : i32 to index
      %get3A_598 = tpu.vector_load %arg4[%get3A_597] {strides = array<i32>} : memref<16384xf32, #tpu.memory_space<vmem>>, vector<16xf32>,
      %get3A_599 = vector.shape_cast %get3A_598 : vector<16xf32> to vector<16xf32>
      %mul3A_600 = arith.constant 6.553700e+04 : f32
      %mul3A_601 = vector.broadcast %mul3A_600 : f32 to vector<16xf32>
      %mul3A_602 = arith.mulf %get3A_599, %mul3A_601 : vector<16xf32>
      %sub3A_603 = arith.subf %mul3A_602, %get3A_599 : vector<16xf32>
      %sub3A_604 = arith.subf %mul3A_602, %sub3A_603 : vector<16xf32>
      %add3A_605 = arith.constant 640 : i32
      %add3A_606 = arith.addi %mul3A_63, %add3A_605 : i32
      %add3A_607 = arith.constant 0 : i32
      %add3A_608 = arith.addi %add3A_606, %add3A_607 : i32
      %get3A_609 = arith.index_cast %add3A_608 : i32 to index
      %get3A_610 = tpu.vector_load %arg4[%get3A_609] {strides = array<i32>} : memref<16384xf32, #tpu.memory_space<vmem>>, vector<16xf32>,
      %get3A_611 = vector.shape_cast %get3A_610 : vector<16xf32> to vector<16xf32>
      %mul3A_612 = arith.constant 6.553700e+04 : f32
      %mul3A_613 = vector.broadcast %mul3A_612 : f32 to vector<16xf32>
      %mul3A_614 = arith.mulf %get3A_611, %mul3A_613 : vector<16xf32>
      %sub3A_615 = arith.subf %mul3A_614, %get3A_611 : vector<16xf32>
      %sub3A_616 = arith.subf %mul3A_614, %sub3A_615 : vector<16xf32>
      %add3A_617 = arith.constant 640 : i32
      %add3A_618 = arith.addi %mul3A_63, %add3A_617 : i32
      %add3A_619 = arith.constant 16 : i32
      %add3A_620 = arith.addi %add3A_618, %add3A_619 : i32
      %get3A_621 = arith.index_cast %add3A_620 : i32 to index
      %get3A_622 = tpu.vector_load %arg4[%get3A_621] {strides = array<i32>} : memref<16384xf32, #tpu.memory_space<vmem>>, vector<16xf32>,
      %get3A_623 = vector.shape_cast %get3A_622 : vector<16xf32> to vector<16xf32>
      %mul3A_624 = arith.constant 6.553700e+04 : f32
      %mul3A_625 = vector.broadcast %mul3A_624 : f32 to vector<16xf32>
      %mul3A_626 = arith.mulf %get3A_623, %mul3A_625 : vector<16xf32>
      %sub3A_627 = arith.subf %mul3A_626, %get3A_623 : vector<16xf32>
      %sub3A_628 = arith.subf %mul3A_626, %sub3A_627 : vector<16xf32>
      %add3A_629 = arith.constant 640 : i32
      %add3A_630 = arith.addi %mul3A_63, %add3A_629 : i32
      %add3A_631 = arith.constant 32 : i32
      %add3A_632 = arith.addi %add3A_630, %add3A_631 : i32
      %get3A_633 = arith.index_cast %add3A_632 : i32 to index
      %get3A_634 = tpu.vector_load %arg4[%get3A_633] {strides = array<i32>} : memref<16384xf32, #tpu.memory_space<vmem>>, vector<16xf32>,
      %get3A_635 = vector.shape_cast %get3A_634 : vector<16xf32> to vector<16xf32>
      %mul3A_636 = arith.constant 6.553700e+04 : f32
      %mul3A_637 = vector.broadcast %mul3A_636 : f32 to vector<16xf32>
      %mul3A_638 = arith.mulf %get3A_635, %mul3A_637 : vector<16xf32>
      %sub3A_639 = arith.subf %mul3A_638, %get3A_635 : vector<16xf32>
      %sub3A_640 = arith.subf %mul3A_638, %sub3A_639 : vector<16xf32>
      %add3A_641 = arith.constant 640 : i32
      %add3A_642 = arith.addi %mul3A_63, %add3A_641 : i32
      %add3A_643 = arith.constant 48 : i32
      %add3A_644 = arith.addi %add3A_642, %add3A_643 : i32
      %get3A_645 = arith.index_cast %add3A_644 : i32 to index
      %get3A_646 = tpu.vector_load %arg4[%get3A_645] {strides = array<i32>} : memref<16384xf32, #tpu.memory_space<vmem>>, vector<16xf32>,
      %get3A_647 = vector.shape_cast %get3A_646 : vector<16xf32> to vector<16xf32>
      %mul3A_648 = arith.constant 6.553700e+04 : f32
      %mul3A_649 = vector.broadcast %mul3A_648 : f32 to vector<16xf32>
      %mul3A_650 = arith.mulf %get3A_647, %mul3A_649 : vector<16xf32>
      %sub3A_651 = arith.subf %mul3A_650, %get3A_647 : vector<16xf32>
      %sub3A_652 = arith.subf %mul3A_650, %sub3A_651 : vector<16xf32>
      %add3A_653 = arith.constant 640 : i32
      %add3A_654 = arith.addi %mul3A_63, %add3A_653 : i32
      %add3A_655 = arith.constant 64 : i32
      %add3A_656 = arith.addi %add3A_654, %add3A_655 : i32
      %get3A_657 = arith.index_cast %add3A_656 : i32 to index
      %get3A_658 = tpu.vector_load %arg4[%get3A_657] {strides = array<i32>} : memref<16384xf32, #tpu.memory_space<vmem>>, vector<16xf32>,
      %get3A_659 = vector.shape_cast %get3A_658 : vector<16xf32> to vector<16xf32>
      %mul3A_660 = arith.constant 6.553700e+04 : f32
      %mul3A_661 = vector.broadcast %mul3A_660 : f32 to vector<16xf32>
      %mul3A_662 = arith.mulf %get3A_659, %mul3A_661 : vector<16xf32>
      %sub3A_663 = arith.subf %mul3A_662, %get3A_659 : vector<16xf32>
      %sub3A_664 = arith.subf %mul3A_662, %sub3A_663 : vector<16xf32>
      %add3A_665 = arith.constant 640 : i32
      %add3A_666 = arith.addi %mul3A_63, %add3A_665 : i32
      %add3A_667 = arith.constant 80 : i32
      %add3A_668 = arith.addi %add3A_666, %add3A_667 : i32
      %get3A_669 = arith.index_cast %add3A_668 : i32 to index
      %get3A_670 = tpu.vector_load %arg4[%get3A_669] {strides = array<i32>} : memref<16384xf32, #tpu.memory_space<vmem>>, vector<16xf32>,
      %get3A_671 = vector.shape_cast %get3A_670 : vector<16xf32> to vector<16xf32>
      %mul3A_672 = arith.constant 6.553700e+04 : f32
      %mul3A_673 = vector.broadcast %mul3A_672 : f32 to vector<16xf32>
      %mul3A_674 = arith.mulf %get3A_671, %mul3A_673 : vector<16xf32>
      %sub3A_675 = arith.subf %mul3A_674, %get3A_671 : vector<16xf32>
      %sub3A_676 = arith.subf %mul3A_674, %sub3A_675 : vector<16xf32>
      %add3A_677 = arith.constant 640 : i32
      %add3A_678 = arith.addi %mul3A_63, %add3A_677 : i32
      %add3A_679 = arith.constant 96 : i32
      %add3A_680 = arith.addi %add3A_678, %add3A_679 : i32
      %get3A_681 = arith.index_cast %add3A_680 : i32 to index
      %get3A_682 = tpu.vector_load %arg4[%get3A_681] {strides = array<i32>} : memref<16384xf32, #tpu.memory_space<vmem>>, vector<16xf32>,
      %get3A_683 = vector.shape_cast %get3A_682 : vector<16xf32> to vector<16xf32>
      %mul3A_684 = arith.constant 6.553700e+04 : f32
      %mul3A_685 = vector.broadcast %mul3A_684 : f32 to vector<16xf32>
      %mul3A_686 = arith.mulf %get3A_683, %mul3A_685 : vector<16xf32>
      %sub3A_687 = arith.subf %mul3A_686, %get3A_683 : vector<16xf32>
      %sub3A_688 = arith.subf %mul3A_686, %sub3A_687 : vector<16xf32>
      %add3A_689 = arith.constant 640 : i32
      %add3A_690 = arith.addi %mul3A_63, %add3A_689 : i32
      %add3A_691 = arith.constant 112 : i32
      %add3A_692 = arith.addi %add3A_690, %add3A_691 : i32
      %get3A_693 = arith.index_cast %add3A_692 : i32 to index
      %get3A_694 = tpu.vector_load %arg4[%get3A_693] {strides = array<i32>} : memref<16384xf32, #tpu.memory_space<vmem>>, vector<16xf32>,
      %get3A_695 = vector.shape_cast %get3A_694 : vector<16xf32> to vector<16xf32>
      %mul3A_696 = arith.constant 6.553700e+04 : f32
      %mul3A_697 = vector.broadcast %mul3A_696 : f32 to vector<16xf32>
      %mul3A_698 = arith.mulf %get3A_695, %mul3A_697 : vector<16xf32>
      %sub3A_699 = arith.subf %mul3A_698, %get3A_695 : vector<16xf32>
      %sub3A_700 = arith.subf %mul3A_698, %sub3A_699 : vector<16xf32>
      %add3A_701 = arith.addf %sub3A_520, %sub3A_532 : vector<16xf32>
      %add3A_702 = arith.addf %sub3A_544, %sub3A_556 : vector<16xf32>
      %add3A_703 = arith.addf %add3A_701, %add3A_702 : vector<16xf32>
      %add3A_704 = arith.addf %sub3A_568, %sub3A_580 : vector<16xf32>
      %add3A_705 = arith.addf %sub3A_592, %sub3A_604 : vector<16xf32>
      %add3A_706 = arith.addf %add3A_704, %add3A_705 : vector<16xf32>
      %add3A_707 = arith.addf %add3A_703, %add3A_706 : vector<16xf32>
      %add3A_708 = arith.addf %sub3A_616, %sub3A_628 : vector<16xf32>
      %add3A_709 = arith.addf %sub3A_640, %sub3A_652 : vector<16xf32>
      %add3A_710 = arith.addf %add3A_708, %add3A_709 : vector<16xf32>
      %add3A_711 = arith.addf %sub3A_664, %sub3A_676 : vector<16xf32>
      %add3A_712 = arith.addf %sub3A_688, %sub3A_700 : vector<16xf32>
      %add3A_713 = arith.addf %add3A_711, %add3A_712 : vector<16xf32>
      %add3A_714 = arith.addf %add3A_710, %add3A_713 : vector<16xf32>
      %add3A_715 = arith.constant 0 : i32
      %add3A_716 = arith.addi %add3A_715, %mul3A_67 : i32
      %add3A_717 = arith.constant 64 : i32
      %add3A_718 = arith.addi %add3A_716, %add3A_717 : i32
      %swap3A_719 = arith.index_cast %add3A_718 : i32 to index
      %swap3A_720 = tpu.vector_load %arg8[%swap3A_719] {strides = array<i32>} : memref<4096xf32, #tpu.memory_space<vmem>>, vector<16xf32>,
      %swap3A_721 = vector.shape_cast %swap3A_720 : vector<16xf32> to vector<16xf32>
      %swap3A_722 = vector.shape_cast %add3A_707 : vector<16xf32> to vector<16xf32>
      tpu.vector_store %arg8[%swap3A_719], %swap3A_722 {strides = array<i32>} : memref<4096xf32, #tpu.memory_space<vmem>>, vector<16xf32>,
      %add3A_723 = arith.constant 0 : i32
      %add3A_724 = arith.addi %add3A_723, %mul3A_67 : i32
      %add3A_725 = arith.constant 80 : i32
      %add3A_726 = arith.addi %add3A_724, %add3A_725 : i32
      %swap3A_727 = arith.index_cast %add3A_726 : i32 to index
      %swap3A_728 = tpu.vector_load %arg8[%swap3A_727] {strides = array<i32>} : memref<4096xf32, #tpu.memory_space<vmem>>, vector<16xf32>,
      %swap3A_729 = vector.shape_cast %swap3A_728 : vector<16xf32> to vector<16xf32>
      %swap3A_730 = vector.shape_cast %add3A_714 : vector<16xf32> to vector<16xf32>
      tpu.vector_store %arg8[%swap3A_727], %swap3A_730 {strides = array<i32>} : memref<4096xf32, #tpu.memory_space<vmem>>, vector<16xf32>,
      %add3A_731 = arith.constant 768 : i32
      %add3A_732 = arith.addi %mul3A_63, %add3A_731 : i32
      %add3A_733 = arith.constant 0 : i32
      %add3A_734 = arith.addi %add3A_732, %add3A_733 : i32
      %get3A_735 = arith.index_cast %add3A_734 : i32 to index
      %get3A_736 = tpu.vector_load %arg4[%get3A_735] {strides = array<i32>} : memref<16384xf32, #tpu.memory_space<vmem>>, vector<16xf32>,
      %get3A_737 = vector.shape_cast %get3A_736 : vector<16xf32> to vector<16xf32>
      %mul3A_738 = arith.constant 6.553700e+04 : f32
      %mul3A_739 = vector.broadcast %mul3A_738 : f32 to vector<16xf32>
      %mul3A_740 = arith.mulf %get3A_737, %mul3A_739 : vector<16xf32>
      %sub3A_741 = arith.subf %mul3A_740, %get3A_737 : vector<16xf32>
      %sub3A_742 = arith.subf %mul3A_740, %sub3A_741 : vector<16xf32>
      %add3A_743 = arith.constant 768 : i32
      %add3A_744 = arith.addi %mul3A_63, %add3A_743 : i32
      %add3A_745 = arith.constant 16 : i32
      %add3A_746 = arith.addi %add3A_744, %add3A_745 : i32
      %get3A_747 = arith.index_cast %add3A_746 : i32 to index
      %get3A_748 = tpu.vector_load %arg4[%get3A_747] {strides = array<i32>} : memref<16384xf32, #tpu.memory_space<vmem>>, vector<16xf32>,
      %get3A_749 = vector.shape_cast %get3A_748 : vector<16xf32> to vector<16xf32>
      %mul3A_750 = arith.constant 6.553700e+04 : f32
      %mul3A_751 = vector.broadcast %mul3A_750 : f32 to vector<16xf32>
      %mul3A_752 = arith.mulf %get3A_749, %mul3A_751 : vector<16xf32>
      %sub3A_753 = arith.subf %mul3A_752, %get3A_749 : vector<16xf32>
      %sub3A_754 = arith.subf %mul3A_752, %sub3A_753 : vector<16xf32>
      %add3A_755 = arith.constant 768 : i32
      %add3A_756 = arith.addi %mul3A_63, %add3A_755 : i32
      %add3A_757 = arith.constant 32 : i32
      %add3A_758 = arith.addi %add3A_756, %add3A_757 : i32
      %get3A_759 = arith.index_cast %add3A_758 : i32 to index
      %get3A_760 = tpu.vector_load %arg4[%get3A_759] {strides = array<i32>} : memref<16384xf32, #tpu.memory_space<vmem>>, vector<16xf32>,
      %get3A_761 = vector.shape_cast %get3A_760 : vector<16xf32> to vector<16xf32>
      %mul3A_762 = arith.constant 6.553700e+04 : f32
      %mul3A_763 = vector.broadcast %mul3A_762 : f32 to vector<16xf32>
      %mul3A_764 = arith.mulf %get3A_761, %mul3A_763 : vector<16xf32>
      %sub3A_765 = arith.subf %mul3A_764, %get3A_761 : vector<16xf32>
      %sub3A_766 = arith.subf %mul3A_764, %sub3A_765 : vector<16xf32>
      %add3A_767 = arith.constant 768 : i32
      %add3A_768 = arith.addi %mul3A_63, %add3A_767 : i32
      %add3A_769 = arith.constant 48 : i32
      %add3A_770 = arith.addi %add3A_768, %add3A_769 : i32
      %get3A_771 = arith.index_cast %add3A_770 : i32 to index
      %get3A_772 = tpu.vector_load %arg4[%get3A_771] {strides = array<i32>} : memref<16384xf32, #tpu.memory_space<vmem>>, vector<16xf32>,
      %get3A_773 = vector.shape_cast %get3A_772 : vector<16xf32> to vector<16xf32>
      %mul3A_774 = arith.constant 6.553700e+04 : f32
      %mul3A_775 = vector.broadcast %mul3A_774 : f32 to vector<16xf32>
      %mul3A_776 = arith.mulf %get3A_773, %mul3A_775 : vector<16xf32>
      %sub3A_777 = arith.subf %mul3A_776, %get3A_773 : vector<16xf32>
      %sub3A_778 = arith.subf %mul3A_776, %sub3A_777 : vector<16xf32>
      %add3A_779 = arith.constant 768 : i32
      %add3A_780 = arith.addi %mul3A_63, %add3A_779 : i32
      %add3A_781 = arith.constant 64 : i32
      %add3A_782 = arith.addi %add3A_780, %add3A_781 : i32
      %get3A_783 = arith.index_cast %add3A_782 : i32 to index
      %get3A_784 = tpu.vector_load %arg4[%get3A_783] {strides = array<i32>} : memref<16384xf32, #tpu.memory_space<vmem>>, vector<16xf32>,
      %get3A_785 = vector.shape_cast %get3A_784 : vector<16xf32> to vector<16xf32>
      %mul3A_786 = arith.constant 6.553700e+04 : f32
      %mul3A_787 = vector.broadcast %mul3A_786 : f32 to vector<16xf32>
      %mul3A_788 = arith.mulf %get3A_785, %mul3A_787 : vector<16xf32>
      %sub3A_789 = arith.subf %mul3A_788, %get3A_785 : vector<16xf32>
      %sub3A_790 = arith.subf %mul3A_788, %sub3A_789 : vector<16xf32>
      %add3A_791 = arith.constant 768 : i32
      %add3A_792 = arith.addi %mul3A_63, %add3A_791 : i32
      %add3A_793 = arith.constant 80 : i32
      %add3A_794 = arith.addi %add3A_792, %add3A_793 : i32
      %get3A_795 = arith.index_cast %add3A_794 : i32 to index
      %get3A_796 = tpu.vector_load %arg4[%get3A_795] {strides = array<i32>} : memref<16384xf32, #tpu.memory_space<vmem>>, vector<16xf32>,
      %get3A_797 = vector.shape_cast %get3A_796 : vector<16xf32> to vector<16xf32>
      %mul3A_798 = arith.constant 6.553700e+04 : f32
      %mul3A_799 = vector.broadcast %mul3A_798 : f32 to vector<16xf32>
      %mul3A_800 = arith.mulf %get3A_797, %mul3A_799 : vector<16xf32>
      %sub3A_801 = arith.subf %mul3A_800, %get3A_797 : vector<16xf32>
      %sub3A_802 = arith.subf %mul3A_800, %sub3A_801 : vector<16xf32>
      %add3A_803 = arith.constant 768 : i32
      %add3A_804 = arith.addi %mul3A_63, %add3A_803 : i32
      %add3A_805 = arith.constant 96 : i32
      %add3A_806 = arith.addi %add3A_804, %add3A_805 : i32
      %get3A_807 = arith.index_cast %add3A_806 : i32 to index
      %get3A_808 = tpu.vector_load %arg4[%get3A_807] {strides = array<i32>} : memref<16384xf32, #tpu.memory_space<vmem>>, vector<16xf32>,
      %get3A_809 = vector.shape_cast %get3A_808 : vector<16xf32> to vector<16xf32>
      %mul3A_810 = arith.constant 6.553700e+04 : f32
      %mul3A_811 = vector.broadcast %mul3A_810 : f32 to vector<16xf32>
      %mul3A_812 = arith.mulf %get3A_809, %mul3A_811 : vector<16xf32>
      %sub3A_813 = arith.subf %mul3A_812, %get3A_809 : vector<16xf32>
      %sub3A_814 = arith.subf %mul3A_812, %sub3A_813 : vector<16xf32>
      %add3A_815 = arith.constant 768 : i32
      %add3A_816 = arith.addi %mul3A_63, %add3A_815 : i32
      %add3A_817 = arith.constant 112 : i32
      %add3A_818 = arith.addi %add3A_816, %add3A_817 : i32
      %get3A_819 = arith.index_cast %add3A_818 : i32 to index
      %get3A_820 = tpu.vector_load %arg4[%get3A_819] {strides = array<i32>} : memref<16384xf32, #tpu.memory_space<vmem>>, vector<16xf32>,
      %get3A_821 = vector.shape_cast %get3A_820 : vector<16xf32> to vector<16xf32>
      %mul3A_822 = arith.constant 6.553700e+04 : f32
      %mul3A_823 = vector.broadcast %mul3A_822 : f32 to vector<16xf32>
      %mul3A_824 = arith.mulf %get3A_821, %mul3A_823 : vector<16xf32>
      %sub3A_825 = arith.subf %mul3A_824, %get3A_821 : vector<16xf32>
      %sub3A_826 = arith.subf %mul3A_824, %sub3A_825 : vector<16xf32>
      %add3A_827 = arith.constant 896 : i32
      %add3A_828 = arith.addi %mul3A_63, %add3A_827 : i32
      %add3A_829 = arith.constant 0 : i32
      %add3A_830 = arith.addi %add3A_828, %add3A_829 : i32
      %get3A_831 = arith.index_cast %add3A_830 : i32 to index
      %get3A_832 = tpu.vector_load %arg4[%get3A_831] {strides = array<i32>} : memref<16384xf32, #tpu.memory_space<vmem>>, vector<16xf32>,
      %get3A_833 = vector.shape_cast %get3A_832 : vector<16xf32> to vector<16xf32>
      %mul3A_834 = arith.constant 6.553700e+04 : f32
      %mul3A_835 = vector.broadcast %mul3A_834 : f32 to vector<16xf32>
      %mul3A_836 = arith.mulf %get3A_833, %mul3A_835 : vector<16xf32>
      %sub3A_837 = arith.subf %mul3A_836, %get3A_833 : vector<16xf32>
      %sub3A_838 = arith.subf %mul3A_836, %sub3A_837 : vector<16xf32>
      %add3A_839 = arith.constant 896 : i32
      %add3A_840 = arith.addi %mul3A_63, %add3A_839 : i32
      %add3A_841 = arith.constant 16 : i32
      %add3A_842 = arith.addi %add3A_840, %add3A_841 : i32
      %get3A_843 = arith.index_cast %add3A_842 : i32 to index
      %get3A_844 = tpu.vector_load %arg4[%get3A_843] {strides = array<i32>} : memref<16384xf32, #tpu.memory_space<vmem>>, vector<16xf32>,
      %get3A_845 = vector.shape_cast %get3A_844 : vector<16xf32> to vector<16xf32>
      %mul3A_846 = arith.constant 6.553700e+04 : f32
      %mul3A_847 = vector.broadcast %mul3A_846 : f32 to vector<16xf32>
      %mul3A_848 = arith.mulf %get3A_845, %mul3A_847 : vector<16xf32>
      %sub3A_849 = arith.subf %mul3A_848, %get3A_845 : vector<16xf32>
      %sub3A_850 = arith.subf %mul3A_848, %sub3A_849 : vector<16xf32>
      %add3A_851 = arith.constant 896 : i32
      %add3A_852 = arith.addi %mul3A_63, %add3A_851 : i32
      %add3A_853 = arith.constant 32 : i32
      %add3A_854 = arith.addi %add3A_852, %add3A_853 : i32
      %get3A_855 = arith.index_cast %add3A_854 : i32 to index
      %get3A_856 = tpu.vector_load %arg4[%get3A_855] {strides = array<i32>} : memref<16384xf32, #tpu.memory_space<vmem>>, vector<16xf32>,
      %get3A_857 = vector.shape_cast %get3A_856 : vector<16xf32> to vector<16xf32>
      %mul3A_858 = arith.constant 6.553700e+04 : f32
      %mul3A_859 = vector.broadcast %mul3A_858 : f32 to vector<16xf32>
      %mul3A_860 = arith.mulf %get3A_857, %mul3A_859 : vector<16xf32>
      %sub3A_861 = arith.subf %mul3A_860, %get3A_857 : vector<16xf32>
      %sub3A_862 = arith.subf %mul3A_860, %sub3A_861 : vector<16xf32>
      %add3A_863 = arith.constant 896 : i32
      %add3A_864 = arith.addi %mul3A_63, %add3A_863 : i32
      %add3A_865 = arith.constant 48 : i32
      %add3A_866 = arith.addi %add3A_864, %add3A_865 : i32
      %get3A_867 = arith.index_cast %add3A_866 : i32 to index
      %get3A_868 = tpu.vector_load %arg4[%get3A_867] {strides = array<i32>} : memref<16384xf32, #tpu.memory_space<vmem>>, vector<16xf32>,
      %get3A_869 = vector.shape_cast %get3A_868 : vector<16xf32> to vector<16xf32>
      %mul3A_870 = arith.constant 6.553700e+04 : f32
      %mul3A_871 = vector.broadcast %mul3A_870 : f32 to vector<16xf32>
      %mul3A_872 = arith.mulf %get3A_869, %mul3A_871 : vector<16xf32>
      %sub3A_873 = arith.subf %mul3A_872, %get3A_869 : vector<16xf32>
      %sub3A_874 = arith.subf %mul3A_872, %sub3A_873 : vector<16xf32>
      %add3A_875 = arith.constant 896 : i32
      %add3A_876 = arith.addi %mul3A_63, %add3A_875 : i32
      %add3A_877 = arith.constant 64 : i32
      %add3A_878 = arith.addi %add3A_876, %add3A_877 : i32
      %get3A_879 = arith.index_cast %add3A_878 : i32 to index
      %get3A_880 = tpu.vector_load %arg4[%get3A_879] {strides = array<i32>} : memref<16384xf32, #tpu.memory_space<vmem>>, vector<16xf32>,
      %get3A_881 = vector.shape_cast %get3A_880 : vector<16xf32> to vector<16xf32>
      %mul3A_882 = arith.constant 6.553700e+04 : f32
      %mul3A_883 = vector.broadcast %mul3A_882 : f32 to vector<16xf32>
      %mul3A_884 = arith.mulf %get3A_881, %mul3A_883 : vector<16xf32>
      %sub3A_885 = arith.subf %mul3A_884, %get3A_881 : vector<16xf32>
      %sub3A_886 = arith.subf %mul3A_884, %sub3A_885 : vector<16xf32>
      %add3A_887 = arith.constant 896 : i32
      %add3A_888 = arith.addi %mul3A_63, %add3A_887 : i32
      %add3A_889 = arith.constant 80 : i32
      %add3A_890 = arith.addi %add3A_888, %add3A_889 : i32
      %get3A_891 = arith.index_cast %add3A_890 : i32 to index
      %get3A_892 = tpu.vector_load %arg4[%get3A_891] {strides = array<i32>} : memref<16384xf32, #tpu.memory_space<vmem>>, vector<16xf32>,
      %get3A_893 = vector.shape_cast %get3A_892 : vector<16xf32> to vector<16xf32>
      %mul3A_894 = arith.constant 6.553700e+04 : f32
      %mul3A_895 = vector.broadcast %mul3A_894 : f32 to vector<16xf32>
      %mul3A_896 = arith.mulf %get3A_893, %mul3A_895 : vector<16xf32>
      %sub3A_897 = arith.subf %mul3A_896, %get3A_893 : vector<16xf32>
      %sub3A_898 = arith.subf %mul3A_896, %sub3A_897 : vector<16xf32>
      %add3A_899 = arith.constant 896 : i32
      %add3A_900 = arith.addi %mul3A_63, %add3A_899 : i32
      %add3A_901 = arith.constant 96 : i32
      %add3A_902 = arith.addi %add3A_900, %add3A_901 : i32
      %get3A_903 = arith.index_cast %add3A_902 : i32 to index
      %get3A_904 = tpu.vector_load %arg4[%get3A_903] {strides = array<i32>} : memref<16384xf32, #tpu.memory_space<vmem>>, vector<16xf32>,
      %get3A_905 = vector.shape_cast %get3A_904 : vector<16xf32> to vector<16xf32>
      %mul3A_906 = arith.constant 6.553700e+04 : f32
      %mul3A_907 = vector.broadcast %mul3A_906 : f32 to vector<16xf32>
      %mul3A_908 = arith.mulf %get3A_905, %mul3A_907 : vector<16xf32>
      %sub3A_909 = arith.subf %mul3A_908, %get3A_905 : vector<16xf32>
      %sub3A_910 = arith.subf %mul3A_908, %sub3A_909 : vector<16xf32>
      %add3A_911 = arith.constant 896 : i32
      %add3A_912 = arith.addi %mul3A_63, %add3A_911 : i32
      %add3A_913 = arith.constant 112 : i32
      %add3A_914 = arith.addi %add3A_912, %add3A_913 : i32
      %get3A_915 = arith.index_cast %add3A_914 : i32 to index
      %get3A_916 = tpu.vector_load %arg4[%get3A_915] {strides = array<i32>} : memref<16384xf32, #tpu.memory_space<vmem>>, vector<16xf32>,
      %get3A_917 = vector.shape_cast %get3A_916 : vector<16xf32> to vector<16xf32>
      %mul3A_918 = arith.constant 6.553700e+04 : f32
      %mul3A_919 = vector.broadcast %mul3A_918 : f32 to vector<16xf32>
      %mul3A_920 = arith.mulf %get3A_917, %mul3A_919 : vector<16xf32>
      %sub3A_921 = arith.subf %mul3A_920, %get3A_917 : vector<16xf32>
      %sub3A_922 = arith.subf %mul3A_920, %sub3A_921 : vector<16xf32>
      %add3A_923 = arith.addf %sub3A_742, %sub3A_754 : vector<16xf32>
      %add3A_924 = arith.addf %sub3A_766, %sub3A_778 : vector<16xf32>
      %add3A_925 = arith.addf %add3A_923, %add3A_924 : vector<16xf32>
      %add3A_926 = arith.addf %sub3A_790, %sub3A_802 : vector<16xf32>
      %add3A_927 = arith.addf %sub3A_814, %sub3A_826 : vector<16xf32>
      %add3A_928 = arith.addf %add3A_926, %add3A_927 : vector<16xf32>
      %add3A_929 = arith.addf %add3A_925, %add3A_928 : vector<16xf32>
      %add3A_930 = arith.addf %sub3A_838, %sub3A_850 : vector<16xf32>
      %add3A_931 = arith.addf %sub3A_862, %sub3A_874 : vector<16xf32>
      %add3A_932 = arith.addf %add3A_930, %add3A_931 : vector<16xf32>
      %add3A_933 = arith.addf %sub3A_886, %sub3A_898 : vector<16xf32>
      %add3A_934 = arith.addf %sub3A_910, %sub3A_922 : vector<16xf32>
      %add3A_935 = arith.addf %add3A_933, %add3A_934 : vector<16xf32>
      %add3A_936 = arith.addf %add3A_932, %add3A_935 : vector<16xf32>
      %add3A_937 = arith.constant 0 : i32
      %add3A_938 = arith.addi %add3A_937, %mul3A_67 : i32
      %add3A_939 = arith.constant 96 : i32
      %add3A_940 = arith.addi %add3A_938, %add3A_939 : i32
      %swap3A_941 = arith.index_cast %add3A_940 : i32 to index
      %swap3A_942 = tpu.vector_load %arg8[%swap3A_941] {strides = array<i32>} : memref<4096xf32, #tpu.memory_space<vmem>>, vector<16xf32>,
      %swap3A_943 = vector.shape_cast %swap3A_942 : vector<16xf32> to vector<16xf32>
      %swap3A_944 = vector.shape_cast %add3A_929 : vector<16xf32> to vector<16xf32>
      tpu.vector_store %arg8[%swap3A_941], %swap3A_944 {strides = array<i32>} : memref<4096xf32, #tpu.memory_space<vmem>>, vector<16xf32>,
      %add3A_945 = arith.constant 0 : i32
      %add3A_946 = arith.addi %add3A_945, %mul3A_67 : i32
      %add3A_947 = arith.constant 112 : i32
      %add3A_948 = arith.addi %add3A_946, %add3A_947 : i32
      %swap3A_949 = arith.index_cast %add3A_948 : i32 to index
      %swap3A_950 = tpu.vector_load %arg8[%swap3A_949] {strides = array<i32>} : memref<4096xf32, #tpu.memory_space<vmem>>, vector<16xf32>,
      %swap3A_951 = vector.shape_cast %swap3A_950 : vector<16xf32> to vector<16xf32>
      %swap3A_952 = vector.shape_cast %add3A_936 : vector<16xf32> to vector<16xf32>
      tpu.vector_store %arg8[%swap3A_949], %swap3A_952 {strides = array<i32>} : memref<4096xf32, #tpu.memory_space<vmem>>, vector<16xf32>,
      %add3A_953 = arith.constant 1024 : i32
      %add3A_954 = arith.addi %mul3A_63, %add3A_953 : i32
      %add3A_955 = arith.constant 0 : i32
      %add3A_956 = arith.addi %add3A_954, %add3A_955 : i32
      %get3A_957 = arith.index_cast %add3A_956 : i32 to index
      %get3A_958 = tpu.vector_load %arg4[%get3A_957] {strides = array<i32>} : memref<16384xf32, #tpu.memory_space<vmem>>, vector<16xf32>,
      %get3A_959 = vector.shape_cast %get3A_958 : vector<16xf32> to vector<16xf32>
      %mul3A_960 = arith.constant 6.553700e+04 : f32
      %mul3A_961 = vector.broadcast %mul3A_960 : f32 to vector<16xf32>
      %mul3A_962 = arith.mulf %get3A_959, %mul3A_961 : vector<16xf32>
      %sub3A_963 = arith.subf %mul3A_962, %get3A_959 : vector<16xf32>
      %sub3A_964 = arith.subf %mul3A_962, %sub3A_963 : vector<16xf32>
      %add3A_965 = arith.constant 1024 : i32
      %add3A_966 = arith.addi %mul3A_63, %add3A_965 : i32
      %add3A_967 = arith.constant 16 : i32
      %add3A_968 = arith.addi %add3A_966, %add3A_967 : i32
      %get3A_969 = arith.index_cast %add3A_968 : i32 to index
      %get3A_970 = tpu.vector_load %arg4[%get3A_969] {strides = array<i32>} : memref<16384xf32, #tpu.memory_space<vmem>>, vector<16xf32>,
      %get3A_971 = vector.shape_cast %get3A_970 : vector<16xf32> to vector<16xf32>
      %mul3A_972 = arith.constant 6.553700e+04 : f32
      %mul3A_973 = vector.broadcast %mul3A_972 : f32 to vector<16xf32>
      %mul3A_974 = arith.mulf %get3A_971, %mul3A_973 : vector<16xf32>
      %sub3A_975 = arith.subf %mul3A_974, %get3A_971 : vector<16xf32>
      %sub3A_976 = arith.subf %mul3A_974, %sub3A_975 : vector<16xf32>
      %add3A_977 = arith.constant 1024 : i32
      %add3A_978 = arith.addi %mul3A_63, %add3A_977 : i32
      %add3A_979 = arith.constant 32 : i32
      %add3A_980 = arith.addi %add3A_978, %add3A_979 : i32
      %get3A_981 = arith.index_cast %add3A_980 : i32 to index
      %get3A_982 = tpu.vector_load %arg4[%get3A_981] {strides = array<i32>} : memref<16384xf32, #tpu.memory_space<vmem>>, vector<16xf32>,
      %get3A_983 = vector.shape_cast %get3A_982 : vector<16xf32> to vector<16xf32>
      %mul3A_984 = arith.constant 6.553700e+04 : f32
      %mul3A_985 = vector.broadcast %mul3A_984 : f32 to vector<16xf32>
      %mul3A_986 = arith.mulf %get3A_983, %mul3A_985 : vector<16xf32>
      %sub3A_987 = arith.subf %mul3A_986, %get3A_983 : vector<16xf32>
      %sub3A_988 = arith.subf %mul3A_986, %sub3A_987 : vector<16xf32>
      %add3A_989 = arith.constant 1024 : i32
      %add3A_990 = arith.addi %mul3A_63, %add3A_989 : i32
      %add3A_991 = arith.constant 48 : i32
      %add3A_992 = arith.addi %add3A_990, %add3A_991 : i32
      %get3A_993 = arith.index_cast %add3A_992 : i32 to index
      %get3A_994 = tpu.vector_load %arg4[%get3A_993] {strides = array<i32>} : memref<16384xf32, #tpu.memory_space<vmem>>, vector<16xf32>,
      %get3A_995 = vector.shape_cast %get3A_994 : vector<16xf32> to vector<16xf32>
      %mul3A_996 = arith.constant 6.553700e+04 : f32
      %mul3A_997 = vector.broadcast %mul3A_996 : f32 to vector<16xf32>
      %mul3A_998 = arith.mulf %get3A_995, %mul3A_997 : vector<16xf32>
      %sub3A_999 = arith.subf %mul3A_998, %get3A_995 : vector<16xf32>
      %sub3A_1000 = arith.subf %mul3A_998, %sub3A_999 : vector<16xf32>
      %add3A_1001 = arith.constant 1024 : i32
      %add3A_1002 = arith.addi %mul3A_63, %add3A_1001 : i32
      %add3A_1003 = arith.constant 64 : i32
      %add3A_1004 = arith.addi %add3A_1002, %add3A_1003 : i32
      %get3A_1005 = arith.index_cast %add3A_1004 : i32 to index
      %get3A_1006 = tpu.vector_load %arg4[%get3A_1005] {strides = array<i32>} : memref<16384xf32, #tpu.memory_space<vmem>>, vector<16xf32>,
      %get3A_1007 = vector.shape_cast %get3A_1006 : vector<16xf32> to vector<16xf32>
      %mul3A_1008 = arith.constant 6.553700e+04 : f32
      %mul3A_1009 = vector.broadcast %mul3A_1008 : f32 to vector<16xf32>
      %mul3A_1010 = arith.mulf %get3A_1007, %mul3A_1009 : vector<16xf32>
      %sub3A_1011 = arith.subf %mul3A_1010, %get3A_1007 : vector<16xf32>
      %sub3A_1012 = arith.subf %mul3A_1010, %sub3A_1011 : vector<16xf32>
      %add3A_1013 = arith.constant 1024 : i32
      %add3A_1014 = arith.addi %mul3A_63, %add3A_1013 : i32
      %add3A_1015 = arith.constant 80 : i32
      %add3A_1016 = arith.addi %add3A_1014, %add3A_1015 : i32
      %get3A_1017 = arith.index_cast %add3A_1016 : i32 to index
      %get3A_1018 = tpu.vector_load %arg4[%get3A_1017] {strides = array<i32>} : memref<16384xf32, #tpu.memory_space<vmem>>, vector<16xf32>,
      %get3A_1019 = vector.shape_cast %get3A_1018 : vector<16xf32> to vector<16xf32>
      %mul3A_1020 = arith.constant 6.553700e+04 : f32
      %mul3A_1021 = vector.broadcast %mul3A_1020 : f32 to vector<16xf32>
      %mul3A_1022 = arith.mulf %get3A_1019, %mul3A_1021 : vector<16xf32>
      %sub3A_1023 = arith.subf %mul3A_1022, %get3A_1019 : vector<16xf32>
      %sub3A_1024 = arith.subf %mul3A_1022, %sub3A_1023 : vector<16xf32>
      %add3A_1025 = arith.constant 1024 : i32
      %add3A_1026 = arith.addi %mul3A_63, %add3A_1025 : i32
      %add3A_1027 = arith.constant 96 : i32
      %add3A_1028 = arith.addi %add3A_1026, %add3A_1027 : i32
      %get3A_1029 = arith.index_cast %add3A_1028 : i32 to index
      %get3A_1030 = tpu.vector_load %arg4[%get3A_1029] {strides = array<i32>} : memref<16384xf32, #tpu.memory_space<vmem>>, vector<16xf32>,
      %get3A_1031 = vector.shape_cast %get3A_1030 : vector<16xf32> to vector<16xf32>
      %mul3A_1032 = arith.constant 6.553700e+04 : f32
      %mul3A_1033 = vector.broadcast %mul3A_1032 : f32 to vector<16xf32>
      %mul3A_1034 = arith.mulf %get3A_1031, %mul3A_1033 : vector<16xf32>
      %sub3A_1035 = arith.subf %mul3A_1034, %get3A_1031 : vector<16xf32>
      %sub3A_1036 = arith.subf %mul3A_1034, %sub3A_1035 : vector<16xf32>
      %add3A_1037 = arith.constant 1024 : i32
      %add3A_1038 = arith.addi %mul3A_63, %add3A_1037 : i32
      %add3A_1039 = arith.constant 112 : i32
      %add3A_1040 = arith.addi %add3A_1038, %add3A_1039 : i32
      %get3A_1041 = arith.index_cast %add3A_1040 : i32 to index
      %get3A_1042 = tpu.vector_load %arg4[%get3A_1041] {strides = array<i32>} : memref<16384xf32, #tpu.memory_space<vmem>>, vector<16xf32>,
      %get3A_1043 = vector.shape_cast %get3A_1042 : vector<16xf32> to vector<16xf32>
      %mul3A_1044 = arith.constant 6.553700e+04 : f32
      %mul3A_1045 = vector.broadcast %mul3A_1044 : f32 to vector<16xf32>
      %mul3A_1046 = arith.mulf %get3A_1043, %mul3A_1045 : vector<16xf32>
      %sub3A_1047 = arith.subf %mul3A_1046, %get3A_1043 : vector<16xf32>
      %sub3A_1048 = arith.subf %mul3A_1046, %sub3A_1047 : vector<16xf32>
      %add3A_1049 = arith.constant 1152 : i32
      %add3A_1050 = arith.addi %mul3A_63, %add3A_1049 : i32
      %add3A_1051 = arith.constant 0 : i32
      %add3A_1052 = arith.addi %add3A_1050, %add3A_1051 : i32
      %get3A_1053 = arith.index_cast %add3A_1052 : i32 to index
      %get3A_1054 = tpu.vector_load %arg4[%get3A_1053] {strides = array<i32>} : memref<16384xf32, #tpu.memory_space<vmem>>, vector<16xf32>,
      %get3A_1055 = vector.shape_cast %get3A_1054 : vector<16xf32> to vector<16xf32>
      %mul3A_1056 = arith.constant 6.553700e+04 : f32
      %mul3A_1057 = vector.broadcast %mul3A_1056 : f32 to vector<16xf32>
      %mul3A_1058 = arith.mulf %get3A_1055, %mul3A_1057 : vector<16xf32>
      %sub3A_1059 = arith.subf %mul3A_1058, %get3A_1055 : vector<16xf32>
      %sub3A_1060 = arith.subf %mul3A_1058, %sub3A_1059 : vector<16xf32>
      %add3A_1061 = arith.constant 1152 : i32
      %add3A_1062 = arith.addi %mul3A_63, %add3A_1061 : i32
      %add3A_1063 = arith.constant 16 : i32
      %add3A_1064 = arith.addi %add3A_1062, %add3A_1063 : i32
      %get3A_1065 = arith.index_cast %add3A_1064 : i32 to index
      %get3A_1066 = tpu.vector_load %arg4[%get3A_1065] {strides = array<i32>} : memref<16384xf32, #tpu.memory_space<vmem>>, vector<16xf32>,
      %get3A_1067 = vector.shape_cast %get3A_1066 : vector<16xf32> to vector<16xf32>
      %mul3A_1068 = arith.constant 6.553700e+04 : f32
      %mul3A_1069 = vector.broadcast %mul3A_1068 : f32 to vector<16xf32>
      %mul3A_1070 = arith.mulf %get3A_1067, %mul3A_1069 : vector<16xf32>
      %sub3A_1071 = arith.subf %mul3A_1070, %get3A_1067 : vector<16xf32>
      %sub3A_1072 = arith.subf %mul3A_1070, %sub3A_1071 : vector<16xf32>
      %add3A_1073 = arith.constant 1152 : i32
      %add3A_1074 = arith.addi %mul3A_63, %add3A_1073 : i32
      %add3A_1075 = arith.constant 32 : i32
      %add3A_1076 = arith.addi %add3A_1074, %add3A_1075 : i32
      %get3A_1077 = arith.index_cast %add3A_1076 : i32 to index
      %get3A_1078 = tpu.vector_load %arg4[%get3A_1077] {strides = array<i32>} : memref<16384xf32, #tpu.memory_space<vmem>>, vector<16xf32>,
      %get3A_1079 = vector.shape_cast %get3A_1078 : vector<16xf32> to vector<16xf32>
      %mul3A_1080 = arith.constant 6.553700e+04 : f32
      %mul3A_1081 = vector.broadcast %mul3A_1080 : f32 to vector<16xf32>
      %mul3A_1082 = arith.mulf %get3A_1079, %mul3A_1081 : vector<16xf32>
      %sub3A_1083 = arith.subf %mul3A_1082, %get3A_1079 : vector<16xf32>
      %sub3A_1084 = arith.subf %mul3A_1082, %sub3A_1083 : vector<16xf32>
      %add3A_1085 = arith.constant 1152 : i32
      %add3A_1086 = arith.addi %mul3A_63, %add3A_1085 : i32
      %add3A_1087 = arith.constant 48 : i32
      %add3A_1088 = arith.addi %add3A_1086, %add3A_1087 : i32
      %get3A_1089 = arith.index_cast %add3A_1088 : i32 to index
      %get3A_1090 = tpu.vector_load %arg4[%get3A_1089] {strides = array<i32>} : memref<16384xf32, #tpu.memory_space<vmem>>, vector<16xf32>,
      %get3A_1091 = vector.shape_cast %get3A_1090 : vector<16xf32> to vector<16xf32>
      %mul3A_1092 = arith.constant 6.553700e+04 : f32
      %mul3A_1093 = vector.broadcast %mul3A_1092 : f32 to vector<16xf32>
      %mul3A_1094 = arith.mulf %get3A_1091, %mul3A_1093 : vector<16xf32>
      %sub3A_1095 = arith.subf %mul3A_1094, %get3A_1091 : vector<16xf32>
      %sub3A_1096 = arith.subf %mul3A_1094, %sub3A_1095 : vector<16xf32>
      %add3A_1097 = arith.constant 1152 : i32
      %add3A_1098 = arith.addi %mul3A_63, %add3A_1097 : i32
      %add3A_1099 = arith.constant 64 : i32
      %add3A_1100 = arith.addi %add3A_1098, %add3A_1099 : i32
      %get3A_1101 = arith.index_cast %add3A_1100 : i32 to index
      %get3A_1102 = tpu.vector_load %arg4[%get3A_1101] {strides = array<i32>} : memref<16384xf32, #tpu.memory_space<vmem>>, vector<16xf32>,
      %get3A_1103 = vector.shape_cast %get3A_1102 : vector<16xf32> to vector<16xf32>
      %mul3A_1104 = arith.constant 6.553700e+04 : f32
      %mul3A_1105 = vector.broadcast %mul3A_1104 : f32 to vector<16xf32>
      %mul3A_1106 = arith.mulf %get3A_1103, %mul3A_1105 : vector<16xf32>
      %sub3A_1107 = arith.subf %mul3A_1106, %get3A_1103 : vector<16xf32>
      %sub3A_1108 = arith.subf %mul3A_1106, %sub3A_1107 : vector<16xf32>
      %add3A_1109 = arith.constant 1152 : i32
      %add3A_1110 = arith.addi %mul3A_63, %add3A_1109 : i32
      %add3A_1111 = arith.constant 80 : i32
      %add3A_1112 = arith.addi %add3A_1110, %add3A_1111 : i32
      %get3A_1113 = arith.index_cast %add3A_1112 : i32 to index
      %get3A_1114 = tpu.vector_load %arg4[%get3A_1113] {strides = array<i32>} : memref<16384xf32, #tpu.memory_space<vmem>>, vector<16xf32>,
      %get3A_1115 = vector.shape_cast %get3A_1114 : vector<16xf32> to vector<16xf32>
      %mul3A_1116 = arith.constant 6.553700e+04 : f32
      %mul3A_1117 = vector.broadcast %mul3A_1116 : f32 to vector<16xf32>
      %mul3A_1118 = arith.mulf %get3A_1115, %mul3A_1117 : vector<16xf32>
      %sub3A_1119 = arith.subf %mul3A_1118, %get3A_1115 : vector<16xf32>
      %sub3A_1120 = arith.subf %mul3A_1118, %sub3A_1119 : vector<16xf32>
      %add3A_1121 = arith.constant 1152 : i32
      %add3A_1122 = arith.addi %mul3A_63, %add3A_1121 : i32
      %add3A_1123 = arith.constant 96 : i32
      %add3A_1124 = arith.addi %add3A_1122, %add3A_1123 : i32
      %get3A_1125 = arith.index_cast %add3A_1124 : i32 to index
      %get3A_1126 = tpu.vector_load %arg4[%get3A_1125] {strides = array<i32>} : memref<16384xf32, #tpu.memory_space<vmem>>, vector<16xf32>,
      %get3A_1127 = vector.shape_cast %get3A_1126 : vector<16xf32> to vector<16xf32>
      %mul3A_1128 = arith.constant 6.553700e+04 : f32
      %mul3A_1129 = vector.broadcast %mul3A_1128 : f32 to vector<16xf32>
      %mul3A_1130 = arith.mulf %get3A_1127, %mul3A_1129 : vector<16xf32>
      %sub3A_1131 = arith.subf %mul3A_1130, %get3A_1127 : vector<16xf32>
      %sub3A_1132 = arith.subf %mul3A_1130, %sub3A_1131 : vector<16xf32>
      %add3A_1133 = arith.constant 1152 : i32
      %add3A_1134 = arith.addi %mul3A_63, %add3A_1133 : i32
      %add3A_1135 = arith.constant 112 : i32
      %add3A_1136 = arith.addi %add3A_1134, %add3A_1135 : i32
      %get3A_1137 = arith.index_cast %add3A_1136 : i32 to index
      %get3A_1138 = tpu.vector_load %arg4[%get3A_1137] {strides = array<i32>} : memref<16384xf32, #tpu.memory_space<vmem>>, vector<16xf32>,
      %get3A_1139 = vector.shape_cast %get3A_1138 : vector<16xf32> to vector<16xf32>
      %mul3A_1140 = arith.constant 6.553700e+04 : f32
      %mul3A_1141 = vector.broadcast %mul3A_1140 : f32 to vector<16xf32>
      %mul3A_1142 = arith.mulf %get3A_1139, %mul3A_1141 : vector<16xf32>
      %sub3A_1143 = arith.subf %mul3A_1142, %get3A_1139 : vector<16xf32>
      %sub3A_1144 = arith.subf %mul3A_1142, %sub3A_1143 : vector<16xf32>
      %add3A_1145 = arith.addf %sub3A_964, %sub3A_976 : vector<16xf32>
      %add3A_1146 = arith.addf %sub3A_988, %sub3A_1000 : vector<16xf32>
      %add3A_1147 = arith.addf %add3A_1145, %add3A_1146 : vector<16xf32>
      %add3A_1148 = arith.addf %sub3A_1012, %sub3A_1024 : vector<16xf32>
      %add3A_1149 = arith.addf %sub3A_1036, %sub3A_1048 : vector<16xf32>
      %add3A_1150 = arith.addf %add3A_1148, %add3A_1149 : vector<16xf32>
      %add3A_1151 = arith.addf %add3A_1147, %add3A_1150 : vector<16xf32>
      %add3A_1152 = arith.addf %sub3A_1060, %sub3A_1072 : vector<16xf32>
      %add3A_1153 = arith.addf %sub3A_1084, %sub3A_1096 : vector<16xf32>
      %add3A_1154 = arith.addf %add3A_1152, %add3A_1153 : vector<16xf32>
      %add3A_1155 = arith.addf %sub3A_1108, %sub3A_1120 : vector<16xf32>
      %add3A_1156 = arith.addf %sub3A_1132, %sub3A_1144 : vector<16xf32>
      %add3A_1157 = arith.addf %add3A_1155, %add3A_1156 : vector<16xf32>
      %add3A_1158 = arith.addf %add3A_1154, %add3A_1157 : vector<16xf32>
      %add3A_1159 = arith.constant 2048 : i32
      %add3A_1160 = arith.addi %add3A_1159, %mul3A_67 : i32
      %add3A_1161 = arith.constant 0 : i32
      %add3A_1162 = arith.addi %add3A_1160, %add3A_1161 : i32
      %swap3A_1163 = arith.index_cast %add3A_1162 : i32 to index
      %swap3A_1164 = tpu.vector_load %arg8[%swap3A_1163] {strides = array<i32>} : memref<4096xf32, #tpu.memory_space<vmem>>, vector<16xf32>,
      %swap3A_1165 = vector.shape_cast %swap3A_1164 : vector<16xf32> to vector<16xf32>
      %swap3A_1166 = vector.shape_cast %add3A_1151 : vector<16xf32> to vector<16xf32>
      tpu.vector_store %arg8[%swap3A_1163], %swap3A_1166 {strides = array<i32>} : memref<4096xf32, #tpu.memory_space<vmem>>, vector<16xf32>,
      %add3A_1167 = arith.constant 2048 : i32
      %add3A_1168 = arith.addi %add3A_1167, %mul3A_67 : i32
      %add3A_1169 = arith.constant 16 : i32
      %add3A_1170 = arith.addi %add3A_1168, %add3A_1169 : i32
      %swap3A_1171 = arith.index_cast %add3A_1170 : i32 to index
      %swap3A_1172 = tpu.vector_load %arg8[%swap3A_1171] {strides = array<i32>} : memref<4096xf32, #tpu.memory_space<vmem>>, vector<16xf32>,
      %swap3A_1173 = vector.shape_cast %swap3A_1172 : vector<16xf32> to vector<16xf32>
      %swap3A_1174 = vector.shape_cast %add3A_1158 : vector<16xf32> to vector<16xf32>
      tpu.vector_store %arg8[%swap3A_1171], %swap3A_1174 {strides = array<i32>} : memref<4096xf32, #tpu.memory_space<vmem>>, vector<16xf32>,
      %add3A_1175 = arith.constant 1280 : i32
      %add3A_1176 = arith.addi %mul3A_63, %add3A_1175 : i32
      %add3A_1177 = arith.constant 0 : i32
      %add3A_1178 = arith.addi %add3A_1176, %add3A_1177 : i32
      %get3A_1179 = arith.index_cast %add3A_1178 : i32 to index
      %get3A_1180 = tpu.vector_load %arg4[%get3A_1179] {strides = array<i32>} : memref<16384xf32, #tpu.memory_space<vmem>>, vector<16xf32>,
      %get3A_1181 = vector.shape_cast %get3A_1180 : vector<16xf32> to vector<16xf32>
      %mul3A_1182 = arith.constant 6.553700e+04 : f32
      %mul3A_1183 = vector.broadcast %mul3A_1182 : f32 to vector<16xf32>
      %mul3A_1184 = arith.mulf %get3A_1181, %mul3A_1183 : vector<16xf32>
      %sub3A_1185 = arith.subf %mul3A_1184, %get3A_1181 : vector<16xf32>
      %sub3A_1186 = arith.subf %mul3A_1184, %sub3A_1185 : vector<16xf32>
      %add3A_1187 = arith.constant 1280 : i32
      %add3A_1188 = arith.addi %mul3A_63, %add3A_1187 : i32
      %add3A_1189 = arith.constant 16 : i32
      %add3A_1190 = arith.addi %add3A_1188, %add3A_1189 : i32
      %get3A_1191 = arith.index_cast %add3A_1190 : i32 to index
      %get3A_1192 = tpu.vector_load %arg4[%get3A_1191] {strides = array<i32>} : memref<16384xf32, #tpu.memory_space<vmem>>, vector<16xf32>,
      %get3A_1193 = vector.shape_cast %get3A_1192 : vector<16xf32> to vector<16xf32>
      %mul3A_1194 = arith.constant 6.553700e+04 : f32
      %mul3A_1195 = vector.broadcast %mul3A_1194 : f32 to vector<16xf32>
      %mul3A_1196 = arith.mulf %get3A_1193, %mul3A_1195 : vector<16xf32>
      %sub3A_1197 = arith.subf %mul3A_1196, %get3A_1193 : vector<16xf32>
      %sub3A_1198 = arith.subf %mul3A_1196, %sub3A_1197 : vector<16xf32>
      %add3A_1199 = arith.constant 1280 : i32
      %add3A_1200 = arith.addi %mul3A_63, %add3A_1199 : i32
      %add3A_1201 = arith.constant 32 : i32
      %add3A_1202 = arith.addi %add3A_1200, %add3A_1201 : i32
      %get3A_1203 = arith.index_cast %add3A_1202 : i32 to index
      %get3A_1204 = tpu.vector_load %arg4[%get3A_1203] {strides = array<i32>} : memref<16384xf32, #tpu.memory_space<vmem>>, vector<16xf32>,
      %get3A_1205 = vector.shape_cast %get3A_1204 : vector<16xf32> to vector<16xf32>
      %mul3A_1206 = arith.constant 6.553700e+04 : f32
      %mul3A_1207 = vector.broadcast %mul3A_1206 : f32 to vector<16xf32>
      %mul3A_1208 = arith.mulf %get3A_1205, %mul3A_1207 : vector<16xf32>
      %sub3A_1209 = arith.subf %mul3A_1208, %get3A_1205 : vector<16xf32>
      %sub3A_1210 = arith.subf %mul3A_1208, %sub3A_1209 : vector<16xf32>
      %add3A_1211 = arith.constant 1280 : i32
      %add3A_1212 = arith.addi %mul3A_63, %add3A_1211 : i32
      %add3A_1213 = arith.constant 48 : i32
      %add3A_1214 = arith.addi %add3A_1212, %add3A_1213 : i32
      %get3A_1215 = arith.index_cast %add3A_1214 : i32 to index
      %get3A_1216 = tpu.vector_load %arg4[%get3A_1215] {strides = array<i32>} : memref<16384xf32, #tpu.memory_space<vmem>>, vector<16xf32>,
      %get3A_1217 = vector.shape_cast %get3A_1216 : vector<16xf32> to vector<16xf32>
      %mul3A_1218 = arith.constant 6.553700e+04 : f32
      %mul3A_1219 = vector.broadcast %mul3A_1218 : f32 to vector<16xf32>
      %mul3A_1220 = arith.mulf %get3A_1217, %mul3A_1219 : vector<16xf32>
      %sub3A_1221 = arith.subf %mul3A_1220, %get3A_1217 : vector<16xf32>
      %sub3A_1222 = arith.subf %mul3A_1220, %sub3A_1221 : vector<16xf32>
      %add3A_1223 = arith.constant 1280 : i32
      %add3A_1224 = arith.addi %mul3A_63, %add3A_1223 : i32
      %add3A_1225 = arith.constant 64 : i32
      %add3A_1226 = arith.addi %add3A_1224, %add3A_1225 : i32
      %get3A_1227 = arith.index_cast %add3A_1226 : i32 to index
      %get3A_1228 = tpu.vector_load %arg4[%get3A_1227] {strides = array<i32>} : memref<16384xf32, #tpu.memory_space<vmem>>, vector<16xf32>,
      %get3A_1229 = vector.shape_cast %get3A_1228 : vector<16xf32> to vector<16xf32>
      %mul3A_1230 = arith.constant 6.553700e+04 : f32
      %mul3A_1231 = vector.broadcast %mul3A_1230 : f32 to vector<16xf32>
      %mul3A_1232 = arith.mulf %get3A_1229, %mul3A_1231 : vector<16xf32>
      %sub3A_1233 = arith.subf %mul3A_1232, %get3A_1229 : vector<16xf32>
      %sub3A_1234 = arith.subf %mul3A_1232, %sub3A_1233 : vector<16xf32>
      %add3A_1235 = arith.constant 1280 : i32
      %add3A_1236 = arith.addi %mul3A_63, %add3A_1235 : i32
      %add3A_1237 = arith.constant 80 : i32
      %add3A_1238 = arith.addi %add3A_1236, %add3A_1237 : i32
      %get3A_1239 = arith.index_cast %add3A_1238 : i32 to index
      %get3A_1240 = tpu.vector_load %arg4[%get3A_1239] {strides = array<i32>} : memref<16384xf32, #tpu.memory_space<vmem>>, vector<16xf32>,
      %get3A_1241 = vector.shape_cast %get3A_1240 : vector<16xf32> to vector<16xf32>
      %mul3A_1242 = arith.constant 6.553700e+04 : f32
      %mul3A_1243 = vector.broadcast %mul3A_1242 : f32 to vector<16xf32>
      %mul3A_1244 = arith.mulf %get3A_1241, %mul3A_1243 : vector<16xf32>
      %sub3A_1245 = arith.subf %mul3A_1244, %get3A_1241 : vector<16xf32>
      %sub3A_1246 = arith.subf %mul3A_1244, %sub3A_1245 : vector<16xf32>
      %add3A_1247 = arith.constant 1280 : i32
      %add3A_1248 = arith.addi %mul3A_63, %add3A_1247 : i32
      %add3A_1249 = arith.constant 96 : i32
      %add3A_1250 = arith.addi %add3A_1248, %add3A_1249 : i32
      %get3A_1251 = arith.index_cast %add3A_1250 : i32 to index
      %get3A_1252 = tpu.vector_load %arg4[%get3A_1251] {strides = array<i32>} : memref<16384xf32, #tpu.memory_space<vmem>>, vector<16xf32>,
      %get3A_1253 = vector.shape_cast %get3A_1252 : vector<16xf32> to vector<16xf32>
      %mul3A_1254 = arith.constant 6.553700e+04 : f32
      %mul3A_1255 = vector.broadcast %mul3A_1254 : f32 to vector<16xf32>
      %mul3A_1256 = arith.mulf %get3A_1253, %mul3A_1255 : vector<16xf32>
      %sub3A_1257 = arith.subf %mul3A_1256, %get3A_1253 : vector<16xf32>
      %sub3A_1258 = arith.subf %mul3A_1256, %sub3A_1257 : vector<16xf32>
      %add3A_1259 = arith.constant 1280 : i32
      %add3A_1260 = arith.addi %mul3A_63, %add3A_1259 : i32
      %add3A_1261 = arith.constant 112 : i32
      %add3A_1262 = arith.addi %add3A_1260, %add3A_1261 : i32
      %get3A_1263 = arith.index_cast %add3A_1262 : i32 to index
      %get3A_1264 = tpu.vector_load %arg4[%get3A_1263] {strides = array<i32>} : memref<16384xf32, #tpu.memory_space<vmem>>, vector<16xf32>,
      %get3A_1265 = vector.shape_cast %get3A_1264 : vector<16xf32> to vector<16xf32>
      %mul3A_1266 = arith.constant 6.553700e+04 : f32
      %mul3A_1267 = vector.broadcast %mul3A_1266 : f32 to vector<16xf32>
      %mul3A_1268 = arith.mulf %get3A_1265, %mul3A_1267 : vector<16xf32>
      %sub3A_1269 = arith.subf %mul3A_1268, %get3A_1265 : vector<16xf32>
      %sub3A_1270 = arith.subf %mul3A_1268, %sub3A_1269 : vector<16xf32>
      %add3A_1271 = arith.constant 1408 : i32
      %add3A_1272 = arith.addi %mul3A_63, %add3A_1271 : i32
      %add3A_1273 = arith.constant 0 : i32
      %add3A_1274 = arith.addi %add3A_1272, %add3A_1273 : i32
      %get3A_1275 = arith.index_cast %add3A_1274 : i32 to index
      %get3A_1276 = tpu.vector_load %arg4[%get3A_1275] {strides = array<i32>} : memref<16384xf32, #tpu.memory_space<vmem>>, vector<16xf32>,
      %get3A_1277 = vector.shape_cast %get3A_1276 : vector<16xf32> to vector<16xf32>
      %mul3A_1278 = arith.constant 6.553700e+04 : f32
      %mul3A_1279 = vector.broadcast %mul3A_1278 : f32 to vector<16xf32>
      %mul3A_1280 = arith.mulf %get3A_1277, %mul3A_1279 : vector<16xf32>
      %sub3A_1281 = arith.subf %mul3A_1280, %get3A_1277 : vector<16xf32>
      %sub3A_1282 = arith.subf %mul3A_1280, %sub3A_1281 : vector<16xf32>
      %add3A_1283 = arith.constant 1408 : i32
      %add3A_1284 = arith.addi %mul3A_63, %add3A_1283 : i32
      %add3A_1285 = arith.constant 16 : i32
      %add3A_1286 = arith.addi %add3A_1284, %add3A_1285 : i32
      %get3A_1287 = arith.index_cast %add3A_1286 : i32 to index
      %get3A_1288 = tpu.vector_load %arg4[%get3A_1287] {strides = array<i32>} : memref<16384xf32, #tpu.memory_space<vmem>>, vector<16xf32>,
      %get3A_1289 = vector.shape_cast %get3A_1288 : vector<16xf32> to vector<16xf32>
      %mul3A_1290 = arith.constant 6.553700e+04 : f32
      %mul3A_1291 = vector.broadcast %mul3A_1290 : f32 to vector<16xf32>
      %mul3A_1292 = arith.mulf %get3A_1289, %mul3A_1291 : vector<16xf32>
      %sub3A_1293 = arith.subf %mul3A_1292, %get3A_1289 : vector<16xf32>
      %sub3A_1294 = arith.subf %mul3A_1292, %sub3A_1293 : vector<16xf32>
      %add3A_1295 = arith.constant 1408 : i32
      %add3A_1296 = arith.addi %mul3A_63, %add3A_1295 : i32
      %add3A_1297 = arith.constant 32 : i32
      %add3A_1298 = arith.addi %add3A_1296, %add3A_1297 : i32
      %get3A_1299 = arith.index_cast %add3A_1298 : i32 to index
      %get3A_1300 = tpu.vector_load %arg4[%get3A_1299] {strides = array<i32>} : memref<16384xf32, #tpu.memory_space<vmem>>, vector<16xf32>,
      %get3A_1301 = vector.shape_cast %get3A_1300 : vector<16xf32> to vector<16xf32>
      %mul3A_1302 = arith.constant 6.553700e+04 : f32
      %mul3A_1303 = vector.broadcast %mul3A_1302 : f32 to vector<16xf32>
      %mul3A_1304 = arith.mulf %get3A_1301, %mul3A_1303 : vector<16xf32>
      %sub3A_1305 = arith.subf %mul3A_1304, %get3A_1301 : vector<16xf32>
      %sub3A_1306 = arith.subf %mul3A_1304, %sub3A_1305 : vector<16xf32>
      %add3A_1307 = arith.constant 1408 : i32
      %add3A_1308 = arith.addi %mul3A_63, %add3A_1307 : i32
      %add3A_1309 = arith.constant 48 : i32
      %add3A_1310 = arith.addi %add3A_1308, %add3A_1309 : i32
      %get3A_1311 = arith.index_cast %add3A_1310 : i32 to index
      %get3A_1312 = tpu.vector_load %arg4[%get3A_1311] {strides = array<i32>} : memref<16384xf32, #tpu.memory_space<vmem>>, vector<16xf32>,
      %get3A_1313 = vector.shape_cast %get3A_1312 : vector<16xf32> to vector<16xf32>
      %mul3A_1314 = arith.constant 6.553700e+04 : f32
      %mul3A_1315 = vector.broadcast %mul3A_1314 : f32 to vector<16xf32>
      %mul3A_1316 = arith.mulf %get3A_1313, %mul3A_1315 : vector<16xf32>
      %sub3A_1317 = arith.subf %mul3A_1316, %get3A_1313 : vector<16xf32>
      %sub3A_1318 = arith.subf %mul3A_1316, %sub3A_1317 : vector<16xf32>
      %add3A_1319 = arith.constant 1408 : i32
      %add3A_1320 = arith.addi %mul3A_63, %add3A_1319 : i32
      %add3A_1321 = arith.constant 64 : i32
      %add3A_1322 = arith.addi %add3A_1320, %add3A_1321 : i32
      %get3A_1323 = arith.index_cast %add3A_1322 : i32 to index
      %get3A_1324 = tpu.vector_load %arg4[%get3A_1323] {strides = array<i32>} : memref<16384xf32, #tpu.memory_space<vmem>>, vector<16xf32>,
      %get3A_1325 = vector.shape_cast %get3A_1324 : vector<16xf32> to vector<16xf32>
      %mul3A_1326 = arith.constant 6.553700e+04 : f32
      %mul3A_1327 = vector.broadcast %mul3A_1326 : f32 to vector<16xf32>
      %mul3A_1328 = arith.mulf %get3A_1325, %mul3A_1327 : vector<16xf32>
      %sub3A_1329 = arith.subf %mul3A_1328, %get3A_1325 : vector<16xf32>
      %sub3A_1330 = arith.subf %mul3A_1328, %sub3A_1329 : vector<16xf32>
      %add3A_1331 = arith.constant 1408 : i32
      %add3A_1332 = arith.addi %mul3A_63, %add3A_1331 : i32
      %add3A_1333 = arith.constant 80 : i32
      %add3A_1334 = arith.addi %add3A_1332, %add3A_1333 : i32
      %get3A_1335 = arith.index_cast %add3A_1334 : i32 to index
      %get3A_1336 = tpu.vector_load %arg4[%get3A_1335] {strides = array<i32>} : memref<16384xf32, #tpu.memory_space<vmem>>, vector<16xf32>,
      %get3A_1337 = vector.shape_cast %get3A_1336 : vector<16xf32> to vector<16xf32>
      %mul3A_1338 = arith.constant 6.553700e+04 : f32
      %mul3A_1339 = vector.broadcast %mul3A_1338 : f32 to vector<16xf32>
      %mul3A_1340 = arith.mulf %get3A_1337, %mul3A_1339 : vector<16xf32>
      %sub3A_1341 = arith.subf %mul3A_1340, %get3A_1337 : vector<16xf32>
      %sub3A_1342 = arith.subf %mul3A_1340, %sub3A_1341 : vector<16xf32>
      %add3A_1343 = arith.constant 1408 : i32
      %add3A_1344 = arith.addi %mul3A_63, %add3A_1343 : i32
      %add3A_1345 = arith.constant 96 : i32
      %add3A_1346 = arith.addi %add3A_1344, %add3A_1345 : i32
      %get3A_1347 = arith.index_cast %add3A_1346 : i32 to index
      %get3A_1348 = tpu.vector_load %arg4[%get3A_1347] {strides = array<i32>} : memref<16384xf32, #tpu.memory_space<vmem>>, vector<16xf32>,
      %get3A_1349 = vector.shape_cast %get3A_1348 : vector<16xf32> to vector<16xf32>
      %mul3A_1350 = arith.constant 6.553700e+04 : f32
      %mul3A_1351 = vector.broadcast %mul3A_1350 : f32 to vector<16xf32>
      %mul3A_1352 = arith.mulf %get3A_1349, %mul3A_1351 : vector<16xf32>
      %sub3A_1353 = arith.subf %mul3A_1352, %get3A_1349 : vector<16xf32>
      %sub3A_1354 = arith.subf %mul3A_1352, %sub3A_1353 : vector<16xf32>
      %add3A_1355 = arith.constant 1408 : i32
      %add3A_1356 = arith.addi %mul3A_63, %add3A_1355 : i32
      %add3A_1357 = arith.constant 112 : i32
      %add3A_1358 = arith.addi %add3A_1356, %add3A_1357 : i32
      %get3A_1359 = arith.index_cast %add3A_1358 : i32 to index
      %get3A_1360 = tpu.vector_load %arg4[%get3A_1359] {strides = array<i32>} : memref<16384xf32, #tpu.memory_space<vmem>>, vector<16xf32>,
      %get3A_1361 = vector.shape_cast %get3A_1360 : vector<16xf32> to vector<16xf32>
      %mul3A_1362 = arith.constant 6.553700e+04 : f32
      %mul3A_1363 = vector.broadcast %mul3A_1362 : f32 to vector<16xf32>
      %mul3A_1364 = arith.mulf %get3A_1361, %mul3A_1363 : vector<16xf32>
      %sub3A_1365 = arith.subf %mul3A_1364, %get3A_1361 : vector<16xf32>
      %sub3A_1366 = arith.subf %mul3A_1364, %sub3A_1365 : vector<16xf32>
      %add3A_1367 = arith.addf %sub3A_1186, %sub3A_1198 : vector<16xf32>
      %add3A_1368 = arith.addf %sub3A_1210, %sub3A_1222 : vector<16xf32>
      %add3A_1369 = arith.addf %add3A_1367, %add3A_1368 : vector<16xf32>
      %add3A_1370 = arith.addf %sub3A_1234, %sub3A_1246 : vector<16xf32>
      %add3A_1371 = arith.addf %sub3A_1258, %sub3A_1270 : vector<16xf32>
      %add3A_1372 = arith.addf %add3A_1370, %add3A_1371 : vector<16xf32>
      %add3A_1373 = arith.addf %add3A_1369, %add3A_1372 : vector<16xf32>
      %add3A_1374 = arith.addf %sub3A_1282, %sub3A_1294 : vector<16xf32>
      %add3A_1375 = arith.addf %sub3A_1306, %sub3A_1318 : vector<16xf32>
      %add3A_1376 = arith.addf %add3A_1374, %add3A_1375 : vector<16xf32>
      %add3A_1377 = arith.addf %sub3A_1330, %sub3A_1342 : vector<16xf32>
      %add3A_1378 = arith.addf %sub3A_1354, %sub3A_1366 : vector<16xf32>
      %add3A_1379 = arith.addf %add3A_1377, %add3A_1378 : vector<16xf32>
      %add3A_1380 = arith.addf %add3A_1376, %add3A_1379 : vector<16xf32>
      %add3A_1381 = arith.constant 2048 : i32
      %add3A_1382 = arith.addi %add3A_1381, %mul3A_67 : i32
      %add3A_1383 = arith.constant 32 : i32
      %add3A_1384 = arith.addi %add3A_1382, %add3A_1383 : i32
      %swap3A_1385 = arith.index_cast %add3A_1384 : i32 to index
      %swap3A_1386 = tpu.vector_load %arg8[%swap3A_1385] {strides = array<i32>} : memref<4096xf32, #tpu.memory_space<vmem>>, vector<16xf32>,
      %swap3A_1387 = vector.shape_cast %swap3A_1386 : vector<16xf32> to vector<16xf32>
      %swap3A_1388 = vector.shape_cast %add3A_1373 : vector<16xf32> to vector<16xf32>
      tpu.vector_store %arg8[%swap3A_1385], %swap3A_1388 {strides = array<i32>} : memref<4096xf32, #tpu.memory_space<vmem>>, vector<16xf32>,
      %add3A_1389 = arith.constant 2048 : i32
      %add3A_1390 = arith.addi %add3A_1389, %mul3A_67 : i32
      %add3A_1391 = arith.constant 48 : i32
      %add3A_1392 = arith.addi %add3A_1390, %add3A_1391 : i32
      %swap3A_1393 = arith.index_cast %add3A_1392 : i32 to index
      %swap3A_1394 = tpu.vector_load %arg8[%swap3A_1393] {strides = array<i32>} : memref<4096xf32, #tpu.memory_space<vmem>>, vector<16xf32>,
      %swap3A_1395 = vector.shape_cast %swap3A_1394 : vector<16xf32> to vector<16xf32>
      %swap3A_1396 = vector.shape_cast %add3A_1380 : vector<16xf32> to vector<16xf32>
      tpu.vector_store %arg8[%swap3A_1393], %swap3A_1396 {strides = array<i32>} : memref<4096xf32, #tpu.memory_space<vmem>>, vector<16xf32>,
      %add3A_1397 = arith.constant 1536 : i32
      %add3A_1398 = arith.addi %mul3A_63, %add3A_1397 : i32
      %add3A_1399 = arith.constant 0 : i32
      %add3A_1400 = arith.addi %add3A_1398, %add3A_1399 : i32
      %get3A_1401 = arith.index_cast %add3A_1400 : i32 to index
      %get3A_1402 = tpu.vector_load %arg4[%get3A_1401] {strides = array<i32>} : memref<16384xf32, #tpu.memory_space<vmem>>, vector<16xf32>,
      %get3A_1403 = vector.shape_cast %get3A_1402 : vector<16xf32> to vector<16xf32>
      %mul3A_1404 = arith.constant 6.553700e+04 : f32
      %mul3A_1405 = vector.broadcast %mul3A_1404 : f32 to vector<16xf32>
      %mul3A_1406 = arith.mulf %get3A_1403, %mul3A_1405 : vector<16xf32>
      %sub3A_1407 = arith.subf %mul3A_1406, %get3A_1403 : vector<16xf32>
      %sub3A_1408 = arith.subf %mul3A_1406, %sub3A_1407 : vector<16xf32>
      %add3A_1409 = arith.constant 1536 : i32
      %add3A_1410 = arith.addi %mul3A_63, %add3A_1409 : i32
      %add3A_1411 = arith.constant 16 : i32
      %add3A_1412 = arith.addi %add3A_1410, %add3A_1411 : i32
      %get3A_1413 = arith.index_cast %add3A_1412 : i32 to index
      %get3A_1414 = tpu.vector_load %arg4[%get3A_1413] {strides = array<i32>} : memref<16384xf32, #tpu.memory_space<vmem>>, vector<16xf32>,
      %get3A_1415 = vector.shape_cast %get3A_1414 : vector<16xf32> to vector<16xf32>
      %mul3A_1416 = arith.constant 6.553700e+04 : f32
      %mul3A_1417 = vector.broadcast %mul3A_1416 : f32 to vector<16xf32>
      %mul3A_1418 = arith.mulf %get3A_1415, %mul3A_1417 : vector<16xf32>
      %sub3A_1419 = arith.subf %mul3A_1418, %get3A_1415 : vector<16xf32>
      %sub3A_1420 = arith.subf %mul3A_1418, %sub3A_1419 : vector<16xf32>
      %add3A_1421 = arith.constant 1536 : i32
      %add3A_1422 = arith.addi %mul3A_63, %add3A_1421 : i32
      %add3A_1423 = arith.constant 32 : i32
      %add3A_1424 = arith.addi %add3A_1422, %add3A_1423 : i32
      %get3A_1425 = arith.index_cast %add3A_1424 : i32 to index
      %get3A_1426 = tpu.vector_load %arg4[%get3A_1425] {strides = array<i32>} : memref<16384xf32, #tpu.memory_space<vmem>>, vector<16xf32>,
      %get3A_1427 = vector.shape_cast %get3A_1426 : vector<16xf32> to vector<16xf32>
      %mul3A_1428 = arith.constant 6.553700e+04 : f32
      %mul3A_1429 = vector.broadcast %mul3A_1428 : f32 to vector<16xf32>
      %mul3A_1430 = arith.mulf %get3A_1427, %mul3A_1429 : vector<16xf32>
      %sub3A_1431 = arith.subf %mul3A_1430, %get3A_1427 : vector<16xf32>
      %sub3A_1432 = arith.subf %mul3A_1430, %sub3A_1431 : vector<16xf32>
      %add3A_1433 = arith.constant 1536 : i32
      %add3A_1434 = arith.addi %mul3A_63, %add3A_1433 : i32
      %add3A_1435 = arith.constant 48 : i32
      %add3A_1436 = arith.addi %add3A_1434, %add3A_1435 : i32
      %get3A_1437 = arith.index_cast %add3A_1436 : i32 to index
      %get3A_1438 = tpu.vector_load %arg4[%get3A_1437] {strides = array<i32>} : memref<16384xf32, #tpu.memory_space<vmem>>, vector<16xf32>,
      %get3A_1439 = vector.shape_cast %get3A_1438 : vector<16xf32> to vector<16xf32>
      %mul3A_1440 = arith.constant 6.553700e+04 : f32
      %mul3A_1441 = vector.broadcast %mul3A_1440 : f32 to vector<16xf32>
      %mul3A_1442 = arith.mulf %get3A_1439, %mul3A_1441 : vector<16xf32>
      %sub3A_1443 = arith.subf %mul3A_1442, %get3A_1439 : vector<16xf32>
      %sub3A_1444 = arith.subf %mul3A_1442, %sub3A_1443 : vector<16xf32>
      %add3A_1445 = arith.constant 1536 : i32
      %add3A_1446 = arith.addi %mul3A_63, %add3A_1445 : i32
      %add3A_1447 = arith.constant 64 : i32
      %add3A_1448 = arith.addi %add3A_1446, %add3A_1447 : i32
      %get3A_1449 = arith.index_cast %add3A_1448 : i32 to index
      %get3A_1450 = tpu.vector_load %arg4[%get3A_1449] {strides = array<i32>} : memref<16384xf32, #tpu.memory_space<vmem>>, vector<16xf32>,
      %get3A_1451 = vector.shape_cast %get3A_1450 : vector<16xf32> to vector<16xf32>
      %mul3A_1452 = arith.constant 6.553700e+04 : f32
      %mul3A_1453 = vector.broadcast %mul3A_1452 : f32 to vector<16xf32>
      %mul3A_1454 = arith.mulf %get3A_1451, %mul3A_1453 : vector<16xf32>
      %sub3A_1455 = arith.subf %mul3A_1454, %get3A_1451 : vector<16xf32>
      %sub3A_1456 = arith.subf %mul3A_1454, %sub3A_1455 : vector<16xf32>
      %add3A_1457 = arith.constant 1536 : i32
      %add3A_1458 = arith.addi %mul3A_63, %add3A_1457 : i32
      %add3A_1459 = arith.constant 80 : i32
      %add3A_1460 = arith.addi %add3A_1458, %add3A_1459 : i32
      %get3A_1461 = arith.index_cast %add3A_1460 : i32 to index
      %get3A_1462 = tpu.vector_load %arg4[%get3A_1461] {strides = array<i32>} : memref<16384xf32, #tpu.memory_space<vmem>>, vector<16xf32>,
      %get3A_1463 = vector.shape_cast %get3A_1462 : vector<16xf32> to vector<16xf32>
      %mul3A_1464 = arith.constant 6.553700e+04 : f32
      %mul3A_1465 = vector.broadcast %mul3A_1464 : f32 to vector<16xf32>
      %mul3A_1466 = arith.mulf %get3A_1463, %mul3A_1465 : vector<16xf32>
      %sub3A_1467 = arith.subf %mul3A_1466, %get3A_1463 : vector<16xf32>
      %sub3A_1468 = arith.subf %mul3A_1466, %sub3A_1467 : vector<16xf32>
      %add3A_1469 = arith.constant 1536 : i32
      %add3A_1470 = arith.addi %mul3A_63, %add3A_1469 : i32
      %add3A_1471 = arith.constant 96 : i32
      %add3A_1472 = arith.addi %add3A_1470, %add3A_1471 : i32
      %get3A_1473 = arith.index_cast %add3A_1472 : i32 to index
      %get3A_1474 = tpu.vector_load %arg4[%get3A_1473] {strides = array<i32>} : memref<16384xf32, #tpu.memory_space<vmem>>, vector<16xf32>,
      %get3A_1475 = vector.shape_cast %get3A_1474 : vector<16xf32> to vector<16xf32>
      %mul3A_1476 = arith.constant 6.553700e+04 : f32
      %mul3A_1477 = vector.broadcast %mul3A_1476 : f32 to vector<16xf32>
      %mul3A_1478 = arith.mulf %get3A_1475, %mul3A_1477 : vector<16xf32>
      %sub3A_1479 = arith.subf %mul3A_1478, %get3A_1475 : vector<16xf32>
      %sub3A_1480 = arith.subf %mul3A_1478, %sub3A_1479 : vector<16xf32>
      %add3A_1481 = arith.constant 1536 : i32
      %add3A_1482 = arith.addi %mul3A_63, %add3A_1481 : i32
      %add3A_1483 = arith.constant 112 : i32
      %add3A_1484 = arith.addi %add3A_1482, %add3A_1483 : i32
      %get3A_1485 = arith.index_cast %add3A_1484 : i32 to index
      %get3A_1486 = tpu.vector_load %arg4[%get3A_1485] {strides = array<i32>} : memref<16384xf32, #tpu.memory_space<vmem>>, vector<16xf32>,
      %get3A_1487 = vector.shape_cast %get3A_1486 : vector<16xf32> to vector<16xf32>
      %mul3A_1488 = arith.constant 6.553700e+04 : f32
      %mul3A_1489 = vector.broadcast %mul3A_1488 : f32 to vector<16xf32>
      %mul3A_1490 = arith.mulf %get3A_1487, %mul3A_1489 : vector<16xf32>
      %sub3A_1491 = arith.subf %mul3A_1490, %get3A_1487 : vector<16xf32>
      %sub3A_1492 = arith.subf %mul3A_1490, %sub3A_1491 : vector<16xf32>
      %add3A_1493 = arith.constant 1664 : i32
      %add3A_1494 = arith.addi %mul3A_63, %add3A_1493 : i32
      %add3A_1495 = arith.constant 0 : i32
      %add3A_1496 = arith.addi %add3A_1494, %add3A_1495 : i32
      %get3A_1497 = arith.index_cast %add3A_1496 : i32 to index
      %get3A_1498 = tpu.vector_load %arg4[%get3A_1497] {strides = array<i32>} : memref<16384xf32, #tpu.memory_space<vmem>>, vector<16xf32>,
      %get3A_1499 = vector.shape_cast %get3A_1498 : vector<16xf32> to vector<16xf32>
      %mul3A_1500 = arith.constant 6.553700e+04 : f32
      %mul3A_1501 = vector.broadcast %mul3A_1500 : f32 to vector<16xf32>
      %mul3A_1502 = arith.mulf %get3A_1499, %mul3A_1501 : vector<16xf32>
      %sub3A_1503 = arith.subf %mul3A_1502, %get3A_1499 : vector<16xf32>
      %sub3A_1504 = arith.subf %mul3A_1502, %sub3A_1503 : vector<16xf32>
      %add3A_1505 = arith.constant 1664 : i32
      %add3A_1506 = arith.addi %mul3A_63, %add3A_1505 : i32
      %add3A_1507 = arith.constant 16 : i32
      %add3A_1508 = arith.addi %add3A_1506, %add3A_1507 : i32
      %get3A_1509 = arith.index_cast %add3A_1508 : i32 to index
      %get3A_1510 = tpu.vector_load %arg4[%get3A_1509] {strides = array<i32>} : memref<16384xf32, #tpu.memory_space<vmem>>, vector<16xf32>,
      %get3A_1511 = vector.shape_cast %get3A_1510 : vector<16xf32> to vector<16xf32>
      %mul3A_1512 = arith.constant 6.553700e+04 : f32
      %mul3A_1513 = vector.broadcast %mul3A_1512 : f32 to vector<16xf32>
      %mul3A_1514 = arith.mulf %get3A_1511, %mul3A_1513 : vector<16xf32>
      %sub3A_1515 = arith.subf %mul3A_1514, %get3A_1511 : vector<16xf32>
      %sub3A_1516 = arith.subf %mul3A_1514, %sub3A_1515 : vector<16xf32>
      %add3A_1517 = arith.constant 1664 : i32
      %add3A_1518 = arith.addi %mul3A_63, %add3A_1517 : i32
      %add3A_1519 = arith.constant 32 : i32
      %add3A_1520 = arith.addi %add3A_1518, %add3A_1519 : i32
      %get3A_1521 = arith.index_cast %add3A_1520 : i32 to index
      %get3A_1522 = tpu.vector_load %arg4[%get3A_1521] {strides = array<i32>} : memref<16384xf32, #tpu.memory_space<vmem>>, vector<16xf32>,
      %get3A_1523 = vector.shape_cast %get3A_1522 : vector<16xf32> to vector<16xf32>
      %mul3A_1524 = arith.constant 6.553700e+04 : f32
      %mul3A_1525 = vector.broadcast %mul3A_1524 : f32 to vector<16xf32>
      %mul3A_1526 = arith.mulf %get3A_1523, %mul3A_1525 : vector<16xf32>
      %sub3A_1527 = arith.subf %mul3A_1526, %get3A_1523 : vector<16xf32>
      %sub3A_1528 = arith.subf %mul3A_1526, %sub3A_1527 : vector<16xf32>
      %add3A_1529 = arith.constant 1664 : i32
      %add3A_1530 = arith.addi %mul3A_63, %add3A_1529 : i32
      %add3A_1531 = arith.constant 48 : i32
      %add3A_1532 = arith.addi %add3A_1530, %add3A_1531 : i32
      %get3A_1533 = arith.index_cast %add3A_1532 : i32 to index
      %get3A_1534 = tpu.vector_load %arg4[%get3A_1533] {strides = array<i32>} : memref<16384xf32, #tpu.memory_space<vmem>>, vector<16xf32>,
      %get3A_1535 = vector.shape_cast %get3A_1534 : vector<16xf32> to vector<16xf32>
      %mul3A_1536 = arith.constant 6.553700e+04 : f32
      %mul3A_1537 = vector.broadcast %mul3A_1536 : f32 to vector<16xf32>
      %mul3A_1538 = arith.mulf %get3A_1535, %mul3A_1537 : vector<16xf32>
      %sub3A_1539 = arith.subf %mul3A_1538, %get3A_1535 : vector<16xf32>
      %sub3A_1540 = arith.subf %mul3A_1538, %sub3A_1539 : vector<16xf32>
      %add3A_1541 = arith.constant 1664 : i32
      %add3A_1542 = arith.addi %mul3A_63, %add3A_1541 : i32
      %add3A_1543 = arith.constant 64 : i32
      %add3A_1544 = arith.addi %add3A_1542, %add3A_1543 : i32
      %get3A_1545 = arith.index_cast %add3A_1544 : i32 to index
      %get3A_1546 = tpu.vector_load %arg4[%get3A_1545] {strides = array<i32>} : memref<16384xf32, #tpu.memory_space<vmem>>, vector<16xf32>,
      %get3A_1547 = vector.shape_cast %get3A_1546 : vector<16xf32> to vector<16xf32>
      %mul3A_1548 = arith.constant 6.553700e+04 : f32
      %mul3A_1549 = vector.broadcast %mul3A_1548 : f32 to vector<16xf32>
      %mul3A_1550 = arith.mulf %get3A_1547, %mul3A_1549 : vector<16xf32>
      %sub3A_1551 = arith.subf %mul3A_1550, %get3A_1547 : vector<16xf32>
      %sub3A_1552 = arith.subf %mul3A_1550, %sub3A_1551 : vector<16xf32>
      %add3A_1553 = arith.constant 1664 : i32
      %add3A_1554 = arith.addi %mul3A_63, %add3A_1553 : i32
      %add3A_1555 = arith.constant 80 : i32
      %add3A_1556 = arith.addi %add3A_1554, %add3A_1555 : i32
      %get3A_1557 = arith.index_cast %add3A_1556 : i32 to index
      %get3A_1558 = tpu.vector_load %arg4[%get3A_1557] {strides = array<i32>} : memref<16384xf32, #tpu.memory_space<vmem>>, vector<16xf32>,
      %get3A_1559 = vector.shape_cast %get3A_1558 : vector<16xf32> to vector<16xf32>
      %mul3A_1560 = arith.constant 6.553700e+04 : f32
      %mul3A_1561 = vector.broadcast %mul3A_1560 : f32 to vector<16xf32>
      %mul3A_1562 = arith.mulf %get3A_1559, %mul3A_1561 : vector<16xf32>
      %sub3A_1563 = arith.subf %mul3A_1562, %get3A_1559 : vector<16xf32>
      %sub3A_1564 = arith.subf %mul3A_1562, %sub3A_1563 : vector<16xf32>
      %add3A_1565 = arith.constant 1664 : i32
      %add3A_1566 = arith.addi %mul3A_63, %add3A_1565 : i32
      %add3A_1567 = arith.constant 96 : i32
      %add3A_1568 = arith.addi %add3A_1566, %add3A_1567 : i32
      %get3A_1569 = arith.index_cast %add3A_1568 : i32 to index
      %get3A_1570 = tpu.vector_load %arg4[%get3A_1569] {strides = array<i32>} : memref<16384xf32, #tpu.memory_space<vmem>>, vector<16xf32>,
      %get3A_1571 = vector.shape_cast %get3A_1570 : vector<16xf32> to vector<16xf32>
      %mul3A_1572 = arith.constant 6.553700e+04 : f32
      %mul3A_1573 = vector.broadcast %mul3A_1572 : f32 to vector<16xf32>
      %mul3A_1574 = arith.mulf %get3A_1571, %mul3A_1573 : vector<16xf32>
      %sub3A_1575 = arith.subf %mul3A_1574, %get3A_1571 : vector<16xf32>
      %sub3A_1576 = arith.subf %mul3A_1574, %sub3A_1575 : vector<16xf32>
      %add3A_1577 = arith.constant 1664 : i32
      %add3A_1578 = arith.addi %mul3A_63, %add3A_1577 : i32
      %add3A_1579 = arith.constant 112 : i32
      %add3A_1580 = arith.addi %add3A_1578, %add3A_1579 : i32
      %get3A_1581 = arith.index_cast %add3A_1580 : i32 to index
      %get3A_1582 = tpu.vector_load %arg4[%get3A_1581] {strides = array<i32>} : memref<16384xf32, #tpu.memory_space<vmem>>, vector<16xf32>,
      %get3A_1583 = vector.shape_cast %get3A_1582 : vector<16xf32> to vector<16xf32>
      %mul3A_1584 = arith.constant 6.553700e+04 : f32
      %mul3A_1585 = vector.broadcast %mul3A_1584 : f32 to vector<16xf32>
      %mul3A_1586 = arith.mulf %get3A_1583, %mul3A_1585 : vector<16xf32>
      %sub3A_1587 = arith.subf %mul3A_1586, %get3A_1583 : vector<16xf32>
      %sub3A_1588 = arith.subf %mul3A_1586, %sub3A_1587 : vector<16xf32>
      %add3A_1589 = arith.addf %sub3A_1408, %sub3A_1420 : vector<16xf32>
      %add3A_1590 = arith.addf %sub3A_1432, %sub3A_1444 : vector<16xf32>
      %add3A_1591 = arith.addf %add3A_1589, %add3A_1590 : vector<16xf32>
      %add3A_1592 = arith.addf %sub3A_1456, %sub3A_1468 : vector<16xf32>
      %add3A_1593 = arith.addf %sub3A_1480, %sub3A_1492 : vector<16xf32>
      %add3A_1594 = arith.addf %add3A_1592, %add3A_1593 : vector<16xf32>
      %add3A_1595 = arith.addf %add3A_1591, %add3A_1594 : vector<16xf32>
      %add3A_1596 = arith.addf %sub3A_1504, %sub3A_1516 : vector<16xf32>
      %add3A_1597 = arith.addf %sub3A_1528, %sub3A_1540 : vector<16xf32>
      %add3A_1598 = arith.addf %add3A_1596, %add3A_1597 : vector<16xf32>
      %add3A_1599 = arith.addf %sub3A_1552, %sub3A_1564 : vector<16xf32>
      %add3A_1600 = arith.addf %sub3A_1576, %sub3A_1588 : vector<16xf32>
      %add3A_1601 = arith.addf %add3A_1599, %add3A_1600 : vector<16xf32>
      %add3A_1602 = arith.addf %add3A_1598, %add3A_1601 : vector<16xf32>
      %add3A_1603 = arith.constant 2048 : i32
      %add3A_1604 = arith.addi %add3A_1603, %mul3A_67 : i32
      %add3A_1605 = arith.constant 64 : i32
      %add3A_1606 = arith.addi %add3A_1604, %add3A_1605 : i32
      %swap3A_1607 = arith.index_cast %add3A_1606 : i32 to index
      %swap3A_1608 = tpu.vector_load %arg8[%swap3A_1607] {strides = array<i32>} : memref<4096xf32, #tpu.memory_space<vmem>>, vector<16xf32>,
      %swap3A_1609 = vector.shape_cast %swap3A_1608 : vector<16xf32> to vector<16xf32>
      %swap3A_1610 = vector.shape_cast %add3A_1595 : vector<16xf32> to vector<16xf32>
      tpu.vector_store %arg8[%swap3A_1607], %swap3A_1610 {strides = array<i32>} : memref<4096xf32, #tpu.memory_space<vmem>>, vector<16xf32>,
      %add3A_1611 = arith.constant 2048 : i32
      %add3A_1612 = arith.addi %add3A_1611, %mul3A_67 : i32
      %add3A_1613 = arith.constant 80 : i32
      %add3A_1614 = arith.addi %add3A_1612, %add3A_1613 : i32
      %swap3A_1615 = arith.index_cast %add3A_1614 : i32 to index
      %swap3A_1616 = tpu.vector_load %arg8[%swap3A_1615] {strides = array<i32>} : memref<4096xf32, #tpu.memory_space<vmem>>, vector<16xf32>,
      %swap3A_1617 = vector.shape_cast %swap3A_1616 : vector<16xf32> to vector<16xf32>
      %swap3A_1618 = vector.shape_cast %add3A_1602 : vector<16xf32> to vector<16xf32>
      tpu.vector_store %arg8[%swap3A_1615], %swap3A_1618 {strides = array<i32>} : memref<4096xf32, #tpu.memory_space<vmem>>, vector<16xf32>,
      %add3A_1619 = arith.constant 1792 : i32
      %add3A_1620 = arith.addi %mul3A_63, %add3A_1619 : i32
      %add3A_1621 = arith.constant 0 : i32
      %add3A_1622 = arith.addi %add3A_1620, %add3A_1621 : i32
      %get3A_1623 = arith.index_cast %add3A_1622 : i32 to index
      %get3A_1624 = tpu.vector_load %arg4[%get3A_1623] {strides = array<i32>} : memref<16384xf32, #tpu.memory_space<vmem>>, vector<16xf32>,
      %get3A_1625 = vector.shape_cast %get3A_1624 : vector<16xf32> to vector<16xf32>
      %mul3A_1626 = arith.constant 6.553700e+04 : f32
      %mul3A_1627 = vector.broadcast %mul3A_1626 : f32 to vector<16xf32>
      %mul3A_1628 = arith.mulf %get3A_1625, %mul3A_1627 : vector<16xf32>
      %sub3A_1629 = arith.subf %mul3A_1628, %get3A_1625 : vector<16xf32>
      %sub3A_1630 = arith.subf %mul3A_1628, %sub3A_1629 : vector<16xf32>
      %add3A_1631 = arith.constant 1792 : i32
      %add3A_1632 = arith.addi %mul3A_63, %add3A_1631 : i32
      %add3A_1633 = arith.constant 16 : i32
      %add3A_1634 = arith.addi %add3A_1632, %add3A_1633 : i32
      %get3A_1635 = arith.index_cast %add3A_1634 : i32 to index
      %get3A_1636 = tpu.vector_load %arg4[%get3A_1635] {strides = array<i32>} : memref<16384xf32, #tpu.memory_space<vmem>>, vector<16xf32>,
      %get3A_1637 = vector.shape_cast %get3A_1636 : vector<16xf32> to vector<16xf32>
      %mul3A_1638 = arith.constant 6.553700e+04 : f32
      %mul3A_1639 = vector.broadcast %mul3A_1638 : f32 to vector<16xf32>
      %mul3A_1640 = arith.mulf %get3A_1637, %mul3A_1639 : vector<16xf32>
      %sub3A_1641 = arith.subf %mul3A_1640, %get3A_1637 : vector<16xf32>
      %sub3A_1642 = arith.subf %mul3A_1640, %sub3A_1641 : vector<16xf32>
      %add3A_1643 = arith.constant 1792 : i32
      %add3A_1644 = arith.addi %mul3A_63, %add3A_1643 : i32
      %add3A_1645 = arith.constant 32 : i32
      %add3A_1646 = arith.addi %add3A_1644, %add3A_1645 : i32
      %get3A_1647 = arith.index_cast %add3A_1646 : i32 to index
      %get3A_1648 = tpu.vector_load %arg4[%get3A_1647] {strides = array<i32>} : memref<16384xf32, #tpu.memory_space<vmem>>, vector<16xf32>,
      %get3A_1649 = vector.shape_cast %get3A_1648 : vector<16xf32> to vector<16xf32>
      %mul3A_1650 = arith.constant 6.553700e+04 : f32
      %mul3A_1651 = vector.broadcast %mul3A_1650 : f32 to vector<16xf32>
      %mul3A_1652 = arith.mulf %get3A_1649, %mul3A_1651 : vector<16xf32>
      %sub3A_1653 = arith.subf %mul3A_1652, %get3A_1649 : vector<16xf32>
      %sub3A_1654 = arith.subf %mul3A_1652, %sub3A_1653 : vector<16xf32>
      %add3A_1655 = arith.constant 1792 : i32
      %add3A_1656 = arith.addi %mul3A_63, %add3A_1655 : i32
      %add3A_1657 = arith.constant 48 : i32
      %add3A_1658 = arith.addi %add3A_1656, %add3A_1657 : i32
      %get3A_1659 = arith.index_cast %add3A_1658 : i32 to index
      %get3A_1660 = tpu.vector_load %arg4[%get3A_1659] {strides = array<i32>} : memref<16384xf32, #tpu.memory_space<vmem>>, vector<16xf32>,
      %get3A_1661 = vector.shape_cast %get3A_1660 : vector<16xf32> to vector<16xf32>
      %mul3A_1662 = arith.constant 6.553700e+04 : f32
      %mul3A_1663 = vector.broadcast %mul3A_1662 : f32 to vector<16xf32>
      %mul3A_1664 = arith.mulf %get3A_1661, %mul3A_1663 : vector<16xf32>
      %sub3A_1665 = arith.subf %mul3A_1664, %get3A_1661 : vector<16xf32>
      %sub3A_1666 = arith.subf %mul3A_1664, %sub3A_1665 : vector<16xf32>
      %add3A_1667 = arith.constant 1792 : i32
      %add3A_1668 = arith.addi %mul3A_63, %add3A_1667 : i32
      %add3A_1669 = arith.constant 64 : i32
      %add3A_1670 = arith.addi %add3A_1668, %add3A_1669 : i32
      %get3A_1671 = arith.index_cast %add3A_1670 : i32 to index
      %get3A_1672 = tpu.vector_load %arg4[%get3A_1671] {strides = array<i32>} : memref<16384xf32, #tpu.memory_space<vmem>>, vector<16xf32>,
      %get3A_1673 = vector.shape_cast %get3A_1672 : vector<16xf32> to vector<16xf32>
      %mul3A_1674 = arith.constant 6.553700e+04 : f32
      %mul3A_1675 = vector.broadcast %mul3A_1674 : f32 to vector<16xf32>
      %mul3A_1676 = arith.mulf %get3A_1673, %mul3A_1675 : vector<16xf32>
      %sub3A_1677 = arith.subf %mul3A_1676, %get3A_1673 : vector<16xf32>
      %sub3A_1678 = arith.subf %mul3A_1676, %sub3A_1677 : vector<16xf32>
      %add3A_1679 = arith.constant 1792 : i32
      %add3A_1680 = arith.addi %mul3A_63, %add3A_1679 : i32
      %add3A_1681 = arith.constant 80 : i32
      %add3A_1682 = arith.addi %add3A_1680, %add3A_1681 : i32
      %get3A_1683 = arith.index_cast %add3A_1682 : i32 to index
      %get3A_1684 = tpu.vector_load %arg4[%get3A_1683] {strides = array<i32>} : memref<16384xf32, #tpu.memory_space<vmem>>, vector<16xf32>,
      %get3A_1685 = vector.shape_cast %get3A_1684 : vector<16xf32> to vector<16xf32>
      %mul3A_1686 = arith.constant 6.553700e+04 : f32
      %mul3A_1687 = vector.broadcast %mul3A_1686 : f32 to vector<16xf32>
      %mul3A_1688 = arith.mulf %get3A_1685, %mul3A_1687 : vector<16xf32>
      %sub3A_1689 = arith.subf %mul3A_1688, %get3A_1685 : vector<16xf32>
      %sub3A_1690 = arith.subf %mul3A_1688, %sub3A_1689 : vector<16xf32>
      %add3A_1691 = arith.constant 1792 : i32
      %add3A_1692 = arith.addi %mul3A_63, %add3A_1691 : i32
      %add3A_1693 = arith.constant 96 : i32
      %add3A_1694 = arith.addi %add3A_1692, %add3A_1693 : i32
      %get3A_1695 = arith.index_cast %add3A_1694 : i32 to index
      %get3A_1696 = tpu.vector_load %arg4[%get3A_1695] {strides = array<i32>} : memref<16384xf32, #tpu.memory_space<vmem>>, vector<16xf32>,
      %get3A_1697 = vector.shape_cast %get3A_1696 : vector<16xf32> to vector<16xf32>
      %mul3A_1698 = arith.constant 6.553700e+04 : f32
      %mul3A_1699 = vector.broadcast %mul3A_1698 : f32 to vector<16xf32>
      %mul3A_1700 = arith.mulf %get3A_1697, %mul3A_1699 : vector<16xf32>
      %sub3A_1701 = arith.subf %mul3A_1700, %get3A_1697 : vector<16xf32>
      %sub3A_1702 = arith.subf %mul3A_1700, %sub3A_1701 : vector<16xf32>
      %add3A_1703 = arith.constant 1792 : i32
      %add3A_1704 = arith.addi %mul3A_63, %add3A_1703 : i32
      %add3A_1705 = arith.constant 112 : i32
      %add3A_1706 = arith.addi %add3A_1704, %add3A_1705 : i32
      %get3A_1707 = arith.index_cast %add3A_1706 : i32 to index
      %get3A_1708 = tpu.vector_load %arg4[%get3A_1707] {strides = array<i32>} : memref<16384xf32, #tpu.memory_space<vmem>>, vector<16xf32>,
      %get3A_1709 = vector.shape_cast %get3A_1708 : vector<16xf32> to vector<16xf32>
      %mul3A_1710 = arith.constant 6.553700e+04 : f32
      %mul3A_1711 = vector.broadcast %mul3A_1710 : f32 to vector<16xf32>
      %mul3A_1712 = arith.mulf %get3A_1709, %mul3A_1711 : vector<16xf32>
      %sub3A_1713 = arith.subf %mul3A_1712, %get3A_1709 : vector<16xf32>
      %sub3A_1714 = arith.subf %mul3A_1712, %sub3A_1713 : vector<16xf32>
      %add3A_1715 = arith.constant 1920 : i32
      %add3A_1716 = arith.addi %mul3A_63, %add3A_1715 : i32
      %add3A_1717 = arith.constant 0 : i32
      %add3A_1718 = arith.addi %add3A_1716, %add3A_1717 : i32
      %get3A_1719 = arith.index_cast %add3A_1718 : i32 to index
      %get3A_1720 = tpu.vector_load %arg4[%get3A_1719] {strides = array<i32>} : memref<16384xf32, #tpu.memory_space<vmem>>, vector<16xf32>,
      %get3A_1721 = vector.shape_cast %get3A_1720 : vector<16xf32> to vector<16xf32>
      %mul3A_1722 = arith.constant 6.553700e+04 : f32
      %mul3A_1723 = vector.broadcast %mul3A_1722 : f32 to vector<16xf32>
      %mul3A_1724 = arith.mulf %get3A_1721, %mul3A_1723 : vector<16xf32>
      %sub3A_1725 = arith.subf %mul3A_1724, %get3A_1721 : vector<16xf32>
      %sub3A_1726 = arith.subf %mul3A_1724, %sub3A_1725 : vector<16xf32>
      %add3A_1727 = arith.constant 1920 : i32
      %add3A_1728 = arith.addi %mul3A_63, %add3A_1727 : i32
      %add3A_1729 = arith.constant 16 : i32
      %add3A_1730 = arith.addi %add3A_1728, %add3A_1729 : i32
      %get3A_1731 = arith.index_cast %add3A_1730 : i32 to index
      %get3A_1732 = tpu.vector_load %arg4[%get3A_1731] {strides = array<i32>} : memref<16384xf32, #tpu.memory_space<vmem>>, vector<16xf32>,
      %get3A_1733 = vector.shape_cast %get3A_1732 : vector<16xf32> to vector<16xf32>
      %mul3A_1734 = arith.constant 6.553700e+04 : f32
      %mul3A_1735 = vector.broadcast %mul3A_1734 : f32 to vector<16xf32>
      %mul3A_1736 = arith.mulf %get3A_1733, %mul3A_1735 : vector<16xf32>
      %sub3A_1737 = arith.subf %mul3A_1736, %get3A_1733 : vector<16xf32>
      %sub3A_1738 = arith.subf %mul3A_1736, %sub3A_1737 : vector<16xf32>
      %add3A_1739 = arith.constant 1920 : i32
      %add3A_1740 = arith.addi %mul3A_63, %add3A_1739 : i32
      %add3A_1741 = arith.constant 32 : i32
      %add3A_1742 = arith.addi %add3A_1740, %add3A_1741 : i32
      %get3A_1743 = arith.index_cast %add3A_1742 : i32 to index
      %get3A_1744 = tpu.vector_load %arg4[%get3A_1743] {strides = array<i32>} : memref<16384xf32, #tpu.memory_space<vmem>>, vector<16xf32>,
      %get3A_1745 = vector.shape_cast %get3A_1744 : vector<16xf32> to vector<16xf32>
      %mul3A_1746 = arith.constant 6.553700e+04 : f32
      %mul3A_1747 = vector.broadcast %mul3A_1746 : f32 to vector<16xf32>
      %mul3A_1748 = arith.mulf %get3A_1745, %mul3A_1747 : vector<16xf32>
      %sub3A_1749 = arith.subf %mul3A_1748, %get3A_1745 : vector<16xf32>
      %sub3A_1750 = arith.subf %mul3A_1748, %sub3A_1749 : vector<16xf32>
      %add3A_1751 = arith.constant 1920 : i32
      %add3A_1752 = arith.addi %mul3A_63, %add3A_1751 : i32
      %add3A_1753 = arith.constant 48 : i32
      %add3A_1754 = arith.addi %add3A_1752, %add3A_1753 : i32
      %get3A_1755 = arith.index_cast %add3A_1754 : i32 to index
      %get3A_1756 = tpu.vector_load %arg4[%get3A_1755] {strides = array<i32>} : memref<16384xf32, #tpu.memory_space<vmem>>, vector<16xf32>,
      %get3A_1757 = vector.shape_cast %get3A_1756 : vector<16xf32> to vector<16xf32>
      %mul3A_1758 = arith.constant 6.553700e+04 : f32
      %mul3A_1759 = vector.broadcast %mul3A_1758 : f32 to vector<16xf32>
      %mul3A_1760 = arith.mulf %get3A_1757, %mul3A_1759 : vector<16xf32>
      %sub3A_1761 = arith.subf %mul3A_1760, %get3A_1757 : vector<16xf32>
      %sub3A_1762 = arith.subf %mul3A_1760, %sub3A_1761 : vector<16xf32>
      %add3A_1763 = arith.constant 1920 : i32
      %add3A_1764 = arith.addi %mul3A_63, %add3A_1763 : i32
      %add3A_1765 = arith.constant 64 : i32
      %add3A_1766 = arith.addi %add3A_1764, %add3A_1765 : i32
      %get3A_1767 = arith.index_cast %add3A_1766 : i32 to index
      %get3A_1768 = tpu.vector_load %arg4[%get3A_1767] {strides = array<i32>} : memref<16384xf32, #tpu.memory_space<vmem>>, vector<16xf32>,
      %get3A_1769 = vector.shape_cast %get3A_1768 : vector<16xf32> to vector<16xf32>
      %mul3A_1770 = arith.constant 6.553700e+04 : f32
      %mul3A_1771 = vector.broadcast %mul3A_1770 : f32 to vector<16xf32>
      %mul3A_1772 = arith.mulf %get3A_1769, %mul3A_1771 : vector<16xf32>
      %sub3A_1773 = arith.subf %mul3A_1772, %get3A_1769 : vector<16xf32>
      %sub3A_1774 = arith.subf %mul3A_1772, %sub3A_1773 : vector<16xf32>
      %add3A_1775 = arith.constant 1920 : i32
      %add3A_1776 = arith.addi %mul3A_63, %add3A_1775 : i32
      %add3A_1777 = arith.constant 80 : i32
      %add3A_1778 = arith.addi %add3A_1776, %add3A_1777 : i32
      %get3A_1779 = arith.index_cast %add3A_1778 : i32 to index
      %get3A_1780 = tpu.vector_load %arg4[%get3A_1779] {strides = array<i32>} : memref<16384xf32, #tpu.memory_space<vmem>>, vector<16xf32>,
      %get3A_1781 = vector.shape_cast %get3A_1780 : vector<16xf32> to vector<16xf32>
      %mul3A_1782 = arith.constant 6.553700e+04 : f32
      %mul3A_1783 = vector.broadcast %mul3A_1782 : f32 to vector<16xf32>
      %mul3A_1784 = arith.mulf %get3A_1781, %mul3A_1783 : vector<16xf32>
      %sub3A_1785 = arith.subf %mul3A_1784, %get3A_1781 : vector<16xf32>
      %sub3A_1786 = arith.subf %mul3A_1784, %sub3A_1785 : vector<16xf32>
      %add3A_1787 = arith.constant 1920 : i32
      %add3A_1788 = arith.addi %mul3A_63, %add3A_1787 : i32
      %add3A_1789 = arith.constant 96 : i32
      %add3A_1790 = arith.addi %add3A_1788, %add3A_1789 : i32
      %get3A_1791 = arith.index_cast %add3A_1790 : i32 to index
      %get3A_1792 = tpu.vector_load %arg4[%get3A_1791] {strides = array<i32>} : memref<16384xf32, #tpu.memory_space<vmem>>, vector<16xf32>,
      %get3A_1793 = vector.shape_cast %get3A_1792 : vector<16xf32> to vector<16xf32>
      %mul3A_1794 = arith.constant 6.553700e+04 : f32
      %mul3A_1795 = vector.broadcast %mul3A_1794 : f32 to vector<16xf32>
      %mul3A_1796 = arith.mulf %get3A_1793, %mul3A_1795 : vector<16xf32>
      %sub3A_1797 = arith.subf %mul3A_1796, %get3A_1793 : vector<16xf32>
      %sub3A_1798 = arith.subf %mul3A_1796, %sub3A_1797 : vector<16xf32>
      %add3A_1799 = arith.constant 1920 : i32
      %add3A_1800 = arith.addi %mul3A_63, %add3A_1799 : i32
      %add3A_1801 = arith.constant 112 : i32
      %add3A_1802 = arith.addi %add3A_1800, %add3A_1801 : i32
      %get3A_1803 = arith.index_cast %add3A_1802 : i32 to index
      %get3A_1804 = tpu.vector_load %arg4[%get3A_1803] {strides = array<i32>} : memref<16384xf32, #tpu.memory_space<vmem>>, vector<16xf32>,
      %get3A_1805 = vector.shape_cast %get3A_1804 : vector<16xf32> to vector<16xf32>
      %mul3A_1806 = arith.constant 6.553700e+04 : f32
      %mul3A_1807 = vector.broadcast %mul3A_1806 : f32 to vector<16xf32>
      %mul3A_1808 = arith.mulf %get3A_1805, %mul3A_1807 : vector<16xf32>
      %sub3A_1809 = arith.subf %mul3A_1808, %get3A_1805 : vector<16xf32>
      %sub3A_1810 = arith.subf %mul3A_1808, %sub3A_1809 : vector<16xf32>
      %add3A_1811 = arith.addf %sub3A_1630, %sub3A_1642 : vector<16xf32>
      %add3A_1812 = arith.addf %sub3A_1654, %sub3A_1666 : vector<16xf32>
      %add3A_1813 = arith.addf %add3A_1811, %add3A_1812 : vector<16xf32>
      %add3A_1814 = arith.addf %sub3A_1678, %sub3A_1690 : vector<16xf32>
      %add3A_1815 = arith.addf %sub3A_1702, %sub3A_1714 : vector<16xf32>
      %add3A_1816 = arith.addf %add3A_1814, %add3A_1815 : vector<16xf32>
      %add3A_1817 = arith.addf %add3A_1813, %add3A_1816 : vector<16xf32>
      %add3A_1818 = arith.addf %sub3A_1726, %sub3A_1738 : vector<16xf32>
      %add3A_1819 = arith.addf %sub3A_1750, %sub3A_1762 : vector<16xf32>
      %add3A_1820 = arith.addf %add3A_1818, %add3A_1819 : vector<16xf32>
      %add3A_1821 = arith.addf %sub3A_1774, %sub3A_1786 : vector<16xf32>
      %add3A_1822 = arith.addf %sub3A_1798, %sub3A_1810 : vector<16xf32>
      %add3A_1823 = arith.addf %add3A_1821, %add3A_1822 : vector<16xf32>
      %add3A_1824 = arith.addf %add3A_1820, %add3A_1823 : vector<16xf32>
      %add3A_1825 = arith.constant 2048 : i32
      %add3A_1826 = arith.addi %add3A_1825, %mul3A_67 : i32
      %add3A_1827 = arith.constant 96 : i32
      %add3A_1828 = arith.addi %add3A_1826, %add3A_1827 : i32
      %swap3A_1829 = arith.index_cast %add3A_1828 : i32 to index
      %swap3A_1830 = tpu.vector_load %arg8[%swap3A_1829] {strides = array<i32>} : memref<4096xf32, #tpu.memory_space<vmem>>, vector<16xf32>,
      %swap3A_1831 = vector.shape_cast %swap3A_1830 : vector<16xf32> to vector<16xf32>
      %swap3A_1832 = vector.shape_cast %add3A_1817 : vector<16xf32> to vector<16xf32>
      tpu.vector_store %arg8[%swap3A_1829], %swap3A_1832 {strides = array<i32>} : memref<4096xf32, #tpu.memory_space<vmem>>, vector<16xf32>,
      %add3A_1833 = arith.constant 2048 : i32
      %add3A_1834 = arith.addi %add3A_1833, %mul3A_67 : i32
      %add3A_1835 = arith.constant 112 : i32
      %add3A_1836 = arith.addi %add3A_1834, %add3A_1835 : i32
      %swap3A_1837 = arith.index_cast %add3A_1836 : i32 to index
      %swap3A_1838 = tpu.vector_load %arg8[%swap3A_1837] {strides = array<i32>} : memref<4096xf32, #tpu.memory_space<vmem>>, vector<16xf32>,
      %swap3A_1839 = vector.shape_cast %swap3A_1838 : vector<16xf32> to vector<16xf32>
      %swap3A_1840 = vector.shape_cast %add3A_1824 : vector<16xf32> to vector<16xf32>
      tpu.vector_store %arg8[%swap3A_1837], %swap3A_1840 {strides = array<i32>} : memref<4096xf32, #tpu.memory_space<vmem>>, vector<16xf32>,
      %scan3A_1841 = arith.constant 0 : i32
      scf.yield %scan3A_1841 : i32
    }
    %scan3A_20 = arith.constant 8 : i32
    %dma_wait3A_21 = tpu.memref_slice %arg2[%mul3A_11] : memref<4194304xf32, #tpu.memory_space<hbm>> -> memref<16384xf32, #tpu.memory_space<hbm>>
    %dma_wait3A_22 = tpu.memref_slice %arg2[%mul3A_11] : memref<4194304xf32, #tpu.memory_space<hbm>> -> memref<16384xf32, #tpu.memory_space<hbm>>
    tpu.wait_dma2 semaphore(%arg10 : memref<!tpu.dma_semaphore, #tpu.memory_space<semaphore_mem>>) src(%dma_wait3A_22 : memref<16384xf32, #tpu.memory_space<hbm>>) dst(%arg5 : memref<16384xf32, #tpu.memory_space<vmem>>)
    %scan3A_23 = arith.constant 0 : i32
    %scan3A_24 = arith.constant 0 : i32
    %scan3A_25 = arith.constant 8 : i32
    %scan3A_26 = arith.addi %scan3A_24, %scan3A_25 : i32
    %scan3A_27 = arith.constant 1 : i32
    %scan3A_28 = scf.for %scan3A_60 = %scan3A_24 to %scan3A_26 step %scan3A_27 iter_args(%scan3A_61 = %scan3A_23) -> (i32)  : i32 {
      %mul3A_62 = arith.constant 2048 : i32
      %mul3A_63 = arith.muli %scan3A_60, %mul3A_62 : i32
      %add3A_64 = arith.constant 8 : i32
      %add3A_65 = arith.addi %add3A_64, %scan3A_60 : i32
      %mul3A_66 = arith.constant 128 : i32
      %mul3A_67 = arith.muli %add3A_65, %mul3A_66 : i32
      %add3A_68 = arith.constant 0 : i32
      %add3A_69 = arith.addi %mul3A_63, %add3A_68 : i32
      %add3A_70 = arith.constant 0 : i32
      %add3A_71 = arith.addi %add3A_69, %add3A_70 : i32
      %get3A = arith.index_cast %add3A_71 : i32 to index
      %get3A_72 = tpu.vector_load %arg5[%get3A] {strides = array<i32>} : memref<16384xf32, #tpu.memory_space<vmem>>, vector<16xf32>,
      %get3A_73 = vector.shape_cast %get3A_72 : vector<16xf32> to vector<16xf32>
      %mul3A_74 = arith.constant 6.553700e+04 : f32
      %mul3A_75 = vector.broadcast %mul3A_74 : f32 to vector<16xf32>
      %mul3A_76 = arith.mulf %get3A_73, %mul3A_75 : vector<16xf32>
      %sub3A = arith.subf %mul3A_76, %get3A_73 : vector<16xf32>
      %sub3A_77 = arith.subf %mul3A_76, %sub3A : vector<16xf32>
      %add3A_78 = arith.constant 0 : i32
      %add3A_79 = arith.addi %mul3A_63, %add3A_78 : i32
      %add3A_80 = arith.constant 16 : i32
      %add3A_81 = arith.addi %add3A_79, %add3A_80 : i32
      %get3A_82 = arith.index_cast %add3A_81 : i32 to index
      %get3A_83 = tpu.vector_load %arg5[%get3A_82] {strides = array<i32>} : memref<16384xf32, #tpu.memory_space<vmem>>, vector<16xf32>,
      %get3A_84 = vector.shape_cast %get3A_83 : vector<16xf32> to vector<16xf32>
      %mul3A_85 = arith.constant 6.553700e+04 : f32
      %mul3A_86 = vector.broadcast %mul3A_85 : f32 to vector<16xf32>
      %mul3A_87 = arith.mulf %get3A_84, %mul3A_86 : vector<16xf32>
      %sub3A_88 = arith.subf %mul3A_87, %get3A_84 : vector<16xf32>
      %sub3A_89 = arith.subf %mul3A_87, %sub3A_88 : vector<16xf32>
      %add3A_90 = arith.constant 0 : i32
      %add3A_91 = arith.addi %mul3A_63, %add3A_90 : i32
      %add3A_92 = arith.constant 32 : i32
      %add3A_93 = arith.addi %add3A_91, %add3A_92 : i32
      %get3A_94 = arith.index_cast %add3A_93 : i32 to index
      %get3A_95 = tpu.vector_load %arg5[%get3A_94] {strides = array<i32>} : memref<16384xf32, #tpu.memory_space<vmem>>, vector<16xf32>,
      %get3A_96 = vector.shape_cast %get3A_95 : vector<16xf32> to vector<16xf32>
      %mul3A_97 = arith.constant 6.553700e+04 : f32
      %mul3A_98 = vector.broadcast %mul3A_97 : f32 to vector<16xf32>
      %mul3A_99 = arith.mulf %get3A_96, %mul3A_98 : vector<16xf32>
      %sub3A_100 = arith.subf %mul3A_99, %get3A_96 : vector<16xf32>
      %sub3A_101 = arith.subf %mul3A_99, %sub3A_100 : vector<16xf32>
      %add3A_102 = arith.constant 0 : i32
      %add3A_103 = arith.addi %mul3A_63, %add3A_102 : i32
      %add3A_104 = arith.constant 48 : i32
      %add3A_105 = arith.addi %add3A_103, %add3A_104 : i32
      %get3A_106 = arith.index_cast %add3A_105 : i32 to index
      %get3A_107 = tpu.vector_load %arg5[%get3A_106] {strides = array<i32>} : memref<16384xf32, #tpu.memory_space<vmem>>, vector<16xf32>,
      %get3A_108 = vector.shape_cast %get3A_107 : vector<16xf32> to vector<16xf32>
      %mul3A_109 = arith.constant 6.553700e+04 : f32
      %mul3A_110 = vector.broadcast %mul3A_109 : f32 to vector<16xf32>
      %mul3A_111 = arith.mulf %get3A_108, %mul3A_110 : vector<16xf32>
      %sub3A_112 = arith.subf %mul3A_111, %get3A_108 : vector<16xf32>
      %sub3A_113 = arith.subf %mul3A_111, %sub3A_112 : vector<16xf32>
      %add3A_114 = arith.constant 0 : i32
      %add3A_115 = arith.addi %mul3A_63, %add3A_114 : i32
      %add3A_116 = arith.constant 64 : i32
      %add3A_117 = arith.addi %add3A_115, %add3A_116 : i32
      %get3A_118 = arith.index_cast %add3A_117 : i32 to index
      %get3A_119 = tpu.vector_load %arg5[%get3A_118] {strides = array<i32>} : memref<16384xf32, #tpu.memory_space<vmem>>, vector<16xf32>,
      %get3A_120 = vector.shape_cast %get3A_119 : vector<16xf32> to vector<16xf32>
      %mul3A_121 = arith.constant 6.553700e+04 : f32
      %mul3A_122 = vector.broadcast %mul3A_121 : f32 to vector<16xf32>
      %mul3A_123 = arith.mulf %get3A_120, %mul3A_122 : vector<16xf32>
      %sub3A_124 = arith.subf %mul3A_123, %get3A_120 : vector<16xf32>
      %sub3A_125 = arith.subf %mul3A_123, %sub3A_124 : vector<16xf32>
      %add3A_126 = arith.constant 0 : i32
      %add3A_127 = arith.addi %mul3A_63, %add3A_126 : i32
      %add3A_128 = arith.constant 80 : i32
      %add3A_129 = arith.addi %add3A_127, %add3A_128 : i32
      %get3A_130 = arith.index_cast %add3A_129 : i32 to index
      %get3A_131 = tpu.vector_load %arg5[%get3A_130] {strides = array<i32>} : memref<16384xf32, #tpu.memory_space<vmem>>, vector<16xf32>,
      %get3A_132 = vector.shape_cast %get3A_131 : vector<16xf32> to vector<16xf32>
      %mul3A_133 = arith.constant 6.553700e+04 : f32
      %mul3A_134 = vector.broadcast %mul3A_133 : f32 to vector<16xf32>
      %mul3A_135 = arith.mulf %get3A_132, %mul3A_134 : vector<16xf32>
      %sub3A_136 = arith.subf %mul3A_135, %get3A_132 : vector<16xf32>
      %sub3A_137 = arith.subf %mul3A_135, %sub3A_136 : vector<16xf32>
      %add3A_138 = arith.constant 0 : i32
      %add3A_139 = arith.addi %mul3A_63, %add3A_138 : i32
      %add3A_140 = arith.constant 96 : i32
      %add3A_141 = arith.addi %add3A_139, %add3A_140 : i32
      %get3A_142 = arith.index_cast %add3A_141 : i32 to index
      %get3A_143 = tpu.vector_load %arg5[%get3A_142] {strides = array<i32>} : memref<16384xf32, #tpu.memory_space<vmem>>, vector<16xf32>,
      %get3A_144 = vector.shape_cast %get3A_143 : vector<16xf32> to vector<16xf32>
      %mul3A_145 = arith.constant 6.553700e+04 : f32
      %mul3A_146 = vector.broadcast %mul3A_145 : f32 to vector<16xf32>
      %mul3A_147 = arith.mulf %get3A_144, %mul3A_146 : vector<16xf32>
      %sub3A_148 = arith.subf %mul3A_147, %get3A_144 : vector<16xf32>
      %sub3A_149 = arith.subf %mul3A_147, %sub3A_148 : vector<16xf32>
      %add3A_150 = arith.constant 0 : i32
      %add3A_151 = arith.addi %mul3A_63, %add3A_150 : i32
      %add3A_152 = arith.constant 112 : i32
      %add3A_153 = arith.addi %add3A_151, %add3A_152 : i32
      %get3A_154 = arith.index_cast %add3A_153 : i32 to index
      %get3A_155 = tpu.vector_load %arg5[%get3A_154] {strides = array<i32>} : memref<16384xf32, #tpu.memory_space<vmem>>, vector<16xf32>,
      %get3A_156 = vector.shape_cast %get3A_155 : vector<16xf32> to vector<16xf32>
      %mul3A_157 = arith.constant 6.553700e+04 : f32
      %mul3A_158 = vector.broadcast %mul3A_157 : f32 to vector<16xf32>
      %mul3A_159 = arith.mulf %get3A_156, %mul3A_158 : vector<16xf32>
      %sub3A_160 = arith.subf %mul3A_159, %get3A_156 : vector<16xf32>
      %sub3A_161 = arith.subf %mul3A_159, %sub3A_160 : vector<16xf32>
      %add3A_162 = arith.constant 128 : i32
      %add3A_163 = arith.addi %mul3A_63, %add3A_162 : i32
      %add3A_164 = arith.constant 0 : i32
      %add3A_165 = arith.addi %add3A_163, %add3A_164 : i32
      %get3A_166 = arith.index_cast %add3A_165 : i32 to index
      %get3A_167 = tpu.vector_load %arg5[%get3A_166] {strides = array<i32>} : memref<16384xf32, #tpu.memory_space<vmem>>, vector<16xf32>,
      %get3A_168 = vector.shape_cast %get3A_167 : vector<16xf32> to vector<16xf32>
      %mul3A_169 = arith.constant 6.553700e+04 : f32
      %mul3A_170 = vector.broadcast %mul3A_169 : f32 to vector<16xf32>
      %mul3A_171 = arith.mulf %get3A_168, %mul3A_170 : vector<16xf32>
      %sub3A_172 = arith.subf %mul3A_171, %get3A_168 : vector<16xf32>
      %sub3A_173 = arith.subf %mul3A_171, %sub3A_172 : vector<16xf32>
      %add3A_174 = arith.constant 128 : i32
      %add3A_175 = arith.addi %mul3A_63, %add3A_174 : i32
      %add3A_176 = arith.constant 16 : i32
      %add3A_177 = arith.addi %add3A_175, %add3A_176 : i32
      %get3A_178 = arith.index_cast %add3A_177 : i32 to index
      %get3A_179 = tpu.vector_load %arg5[%get3A_178] {strides = array<i32>} : memref<16384xf32, #tpu.memory_space<vmem>>, vector<16xf32>,
      %get3A_180 = vector.shape_cast %get3A_179 : vector<16xf32> to vector<16xf32>
      %mul3A_181 = arith.constant 6.553700e+04 : f32
      %mul3A_182 = vector.broadcast %mul3A_181 : f32 to vector<16xf32>
      %mul3A_183 = arith.mulf %get3A_180, %mul3A_182 : vector<16xf32>
      %sub3A_184 = arith.subf %mul3A_183, %get3A_180 : vector<16xf32>
      %sub3A_185 = arith.subf %mul3A_183, %sub3A_184 : vector<16xf32>
      %add3A_186 = arith.constant 128 : i32
      %add3A_187 = arith.addi %mul3A_63, %add3A_186 : i32
      %add3A_188 = arith.constant 32 : i32
      %add3A_189 = arith.addi %add3A_187, %add3A_188 : i32
      %get3A_190 = arith.index_cast %add3A_189 : i32 to index
      %get3A_191 = tpu.vector_load %arg5[%get3A_190] {strides = array<i32>} : memref<16384xf32, #tpu.memory_space<vmem>>, vector<16xf32>,
      %get3A_192 = vector.shape_cast %get3A_191 : vector<16xf32> to vector<16xf32>
      %mul3A_193 = arith.constant 6.553700e+04 : f32
      %mul3A_194 = vector.broadcast %mul3A_193 : f32 to vector<16xf32>
      %mul3A_195 = arith.mulf %get3A_192, %mul3A_194 : vector<16xf32>
      %sub3A_196 = arith.subf %mul3A_195, %get3A_192 : vector<16xf32>
      %sub3A_197 = arith.subf %mul3A_195, %sub3A_196 : vector<16xf32>
      %add3A_198 = arith.constant 128 : i32
      %add3A_199 = arith.addi %mul3A_63, %add3A_198 : i32
      %add3A_200 = arith.constant 48 : i32
      %add3A_201 = arith.addi %add3A_199, %add3A_200 : i32
      %get3A_202 = arith.index_cast %add3A_201 : i32 to index
      %get3A_203 = tpu.vector_load %arg5[%get3A_202] {strides = array<i32>} : memref<16384xf32, #tpu.memory_space<vmem>>, vector<16xf32>,
      %get3A_204 = vector.shape_cast %get3A_203 : vector<16xf32> to vector<16xf32>
      %mul3A_205 = arith.constant 6.553700e+04 : f32
      %mul3A_206 = vector.broadcast %mul3A_205 : f32 to vector<16xf32>
      %mul3A_207 = arith.mulf %get3A_204, %mul3A_206 : vector<16xf32>
      %sub3A_208 = arith.subf %mul3A_207, %get3A_204 : vector<16xf32>
      %sub3A_209 = arith.subf %mul3A_207, %sub3A_208 : vector<16xf32>
      %add3A_210 = arith.constant 128 : i32
      %add3A_211 = arith.addi %mul3A_63, %add3A_210 : i32
      %add3A_212 = arith.constant 64 : i32
      %add3A_213 = arith.addi %add3A_211, %add3A_212 : i32
      %get3A_214 = arith.index_cast %add3A_213 : i32 to index
      %get3A_215 = tpu.vector_load %arg5[%get3A_214] {strides = array<i32>} : memref<16384xf32, #tpu.memory_space<vmem>>, vector<16xf32>,
      %get3A_216 = vector.shape_cast %get3A_215 : vector<16xf32> to vector<16xf32>
      %mul3A_217 = arith.constant 6.553700e+04 : f32
      %mul3A_218 = vector.broadcast %mul3A_217 : f32 to vector<16xf32>
      %mul3A_219 = arith.mulf %get3A_216, %mul3A_218 : vector<16xf32>
      %sub3A_220 = arith.subf %mul3A_219, %get3A_216 : vector<16xf32>
      %sub3A_221 = arith.subf %mul3A_219, %sub3A_220 : vector<16xf32>
      %add3A_222 = arith.constant 128 : i32
      %add3A_223 = arith.addi %mul3A_63, %add3A_222 : i32
      %add3A_224 = arith.constant 80 : i32
      %add3A_225 = arith.addi %add3A_223, %add3A_224 : i32
      %get3A_226 = arith.index_cast %add3A_225 : i32 to index
      %get3A_227 = tpu.vector_load %arg5[%get3A_226] {strides = array<i32>} : memref<16384xf32, #tpu.memory_space<vmem>>, vector<16xf32>,
      %get3A_228 = vector.shape_cast %get3A_227 : vector<16xf32> to vector<16xf32>
      %mul3A_229 = arith.constant 6.553700e+04 : f32
      %mul3A_230 = vector.broadcast %mul3A_229 : f32 to vector<16xf32>
      %mul3A_231 = arith.mulf %get3A_228, %mul3A_230 : vector<16xf32>
      %sub3A_232 = arith.subf %mul3A_231, %get3A_228 : vector<16xf32>
      %sub3A_233 = arith.subf %mul3A_231, %sub3A_232 : vector<16xf32>
      %add3A_234 = arith.constant 128 : i32
      %add3A_235 = arith.addi %mul3A_63, %add3A_234 : i32
      %add3A_236 = arith.constant 96 : i32
      %add3A_237 = arith.addi %add3A_235, %add3A_236 : i32
      %get3A_238 = arith.index_cast %add3A_237 : i32 to index
      %get3A_239 = tpu.vector_load %arg5[%get3A_238] {strides = array<i32>} : memref<16384xf32, #tpu.memory_space<vmem>>, vector<16xf32>,
      %get3A_240 = vector.shape_cast %get3A_239 : vector<16xf32> to vector<16xf32>
      %mul3A_241 = arith.constant 6.553700e+04 : f32
      %mul3A_242 = vector.broadcast %mul3A_241 : f32 to vector<16xf32>
      %mul3A_243 = arith.mulf %get3A_240, %mul3A_242 : vector<16xf32>
      %sub3A_244 = arith.subf %mul3A_243, %get3A_240 : vector<16xf32>
      %sub3A_245 = arith.subf %mul3A_243, %sub3A_244 : vector<16xf32>
      %add3A_246 = arith.constant 128 : i32
      %add3A_247 = arith.addi %mul3A_63, %add3A_246 : i32
      %add3A_248 = arith.constant 112 : i32
      %add3A_249 = arith.addi %add3A_247, %add3A_248 : i32
      %get3A_250 = arith.index_cast %add3A_249 : i32 to index
      %get3A_251 = tpu.vector_load %arg5[%get3A_250] {strides = array<i32>} : memref<16384xf32, #tpu.memory_space<vmem>>, vector<16xf32>,
      %get3A_252 = vector.shape_cast %get3A_251 : vector<16xf32> to vector<16xf32>
      %mul3A_253 = arith.constant 6.553700e+04 : f32
      %mul3A_254 = vector.broadcast %mul3A_253 : f32 to vector<16xf32>
      %mul3A_255 = arith.mulf %get3A_252, %mul3A_254 : vector<16xf32>
      %sub3A_256 = arith.subf %mul3A_255, %get3A_252 : vector<16xf32>
      %sub3A_257 = arith.subf %mul3A_255, %sub3A_256 : vector<16xf32>
      %add3A_258 = arith.addf %sub3A_77, %sub3A_89 : vector<16xf32>
      %add3A_259 = arith.addf %sub3A_101, %sub3A_113 : vector<16xf32>
      %add3A_260 = arith.addf %add3A_258, %add3A_259 : vector<16xf32>
      %add3A_261 = arith.addf %sub3A_125, %sub3A_137 : vector<16xf32>
      %add3A_262 = arith.addf %sub3A_149, %sub3A_161 : vector<16xf32>
      %add3A_263 = arith.addf %add3A_261, %add3A_262 : vector<16xf32>
      %add3A_264 = arith.addf %add3A_260, %add3A_263 : vector<16xf32>
      %add3A_265 = arith.addf %sub3A_173, %sub3A_185 : vector<16xf32>
      %add3A_266 = arith.addf %sub3A_197, %sub3A_209 : vector<16xf32>
      %add3A_267 = arith.addf %add3A_265, %add3A_266 : vector<16xf32>
      %add3A_268 = arith.addf %sub3A_221, %sub3A_233 : vector<16xf32>
      %add3A_269 = arith.addf %sub3A_245, %sub3A_257 : vector<16xf32>
      %add3A_270 = arith.addf %add3A_268, %add3A_269 : vector<16xf32>
      %add3A_271 = arith.addf %add3A_267, %add3A_270 : vector<16xf32>
      %add3A_272 = arith.constant 0 : i32
      %add3A_273 = arith.addi %add3A_272, %mul3A_67 : i32
      %add3A_274 = arith.constant 0 : i32
      %add3A_275 = arith.addi %add3A_273, %add3A_274 : i32
      %swap3A = arith.index_cast %add3A_275 : i32 to index
      %swap3A_276 = tpu.vector_load %arg8[%swap3A] {strides = array<i32>} : memref<4096xf32, #tpu.memory_space<vmem>>, vector<16xf32>,
      %swap3A_277 = vector.shape_cast %swap3A_276 : vector<16xf32> to vector<16xf32>
      %swap3A_278 = vector.shape_cast %add3A_264 : vector<16xf32> to vector<16xf32>
      tpu.vector_store %arg8[%swap3A], %swap3A_278 {strides = array<i32>} : memref<4096xf32, #tpu.memory_space<vmem>>, vector<16xf32>,
      %add3A_279 = arith.constant 0 : i32
      %add3A_280 = arith.addi %add3A_279, %mul3A_67 : i32
      %add3A_281 = arith.constant 16 : i32
      %add3A_282 = arith.addi %add3A_280, %add3A_281 : i32
      %swap3A_283 = arith.index_cast %add3A_282 : i32 to index
      %swap3A_284 = tpu.vector_load %arg8[%swap3A_283] {strides = array<i32>} : memref<4096xf32, #tpu.memory_space<vmem>>, vector<16xf32>,
      %swap3A_285 = vector.shape_cast %swap3A_284 : vector<16xf32> to vector<16xf32>
      %swap3A_286 = vector.shape_cast %add3A_271 : vector<16xf32> to vector<16xf32>
      tpu.vector_store %arg8[%swap3A_283], %swap3A_286 {strides = array<i32>} : memref<4096xf32, #tpu.memory_space<vmem>>, vector<16xf32>,
      %add3A_287 = arith.constant 256 : i32
      %add3A_288 = arith.addi %mul3A_63, %add3A_287 : i32
      %add3A_289 = arith.constant 0 : i32
      %add3A_290 = arith.addi %add3A_288, %add3A_289 : i32
      %get3A_291 = arith.index_cast %add3A_290 : i32 to index
      %get3A_292 = tpu.vector_load %arg5[%get3A_291] {strides = array<i32>} : memref<16384xf32, #tpu.memory_space<vmem>>, vector<16xf32>,
      %get3A_293 = vector.shape_cast %get3A_292 : vector<16xf32> to vector<16xf32>
      %mul3A_294 = arith.constant 6.553700e+04 : f32
      %mul3A_295 = vector.broadcast %mul3A_294 : f32 to vector<16xf32>
      %mul3A_296 = arith.mulf %get3A_293, %mul3A_295 : vector<16xf32>
      %sub3A_297 = arith.subf %mul3A_296, %get3A_293 : vector<16xf32>
      %sub3A_298 = arith.subf %mul3A_296, %sub3A_297 : vector<16xf32>
      %add3A_299 = arith.constant 256 : i32
      %add3A_300 = arith.addi %mul3A_63, %add3A_299 : i32
      %add3A_301 = arith.constant 16 : i32
      %add3A_302 = arith.addi %add3A_300, %add3A_301 : i32
      %get3A_303 = arith.index_cast %add3A_302 : i32 to index
      %get3A_304 = tpu.vector_load %arg5[%get3A_303] {strides = array<i32>} : memref<16384xf32, #tpu.memory_space<vmem>>, vector<16xf32>,
      %get3A_305 = vector.shape_cast %get3A_304 : vector<16xf32> to vector<16xf32>
      %mul3A_306 = arith.constant 6.553700e+04 : f32
      %mul3A_307 = vector.broadcast %mul3A_306 : f32 to vector<16xf32>
      %mul3A_308 = arith.mulf %get3A_305, %mul3A_307 : vector<16xf32>
      %sub3A_309 = arith.subf %mul3A_308, %get3A_305 : vector<16xf32>
      %sub3A_310 = arith.subf %mul3A_308, %sub3A_309 : vector<16xf32>
      %add3A_311 = arith.constant 256 : i32
      %add3A_312 = arith.addi %mul3A_63, %add3A_311 : i32
      %add3A_313 = arith.constant 32 : i32
      %add3A_314 = arith.addi %add3A_312, %add3A_313 : i32
      %get3A_315 = arith.index_cast %add3A_314 : i32 to index
      %get3A_316 = tpu.vector_load %arg5[%get3A_315] {strides = array<i32>} : memref<16384xf32, #tpu.memory_space<vmem>>, vector<16xf32>,
      %get3A_317 = vector.shape_cast %get3A_316 : vector<16xf32> to vector<16xf32>
      %mul3A_318 = arith.constant 6.553700e+04 : f32
      %mul3A_319 = vector.broadcast %mul3A_318 : f32 to vector<16xf32>
      %mul3A_320 = arith.mulf %get3A_317, %mul3A_319 : vector<16xf32>
      %sub3A_321 = arith.subf %mul3A_320, %get3A_317 : vector<16xf32>
      %sub3A_322 = arith.subf %mul3A_320, %sub3A_321 : vector<16xf32>
      %add3A_323 = arith.constant 256 : i32
      %add3A_324 = arith.addi %mul3A_63, %add3A_323 : i32
      %add3A_325 = arith.constant 48 : i32
      %add3A_326 = arith.addi %add3A_324, %add3A_325 : i32
      %get3A_327 = arith.index_cast %add3A_326 : i32 to index
      %get3A_328 = tpu.vector_load %arg5[%get3A_327] {strides = array<i32>} : memref<16384xf32, #tpu.memory_space<vmem>>, vector<16xf32>,
      %get3A_329 = vector.shape_cast %get3A_328 : vector<16xf32> to vector<16xf32>
      %mul3A_330 = arith.constant 6.553700e+04 : f32
      %mul3A_331 = vector.broadcast %mul3A_330 : f32 to vector<16xf32>
      %mul3A_332 = arith.mulf %get3A_329, %mul3A_331 : vector<16xf32>
      %sub3A_333 = arith.subf %mul3A_332, %get3A_329 : vector<16xf32>
      %sub3A_334 = arith.subf %mul3A_332, %sub3A_333 : vector<16xf32>
      %add3A_335 = arith.constant 256 : i32
      %add3A_336 = arith.addi %mul3A_63, %add3A_335 : i32
      %add3A_337 = arith.constant 64 : i32
      %add3A_338 = arith.addi %add3A_336, %add3A_337 : i32
      %get3A_339 = arith.index_cast %add3A_338 : i32 to index
      %get3A_340 = tpu.vector_load %arg5[%get3A_339] {strides = array<i32>} : memref<16384xf32, #tpu.memory_space<vmem>>, vector<16xf32>,
      %get3A_341 = vector.shape_cast %get3A_340 : vector<16xf32> to vector<16xf32>
      %mul3A_342 = arith.constant 6.553700e+04 : f32
      %mul3A_343 = vector.broadcast %mul3A_342 : f32 to vector<16xf32>
      %mul3A_344 = arith.mulf %get3A_341, %mul3A_343 : vector<16xf32>
      %sub3A_345 = arith.subf %mul3A_344, %get3A_341 : vector<16xf32>
      %sub3A_346 = arith.subf %mul3A_344, %sub3A_345 : vector<16xf32>
      %add3A_347 = arith.constant 256 : i32
      %add3A_348 = arith.addi %mul3A_63, %add3A_347 : i32
      %add3A_349 = arith.constant 80 : i32
      %add3A_350 = arith.addi %add3A_348, %add3A_349 : i32
      %get3A_351 = arith.index_cast %add3A_350 : i32 to index
      %get3A_352 = tpu.vector_load %arg5[%get3A_351] {strides = array<i32>} : memref<16384xf32, #tpu.memory_space<vmem>>, vector<16xf32>,
      %get3A_353 = vector.shape_cast %get3A_352 : vector<16xf32> to vector<16xf32>
      %mul3A_354 = arith.constant 6.553700e+04 : f32
      %mul3A_355 = vector.broadcast %mul3A_354 : f32 to vector<16xf32>
      %mul3A_356 = arith.mulf %get3A_353, %mul3A_355 : vector<16xf32>
      %sub3A_357 = arith.subf %mul3A_356, %get3A_353 : vector<16xf32>
      %sub3A_358 = arith.subf %mul3A_356, %sub3A_357 : vector<16xf32>
      %add3A_359 = arith.constant 256 : i32
      %add3A_360 = arith.addi %mul3A_63, %add3A_359 : i32
      %add3A_361 = arith.constant 96 : i32
      %add3A_362 = arith.addi %add3A_360, %add3A_361 : i32
      %get3A_363 = arith.index_cast %add3A_362 : i32 to index
      %get3A_364 = tpu.vector_load %arg5[%get3A_363] {strides = array<i32>} : memref<16384xf32, #tpu.memory_space<vmem>>, vector<16xf32>,
      %get3A_365 = vector.shape_cast %get3A_364 : vector<16xf32> to vector<16xf32>
      %mul3A_366 = arith.constant 6.553700e+04 : f32
      %mul3A_367 = vector.broadcast %mul3A_366 : f32 to vector<16xf32>
      %mul3A_368 = arith.mulf %get3A_365, %mul3A_367 : vector<16xf32>
      %sub3A_369 = arith.subf %mul3A_368, %get3A_365 : vector<16xf32>
      %sub3A_370 = arith.subf %mul3A_368, %sub3A_369 : vector<16xf32>
      %add3A_371 = arith.constant 256 : i32
      %add3A_372 = arith.addi %mul3A_63, %add3A_371 : i32
      %add3A_373 = arith.constant 112 : i32
      %add3A_374 = arith.addi %add3A_372, %add3A_373 : i32
      %get3A_375 = arith.index_cast %add3A_374 : i32 to index
      %get3A_376 = tpu.vector_load %arg5[%get3A_375] {strides = array<i32>} : memref<16384xf32, #tpu.memory_space<vmem>>, vector<16xf32>,
      %get3A_377 = vector.shape_cast %get3A_376 : vector<16xf32> to vector<16xf32>
      %mul3A_378 = arith.constant 6.553700e+04 : f32
      %mul3A_379 = vector.broadcast %mul3A_378 : f32 to vector<16xf32>
      %mul3A_380 = arith.mulf %get3A_377, %mul3A_379 : vector<16xf32>
      %sub3A_381 = arith.subf %mul3A_380, %get3A_377 : vector<16xf32>
      %sub3A_382 = arith.subf %mul3A_380, %sub3A_381 : vector<16xf32>
      %add3A_383 = arith.constant 384 : i32
      %add3A_384 = arith.addi %mul3A_63, %add3A_383 : i32
      %add3A_385 = arith.constant 0 : i32
      %add3A_386 = arith.addi %add3A_384, %add3A_385 : i32
      %get3A_387 = arith.index_cast %add3A_386 : i32 to index
      %get3A_388 = tpu.vector_load %arg5[%get3A_387] {strides = array<i32>} : memref<16384xf32, #tpu.memory_space<vmem>>, vector<16xf32>,
      %get3A_389 = vector.shape_cast %get3A_388 : vector<16xf32> to vector<16xf32>
      %mul3A_390 = arith.constant 6.553700e+04 : f32
      %mul3A_391 = vector.broadcast %mul3A_390 : f32 to vector<16xf32>
      %mul3A_392 = arith.mulf %get3A_389, %mul3A_391 : vector<16xf32>
      %sub3A_393 = arith.subf %mul3A_392, %get3A_389 : vector<16xf32>
      %sub3A_394 = arith.subf %mul3A_392, %sub3A_393 : vector<16xf32>
      %add3A_395 = arith.constant 384 : i32
      %add3A_396 = arith.addi %mul3A_63, %add3A_395 : i32
      %add3A_397 = arith.constant 16 : i32
      %add3A_398 = arith.addi %add3A_396, %add3A_397 : i32
      %get3A_399 = arith.index_cast %add3A_398 : i32 to index
      %get3A_400 = tpu.vector_load %arg5[%get3A_399] {strides = array<i32>} : memref<16384xf32, #tpu.memory_space<vmem>>, vector<16xf32>,
      %get3A_401 = vector.shape_cast %get3A_400 : vector<16xf32> to vector<16xf32>
      %mul3A_402 = arith.constant 6.553700e+04 : f32
      %mul3A_403 = vector.broadcast %mul3A_402 : f32 to vector<16xf32>
      %mul3A_404 = arith.mulf %get3A_401, %mul3A_403 : vector<16xf32>
      %sub3A_405 = arith.subf %mul3A_404, %get3A_401 : vector<16xf32>
      %sub3A_406 = arith.subf %mul3A_404, %sub3A_405 : vector<16xf32>
      %add3A_407 = arith.constant 384 : i32
      %add3A_408 = arith.addi %mul3A_63, %add3A_407 : i32
      %add3A_409 = arith.constant 32 : i32
      %add3A_410 = arith.addi %add3A_408, %add3A_409 : i32
      %get3A_411 = arith.index_cast %add3A_410 : i32 to index
      %get3A_412 = tpu.vector_load %arg5[%get3A_411] {strides = array<i32>} : memref<16384xf32, #tpu.memory_space<vmem>>, vector<16xf32>,
      %get3A_413 = vector.shape_cast %get3A_412 : vector<16xf32> to vector<16xf32>
      %mul3A_414 = arith.constant 6.553700e+04 : f32
      %mul3A_415 = vector.broadcast %mul3A_414 : f32 to vector<16xf32>
      %mul3A_416 = arith.mulf %get3A_413, %mul3A_415 : vector<16xf32>
      %sub3A_417 = arith.subf %mul3A_416, %get3A_413 : vector<16xf32>
      %sub3A_418 = arith.subf %mul3A_416, %sub3A_417 : vector<16xf32>
      %add3A_419 = arith.constant 384 : i32
      %add3A_420 = arith.addi %mul3A_63, %add3A_419 : i32
      %add3A_421 = arith.constant 48 : i32
      %add3A_422 = arith.addi %add3A_420, %add3A_421 : i32
      %get3A_423 = arith.index_cast %add3A_422 : i32 to index
      %get3A_424 = tpu.vector_load %arg5[%get3A_423] {strides = array<i32>} : memref<16384xf32, #tpu.memory_space<vmem>>, vector<16xf32>,
      %get3A_425 = vector.shape_cast %get3A_424 : vector<16xf32> to vector<16xf32>
      %mul3A_426 = arith.constant 6.553700e+04 : f32
      %mul3A_427 = vector.broadcast %mul3A_426 : f32 to vector<16xf32>
      %mul3A_428 = arith.mulf %get3A_425, %mul3A_427 : vector<16xf32>
      %sub3A_429 = arith.subf %mul3A_428, %get3A_425 : vector<16xf32>
      %sub3A_430 = arith.subf %mul3A_428, %sub3A_429 : vector<16xf32>
      %add3A_431 = arith.constant 384 : i32
      %add3A_432 = arith.addi %mul3A_63, %add3A_431 : i32
      %add3A_433 = arith.constant 64 : i32
      %add3A_434 = arith.addi %add3A_432, %add3A_433 : i32
      %get3A_435 = arith.index_cast %add3A_434 : i32 to index
      %get3A_436 = tpu.vector_load %arg5[%get3A_435] {strides = array<i32>} : memref<16384xf32, #tpu.memory_space<vmem>>, vector<16xf32>,
      %get3A_437 = vector.shape_cast %get3A_436 : vector<16xf32> to vector<16xf32>
      %mul3A_438 = arith.constant 6.553700e+04 : f32
      %mul3A_439 = vector.broadcast %mul3A_438 : f32 to vector<16xf32>
      %mul3A_440 = arith.mulf %get3A_437, %mul3A_439 : vector<16xf32>
      %sub3A_441 = arith.subf %mul3A_440, %get3A_437 : vector<16xf32>
      %sub3A_442 = arith.subf %mul3A_440, %sub3A_441 : vector<16xf32>
      %add3A_443 = arith.constant 384 : i32
      %add3A_444 = arith.addi %mul3A_63, %add3A_443 : i32
      %add3A_445 = arith.constant 80 : i32
      %add3A_446 = arith.addi %add3A_444, %add3A_445 : i32
      %get3A_447 = arith.index_cast %add3A_446 : i32 to index
      %get3A_448 = tpu.vector_load %arg5[%get3A_447] {strides = array<i32>} : memref<16384xf32, #tpu.memory_space<vmem>>, vector<16xf32>,
      %get3A_449 = vector.shape_cast %get3A_448 : vector<16xf32> to vector<16xf32>
      %mul3A_450 = arith.constant 6.553700e+04 : f32
      %mul3A_451 = vector.broadcast %mul3A_450 : f32 to vector<16xf32>
      %mul3A_452 = arith.mulf %get3A_449, %mul3A_451 : vector<16xf32>
      %sub3A_453 = arith.subf %mul3A_452, %get3A_449 : vector<16xf32>
      %sub3A_454 = arith.subf %mul3A_452, %sub3A_453 : vector<16xf32>
      %add3A_455 = arith.constant 384 : i32
      %add3A_456 = arith.addi %mul3A_63, %add3A_455 : i32
      %add3A_457 = arith.constant 96 : i32
      %add3A_458 = arith.addi %add3A_456, %add3A_457 : i32
      %get3A_459 = arith.index_cast %add3A_458 : i32 to index
      %get3A_460 = tpu.vector_load %arg5[%get3A_459] {strides = array<i32>} : memref<16384xf32, #tpu.memory_space<vmem>>, vector<16xf32>,
      %get3A_461 = vector.shape_cast %get3A_460 : vector<16xf32> to vector<16xf32>
      %mul3A_462 = arith.constant 6.553700e+04 : f32
      %mul3A_463 = vector.broadcast %mul3A_462 : f32 to vector<16xf32>
      %mul3A_464 = arith.mulf %get3A_461, %mul3A_463 : vector<16xf32>
      %sub3A_465 = arith.subf %mul3A_464, %get3A_461 : vector<16xf32>
      %sub3A_466 = arith.subf %mul3A_464, %sub3A_465 : vector<16xf32>
      %add3A_467 = arith.constant 384 : i32
      %add3A_468 = arith.addi %mul3A_63, %add3A_467 : i32
      %add3A_469 = arith.constant 112 : i32
      %add3A_470 = arith.addi %add3A_468, %add3A_469 : i32
      %get3A_471 = arith.index_cast %add3A_470 : i32 to index
      %get3A_472 = tpu.vector_load %arg5[%get3A_471] {strides = array<i32>} : memref<16384xf32, #tpu.memory_space<vmem>>, vector<16xf32>,
      %get3A_473 = vector.shape_cast %get3A_472 : vector<16xf32> to vector<16xf32>
      %mul3A_474 = arith.constant 6.553700e+04 : f32
      %mul3A_475 = vector.broadcast %mul3A_474 : f32 to vector<16xf32>
      %mul3A_476 = arith.mulf %get3A_473, %mul3A_475 : vector<16xf32>
      %sub3A_477 = arith.subf %mul3A_476, %get3A_473 : vector<16xf32>
      %sub3A_478 = arith.subf %mul3A_476, %sub3A_477 : vector<16xf32>
      %add3A_479 = arith.addf %sub3A_298, %sub3A_310 : vector<16xf32>
      %add3A_480 = arith.addf %sub3A_322, %sub3A_334 : vector<16xf32>
      %add3A_481 = arith.addf %add3A_479, %add3A_480 : vector<16xf32>
      %add3A_482 = arith.addf %sub3A_346, %sub3A_358 : vector<16xf32>
      %add3A_483 = arith.addf %sub3A_370, %sub3A_382 : vector<16xf32>
      %add3A_484 = arith.addf %add3A_482, %add3A_483 : vector<16xf32>
      %add3A_485 = arith.addf %add3A_481, %add3A_484 : vector<16xf32>
      %add3A_486 = arith.addf %sub3A_394, %sub3A_406 : vector<16xf32>
      %add3A_487 = arith.addf %sub3A_418, %sub3A_430 : vector<16xf32>
      %add3A_488 = arith.addf %add3A_486, %add3A_487 : vector<16xf32>
      %add3A_489 = arith.addf %sub3A_442, %sub3A_454 : vector<16xf32>
      %add3A_490 = arith.addf %sub3A_466, %sub3A_478 : vector<16xf32>
      %add3A_491 = arith.addf %add3A_489, %add3A_490 : vector<16xf32>
      %add3A_492 = arith.addf %add3A_488, %add3A_491 : vector<16xf32>
      %add3A_493 = arith.constant 0 : i32
      %add3A_494 = arith.addi %add3A_493, %mul3A_67 : i32
      %add3A_495 = arith.constant 32 : i32
      %add3A_496 = arith.addi %add3A_494, %add3A_495 : i32
      %swap3A_497 = arith.index_cast %add3A_496 : i32 to index
      %swap3A_498 = tpu.vector_load %arg8[%swap3A_497] {strides = array<i32>} : memref<4096xf32, #tpu.memory_space<vmem>>, vector<16xf32>,
      %swap3A_499 = vector.shape_cast %swap3A_498 : vector<16xf32> to vector<16xf32>
      %swap3A_500 = vector.shape_cast %add3A_485 : vector<16xf32> to vector<16xf32>
      tpu.vector_store %arg8[%swap3A_497], %swap3A_500 {strides = array<i32>} : memref<4096xf32, #tpu.memory_space<vmem>>, vector<16xf32>,
      %add3A_501 = arith.constant 0 : i32
      %add3A_502 = arith.addi %add3A_501, %mul3A_67 : i32
      %add3A_503 = arith.constant 48 : i32
      %add3A_504 = arith.addi %add3A_502, %add3A_503 : i32
      %swap3A_505 = arith.index_cast %add3A_504 : i32 to index
      %swap3A_506 = tpu.vector_load %arg8[%swap3A_505] {strides = array<i32>} : memref<4096xf32, #tpu.memory_space<vmem>>, vector<16xf32>,
      %swap3A_507 = vector.shape_cast %swap3A_506 : vector<16xf32> to vector<16xf32>
      %swap3A_508 = vector.shape_cast %add3A_492 : vector<16xf32> to vector<16xf32>
      tpu.vector_store %arg8[%swap3A_505], %swap3A_508 {strides = array<i32>} : memref<4096xf32, #tpu.memory_space<vmem>>, vector<16xf32>,
      %add3A_509 = arith.constant 512 : i32
      %add3A_510 = arith.addi %mul3A_63, %add3A_509 : i32
      %add3A_511 = arith.constant 0 : i32
      %add3A_512 = arith.addi %add3A_510, %add3A_511 : i32
      %get3A_513 = arith.index_cast %add3A_512 : i32 to index
      %get3A_514 = tpu.vector_load %arg5[%get3A_513] {strides = array<i32>} : memref<16384xf32, #tpu.memory_space<vmem>>, vector<16xf32>,
      %get3A_515 = vector.shape_cast %get3A_514 : vector<16xf32> to vector<16xf32>
      %mul3A_516 = arith.constant 6.553700e+04 : f32
      %mul3A_517 = vector.broadcast %mul3A_516 : f32 to vector<16xf32>
      %mul3A_518 = arith.mulf %get3A_515, %mul3A_517 : vector<16xf32>
      %sub3A_519 = arith.subf %mul3A_518, %get3A_515 : vector<16xf32>
      %sub3A_520 = arith.subf %mul3A_518, %sub3A_519 : vector<16xf32>
      %add3A_521 = arith.constant 512 : i32
      %add3A_522 = arith.addi %mul3A_63, %add3A_521 : i32
      %add3A_523 = arith.constant 16 : i32
      %add3A_524 = arith.addi %add3A_522, %add3A_523 : i32
      %get3A_525 = arith.index_cast %add3A_524 : i32 to index
      %get3A_526 = tpu.vector_load %arg5[%get3A_525] {strides = array<i32>} : memref<16384xf32, #tpu.memory_space<vmem>>, vector<16xf32>,
      %get3A_527 = vector.shape_cast %get3A_526 : vector<16xf32> to vector<16xf32>
      %mul3A_528 = arith.constant 6.553700e+04 : f32
      %mul3A_529 = vector.broadcast %mul3A_528 : f32 to vector<16xf32>
      %mul3A_530 = arith.mulf %get3A_527, %mul3A_529 : vector<16xf32>
      %sub3A_531 = arith.subf %mul3A_530, %get3A_527 : vector<16xf32>
      %sub3A_532 = arith.subf %mul3A_530, %sub3A_531 : vector<16xf32>
      %add3A_533 = arith.constant 512 : i32
      %add3A_534 = arith.addi %mul3A_63, %add3A_533 : i32
      %add3A_535 = arith.constant 32 : i32
      %add3A_536 = arith.addi %add3A_534, %add3A_535 : i32
      %get3A_537 = arith.index_cast %add3A_536 : i32 to index
      %get3A_538 = tpu.vector_load %arg5[%get3A_537] {strides = array<i32>} : memref<16384xf32, #tpu.memory_space<vmem>>, vector<16xf32>,
      %get3A_539 = vector.shape_cast %get3A_538 : vector<16xf32> to vector<16xf32>
      %mul3A_540 = arith.constant 6.553700e+04 : f32
      %mul3A_541 = vector.broadcast %mul3A_540 : f32 to vector<16xf32>
      %mul3A_542 = arith.mulf %get3A_539, %mul3A_541 : vector<16xf32>
      %sub3A_543 = arith.subf %mul3A_542, %get3A_539 : vector<16xf32>
      %sub3A_544 = arith.subf %mul3A_542, %sub3A_543 : vector<16xf32>
      %add3A_545 = arith.constant 512 : i32
      %add3A_546 = arith.addi %mul3A_63, %add3A_545 : i32
      %add3A_547 = arith.constant 48 : i32
      %add3A_548 = arith.addi %add3A_546, %add3A_547 : i32
      %get3A_549 = arith.index_cast %add3A_548 : i32 to index
      %get3A_550 = tpu.vector_load %arg5[%get3A_549] {strides = array<i32>} : memref<16384xf32, #tpu.memory_space<vmem>>, vector<16xf32>,
      %get3A_551 = vector.shape_cast %get3A_550 : vector<16xf32> to vector<16xf32>
      %mul3A_552 = arith.constant 6.553700e+04 : f32
      %mul3A_553 = vector.broadcast %mul3A_552 : f32 to vector<16xf32>
      %mul3A_554 = arith.mulf %get3A_551, %mul3A_553 : vector<16xf32>
      %sub3A_555 = arith.subf %mul3A_554, %get3A_551 : vector<16xf32>
      %sub3A_556 = arith.subf %mul3A_554, %sub3A_555 : vector<16xf32>
      %add3A_557 = arith.constant 512 : i32
      %add3A_558 = arith.addi %mul3A_63, %add3A_557 : i32
      %add3A_559 = arith.constant 64 : i32
      %add3A_560 = arith.addi %add3A_558, %add3A_559 : i32
      %get3A_561 = arith.index_cast %add3A_560 : i32 to index
      %get3A_562 = tpu.vector_load %arg5[%get3A_561] {strides = array<i32>} : memref<16384xf32, #tpu.memory_space<vmem>>, vector<16xf32>,
      %get3A_563 = vector.shape_cast %get3A_562 : vector<16xf32> to vector<16xf32>
      %mul3A_564 = arith.constant 6.553700e+04 : f32
      %mul3A_565 = vector.broadcast %mul3A_564 : f32 to vector<16xf32>
      %mul3A_566 = arith.mulf %get3A_563, %mul3A_565 : vector<16xf32>
      %sub3A_567 = arith.subf %mul3A_566, %get3A_563 : vector<16xf32>
      %sub3A_568 = arith.subf %mul3A_566, %sub3A_567 : vector<16xf32>
      %add3A_569 = arith.constant 512 : i32
      %add3A_570 = arith.addi %mul3A_63, %add3A_569 : i32
      %add3A_571 = arith.constant 80 : i32
      %add3A_572 = arith.addi %add3A_570, %add3A_571 : i32
      %get3A_573 = arith.index_cast %add3A_572 : i32 to index
      %get3A_574 = tpu.vector_load %arg5[%get3A_573] {strides = array<i32>} : memref<16384xf32, #tpu.memory_space<vmem>>, vector<16xf32>,
      %get3A_575 = vector.shape_cast %get3A_574 : vector<16xf32> to vector<16xf32>
      %mul3A_576 = arith.constant 6.553700e+04 : f32
      %mul3A_577 = vector.broadcast %mul3A_576 : f32 to vector<16xf32>
      %mul3A_578 = arith.mulf %get3A_575, %mul3A_577 : vector<16xf32>
      %sub3A_579 = arith.subf %mul3A_578, %get3A_575 : vector<16xf32>
      %sub3A_580 = arith.subf %mul3A_578, %sub3A_579 : vector<16xf32>
      %add3A_581 = arith.constant 512 : i32
      %add3A_582 = arith.addi %mul3A_63, %add3A_581 : i32
      %add3A_583 = arith.constant 96 : i32
      %add3A_584 = arith.addi %add3A_582, %add3A_583 : i32
      %get3A_585 = arith.index_cast %add3A_584 : i32 to index
      %get3A_586 = tpu.vector_load %arg5[%get3A_585] {strides = array<i32>} : memref<16384xf32, #tpu.memory_space<vmem>>, vector<16xf32>,
      %get3A_587 = vector.shape_cast %get3A_586 : vector<16xf32> to vector<16xf32>
      %mul3A_588 = arith.constant 6.553700e+04 : f32
      %mul3A_589 = vector.broadcast %mul3A_588 : f32 to vector<16xf32>
      %mul3A_590 = arith.mulf %get3A_587, %mul3A_589 : vector<16xf32>
      %sub3A_591 = arith.subf %mul3A_590, %get3A_587 : vector<16xf32>
      %sub3A_592 = arith.subf %mul3A_590, %sub3A_591 : vector<16xf32>
      %add3A_593 = arith.constant 512 : i32
      %add3A_594 = arith.addi %mul3A_63, %add3A_593 : i32
      %add3A_595 = arith.constant 112 : i32
      %add3A_596 = arith.addi %add3A_594, %add3A_595 : i32
      %get3A_597 = arith.index_cast %add3A_596 : i32 to index
      %get3A_598 = tpu.vector_load %arg5[%get3A_597] {strides = array<i32>} : memref<16384xf32, #tpu.memory_space<vmem>>, vector<16xf32>,
      %get3A_599 = vector.shape_cast %get3A_598 : vector<16xf32> to vector<16xf32>
      %mul3A_600 = arith.constant 6.553700e+04 : f32
      %mul3A_601 = vector.broadcast %mul3A_600 : f32 to vector<16xf32>
      %mul3A_602 = arith.mulf %get3A_599, %mul3A_601 : vector<16xf32>
      %sub3A_603 = arith.subf %mul3A_602, %get3A_599 : vector<16xf32>
      %sub3A_604 = arith.subf %mul3A_602, %sub3A_603 : vector<16xf32>
      %add3A_605 = arith.constant 640 : i32
      %add3A_606 = arith.addi %mul3A_63, %add3A_605 : i32
      %add3A_607 = arith.constant 0 : i32
      %add3A_608 = arith.addi %add3A_606, %add3A_607 : i32
      %get3A_609 = arith.index_cast %add3A_608 : i32 to index
      %get3A_610 = tpu.vector_load %arg5[%get3A_609] {strides = array<i32>} : memref<16384xf32, #tpu.memory_space<vmem>>, vector<16xf32>,
      %get3A_611 = vector.shape_cast %get3A_610 : vector<16xf32> to vector<16xf32>
      %mul3A_612 = arith.constant 6.553700e+04 : f32
      %mul3A_613 = vector.broadcast %mul3A_612 : f32 to vector<16xf32>
      %mul3A_614 = arith.mulf %get3A_611, %mul3A_613 : vector<16xf32>
      %sub3A_615 = arith.subf %mul3A_614, %get3A_611 : vector<16xf32>
      %sub3A_616 = arith.subf %mul3A_614, %sub3A_615 : vector<16xf32>
      %add3A_617 = arith.constant 640 : i32
      %add3A_618 = arith.addi %mul3A_63, %add3A_617 : i32
      %add3A_619 = arith.constant 16 : i32
      %add3A_620 = arith.addi %add3A_618, %add3A_619 : i32
      %get3A_621 = arith.index_cast %add3A_620 : i32 to index
      %get3A_622 = tpu.vector_load %arg5[%get3A_621] {strides = array<i32>} : memref<16384xf32, #tpu.memory_space<vmem>>, vector<16xf32>,
      %get3A_623 = vector.shape_cast %get3A_622 : vector<16xf32> to vector<16xf32>
      %mul3A_624 = arith.constant 6.553700e+04 : f32
      %mul3A_625 = vector.broadcast %mul3A_624 : f32 to vector<16xf32>
      %mul3A_626 = arith.mulf %get3A_623, %mul3A_625 : vector<16xf32>
      %sub3A_627 = arith.subf %mul3A_626, %get3A_623 : vector<16xf32>
      %sub3A_628 = arith.subf %mul3A_626, %sub3A_627 : vector<16xf32>
      %add3A_629 = arith.constant 640 : i32
      %add3A_630 = arith.addi %mul3A_63, %add3A_629 : i32
      %add3A_631 = arith.constant 32 : i32
      %add3A_632 = arith.addi %add3A_630, %add3A_631 : i32
      %get3A_633 = arith.index_cast %add3A_632 : i32 to index
      %get3A_634 = tpu.vector_load %arg5[%get3A_633] {strides = array<i32>} : memref<16384xf32, #tpu.memory_space<vmem>>, vector<16xf32>,
      %get3A_635 = vector.shape_cast %get3A_634 : vector<16xf32> to vector<16xf32>
      %mul3A_636 = arith.constant 6.553700e+04 : f32
      %mul3A_637 = vector.broadcast %mul3A_636 : f32 to vector<16xf32>
      %mul3A_638 = arith.mulf %get3A_635, %mul3A_637 : vector<16xf32>
      %sub3A_639 = arith.subf %mul3A_638, %get3A_635 : vector<16xf32>
      %sub3A_640 = arith.subf %mul3A_638, %sub3A_639 : vector<16xf32>
      %add3A_641 = arith.constant 640 : i32
      %add3A_642 = arith.addi %mul3A_63, %add3A_641 : i32
      %add3A_643 = arith.constant 48 : i32
      %add3A_644 = arith.addi %add3A_642, %add3A_643 : i32
      %get3A_645 = arith.index_cast %add3A_644 : i32 to index
      %get3A_646 = tpu.vector_load %arg5[%get3A_645] {strides = array<i32>} : memref<16384xf32, #tpu.memory_space<vmem>>, vector<16xf32>,
      %get3A_647 = vector.shape_cast %get3A_646 : vector<16xf32> to vector<16xf32>
      %mul3A_648 = arith.constant 6.553700e+04 : f32
      %mul3A_649 = vector.broadcast %mul3A_648 : f32 to vector<16xf32>
      %mul3A_650 = arith.mulf %get3A_647, %mul3A_649 : vector<16xf32>
      %sub3A_651 = arith.subf %mul3A_650, %get3A_647 : vector<16xf32>
      %sub3A_652 = arith.subf %mul3A_650, %sub3A_651 : vector<16xf32>
      %add3A_653 = arith.constant 640 : i32
      %add3A_654 = arith.addi %mul3A_63, %add3A_653 : i32
      %add3A_655 = arith.constant 64 : i32
      %add3A_656 = arith.addi %add3A_654, %add3A_655 : i32
      %get3A_657 = arith.index_cast %add3A_656 : i32 to index
      %get3A_658 = tpu.vector_load %arg5[%get3A_657] {strides = array<i32>} : memref<16384xf32, #tpu.memory_space<vmem>>, vector<16xf32>,
      %get3A_659 = vector.shape_cast %get3A_658 : vector<16xf32> to vector<16xf32>
      %mul3A_660 = arith.constant 6.553700e+04 : f32
      %mul3A_661 = vector.broadcast %mul3A_660 : f32 to vector<16xf32>
      %mul3A_662 = arith.mulf %get3A_659, %mul3A_661 : vector<16xf32>
      %sub3A_663 = arith.subf %mul3A_662, %get3A_659 : vector<16xf32>
      %sub3A_664 = arith.subf %mul3A_662, %sub3A_663 : vector<16xf32>
      %add3A_665 = arith.constant 640 : i32
      %add3A_666 = arith.addi %mul3A_63, %add3A_665 : i32
      %add3A_667 = arith.constant 80 : i32
      %add3A_668 = arith.addi %add3A_666, %add3A_667 : i32
      %get3A_669 = arith.index_cast %add3A_668 : i32 to index
      %get3A_670 = tpu.vector_load %arg5[%get3A_669] {strides = array<i32>} : memref<16384xf32, #tpu.memory_space<vmem>>, vector<16xf32>,
      %get3A_671 = vector.shape_cast %get3A_670 : vector<16xf32> to vector<16xf32>
      %mul3A_672 = arith.constant 6.553700e+04 : f32
      %mul3A_673 = vector.broadcast %mul3A_672 : f32 to vector<16xf32>
      %mul3A_674 = arith.mulf %get3A_671, %mul3A_673 : vector<16xf32>
      %sub3A_675 = arith.subf %mul3A_674, %get3A_671 : vector<16xf32>
      %sub3A_676 = arith.subf %mul3A_674, %sub3A_675 : vector<16xf32>
      %add3A_677 = arith.constant 640 : i32
      %add3A_678 = arith.addi %mul3A_63, %add3A_677 : i32
      %add3A_679 = arith.constant 96 : i32
      %add3A_680 = arith.addi %add3A_678, %add3A_679 : i32
      %get3A_681 = arith.index_cast %add3A_680 : i32 to index
      %get3A_682 = tpu.vector_load %arg5[%get3A_681] {strides = array<i32>} : memref<16384xf32, #tpu.memory_space<vmem>>, vector<16xf32>,
      %get3A_683 = vector.shape_cast %get3A_682 : vector<16xf32> to vector<16xf32>
      %mul3A_684 = arith.constant 6.553700e+04 : f32
      %mul3A_685 = vector.broadcast %mul3A_684 : f32 to vector<16xf32>
      %mul3A_686 = arith.mulf %get3A_683, %mul3A_685 : vector<16xf32>
      %sub3A_687 = arith.subf %mul3A_686, %get3A_683 : vector<16xf32>
      %sub3A_688 = arith.subf %mul3A_686, %sub3A_687 : vector<16xf32>
      %add3A_689 = arith.constant 640 : i32
      %add3A_690 = arith.addi %mul3A_63, %add3A_689 : i32
      %add3A_691 = arith.constant 112 : i32
      %add3A_692 = arith.addi %add3A_690, %add3A_691 : i32
      %get3A_693 = arith.index_cast %add3A_692 : i32 to index
      %get3A_694 = tpu.vector_load %arg5[%get3A_693] {strides = array<i32>} : memref<16384xf32, #tpu.memory_space<vmem>>, vector<16xf32>,
      %get3A_695 = vector.shape_cast %get3A_694 : vector<16xf32> to vector<16xf32>
      %mul3A_696 = arith.constant 6.553700e+04 : f32
      %mul3A_697 = vector.broadcast %mul3A_696 : f32 to vector<16xf32>
      %mul3A_698 = arith.mulf %get3A_695, %mul3A_697 : vector<16xf32>
      %sub3A_699 = arith.subf %mul3A_698, %get3A_695 : vector<16xf32>
      %sub3A_700 = arith.subf %mul3A_698, %sub3A_699 : vector<16xf32>
      %add3A_701 = arith.addf %sub3A_520, %sub3A_532 : vector<16xf32>
      %add3A_702 = arith.addf %sub3A_544, %sub3A_556 : vector<16xf32>
      %add3A_703 = arith.addf %add3A_701, %add3A_702 : vector<16xf32>
      %add3A_704 = arith.addf %sub3A_568, %sub3A_580 : vector<16xf32>
      %add3A_705 = arith.addf %sub3A_592, %sub3A_604 : vector<16xf32>
      %add3A_706 = arith.addf %add3A_704, %add3A_705 : vector<16xf32>
      %add3A_707 = arith.addf %add3A_703, %add3A_706 : vector<16xf32>
      %add3A_708 = arith.addf %sub3A_616, %sub3A_628 : vector<16xf32>
      %add3A_709 = arith.addf %sub3A_640, %sub3A_652 : vector<16xf32>
      %add3A_710 = arith.addf %add3A_708, %add3A_709 : vector<16xf32>
      %add3A_711 = arith.addf %sub3A_664, %sub3A_676 : vector<16xf32>
      %add3A_712 = arith.addf %sub3A_688, %sub3A_700 : vector<16xf32>
      %add3A_713 = arith.addf %add3A_711, %add3A_712 : vector<16xf32>
      %add3A_714 = arith.addf %add3A_710, %add3A_713 : vector<16xf32>
      %add3A_715 = arith.constant 0 : i32
      %add3A_716 = arith.addi %add3A_715, %mul3A_67 : i32
      %add3A_717 = arith.constant 64 : i32
      %add3A_718 = arith.addi %add3A_716, %add3A_717 : i32
      %swap3A_719 = arith.index_cast %add3A_718 : i32 to index
      %swap3A_720 = tpu.vector_load %arg8[%swap3A_719] {strides = array<i32>} : memref<4096xf32, #tpu.memory_space<vmem>>, vector<16xf32>,
      %swap3A_721 = vector.shape_cast %swap3A_720 : vector<16xf32> to vector<16xf32>
      %swap3A_722 = vector.shape_cast %add3A_707 : vector<16xf32> to vector<16xf32>
      tpu.vector_store %arg8[%swap3A_719], %swap3A_722 {strides = array<i32>} : memref<4096xf32, #tpu.memory_space<vmem>>, vector<16xf32>,
      %add3A_723 = arith.constant 0 : i32
      %add3A_724 = arith.addi %add3A_723, %mul3A_67 : i32
      %add3A_725 = arith.constant 80 : i32
      %add3A_726 = arith.addi %add3A_724, %add3A_725 : i32
      %swap3A_727 = arith.index_cast %add3A_726 : i32 to index
      %swap3A_728 = tpu.vector_load %arg8[%swap3A_727] {strides = array<i32>} : memref<4096xf32, #tpu.memory_space<vmem>>, vector<16xf32>,
      %swap3A_729 = vector.shape_cast %swap3A_728 : vector<16xf32> to vector<16xf32>
      %swap3A_730 = vector.shape_cast %add3A_714 : vector<16xf32> to vector<16xf32>
      tpu.vector_store %arg8[%swap3A_727], %swap3A_730 {strides = array<i32>} : memref<4096xf32, #tpu.memory_space<vmem>>, vector<16xf32>,
      %add3A_731 = arith.constant 768 : i32
      %add3A_732 = arith.addi %mul3A_63, %add3A_731 : i32
      %add3A_733 = arith.constant 0 : i32
      %add3A_734 = arith.addi %add3A_732, %add3A_733 : i32
      %get3A_735 = arith.index_cast %add3A_734 : i32 to index
      %get3A_736 = tpu.vector_load %arg5[%get3A_735] {strides = array<i32>} : memref<16384xf32, #tpu.memory_space<vmem>>, vector<16xf32>,
      %get3A_737 = vector.shape_cast %get3A_736 : vector<16xf32> to vector<16xf32>
      %mul3A_738 = arith.constant 6.553700e+04 : f32
      %mul3A_739 = vector.broadcast %mul3A_738 : f32 to vector<16xf32>
      %mul3A_740 = arith.mulf %get3A_737, %mul3A_739 : vector<16xf32>
      %sub3A_741 = arith.subf %mul3A_740, %get3A_737 : vector<16xf32>
      %sub3A_742 = arith.subf %mul3A_740, %sub3A_741 : vector<16xf32>
      %add3A_743 = arith.constant 768 : i32
      %add3A_744 = arith.addi %mul3A_63, %add3A_743 : i32
      %add3A_745 = arith.constant 16 : i32
      %add3A_746 = arith.addi %add3A_744, %add3A_745 : i32
      %get3A_747 = arith.index_cast %add3A_746 : i32 to index
      %get3A_748 = tpu.vector_load %arg5[%get3A_747] {strides = array<i32>} : memref<16384xf32, #tpu.memory_space<vmem>>, vector<16xf32>,
      %get3A_749 = vector.shape_cast %get3A_748 : vector<16xf32> to vector<16xf32>
      %mul3A_750 = arith.constant 6.553700e+04 : f32
      %mul3A_751 = vector.broadcast %mul3A_750 : f32 to vector<16xf32>
      %mul3A_752 = arith.mulf %get3A_749, %mul3A_751 : vector<16xf32>
      %sub3A_753 = arith.subf %mul3A_752, %get3A_749 : vector<16xf32>
      %sub3A_754 = arith.subf %mul3A_752, %sub3A_753 : vector<16xf32>
      %add3A_755 = arith.constant 768 : i32
      %add3A_756 = arith.addi %mul3A_63, %add3A_755 : i32
      %add3A_757 = arith.constant 32 : i32
      %add3A_758 = arith.addi %add3A_756, %add3A_757 : i32
      %get3A_759 = arith.index_cast %add3A_758 : i32 to index
      %get3A_760 = tpu.vector_load %arg5[%get3A_759] {strides = array<i32>} : memref<16384xf32, #tpu.memory_space<vmem>>, vector<16xf32>,
      %get3A_761 = vector.shape_cast %get3A_760 : vector<16xf32> to vector<16xf32>
      %mul3A_762 = arith.constant 6.553700e+04 : f32
      %mul3A_763 = vector.broadcast %mul3A_762 : f32 to vector<16xf32>
      %mul3A_764 = arith.mulf %get3A_761, %mul3A_763 : vector<16xf32>
      %sub3A_765 = arith.subf %mul3A_764, %get3A_761 : vector<16xf32>
      %sub3A_766 = arith.subf %mul3A_764, %sub3A_765 : vector<16xf32>
      %add3A_767 = arith.constant 768 : i32
      %add3A_768 = arith.addi %mul3A_63, %add3A_767 : i32
      %add3A_769 = arith.constant 48 : i32
      %add3A_770 = arith.addi %add3A_768, %add3A_769 : i32
      %get3A_771 = arith.index_cast %add3A_770 : i32 to index
      %get3A_772 = tpu.vector_load %arg5[%get3A_771] {strides = array<i32>} : memref<16384xf32, #tpu.memory_space<vmem>>, vector<16xf32>,
      %get3A_773 = vector.shape_cast %get3A_772 : vector<16xf32> to vector<16xf32>
      %mul3A_774 = arith.constant 6.553700e+04 : f32
      %mul3A_775 = vector.broadcast %mul3A_774 : f32 to vector<16xf32>
      %mul3A_776 = arith.mulf %get3A_773, %mul3A_775 : vector<16xf32>
      %sub3A_777 = arith.subf %mul3A_776, %get3A_773 : vector<16xf32>
      %sub3A_778 = arith.subf %mul3A_776, %sub3A_777 : vector<16xf32>
      %add3A_779 = arith.constant 768 : i32
      %add3A_780 = arith.addi %mul3A_63, %add3A_779 : i32
      %add3A_781 = arith.constant 64 : i32
      %add3A_782 = arith.addi %add3A_780, %add3A_781 : i32
      %get3A_783 = arith.index_cast %add3A_782 : i32 to index
      %get3A_784 = tpu.vector_load %arg5[%get3A_783] {strides = array<i32>} : memref<16384xf32, #tpu.memory_space<vmem>>, vector<16xf32>,
      %get3A_785 = vector.shape_cast %get3A_784 : vector<16xf32> to vector<16xf32>
      %mul3A_786 = arith.constant 6.553700e+04 : f32
      %mul3A_787 = vector.broadcast %mul3A_786 : f32 to vector<16xf32>
      %mul3A_788 = arith.mulf %get3A_785, %mul3A_787 : vector<16xf32>
      %sub3A_789 = arith.subf %mul3A_788, %get3A_785 : vector<16xf32>
      %sub3A_790 = arith.subf %mul3A_788, %sub3A_789 : vector<16xf32>
      %add3A_791 = arith.constant 768 : i32
      %add3A_792 = arith.addi %mul3A_63, %add3A_791 : i32
      %add3A_793 = arith.constant 80 : i32
      %add3A_794 = arith.addi %add3A_792, %add3A_793 : i32
      %get3A_795 = arith.index_cast %add3A_794 : i32 to index
      %get3A_796 = tpu.vector_load %arg5[%get3A_795] {strides = array<i32>} : memref<16384xf32, #tpu.memory_space<vmem>>, vector<16xf32>,
      %get3A_797 = vector.shape_cast %get3A_796 : vector<16xf32> to vector<16xf32>
      %mul3A_798 = arith.constant 6.553700e+04 : f32
      %mul3A_799 = vector.broadcast %mul3A_798 : f32 to vector<16xf32>
      %mul3A_800 = arith.mulf %get3A_797, %mul3A_799 : vector<16xf32>
      %sub3A_801 = arith.subf %mul3A_800, %get3A_797 : vector<16xf32>
      %sub3A_802 = arith.subf %mul3A_800, %sub3A_801 : vector<16xf32>
      %add3A_803 = arith.constant 768 : i32
      %add3A_804 = arith.addi %mul3A_63, %add3A_803 : i32
      %add3A_805 = arith.constant 96 : i32
      %add3A_806 = arith.addi %add3A_804, %add3A_805 : i32
      %get3A_807 = arith.index_cast %add3A_806 : i32 to index
      %get3A_808 = tpu.vector_load %arg5[%get3A_807] {strides = array<i32>} : memref<16384xf32, #tpu.memory_space<vmem>>, vector<16xf32>,
      %get3A_809 = vector.shape_cast %get3A_808 : vector<16xf32> to vector<16xf32>
      %mul3A_810 = arith.constant 6.553700e+04 : f32
      %mul3A_811 = vector.broadcast %mul3A_810 : f32 to vector<16xf32>
      %mul3A_812 = arith.mulf %get3A_809, %mul3A_811 : vector<16xf32>
      %sub3A_813 = arith.subf %mul3A_812, %get3A_809 : vector<16xf32>
      %sub3A_814 = arith.subf %mul3A_812, %sub3A_813 : vector<16xf32>
      %add3A_815 = arith.constant 768 : i32
      %add3A_816 = arith.addi %mul3A_63, %add3A_815 : i32
      %add3A_817 = arith.constant 112 : i32
      %add3A_818 = arith.addi %add3A_816, %add3A_817 : i32
      %get3A_819 = arith.index_cast %add3A_818 : i32 to index
      %get3A_820 = tpu.vector_load %arg5[%get3A_819] {strides = array<i32>} : memref<16384xf32, #tpu.memory_space<vmem>>, vector<16xf32>,
      %get3A_821 = vector.shape_cast %get3A_820 : vector<16xf32> to vector<16xf32>
      %mul3A_822 = arith.constant 6.553700e+04 : f32
      %mul3A_823 = vector.broadcast %mul3A_822 : f32 to vector<16xf32>
      %mul3A_824 = arith.mulf %get3A_821, %mul3A_823 : vector<16xf32>
      %sub3A_825 = arith.subf %mul3A_824, %get3A_821 : vector<16xf32>
      %sub3A_826 = arith.subf %mul3A_824, %sub3A_825 : vector<16xf32>
      %add3A_827 = arith.constant 896 : i32
      %add3A_828 = arith.addi %mul3A_63, %add3A_827 : i32
      %add3A_829 = arith.constant 0 : i32
      %add3A_830 = arith.addi %add3A_828, %add3A_829 : i32
      %get3A_831 = arith.index_cast %add3A_830 : i32 to index
      %get3A_832 = tpu.vector_load %arg5[%get3A_831] {strides = array<i32>} : memref<16384xf32, #tpu.memory_space<vmem>>, vector<16xf32>,
      %get3A_833 = vector.shape_cast %get3A_832 : vector<16xf32> to vector<16xf32>
      %mul3A_834 = arith.constant 6.553700e+04 : f32
      %mul3A_835 = vector.broadcast %mul3A_834 : f32 to vector<16xf32>
      %mul3A_836 = arith.mulf %get3A_833, %mul3A_835 : vector<16xf32>
      %sub3A_837 = arith.subf %mul3A_836, %get3A_833 : vector<16xf32>
      %sub3A_838 = arith.subf %mul3A_836, %sub3A_837 : vector<16xf32>
      %add3A_839 = arith.constant 896 : i32
      %add3A_840 = arith.addi %mul3A_63, %add3A_839 : i32
      %add3A_841 = arith.constant 16 : i32
      %add3A_842 = arith.addi %add3A_840, %add3A_841 : i32
      %get3A_843 = arith.index_cast %add3A_842 : i32 to index
      %get3A_844 = tpu.vector_load %arg5[%get3A_843] {strides = array<i32>} : memref<16384xf32, #tpu.memory_space<vmem>>, vector<16xf32>,
      %get3A_845 = vector.shape_cast %get3A_844 : vector<16xf32> to vector<16xf32>
      %mul3A_846 = arith.constant 6.553700e+04 : f32
      %mul3A_847 = vector.broadcast %mul3A_846 : f32 to vector<16xf32>
      %mul3A_848 = arith.mulf %get3A_845, %mul3A_847 : vector<16xf32>
      %sub3A_849 = arith.subf %mul3A_848, %get3A_845 : vector<16xf32>
      %sub3A_850 = arith.subf %mul3A_848, %sub3A_849 : vector<16xf32>
      %add3A_851 = arith.constant 896 : i32
      %add3A_852 = arith.addi %mul3A_63, %add3A_851 : i32
      %add3A_853 = arith.constant 32 : i32
      %add3A_854 = arith.addi %add3A_852, %add3A_853 : i32
      %get3A_855 = arith.index_cast %add3A_854 : i32 to index
      %get3A_856 = tpu.vector_load %arg5[%get3A_855] {strides = array<i32>} : memref<16384xf32, #tpu.memory_space<vmem>>, vector<16xf32>,
      %get3A_857 = vector.shape_cast %get3A_856 : vector<16xf32> to vector<16xf32>
      %mul3A_858 = arith.constant 6.553700e+04 : f32
      %mul3A_859 = vector.broadcast %mul3A_858 : f32 to vector<16xf32>
      %mul3A_860 = arith.mulf %get3A_857, %mul3A_859 : vector<16xf32>
      %sub3A_861 = arith.subf %mul3A_860, %get3A_857 : vector<16xf32>
      %sub3A_862 = arith.subf %mul3A_860, %sub3A_861 : vector<16xf32>
      %add3A_863 = arith.constant 896 : i32
      %add3A_864 = arith.addi %mul3A_63, %add3A_863 : i32
      %add3A_865 = arith.constant 48 : i32
      %add3A_866 = arith.addi %add3A_864, %add3A_865 : i32
      %get3A_867 = arith.index_cast %add3A_866 : i32 to index
      %get3A_868 = tpu.vector_load %arg5[%get3A_867] {strides = array<i32>} : memref<16384xf32, #tpu.memory_space<vmem>>, vector<16xf32>,
      %get3A_869 = vector.shape_cast %get3A_868 : vector<16xf32> to vector<16xf32>
      %mul3A_870 = arith.constant 6.553700e+04 : f32
      %mul3A_871 = vector.broadcast %mul3A_870 : f32 to vector<16xf32>
      %mul3A_872 = arith.mulf %get3A_869, %mul3A_871 : vector<16xf32>
      %sub3A_873 = arith.subf %mul3A_872, %get3A_869 : vector<16xf32>
      %sub3A_874 = arith.subf %mul3A_872, %sub3A_873 : vector<16xf32>
      %add3A_875 = arith.constant 896 : i32
      %add3A_876 = arith.addi %mul3A_63, %add3A_875 : i32
      %add3A_877 = arith.constant 64 : i32
      %add3A_878 = arith.addi %add3A_876, %add3A_877 : i32
      %get3A_879 = arith.index_cast %add3A_878 : i32 to index
      %get3A_880 = tpu.vector_load %arg5[%get3A_879] {strides = array<i32>} : memref<16384xf32, #tpu.memory_space<vmem>>, vector<16xf32>,
      %get3A_881 = vector.shape_cast %get3A_880 : vector<16xf32> to vector<16xf32>
      %mul3A_882 = arith.constant 6.553700e+04 : f32
      %mul3A_883 = vector.broadcast %mul3A_882 : f32 to vector<16xf32>
      %mul3A_884 = arith.mulf %get3A_881, %mul3A_883 : vector<16xf32>
      %sub3A_885 = arith.subf %mul3A_884, %get3A_881 : vector<16xf32>
      %sub3A_886 = arith.subf %mul3A_884, %sub3A_885 : vector<16xf32>
      %add3A_887 = arith.constant 896 : i32
      %add3A_888 = arith.addi %mul3A_63, %add3A_887 : i32
      %add3A_889 = arith.constant 80 : i32
      %add3A_890 = arith.addi %add3A_888, %add3A_889 : i32
      %get3A_891 = arith.index_cast %add3A_890 : i32 to index
      %get3A_892 = tpu.vector_load %arg5[%get3A_891] {strides = array<i32>} : memref<16384xf32, #tpu.memory_space<vmem>>, vector<16xf32>,
      %get3A_893 = vector.shape_cast %get3A_892 : vector<16xf32> to vector<16xf32>
      %mul3A_894 = arith.constant 6.553700e+04 : f32
      %mul3A_895 = vector.broadcast %mul3A_894 : f32 to vector<16xf32>
      %mul3A_896 = arith.mulf %get3A_893, %mul3A_895 : vector<16xf32>
      %sub3A_897 = arith.subf %mul3A_896, %get3A_893 : vector<16xf32>
      %sub3A_898 = arith.subf %mul3A_896, %sub3A_897 : vector<16xf32>
      %add3A_899 = arith.constant 896 : i32
      %add3A_900 = arith.addi %mul3A_63, %add3A_899 : i32
      %add3A_901 = arith.constant 96 : i32
      %add3A_902 = arith.addi %add3A_900, %add3A_901 : i32
      %get3A_903 = arith.index_cast %add3A_902 : i32 to index
      %get3A_904 = tpu.vector_load %arg5[%get3A_903] {strides = array<i32>} : memref<16384xf32, #tpu.memory_space<vmem>>, vector<16xf32>,
      %get3A_905 = vector.shape_cast %get3A_904 : vector<16xf32> to vector<16xf32>
      %mul3A_906 = arith.constant 6.553700e+04 : f32
      %mul3A_907 = vector.broadcast %mul3A_906 : f32 to vector<16xf32>
      %mul3A_908 = arith.mulf %get3A_905, %mul3A_907 : vector<16xf32>
      %sub3A_909 = arith.subf %mul3A_908, %get3A_905 : vector<16xf32>
      %sub3A_910 = arith.subf %mul3A_908, %sub3A_909 : vector<16xf32>
      %add3A_911 = arith.constant 896 : i32
      %add3A_912 = arith.addi %mul3A_63, %add3A_911 : i32
      %add3A_913 = arith.constant 112 : i32
      %add3A_914 = arith.addi %add3A_912, %add3A_913 : i32
      %get3A_915 = arith.index_cast %add3A_914 : i32 to index
      %get3A_916 = tpu.vector_load %arg5[%get3A_915] {strides = array<i32>} : memref<16384xf32, #tpu.memory_space<vmem>>, vector<16xf32>,
      %get3A_917 = vector.shape_cast %get3A_916 : vector<16xf32> to vector<16xf32>
      %mul3A_918 = arith.constant 6.553700e+04 : f32
      %mul3A_919 = vector.broadcast %mul3A_918 : f32 to vector<16xf32>
      %mul3A_920 = arith.mulf %get3A_917, %mul3A_919 : vector<16xf32>
      %sub3A_921 = arith.subf %mul3A_920, %get3A_917 : vector<16xf32>
      %sub3A_922 = arith.subf %mul3A_920, %sub3A_921 : vector<16xf32>
      %add3A_923 = arith.addf %sub3A_742, %sub3A_754 : vector<16xf32>
      %add3A_924 = arith.addf %sub3A_766, %sub3A_778 : vector<16xf32>
      %add3A_925 = arith.addf %add3A_923, %add3A_924 : vector<16xf32>
      %add3A_926 = arith.addf %sub3A_790, %sub3A_802 : vector<16xf32>
      %add3A_927 = arith.addf %sub3A_814, %sub3A_826 : vector<16xf32>
      %add3A_928 = arith.addf %add3A_926, %add3A_927 : vector<16xf32>
      %add3A_929 = arith.addf %add3A_925, %add3A_928 : vector<16xf32>
      %add3A_930 = arith.addf %sub3A_838, %sub3A_850 : vector<16xf32>
      %add3A_931 = arith.addf %sub3A_862, %sub3A_874 : vector<16xf32>
      %add3A_932 = arith.addf %add3A_930, %add3A_931 : vector<16xf32>
      %add3A_933 = arith.addf %sub3A_886, %sub3A_898 : vector<16xf32>
      %add3A_934 = arith.addf %sub3A_910, %sub3A_922 : vector<16xf32>
      %add3A_935 = arith.addf %add3A_933, %add3A_934 : vector<16xf32>
      %add3A_936 = arith.addf %add3A_932, %add3A_935 : vector<16xf32>
      %add3A_937 = arith.constant 0 : i32
      %add3A_938 = arith.addi %add3A_937, %mul3A_67 : i32
      %add3A_939 = arith.constant 96 : i32
      %add3A_940 = arith.addi %add3A_938, %add3A_939 : i32
      %swap3A_941 = arith.index_cast %add3A_940 : i32 to index
      %swap3A_942 = tpu.vector_load %arg8[%swap3A_941] {strides = array<i32>} : memref<4096xf32, #tpu.memory_space<vmem>>, vector<16xf32>,
      %swap3A_943 = vector.shape_cast %swap3A_942 : vector<16xf32> to vector<16xf32>
      %swap3A_944 = vector.shape_cast %add3A_929 : vector<16xf32> to vector<16xf32>
      tpu.vector_store %arg8[%swap3A_941], %swap3A_944 {strides = array<i32>} : memref<4096xf32, #tpu.memory_space<vmem>>, vector<16xf32>,
      %add3A_945 = arith.constant 0 : i32
      %add3A_946 = arith.addi %add3A_945, %mul3A_67 : i32
      %add3A_947 = arith.constant 112 : i32
      %add3A_948 = arith.addi %add3A_946, %add3A_947 : i32
      %swap3A_949 = arith.index_cast %add3A_948 : i32 to index
      %swap3A_950 = tpu.vector_load %arg8[%swap3A_949] {strides = array<i32>} : memref<4096xf32, #tpu.memory_space<vmem>>, vector<16xf32>,
      %swap3A_951 = vector.shape_cast %swap3A_950 : vector<16xf32> to vector<16xf32>
      %swap3A_952 = vector.shape_cast %add3A_936 : vector<16xf32> to vector<16xf32>
      tpu.vector_store %arg8[%swap3A_949], %swap3A_952 {strides = array<i32>} : memref<4096xf32, #tpu.memory_space<vmem>>, vector<16xf32>,
      %add3A_953 = arith.constant 1024 : i32
      %add3A_954 = arith.addi %mul3A_63, %add3A_953 : i32
      %add3A_955 = arith.constant 0 : i32
      %add3A_956 = arith.addi %add3A_954, %add3A_955 : i32
      %get3A_957 = arith.index_cast %add3A_956 : i32 to index
      %get3A_958 = tpu.vector_load %arg5[%get3A_957] {strides = array<i32>} : memref<16384xf32, #tpu.memory_space<vmem>>, vector<16xf32>,
      %get3A_959 = vector.shape_cast %get3A_958 : vector<16xf32> to vector<16xf32>
      %mul3A_960 = arith.constant 6.553700e+04 : f32
      %mul3A_961 = vector.broadcast %mul3A_960 : f32 to vector<16xf32>
      %mul3A_962 = arith.mulf %get3A_959, %mul3A_961 : vector<16xf32>
      %sub3A_963 = arith.subf %mul3A_962, %get3A_959 : vector<16xf32>
      %sub3A_964 = arith.subf %mul3A_962, %sub3A_963 : vector<16xf32>
      %add3A_965 = arith.constant 1024 : i32
      %add3A_966 = arith.addi %mul3A_63, %add3A_965 : i32
      %add3A_967 = arith.constant 16 : i32
      %add3A_968 = arith.addi %add3A_966, %add3A_967 : i32
      %get3A_969 = arith.index_cast %add3A_968 : i32 to index
      %get3A_970 = tpu.vector_load %arg5[%get3A_969] {strides = array<i32>} : memref<16384xf32, #tpu.memory_space<vmem>>, vector<16xf32>,
      %get3A_971 = vector.shape_cast %get3A_970 : vector<16xf32> to vector<16xf32>
      %mul3A_972 = arith.constant 6.553700e+04 : f32
      %mul3A_973 = vector.broadcast %mul3A_972 : f32 to vector<16xf32>
      %mul3A_974 = arith.mulf %get3A_971, %mul3A_973 : vector<16xf32>
      %sub3A_975 = arith.subf %mul3A_974, %get3A_971 : vector<16xf32>
      %sub3A_976 = arith.subf %mul3A_974, %sub3A_975 : vector<16xf32>
      %add3A_977 = arith.constant 1024 : i32
      %add3A_978 = arith.addi %mul3A_63, %add3A_977 : i32
      %add3A_979 = arith.constant 32 : i32
      %add3A_980 = arith.addi %add3A_978, %add3A_979 : i32
      %get3A_981 = arith.index_cast %add3A_980 : i32 to index
      %get3A_982 = tpu.vector_load %arg5[%get3A_981] {strides = array<i32>} : memref<16384xf32, #tpu.memory_space<vmem>>, vector<16xf32>,
      %get3A_983 = vector.shape_cast %get3A_982 : vector<16xf32> to vector<16xf32>
      %mul3A_984 = arith.constant 6.553700e+04 : f32
      %mul3A_985 = vector.broadcast %mul3A_984 : f32 to vector<16xf32>
      %mul3A_986 = arith.mulf %get3A_983, %mul3A_985 : vector<16xf32>
      %sub3A_987 = arith.subf %mul3A_986, %get3A_983 : vector<16xf32>
      %sub3A_988 = arith.subf %mul3A_986, %sub3A_987 : vector<16xf32>
      %add3A_989 = arith.constant 1024 : i32
      %add3A_990 = arith.addi %mul3A_63, %add3A_989 : i32
      %add3A_991 = arith.constant 48 : i32
      %add3A_992 = arith.addi %add3A_990, %add3A_991 : i32
      %get3A_993 = arith.index_cast %add3A_992 : i32 to index
      %get3A_994 = tpu.vector_load %arg5[%get3A_993] {strides = array<i32>} : memref<16384xf32, #tpu.memory_space<vmem>>, vector<16xf32>,
      %get3A_995 = vector.shape_cast %get3A_994 : vector<16xf32> to vector<16xf32>
      %mul3A_996 = arith.constant 6.553700e+04 : f32
      %mul3A_997 = vector.broadcast %mul3A_996 : f32 to vector<16xf32>
      %mul3A_998 = arith.mulf %get3A_995, %mul3A_997 : vector<16xf32>
      %sub3A_999 = arith.subf %mul3A_998, %get3A_995 : vector<16xf32>
      %sub3A_1000 = arith.subf %mul3A_998, %sub3A_999 : vector<16xf32>
      %add3A_1001 = arith.constant 1024 : i32
      %add3A_1002 = arith.addi %mul3A_63, %add3A_1001 : i32
      %add3A_1003 = arith.constant 64 : i32
      %add3A_1004 = arith.addi %add3A_1002, %add3A_1003 : i32
      %get3A_1005 = arith.index_cast %add3A_1004 : i32 to index
      %get3A_1006 = tpu.vector_load %arg5[%get3A_1005] {strides = array<i32>} : memref<16384xf32, #tpu.memory_space<vmem>>, vector<16xf32>,
      %get3A_1007 = vector.shape_cast %get3A_1006 : vector<16xf32> to vector<16xf32>
      %mul3A_1008 = arith.constant 6.553700e+04 : f32
      %mul3A_1009 = vector.broadcast %mul3A_1008 : f32 to vector<16xf32>
      %mul3A_1010 = arith.mulf %get3A_1007, %mul3A_1009 : vector<16xf32>
      %sub3A_1011 = arith.subf %mul3A_1010, %get3A_1007 : vector<16xf32>
      %sub3A_1012 = arith.subf %mul3A_1010, %sub3A_1011 : vector<16xf32>
      %add3A_1013 = arith.constant 1024 : i32
      %add3A_1014 = arith.addi %mul3A_63, %add3A_1013 : i32
      %add3A_1015 = arith.constant 80 : i32
      %add3A_1016 = arith.addi %add3A_1014, %add3A_1015 : i32
      %get3A_1017 = arith.index_cast %add3A_1016 : i32 to index
      %get3A_1018 = tpu.vector_load %arg5[%get3A_1017] {strides = array<i32>} : memref<16384xf32, #tpu.memory_space<vmem>>, vector<16xf32>,
      %get3A_1019 = vector.shape_cast %get3A_1018 : vector<16xf32> to vector<16xf32>
      %mul3A_1020 = arith.constant 6.553700e+04 : f32
      %mul3A_1021 = vector.broadcast %mul3A_1020 : f32 to vector<16xf32>
      %mul3A_1022 = arith.mulf %get3A_1019, %mul3A_1021 : vector<16xf32>
      %sub3A_1023 = arith.subf %mul3A_1022, %get3A_1019 : vector<16xf32>
      %sub3A_1024 = arith.subf %mul3A_1022, %sub3A_1023 : vector<16xf32>
      %add3A_1025 = arith.constant 1024 : i32
      %add3A_1026 = arith.addi %mul3A_63, %add3A_1025 : i32
      %add3A_1027 = arith.constant 96 : i32
      %add3A_1028 = arith.addi %add3A_1026, %add3A_1027 : i32
      %get3A_1029 = arith.index_cast %add3A_1028 : i32 to index
      %get3A_1030 = tpu.vector_load %arg5[%get3A_1029] {strides = array<i32>} : memref<16384xf32, #tpu.memory_space<vmem>>, vector<16xf32>,
      %get3A_1031 = vector.shape_cast %get3A_1030 : vector<16xf32> to vector<16xf32>
      %mul3A_1032 = arith.constant 6.553700e+04 : f32
      %mul3A_1033 = vector.broadcast %mul3A_1032 : f32 to vector<16xf32>
      %mul3A_1034 = arith.mulf %get3A_1031, %mul3A_1033 : vector<16xf32>
      %sub3A_1035 = arith.subf %mul3A_1034, %get3A_1031 : vector<16xf32>
      %sub3A_1036 = arith.subf %mul3A_1034, %sub3A_1035 : vector<16xf32>
      %add3A_1037 = arith.constant 1024 : i32
      %add3A_1038 = arith.addi %mul3A_63, %add3A_1037 : i32
      %add3A_1039 = arith.constant 112 : i32
      %add3A_1040 = arith.addi %add3A_1038, %add3A_1039 : i32
      %get3A_1041 = arith.index_cast %add3A_1040 : i32 to index
      %get3A_1042 = tpu.vector_load %arg5[%get3A_1041] {strides = array<i32>} : memref<16384xf32, #tpu.memory_space<vmem>>, vector<16xf32>,
      %get3A_1043 = vector.shape_cast %get3A_1042 : vector<16xf32> to vector<16xf32>
      %mul3A_1044 = arith.constant 6.553700e+04 : f32
      %mul3A_1045 = vector.broadcast %mul3A_1044 : f32 to vector<16xf32>
      %mul3A_1046 = arith.mulf %get3A_1043, %mul3A_1045 : vector<16xf32>
      %sub3A_1047 = arith.subf %mul3A_1046, %get3A_1043 : vector<16xf32>
      %sub3A_1048 = arith.subf %mul3A_1046, %sub3A_1047 : vector<16xf32>
      %add3A_1049 = arith.constant 1152 : i32
      %add3A_1050 = arith.addi %mul3A_63, %add3A_1049 : i32
      %add3A_1051 = arith.constant 0 : i32
      %add3A_1052 = arith.addi %add3A_1050, %add3A_1051 : i32
      %get3A_1053 = arith.index_cast %add3A_1052 : i32 to index
      %get3A_1054 = tpu.vector_load %arg5[%get3A_1053] {strides = array<i32>} : memref<16384xf32, #tpu.memory_space<vmem>>, vector<16xf32>,
      %get3A_1055 = vector.shape_cast %get3A_1054 : vector<16xf32> to vector<16xf32>
      %mul3A_1056 = arith.constant 6.553700e+04 : f32
      %mul3A_1057 = vector.broadcast %mul3A_1056 : f32 to vector<16xf32>
      %mul3A_1058 = arith.mulf %get3A_1055, %mul3A_1057 : vector<16xf32>
      %sub3A_1059 = arith.subf %mul3A_1058, %get3A_1055 : vector<16xf32>
      %sub3A_1060 = arith.subf %mul3A_1058, %sub3A_1059 : vector<16xf32>
      %add3A_1061 = arith.constant 1152 : i32
      %add3A_1062 = arith.addi %mul3A_63, %add3A_1061 : i32
      %add3A_1063 = arith.constant 16 : i32
      %add3A_1064 = arith.addi %add3A_1062, %add3A_1063 : i32
      %get3A_1065 = arith.index_cast %add3A_1064 : i32 to index
      %get3A_1066 = tpu.vector_load %arg5[%get3A_1065] {strides = array<i32>} : memref<16384xf32, #tpu.memory_space<vmem>>, vector<16xf32>,
      %get3A_1067 = vector.shape_cast %get3A_1066 : vector<16xf32> to vector<16xf32>
      %mul3A_1068 = arith.constant 6.553700e+04 : f32
      %mul3A_1069 = vector.broadcast %mul3A_1068 : f32 to vector<16xf32>
      %mul3A_1070 = arith.mulf %get3A_1067, %mul3A_1069 : vector<16xf32>
      %sub3A_1071 = arith.subf %mul3A_1070, %get3A_1067 : vector<16xf32>
      %sub3A_1072 = arith.subf %mul3A_1070, %sub3A_1071 : vector<16xf32>
      %add3A_1073 = arith.constant 1152 : i32
      %add3A_1074 = arith.addi %mul3A_63, %add3A_1073 : i32
      %add3A_1075 = arith.constant 32 : i32
      %add3A_1076 = arith.addi %add3A_1074, %add3A_1075 : i32
      %get3A_1077 = arith.index_cast %add3A_1076 : i32 to index
      %get3A_1078 = tpu.vector_load %arg5[%get3A_1077] {strides = array<i32>} : memref<16384xf32, #tpu.memory_space<vmem>>, vector<16xf32>,
      %get3A_1079 = vector.shape_cast %get3A_1078 : vector<16xf32> to vector<16xf32>
      %mul3A_1080 = arith.constant 6.553700e+04 : f32
      %mul3A_1081 = vector.broadcast %mul3A_1080 : f32 to vector<16xf32>
      %mul3A_1082 = arith.mulf %get3A_1079, %mul3A_1081 : vector<16xf32>
      %sub3A_1083 = arith.subf %mul3A_1082, %get3A_1079 : vector<16xf32>
      %sub3A_1084 = arith.subf %mul3A_1082, %sub3A_1083 : vector<16xf32>
      %add3A_1085 = arith.constant 1152 : i32
      %add3A_1086 = arith.addi %mul3A_63, %add3A_1085 : i32
      %add3A_1087 = arith.constant 48 : i32
      %add3A_1088 = arith.addi %add3A_1086, %add3A_1087 : i32
      %get3A_1089 = arith.index_cast %add3A_1088 : i32 to index
      %get3A_1090 = tpu.vector_load %arg5[%get3A_1089] {strides = array<i32>} : memref<16384xf32, #tpu.memory_space<vmem>>, vector<16xf32>,
      %get3A_1091 = vector.shape_cast %get3A_1090 : vector<16xf32> to vector<16xf32>
      %mul3A_1092 = arith.constant 6.553700e+04 : f32
      %mul3A_1093 = vector.broadcast %mul3A_1092 : f32 to vector<16xf32>
      %mul3A_1094 = arith.mulf %get3A_1091, %mul3A_1093 : vector<16xf32>
      %sub3A_1095 = arith.subf %mul3A_1094, %get3A_1091 : vector<16xf32>
      %sub3A_1096 = arith.subf %mul3A_1094, %sub3A_1095 : vector<16xf32>
      %add3A_1097 = arith.constant 1152 : i32
      %add3A_1098 = arith.addi %mul3A_63, %add3A_1097 : i32
      %add3A_1099 = arith.constant 64 : i32
      %add3A_1100 = arith.addi %add3A_1098, %add3A_1099 : i32
      %get3A_1101 = arith.index_cast %add3A_1100 : i32 to index
      %get3A_1102 = tpu.vector_load %arg5[%get3A_1101] {strides = array<i32>} : memref<16384xf32, #tpu.memory_space<vmem>>, vector<16xf32>,
      %get3A_1103 = vector.shape_cast %get3A_1102 : vector<16xf32> to vector<16xf32>
      %mul3A_1104 = arith.constant 6.553700e+04 : f32
      %mul3A_1105 = vector.broadcast %mul3A_1104 : f32 to vector<16xf32>
      %mul3A_1106 = arith.mulf %get3A_1103, %mul3A_1105 : vector<16xf32>
      %sub3A_1107 = arith.subf %mul3A_1106, %get3A_1103 : vector<16xf32>
      %sub3A_1108 = arith.subf %mul3A_1106, %sub3A_1107 : vector<16xf32>
      %add3A_1109 = arith.constant 1152 : i32
      %add3A_1110 = arith.addi %mul3A_63, %add3A_1109 : i32
      %add3A_1111 = arith.constant 80 : i32
      %add3A_1112 = arith.addi %add3A_1110, %add3A_1111 : i32
      %get3A_1113 = arith.index_cast %add3A_1112 : i32 to index
      %get3A_1114 = tpu.vector_load %arg5[%get3A_1113] {strides = array<i32>} : memref<16384xf32, #tpu.memory_space<vmem>>, vector<16xf32>,
      %get3A_1115 = vector.shape_cast %get3A_1114 : vector<16xf32> to vector<16xf32>
      %mul3A_1116 = arith.constant 6.553700e+04 : f32
      %mul3A_1117 = vector.broadcast %mul3A_1116 : f32 to vector<16xf32>
      %mul3A_1118 = arith.mulf %get3A_1115, %mul3A_1117 : vector<16xf32>
      %sub3A_1119 = arith.subf %mul3A_1118, %get3A_1115 : vector<16xf32>
      %sub3A_1120 = arith.subf %mul3A_1118, %sub3A_1119 : vector<16xf32>
      %add3A_1121 = arith.constant 1152 : i32
      %add3A_1122 = arith.addi %mul3A_63, %add3A_1121 : i32
      %add3A_1123 = arith.constant 96 : i32
      %add3A_1124 = arith.addi %add3A_1122, %add3A_1123 : i32
      %get3A_1125 = arith.index_cast %add3A_1124 : i32 to index
      %get3A_1126 = tpu.vector_load %arg5[%get3A_1125] {strides = array<i32>} : memref<16384xf32, #tpu.memory_space<vmem>>, vector<16xf32>,
      %get3A_1127 = vector.shape_cast %get3A_1126 : vector<16xf32> to vector<16xf32>
      %mul3A_1128 = arith.constant 6.553700e+04 : f32
      %mul3A_1129 = vector.broadcast %mul3A_1128 : f32 to vector<16xf32>
      %mul3A_1130 = arith.mulf %get3A_1127, %mul3A_1129 : vector<16xf32>
      %sub3A_1131 = arith.subf %mul3A_1130, %get3A_1127 : vector<16xf32>
      %sub3A_1132 = arith.subf %mul3A_1130, %sub3A_1131 : vector<16xf32>
      %add3A_1133 = arith.constant 1152 : i32
      %add3A_1134 = arith.addi %mul3A_63, %add3A_1133 : i32
      %add3A_1135 = arith.constant 112 : i32
      %add3A_1136 = arith.addi %add3A_1134, %add3A_1135 : i32
      %get3A_1137 = arith.index_cast %add3A_1136 : i32 to index
      %get3A_1138 = tpu.vector_load %arg5[%get3A_1137] {strides = array<i32>} : memref<16384xf32, #tpu.memory_space<vmem>>, vector<16xf32>,
      %get3A_1139 = vector.shape_cast %get3A_1138 : vector<16xf32> to vector<16xf32>
      %mul3A_1140 = arith.constant 6.553700e+04 : f32
      %mul3A_1141 = vector.broadcast %mul3A_1140 : f32 to vector<16xf32>
      %mul3A_1142 = arith.mulf %get3A_1139, %mul3A_1141 : vector<16xf32>
      %sub3A_1143 = arith.subf %mul3A_1142, %get3A_1139 : vector<16xf32>
      %sub3A_1144 = arith.subf %mul3A_1142, %sub3A_1143 : vector<16xf32>
      %add3A_1145 = arith.addf %sub3A_964, %sub3A_976 : vector<16xf32>
      %add3A_1146 = arith.addf %sub3A_988, %sub3A_1000 : vector<16xf32>
      %add3A_1147 = arith.addf %add3A_1145, %add3A_1146 : vector<16xf32>
      %add3A_1148 = arith.addf %sub3A_1012, %sub3A_1024 : vector<16xf32>
      %add3A_1149 = arith.addf %sub3A_1036, %sub3A_1048 : vector<16xf32>
      %add3A_1150 = arith.addf %add3A_1148, %add3A_1149 : vector<16xf32>
      %add3A_1151 = arith.addf %add3A_1147, %add3A_1150 : vector<16xf32>
      %add3A_1152 = arith.addf %sub3A_1060, %sub3A_1072 : vector<16xf32>
      %add3A_1153 = arith.addf %sub3A_1084, %sub3A_1096 : vector<16xf32>
      %add3A_1154 = arith.addf %add3A_1152, %add3A_1153 : vector<16xf32>
      %add3A_1155 = arith.addf %sub3A_1108, %sub3A_1120 : vector<16xf32>
      %add3A_1156 = arith.addf %sub3A_1132, %sub3A_1144 : vector<16xf32>
      %add3A_1157 = arith.addf %add3A_1155, %add3A_1156 : vector<16xf32>
      %add3A_1158 = arith.addf %add3A_1154, %add3A_1157 : vector<16xf32>
      %add3A_1159 = arith.constant 2048 : i32
      %add3A_1160 = arith.addi %add3A_1159, %mul3A_67 : i32
      %add3A_1161 = arith.constant 0 : i32
      %add3A_1162 = arith.addi %add3A_1160, %add3A_1161 : i32
      %swap3A_1163 = arith.index_cast %add3A_1162 : i32 to index
      %swap3A_1164 = tpu.vector_load %arg8[%swap3A_1163] {strides = array<i32>} : memref<4096xf32, #tpu.memory_space<vmem>>, vector<16xf32>,
      %swap3A_1165 = vector.shape_cast %swap3A_1164 : vector<16xf32> to vector<16xf32>
      %swap3A_1166 = vector.shape_cast %add3A_1151 : vector<16xf32> to vector<16xf32>
      tpu.vector_store %arg8[%swap3A_1163], %swap3A_1166 {strides = array<i32>} : memref<4096xf32, #tpu.memory_space<vmem>>, vector<16xf32>,
      %add3A_1167 = arith.constant 2048 : i32
      %add3A_1168 = arith.addi %add3A_1167, %mul3A_67 : i32
      %add3A_1169 = arith.constant 16 : i32
      %add3A_1170 = arith.addi %add3A_1168, %add3A_1169 : i32
      %swap3A_1171 = arith.index_cast %add3A_1170 : i32 to index
      %swap3A_1172 = tpu.vector_load %arg8[%swap3A_1171] {strides = array<i32>} : memref<4096xf32, #tpu.memory_space<vmem>>, vector<16xf32>,
      %swap3A_1173 = vector.shape_cast %swap3A_1172 : vector<16xf32> to vector<16xf32>
      %swap3A_1174 = vector.shape_cast %add3A_1158 : vector<16xf32> to vector<16xf32>
      tpu.vector_store %arg8[%swap3A_1171], %swap3A_1174 {strides = array<i32>} : memref<4096xf32, #tpu.memory_space<vmem>>, vector<16xf32>,
      %add3A_1175 = arith.constant 1280 : i32
      %add3A_1176 = arith.addi %mul3A_63, %add3A_1175 : i32
      %add3A_1177 = arith.constant 0 : i32
      %add3A_1178 = arith.addi %add3A_1176, %add3A_1177 : i32
      %get3A_1179 = arith.index_cast %add3A_1178 : i32 to index
      %get3A_1180 = tpu.vector_load %arg5[%get3A_1179] {strides = array<i32>} : memref<16384xf32, #tpu.memory_space<vmem>>, vector<16xf32>,
      %get3A_1181 = vector.shape_cast %get3A_1180 : vector<16xf32> to vector<16xf32>
      %mul3A_1182 = arith.constant 6.553700e+04 : f32
      %mul3A_1183 = vector.broadcast %mul3A_1182 : f32 to vector<16xf32>
      %mul3A_1184 = arith.mulf %get3A_1181, %mul3A_1183 : vector<16xf32>
      %sub3A_1185 = arith.subf %mul3A_1184, %get3A_1181 : vector<16xf32>
      %sub3A_1186 = arith.subf %mul3A_1184, %sub3A_1185 : vector<16xf32>
      %add3A_1187 = arith.constant 1280 : i32
      %add3A_1188 = arith.addi %mul3A_63, %add3A_1187 : i32
      %add3A_1189 = arith.constant 16 : i32
      %add3A_1190 = arith.addi %add3A_1188, %add3A_1189 : i32
      %get3A_1191 = arith.index_cast %add3A_1190 : i32 to index
      %get3A_1192 = tpu.vector_load %arg5[%get3A_1191] {strides = array<i32>} : memref<16384xf32, #tpu.memory_space<vmem>>, vector<16xf32>,
      %get3A_1193 = vector.shape_cast %get3A_1192 : vector<16xf32> to vector<16xf32>
      %mul3A_1194 = arith.constant 6.553700e+04 : f32
      %mul3A_1195 = vector.broadcast %mul3A_1194 : f32 to vector<16xf32>
      %mul3A_1196 = arith.mulf %get3A_1193, %mul3A_1195 : vector<16xf32>
      %sub3A_1197 = arith.subf %mul3A_1196, %get3A_1193 : vector<16xf32>
      %sub3A_1198 = arith.subf %mul3A_1196, %sub3A_1197 : vector<16xf32>
      %add3A_1199 = arith.constant 1280 : i32
      %add3A_1200 = arith.addi %mul3A_63, %add3A_1199 : i32
      %add3A_1201 = arith.constant 32 : i32
      %add3A_1202 = arith.addi %add3A_1200, %add3A_1201 : i32
      %get3A_1203 = arith.index_cast %add3A_1202 : i32 to index
      %get3A_1204 = tpu.vector_load %arg5[%get3A_1203] {strides = array<i32>} : memref<16384xf32, #tpu.memory_space<vmem>>, vector<16xf32>,
      %get3A_1205 = vector.shape_cast %get3A_1204 : vector<16xf32> to vector<16xf32>
      %mul3A_1206 = arith.constant 6.553700e+04 : f32
      %mul3A_1207 = vector.broadcast %mul3A_1206 : f32 to vector<16xf32>
      %mul3A_1208 = arith.mulf %get3A_1205, %mul3A_1207 : vector<16xf32>
      %sub3A_1209 = arith.subf %mul3A_1208, %get3A_1205 : vector<16xf32>
      %sub3A_1210 = arith.subf %mul3A_1208, %sub3A_1209 : vector<16xf32>
      %add3A_1211 = arith.constant 1280 : i32
      %add3A_1212 = arith.addi %mul3A_63, %add3A_1211 : i32
      %add3A_1213 = arith.constant 48 : i32
      %add3A_1214 = arith.addi %add3A_1212, %add3A_1213 : i32
      %get3A_1215 = arith.index_cast %add3A_1214 : i32 to index
      %get3A_1216 = tpu.vector_load %arg5[%get3A_1215] {strides = array<i32>} : memref<16384xf32, #tpu.memory_space<vmem>>, vector<16xf32>,
      %get3A_1217 = vector.shape_cast %get3A_1216 : vector<16xf32> to vector<16xf32>
      %mul3A_1218 = arith.constant 6.553700e+04 : f32
      %mul3A_1219 = vector.broadcast %mul3A_1218 : f32 to vector<16xf32>
      %mul3A_1220 = arith.mulf %get3A_1217, %mul3A_1219 : vector<16xf32>
      %sub3A_1221 = arith.subf %mul3A_1220, %get3A_1217 : vector<16xf32>
      %sub3A_1222 = arith.subf %mul3A_1220, %sub3A_1221 : vector<16xf32>
      %add3A_1223 = arith.constant 1280 : i32
      %add3A_1224 = arith.addi %mul3A_63, %add3A_1223 : i32
      %add3A_1225 = arith.constant 64 : i32
      %add3A_1226 = arith.addi %add3A_1224, %add3A_1225 : i32
      %get3A_1227 = arith.index_cast %add3A_1226 : i32 to index
      %get3A_1228 = tpu.vector_load %arg5[%get3A_1227] {strides = array<i32>} : memref<16384xf32, #tpu.memory_space<vmem>>, vector<16xf32>,
      %get3A_1229 = vector.shape_cast %get3A_1228 : vector<16xf32> to vector<16xf32>
      %mul3A_1230 = arith.constant 6.553700e+04 : f32
      %mul3A_1231 = vector.broadcast %mul3A_1230 : f32 to vector<16xf32>
      %mul3A_1232 = arith.mulf %get3A_1229, %mul3A_1231 : vector<16xf32>
      %sub3A_1233 = arith.subf %mul3A_1232, %get3A_1229 : vector<16xf32>
      %sub3A_1234 = arith.subf %mul3A_1232, %sub3A_1233 : vector<16xf32>
      %add3A_1235 = arith.constant 1280 : i32
      %add3A_1236 = arith.addi %mul3A_63, %add3A_1235 : i32
      %add3A_1237 = arith.constant 80 : i32
      %add3A_1238 = arith.addi %add3A_1236, %add3A_1237 : i32
      %get3A_1239 = arith.index_cast %add3A_1238 : i32 to index
      %get3A_1240 = tpu.vector_load %arg5[%get3A_1239] {strides = array<i32>} : memref<16384xf32, #tpu.memory_space<vmem>>, vector<16xf32>,
      %get3A_1241 = vector.shape_cast %get3A_1240 : vector<16xf32> to vector<16xf32>
      %mul3A_1242 = arith.constant 6.553700e+04 : f32
      %mul3A_1243 = vector.broadcast %mul3A_1242 : f32 to vector<16xf32>
      %mul3A_1244 = arith.mulf %get3A_1241, %mul3A_1243 : vector<16xf32>
      %sub3A_1245 = arith.subf %mul3A_1244, %get3A_1241 : vector<16xf32>
      %sub3A_1246 = arith.subf %mul3A_1244, %sub3A_1245 : vector<16xf32>
      %add3A_1247 = arith.constant 1280 : i32
      %add3A_1248 = arith.addi %mul3A_63, %add3A_1247 : i32
      %add3A_1249 = arith.constant 96 : i32
      %add3A_1250 = arith.addi %add3A_1248, %add3A_1249 : i32
      %get3A_1251 = arith.index_cast %add3A_1250 : i32 to index
      %get3A_1252 = tpu.vector_load %arg5[%get3A_1251] {strides = array<i32>} : memref<16384xf32, #tpu.memory_space<vmem>>, vector<16xf32>,
      %get3A_1253 = vector.shape_cast %get3A_1252 : vector<16xf32> to vector<16xf32>
      %mul3A_1254 = arith.constant 6.553700e+04 : f32
      %mul3A_1255 = vector.broadcast %mul3A_1254 : f32 to vector<16xf32>
      %mul3A_1256 = arith.mulf %get3A_1253, %mul3A_1255 : vector<16xf32>
      %sub3A_1257 = arith.subf %mul3A_1256, %get3A_1253 : vector<16xf32>
      %sub3A_1258 = arith.subf %mul3A_1256, %sub3A_1257 : vector<16xf32>
      %add3A_1259 = arith.constant 1280 : i32
      %add3A_1260 = arith.addi %mul3A_63, %add3A_1259 : i32
      %add3A_1261 = arith.constant 112 : i32
      %add3A_1262 = arith.addi %add3A_1260, %add3A_1261 : i32
      %get3A_1263 = arith.index_cast %add3A_1262 : i32 to index
      %get3A_1264 = tpu.vector_load %arg5[%get3A_1263] {strides = array<i32>} : memref<16384xf32, #tpu.memory_space<vmem>>, vector<16xf32>,
      %get3A_1265 = vector.shape_cast %get3A_1264 : vector<16xf32> to vector<16xf32>
      %mul3A_1266 = arith.constant 6.553700e+04 : f32
      %mul3A_1267 = vector.broadcast %mul3A_1266 : f32 to vector<16xf32>
      %mul3A_1268 = arith.mulf %get3A_1265, %mul3A_1267 : vector<16xf32>
      %sub3A_1269 = arith.subf %mul3A_1268, %get3A_1265 : vector<16xf32>
      %sub3A_1270 = arith.subf %mul3A_1268, %sub3A_1269 : vector<16xf32>
      %add3A_1271 = arith.constant 1408 : i32
      %add3A_1272 = arith.addi %mul3A_63, %add3A_1271 : i32
      %add3A_1273 = arith.constant 0 : i32
      %add3A_1274 = arith.addi %add3A_1272, %add3A_1273 : i32
      %get3A_1275 = arith.index_cast %add3A_1274 : i32 to index
      %get3A_1276 = tpu.vector_load %arg5[%get3A_1275] {strides = array<i32>} : memref<16384xf32, #tpu.memory_space<vmem>>, vector<16xf32>,
      %get3A_1277 = vector.shape_cast %get3A_1276 : vector<16xf32> to vector<16xf32>
      %mul3A_1278 = arith.constant 6.553700e+04 : f32
      %mul3A_1279 = vector.broadcast %mul3A_1278 : f32 to vector<16xf32>
      %mul3A_1280 = arith.mulf %get3A_1277, %mul3A_1279 : vector<16xf32>
      %sub3A_1281 = arith.subf %mul3A_1280, %get3A_1277 : vector<16xf32>
      %sub3A_1282 = arith.subf %mul3A_1280, %sub3A_1281 : vector<16xf32>
      %add3A_1283 = arith.constant 1408 : i32
      %add3A_1284 = arith.addi %mul3A_63, %add3A_1283 : i32
      %add3A_1285 = arith.constant 16 : i32
      %add3A_1286 = arith.addi %add3A_1284, %add3A_1285 : i32
      %get3A_1287 = arith.index_cast %add3A_1286 : i32 to index
      %get3A_1288 = tpu.vector_load %arg5[%get3A_1287] {strides = array<i32>} : memref<16384xf32, #tpu.memory_space<vmem>>, vector<16xf32>,
      %get3A_1289 = vector.shape_cast %get3A_1288 : vector<16xf32> to vector<16xf32>
      %mul3A_1290 = arith.constant 6.553700e+04 : f32
      %mul3A_1291 = vector.broadcast %mul3A_1290 : f32 to vector<16xf32>
      %mul3A_1292 = arith.mulf %get3A_1289, %mul3A_1291 : vector<16xf32>
      %sub3A_1293 = arith.subf %mul3A_1292, %get3A_1289 : vector<16xf32>
      %sub3A_1294 = arith.subf %mul3A_1292, %sub3A_1293 : vector<16xf32>
      %add3A_1295 = arith.constant 1408 : i32
      %add3A_1296 = arith.addi %mul3A_63, %add3A_1295 : i32
      %add3A_1297 = arith.constant 32 : i32
      %add3A_1298 = arith.addi %add3A_1296, %add3A_1297 : i32
      %get3A_1299 = arith.index_cast %add3A_1298 : i32 to index
      %get3A_1300 = tpu.vector_load %arg5[%get3A_1299] {strides = array<i32>} : memref<16384xf32, #tpu.memory_space<vmem>>, vector<16xf32>,
      %get3A_1301 = vector.shape_cast %get3A_1300 : vector<16xf32> to vector<16xf32>
      %mul3A_1302 = arith.constant 6.553700e+04 : f32
      %mul3A_1303 = vector.broadcast %mul3A_1302 : f32 to vector<16xf32>
      %mul3A_1304 = arith.mulf %get3A_1301, %mul3A_1303 : vector<16xf32>
      %sub3A_1305 = arith.subf %mul3A_1304, %get3A_1301 : vector<16xf32>
      %sub3A_1306 = arith.subf %mul3A_1304, %sub3A_1305 : vector<16xf32>
      %add3A_1307 = arith.constant 1408 : i32
      %add3A_1308 = arith.addi %mul3A_63, %add3A_1307 : i32
      %add3A_1309 = arith.constant 48 : i32
      %add3A_1310 = arith.addi %add3A_1308, %add3A_1309 : i32
      %get3A_1311 = arith.index_cast %add3A_1310 : i32 to index
      %get3A_1312 = tpu.vector_load %arg5[%get3A_1311] {strides = array<i32>} : memref<16384xf32, #tpu.memory_space<vmem>>, vector<16xf32>,
      %get3A_1313 = vector.shape_cast %get3A_1312 : vector<16xf32> to vector<16xf32>
      %mul3A_1314 = arith.constant 6.553700e+04 : f32
      %mul3A_1315 = vector.broadcast %mul3A_1314 : f32 to vector<16xf32>
      %mul3A_1316 = arith.mulf %get3A_1313, %mul3A_1315 : vector<16xf32>
      %sub3A_1317 = arith.subf %mul3A_1316, %get3A_1313 : vector<16xf32>
      %sub3A_1318 = arith.subf %mul3A_1316, %sub3A_1317 : vector<16xf32>
      %add3A_1319 = arith.constant 1408 : i32
      %add3A_1320 = arith.addi %mul3A_63, %add3A_1319 : i32
      %add3A_1321 = arith.constant 64 : i32
      %add3A_1322 = arith.addi %add3A_1320, %add3A_1321 : i32
      %get3A_1323 = arith.index_cast %add3A_1322 : i32 to index
      %get3A_1324 = tpu.vector_load %arg5[%get3A_1323] {strides = array<i32>} : memref<16384xf32, #tpu.memory_space<vmem>>, vector<16xf32>,
      %get3A_1325 = vector.shape_cast %get3A_1324 : vector<16xf32> to vector<16xf32>
      %mul3A_1326 = arith.constant 6.553700e+04 : f32
      %mul3A_1327 = vector.broadcast %mul3A_1326 : f32 to vector<16xf32>
      %mul3A_1328 = arith.mulf %get3A_1325, %mul3A_1327 : vector<16xf32>
      %sub3A_1329 = arith.subf %mul3A_1328, %get3A_1325 : vector<16xf32>
      %sub3A_1330 = arith.subf %mul3A_1328, %sub3A_1329 : vector<16xf32>
      %add3A_1331 = arith.constant 1408 : i32
      %add3A_1332 = arith.addi %mul3A_63, %add3A_1331 : i32
      %add3A_1333 = arith.constant 80 : i32
      %add3A_1334 = arith.addi %add3A_1332, %add3A_1333 : i32
      %get3A_1335 = arith.index_cast %add3A_1334 : i32 to index
      %get3A_1336 = tpu.vector_load %arg5[%get3A_1335] {strides = array<i32>} : memref<16384xf32, #tpu.memory_space<vmem>>, vector<16xf32>,
      %get3A_1337 = vector.shape_cast %get3A_1336 : vector<16xf32> to vector<16xf32>
      %mul3A_1338 = arith.constant 6.553700e+04 : f32
      %mul3A_1339 = vector.broadcast %mul3A_1338 : f32 to vector<16xf32>
      %mul3A_1340 = arith.mulf %get3A_1337, %mul3A_1339 : vector<16xf32>
      %sub3A_1341 = arith.subf %mul3A_1340, %get3A_1337 : vector<16xf32>
      %sub3A_1342 = arith.subf %mul3A_1340, %sub3A_1341 : vector<16xf32>
      %add3A_1343 = arith.constant 1408 : i32
      %add3A_1344 = arith.addi %mul3A_63, %add3A_1343 : i32
      %add3A_1345 = arith.constant 96 : i32
      %add3A_1346 = arith.addi %add3A_1344, %add3A_1345 : i32
      %get3A_1347 = arith.index_cast %add3A_1346 : i32 to index
      %get3A_1348 = tpu.vector_load %arg5[%get3A_1347] {strides = array<i32>} : memref<16384xf32, #tpu.memory_space<vmem>>, vector<16xf32>,
      %get3A_1349 = vector.shape_cast %get3A_1348 : vector<16xf32> to vector<16xf32>
      %mul3A_1350 = arith.constant 6.553700e+04 : f32
      %mul3A_1351 = vector.broadcast %mul3A_1350 : f32 to vector<16xf32>
      %mul3A_1352 = arith.mulf %get3A_1349, %mul3A_1351 : vector<16xf32>
      %sub3A_1353 = arith.subf %mul3A_1352, %get3A_1349 : vector<16xf32>
      %sub3A_1354 = arith.subf %mul3A_1352, %sub3A_1353 : vector<16xf32>
      %add3A_1355 = arith.constant 1408 : i32
      %add3A_1356 = arith.addi %mul3A_63, %add3A_1355 : i32
      %add3A_1357 = arith.constant 112 : i32
      %add3A_1358 = arith.addi %add3A_1356, %add3A_1357 : i32
      %get3A_1359 = arith.index_cast %add3A_1358 : i32 to index
      %get3A_1360 = tpu.vector_load %arg5[%get3A_1359] {strides = array<i32>} : memref<16384xf32, #tpu.memory_space<vmem>>, vector<16xf32>,
      %get3A_1361 = vector.shape_cast %get3A_1360 : vector<16xf32> to vector<16xf32>
      %mul3A_1362 = arith.constant 6.553700e+04 : f32
      %mul3A_1363 = vector.broadcast %mul3A_1362 : f32 to vector<16xf32>
      %mul3A_1364 = arith.mulf %get3A_1361, %mul3A_1363 : vector<16xf32>
      %sub3A_1365 = arith.subf %mul3A_1364, %get3A_1361 : vector<16xf32>
      %sub3A_1366 = arith.subf %mul3A_1364, %sub3A_1365 : vector<16xf32>
      %add3A_1367 = arith.addf %sub3A_1186, %sub3A_1198 : vector<16xf32>
      %add3A_1368 = arith.addf %sub3A_1210, %sub3A_1222 : vector<16xf32>
      %add3A_1369 = arith.addf %add3A_1367, %add3A_1368 : vector<16xf32>
      %add3A_1370 = arith.addf %sub3A_1234, %sub3A_1246 : vector<16xf32>
      %add3A_1371 = arith.addf %sub3A_1258, %sub3A_1270 : vector<16xf32>
      %add3A_1372 = arith.addf %add3A_1370, %add3A_1371 : vector<16xf32>
      %add3A_1373 = arith.addf %add3A_1369, %add3A_1372 : vector<16xf32>
      %add3A_1374 = arith.addf %sub3A_1282, %sub3A_1294 : vector<16xf32>
      %add3A_1375 = arith.addf %sub3A_1306, %sub3A_1318 : vector<16xf32>
      %add3A_1376 = arith.addf %add3A_1374, %add3A_1375 : vector<16xf32>
      %add3A_1377 = arith.addf %sub3A_1330, %sub3A_1342 : vector<16xf32>
      %add3A_1378 = arith.addf %sub3A_1354, %sub3A_1366 : vector<16xf32>
      %add3A_1379 = arith.addf %add3A_1377, %add3A_1378 : vector<16xf32>
      %add3A_1380 = arith.addf %add3A_1376, %add3A_1379 : vector<16xf32>
      %add3A_1381 = arith.constant 2048 : i32
      %add3A_1382 = arith.addi %add3A_1381, %mul3A_67 : i32
      %add3A_1383 = arith.constant 32 : i32
      %add3A_1384 = arith.addi %add3A_1382, %add3A_1383 : i32
      %swap3A_1385 = arith.index_cast %add3A_1384 : i32 to index
      %swap3A_1386 = tpu.vector_load %arg8[%swap3A_1385] {strides = array<i32>} : memref<4096xf32, #tpu.memory_space<vmem>>, vector<16xf32>,
      %swap3A_1387 = vector.shape_cast %swap3A_1386 : vector<16xf32> to vector<16xf32>
      %swap3A_1388 = vector.shape_cast %add3A_1373 : vector<16xf32> to vector<16xf32>
      tpu.vector_store %arg8[%swap3A_1385], %swap3A_1388 {strides = array<i32>} : memref<4096xf32, #tpu.memory_space<vmem>>, vector<16xf32>,
      %add3A_1389 = arith.constant 2048 : i32
      %add3A_1390 = arith.addi %add3A_1389, %mul3A_67 : i32
      %add3A_1391 = arith.constant 48 : i32
      %add3A_1392 = arith.addi %add3A_1390, %add3A_1391 : i32
      %swap3A_1393 = arith.index_cast %add3A_1392 : i32 to index
      %swap3A_1394 = tpu.vector_load %arg8[%swap3A_1393] {strides = array<i32>} : memref<4096xf32, #tpu.memory_space<vmem>>, vector<16xf32>,
      %swap3A_1395 = vector.shape_cast %swap3A_1394 : vector<16xf32> to vector<16xf32>
      %swap3A_1396 = vector.shape_cast %add3A_1380 : vector<16xf32> to vector<16xf32>
      tpu.vector_store %arg8[%swap3A_1393], %swap3A_1396 {strides = array<i32>} : memref<4096xf32, #tpu.memory_space<vmem>>, vector<16xf32>,
      %add3A_1397 = arith.constant 1536 : i32
      %add3A_1398 = arith.addi %mul3A_63, %add3A_1397 : i32
      %add3A_1399 = arith.constant 0 : i32
      %add3A_1400 = arith.addi %add3A_1398, %add3A_1399 : i32
      %get3A_1401 = arith.index_cast %add3A_1400 : i32 to index
      %get3A_1402 = tpu.vector_load %arg5[%get3A_1401] {strides = array<i32>} : memref<16384xf32, #tpu.memory_space<vmem>>, vector<16xf32>,
      %get3A_1403 = vector.shape_cast %get3A_1402 : vector<16xf32> to vector<16xf32>
      %mul3A_1404 = arith.constant 6.553700e+04 : f32
      %mul3A_1405 = vector.broadcast %mul3A_1404 : f32 to vector<16xf32>
      %mul3A_1406 = arith.mulf %get3A_1403, %mul3A_1405 : vector<16xf32>
      %sub3A_1407 = arith.subf %mul3A_1406, %get3A_1403 : vector<16xf32>
      %sub3A_1408 = arith.subf %mul3A_1406, %sub3A_1407 : vector<16xf32>
      %add3A_1409 = arith.constant 1536 : i32
      %add3A_1410 = arith.addi %mul3A_63, %add3A_1409 : i32
      %add3A_1411 = arith.constant 16 : i32
      %add3A_1412 = arith.addi %add3A_1410, %add3A_1411 : i32
      %get3A_1413 = arith.index_cast %add3A_1412 : i32 to index
      %get3A_1414 = tpu.vector_load %arg5[%get3A_1413] {strides = array<i32>} : memref<16384xf32, #tpu.memory_space<vmem>>, vector<16xf32>,
      %get3A_1415 = vector.shape_cast %get3A_1414 : vector<16xf32> to vector<16xf32>
      %mul3A_1416 = arith.constant 6.553700e+04 : f32
      %mul3A_1417 = vector.broadcast %mul3A_1416 : f32 to vector<16xf32>
      %mul3A_1418 = arith.mulf %get3A_1415, %mul3A_1417 : vector<16xf32>
      %sub3A_1419 = arith.subf %mul3A_1418, %get3A_1415 : vector<16xf32>
      %sub3A_1420 = arith.subf %mul3A_1418, %sub3A_1419 : vector<16xf32>
      %add3A_1421 = arith.constant 1536 : i32
      %add3A_1422 = arith.addi %mul3A_63, %add3A_1421 : i32
      %add3A_1423 = arith.constant 32 : i32
      %add3A_1424 = arith.addi %add3A_1422, %add3A_1423 : i32
      %get3A_1425 = arith.index_cast %add3A_1424 : i32 to index
      %get3A_1426 = tpu.vector_load %arg5[%get3A_1425] {strides = array<i32>} : memref<16384xf32, #tpu.memory_space<vmem>>, vector<16xf32>,
      %get3A_1427 = vector.shape_cast %get3A_1426 : vector<16xf32> to vector<16xf32>
      %mul3A_1428 = arith.constant 6.553700e+04 : f32
      %mul3A_1429 = vector.broadcast %mul3A_1428 : f32 to vector<16xf32>
      %mul3A_1430 = arith.mulf %get3A_1427, %mul3A_1429 : vector<16xf32>
      %sub3A_1431 = arith.subf %mul3A_1430, %get3A_1427 : vector<16xf32>
      %sub3A_1432 = arith.subf %mul3A_1430, %sub3A_1431 : vector<16xf32>
      %add3A_1433 = arith.constant 1536 : i32
      %add3A_1434 = arith.addi %mul3A_63, %add3A_1433 : i32
      %add3A_1435 = arith.constant 48 : i32
      %add3A_1436 = arith.addi %add3A_1434, %add3A_1435 : i32
      %get3A_1437 = arith.index_cast %add3A_1436 : i32 to index
      %get3A_1438 = tpu.vector_load %arg5[%get3A_1437] {strides = array<i32>} : memref<16384xf32, #tpu.memory_space<vmem>>, vector<16xf32>,
      %get3A_1439 = vector.shape_cast %get3A_1438 : vector<16xf32> to vector<16xf32>
      %mul3A_1440 = arith.constant 6.553700e+04 : f32
      %mul3A_1441 = vector.broadcast %mul3A_1440 : f32 to vector<16xf32>
      %mul3A_1442 = arith.mulf %get3A_1439, %mul3A_1441 : vector<16xf32>
      %sub3A_1443 = arith.subf %mul3A_1442, %get3A_1439 : vector<16xf32>
      %sub3A_1444 = arith.subf %mul3A_1442, %sub3A_1443 : vector<16xf32>
      %add3A_1445 = arith.constant 1536 : i32
      %add3A_1446 = arith.addi %mul3A_63, %add3A_1445 : i32
      %add3A_1447 = arith.constant 64 : i32
      %add3A_1448 = arith.addi %add3A_1446, %add3A_1447 : i32
      %get3A_1449 = arith.index_cast %add3A_1448 : i32 to index
      %get3A_1450 = tpu.vector_load %arg5[%get3A_1449] {strides = array<i32>} : memref<16384xf32, #tpu.memory_space<vmem>>, vector<16xf32>,
      %get3A_1451 = vector.shape_cast %get3A_1450 : vector<16xf32> to vector<16xf32>
      %mul3A_1452 = arith.constant 6.553700e+04 : f32
      %mul3A_1453 = vector.broadcast %mul3A_1452 : f32 to vector<16xf32>
      %mul3A_1454 = arith.mulf %get3A_1451, %mul3A_1453 : vector<16xf32>
      %sub3A_1455 = arith.subf %mul3A_1454, %get3A_1451 : vector<16xf32>
      %sub3A_1456 = arith.subf %mul3A_1454, %sub3A_1455 : vector<16xf32>
      %add3A_1457 = arith.constant 1536 : i32
      %add3A_1458 = arith.addi %mul3A_63, %add3A_1457 : i32
      %add3A_1459 = arith.constant 80 : i32
      %add3A_1460 = arith.addi %add3A_1458, %add3A_1459 : i32
      %get3A_1461 = arith.index_cast %add3A_1460 : i32 to index
      %get3A_1462 = tpu.vector_load %arg5[%get3A_1461] {strides = array<i32>} : memref<16384xf32, #tpu.memory_space<vmem>>, vector<16xf32>,
      %get3A_1463 = vector.shape_cast %get3A_1462 : vector<16xf32> to vector<16xf32>
      %mul3A_1464 = arith.constant 6.553700e+04 : f32
      %mul3A_1465 = vector.broadcast %mul3A_1464 : f32 to vector<16xf32>
      %mul3A_1466 = arith.mulf %get3A_1463, %mul3A_1465 : vector<16xf32>
      %sub3A_1467 = arith.subf %mul3A_1466, %get3A_1463 : vector<16xf32>
      %sub3A_1468 = arith.subf %mul3A_1466, %sub3A_1467 : vector<16xf32>
      %add3A_1469 = arith.constant 1536 : i32
      %add3A_1470 = arith.addi %mul3A_63, %add3A_1469 : i32
      %add3A_1471 = arith.constant 96 : i32
      %add3A_1472 = arith.addi %add3A_1470, %add3A_1471 : i32
      %get3A_1473 = arith.index_cast %add3A_1472 : i32 to index
      %get3A_1474 = tpu.vector_load %arg5[%get3A_1473] {strides = array<i32>} : memref<16384xf32, #tpu.memory_space<vmem>>, vector<16xf32>,
      %get3A_1475 = vector.shape_cast %get3A_1474 : vector<16xf32> to vector<16xf32>
      %mul3A_1476 = arith.constant 6.553700e+04 : f32
      %mul3A_1477 = vector.broadcast %mul3A_1476 : f32 to vector<16xf32>
      %mul3A_1478 = arith.mulf %get3A_1475, %mul3A_1477 : vector<16xf32>
      %sub3A_1479 = arith.subf %mul3A_1478, %get3A_1475 : vector<16xf32>
      %sub3A_1480 = arith.subf %mul3A_1478, %sub3A_1479 : vector<16xf32>
      %add3A_1481 = arith.constant 1536 : i32
      %add3A_1482 = arith.addi %mul3A_63, %add3A_1481 : i32
      %add3A_1483 = arith.constant 112 : i32
      %add3A_1484 = arith.addi %add3A_1482, %add3A_1483 : i32
      %get3A_1485 = arith.index_cast %add3A_1484 : i32 to index
      %get3A_1486 = tpu.vector_load %arg5[%get3A_1485] {strides = array<i32>} : memref<16384xf32, #tpu.memory_space<vmem>>, vector<16xf32>,
      %get3A_1487 = vector.shape_cast %get3A_1486 : vector<16xf32> to vector<16xf32>
      %mul3A_1488 = arith.constant 6.553700e+04 : f32
      %mul3A_1489 = vector.broadcast %mul3A_1488 : f32 to vector<16xf32>
      %mul3A_1490 = arith.mulf %get3A_1487, %mul3A_1489 : vector<16xf32>
      %sub3A_1491 = arith.subf %mul3A_1490, %get3A_1487 : vector<16xf32>
      %sub3A_1492 = arith.subf %mul3A_1490, %sub3A_1491 : vector<16xf32>
      %add3A_1493 = arith.constant 1664 : i32
      %add3A_1494 = arith.addi %mul3A_63, %add3A_1493 : i32
      %add3A_1495 = arith.constant 0 : i32
      %add3A_1496 = arith.addi %add3A_1494, %add3A_1495 : i32
      %get3A_1497 = arith.index_cast %add3A_1496 : i32 to index
      %get3A_1498 = tpu.vector_load %arg5[%get3A_1497] {strides = array<i32>} : memref<16384xf32, #tpu.memory_space<vmem>>, vector<16xf32>,
      %get3A_1499 = vector.shape_cast %get3A_1498 : vector<16xf32> to vector<16xf32>
      %mul3A_1500 = arith.constant 6.553700e+04 : f32
      %mul3A_1501 = vector.broadcast %mul3A_1500 : f32 to vector<16xf32>
      %mul3A_1502 = arith.mulf %get3A_1499, %mul3A_1501 : vector<16xf32>
      %sub3A_1503 = arith.subf %mul3A_1502, %get3A_1499 : vector<16xf32>
      %sub3A_1504 = arith.subf %mul3A_1502, %sub3A_1503 : vector<16xf32>
      %add3A_1505 = arith.constant 1664 : i32
      %add3A_1506 = arith.addi %mul3A_63, %add3A_1505 : i32
      %add3A_1507 = arith.constant 16 : i32
      %add3A_1508 = arith.addi %add3A_1506, %add3A_1507 : i32
      %get3A_1509 = arith.index_cast %add3A_1508 : i32 to index
      %get3A_1510 = tpu.vector_load %arg5[%get3A_1509] {strides = array<i32>} : memref<16384xf32, #tpu.memory_space<vmem>>, vector<16xf32>,
      %get3A_1511 = vector.shape_cast %get3A_1510 : vector<16xf32> to vector<16xf32>
      %mul3A_1512 = arith.constant 6.553700e+04 : f32
      %mul3A_1513 = vector.broadcast %mul3A_1512 : f32 to vector<16xf32>
      %mul3A_1514 = arith.mulf %get3A_1511, %mul3A_1513 : vector<16xf32>
      %sub3A_1515 = arith.subf %mul3A_1514, %get3A_1511 : vector<16xf32>
      %sub3A_1516 = arith.subf %mul3A_1514, %sub3A_1515 : vector<16xf32>
      %add3A_1517 = arith.constant 1664 : i32
      %add3A_1518 = arith.addi %mul3A_63, %add3A_1517 : i32
      %add3A_1519 = arith.constant 32 : i32
      %add3A_1520 = arith.addi %add3A_1518, %add3A_1519 : i32
      %get3A_1521 = arith.index_cast %add3A_1520 : i32 to index
      %get3A_1522 = tpu.vector_load %arg5[%get3A_1521] {strides = array<i32>} : memref<16384xf32, #tpu.memory_space<vmem>>, vector<16xf32>,
      %get3A_1523 = vector.shape_cast %get3A_1522 : vector<16xf32> to vector<16xf32>
      %mul3A_1524 = arith.constant 6.553700e+04 : f32
      %mul3A_1525 = vector.broadcast %mul3A_1524 : f32 to vector<16xf32>
      %mul3A_1526 = arith.mulf %get3A_1523, %mul3A_1525 : vector<16xf32>
      %sub3A_1527 = arith.subf %mul3A_1526, %get3A_1523 : vector<16xf32>
      %sub3A_1528 = arith.subf %mul3A_1526, %sub3A_1527 : vector<16xf32>
      %add3A_1529 = arith.constant 1664 : i32
      %add3A_1530 = arith.addi %mul3A_63, %add3A_1529 : i32
      %add3A_1531 = arith.constant 48 : i32
      %add3A_1532 = arith.addi %add3A_1530, %add3A_1531 : i32
      %get3A_1533 = arith.index_cast %add3A_1532 : i32 to index
      %get3A_1534 = tpu.vector_load %arg5[%get3A_1533] {strides = array<i32>} : memref<16384xf32, #tpu.memory_space<vmem>>, vector<16xf32>,
      %get3A_1535 = vector.shape_cast %get3A_1534 : vector<16xf32> to vector<16xf32>
      %mul3A_1536 = arith.constant 6.553700e+04 : f32
      %mul3A_1537 = vector.broadcast %mul3A_1536 : f32 to vector<16xf32>
      %mul3A_1538 = arith.mulf %get3A_1535, %mul3A_1537 : vector<16xf32>
      %sub3A_1539 = arith.subf %mul3A_1538, %get3A_1535 : vector<16xf32>
      %sub3A_1540 = arith.subf %mul3A_1538, %sub3A_1539 : vector<16xf32>
      %add3A_1541 = arith.constant 1664 : i32
      %add3A_1542 = arith.addi %mul3A_63, %add3A_1541 : i32
      %add3A_1543 = arith.constant 64 : i32
      %add3A_1544 = arith.addi %add3A_1542, %add3A_1543 : i32
      %get3A_1545 = arith.index_cast %add3A_1544 : i32 to index
      %get3A_1546 = tpu.vector_load %arg5[%get3A_1545] {strides = array<i32>} : memref<16384xf32, #tpu.memory_space<vmem>>, vector<16xf32>,
      %get3A_1547 = vector.shape_cast %get3A_1546 : vector<16xf32> to vector<16xf32>
      %mul3A_1548 = arith.constant 6.553700e+04 : f32
      %mul3A_1549 = vector.broadcast %mul3A_1548 : f32 to vector<16xf32>
      %mul3A_1550 = arith.mulf %get3A_1547, %mul3A_1549 : vector<16xf32>
      %sub3A_1551 = arith.subf %mul3A_1550, %get3A_1547 : vector<16xf32>
      %sub3A_1552 = arith.subf %mul3A_1550, %sub3A_1551 : vector<16xf32>
      %add3A_1553 = arith.constant 1664 : i32
      %add3A_1554 = arith.addi %mul3A_63, %add3A_1553 : i32
      %add3A_1555 = arith.constant 80 : i32
      %add3A_1556 = arith.addi %add3A_1554, %add3A_1555 : i32
      %get3A_1557 = arith.index_cast %add3A_1556 : i32 to index
      %get3A_1558 = tpu.vector_load %arg5[%get3A_1557] {strides = array<i32>} : memref<16384xf32, #tpu.memory_space<vmem>>, vector<16xf32>,
      %get3A_1559 = vector.shape_cast %get3A_1558 : vector<16xf32> to vector<16xf32>
      %mul3A_1560 = arith.constant 6.553700e+04 : f32
      %mul3A_1561 = vector.broadcast %mul3A_1560 : f32 to vector<16xf32>
      %mul3A_1562 = arith.mulf %get3A_1559, %mul3A_1561 : vector<16xf32>
      %sub3A_1563 = arith.subf %mul3A_1562, %get3A_1559 : vector<16xf32>
      %sub3A_1564 = arith.subf %mul3A_1562, %sub3A_1563 : vector<16xf32>
      %add3A_1565 = arith.constant 1664 : i32
      %add3A_1566 = arith.addi %mul3A_63, %add3A_1565 : i32
      %add3A_1567 = arith.constant 96 : i32
      %add3A_1568 = arith.addi %add3A_1566, %add3A_1567 : i32
      %get3A_1569 = arith.index_cast %add3A_1568 : i32 to index
      %get3A_1570 = tpu.vector_load %arg5[%get3A_1569] {strides = array<i32>} : memref<16384xf32, #tpu.memory_space<vmem>>, vector<16xf32>,
      %get3A_1571 = vector.shape_cast %get3A_1570 : vector<16xf32> to vector<16xf32>
      %mul3A_1572 = arith.constant 6.553700e+04 : f32
      %mul3A_1573 = vector.broadcast %mul3A_1572 : f32 to vector<16xf32>
      %mul3A_1574 = arith.mulf %get3A_1571, %mul3A_1573 : vector<16xf32>
      %sub3A_1575 = arith.subf %mul3A_1574, %get3A_1571 : vector<16xf32>
      %sub3A_1576 = arith.subf %mul3A_1574, %sub3A_1575 : vector<16xf32>
      %add3A_1577 = arith.constant 1664 : i32
      %add3A_1578 = arith.addi %mul3A_63, %add3A_1577 : i32
      %add3A_1579 = arith.constant 112 : i32
      %add3A_1580 = arith.addi %add3A_1578, %add3A_1579 : i32
      %get3A_1581 = arith.index_cast %add3A_1580 : i32 to index
      %get3A_1582 = tpu.vector_load %arg5[%get3A_1581] {strides = array<i32>} : memref<16384xf32, #tpu.memory_space<vmem>>, vector<16xf32>,
      %get3A_1583 = vector.shape_cast %get3A_1582 : vector<16xf32> to vector<16xf32>
      %mul3A_1584 = arith.constant 6.553700e+04 : f32
      %mul3A_1585 = vector.broadcast %mul3A_1584 : f32 to vector<16xf32>
      %mul3A_1586 = arith.mulf %get3A_1583, %mul3A_1585 : vector<16xf32>
      %sub3A_1587 = arith.subf %mul3A_1586, %get3A_1583 : vector<16xf32>
      %sub3A_1588 = arith.subf %mul3A_1586, %sub3A_1587 : vector<16xf32>
      %add3A_1589 = arith.addf %sub3A_1408, %sub3A_1420 : vector<16xf32>
      %add3A_1590 = arith.addf %sub3A_1432, %sub3A_1444 : vector<16xf32>
      %add3A_1591 = arith.addf %add3A_1589, %add3A_1590 : vector<16xf32>
      %add3A_1592 = arith.addf %sub3A_1456, %sub3A_1468 : vector<16xf32>
      %add3A_1593 = arith.addf %sub3A_1480, %sub3A_1492 : vector<16xf32>
      %add3A_1594 = arith.addf %add3A_1592, %add3A_1593 : vector<16xf32>
      %add3A_1595 = arith.addf %add3A_1591, %add3A_1594 : vector<16xf32>
      %add3A_1596 = arith.addf %sub3A_1504, %sub3A_1516 : vector<16xf32>
      %add3A_1597 = arith.addf %sub3A_1528, %sub3A_1540 : vector<16xf32>
      %add3A_1598 = arith.addf %add3A_1596, %add3A_1597 : vector<16xf32>
      %add3A_1599 = arith.addf %sub3A_1552, %sub3A_1564 : vector<16xf32>
      %add3A_1600 = arith.addf %sub3A_1576, %sub3A_1588 : vector<16xf32>
      %add3A_1601 = arith.addf %add3A_1599, %add3A_1600 : vector<16xf32>
      %add3A_1602 = arith.addf %add3A_1598, %add3A_1601 : vector<16xf32>
      %add3A_1603 = arith.constant 2048 : i32
      %add3A_1604 = arith.addi %add3A_1603, %mul3A_67 : i32
      %add3A_1605 = arith.constant 64 : i32
      %add3A_1606 = arith.addi %add3A_1604, %add3A_1605 : i32
      %swap3A_1607 = arith.index_cast %add3A_1606 : i32 to index
      %swap3A_1608 = tpu.vector_load %arg8[%swap3A_1607] {strides = array<i32>} : memref<4096xf32, #tpu.memory_space<vmem>>, vector<16xf32>,
      %swap3A_1609 = vector.shape_cast %swap3A_1608 : vector<16xf32> to vector<16xf32>
      %swap3A_1610 = vector.shape_cast %add3A_1595 : vector<16xf32> to vector<16xf32>
      tpu.vector_store %arg8[%swap3A_1607], %swap3A_1610 {strides = array<i32>} : memref<4096xf32, #tpu.memory_space<vmem>>, vector<16xf32>,
      %add3A_1611 = arith.constant 2048 : i32
      %add3A_1612 = arith.addi %add3A_1611, %mul3A_67 : i32
      %add3A_1613 = arith.constant 80 : i32
      %add3A_1614 = arith.addi %add3A_1612, %add3A_1613 : i32
      %swap3A_1615 = arith.index_cast %add3A_1614 : i32 to index
      %swap3A_1616 = tpu.vector_load %arg8[%swap3A_1615] {strides = array<i32>} : memref<4096xf32, #tpu.memory_space<vmem>>, vector<16xf32>,
      %swap3A_1617 = vector.shape_cast %swap3A_1616 : vector<16xf32> to vector<16xf32>
      %swap3A_1618 = vector.shape_cast %add3A_1602 : vector<16xf32> to vector<16xf32>
      tpu.vector_store %arg8[%swap3A_1615], %swap3A_1618 {strides = array<i32>} : memref<4096xf32, #tpu.memory_space<vmem>>, vector<16xf32>,
      %add3A_1619 = arith.constant 1792 : i32
      %add3A_1620 = arith.addi %mul3A_63, %add3A_1619 : i32
      %add3A_1621 = arith.constant 0 : i32
      %add3A_1622 = arith.addi %add3A_1620, %add3A_1621 : i32
      %get3A_1623 = arith.index_cast %add3A_1622 : i32 to index
      %get3A_1624 = tpu.vector_load %arg5[%get3A_1623] {strides = array<i32>} : memref<16384xf32, #tpu.memory_space<vmem>>, vector<16xf32>,
      %get3A_1625 = vector.shape_cast %get3A_1624 : vector<16xf32> to vector<16xf32>
      %mul3A_1626 = arith.constant 6.553700e+04 : f32
      %mul3A_1627 = vector.broadcast %mul3A_1626 : f32 to vector<16xf32>
      %mul3A_1628 = arith.mulf %get3A_1625, %mul3A_1627 : vector<16xf32>
      %sub3A_1629 = arith.subf %mul3A_1628, %get3A_1625 : vector<16xf32>
      %sub3A_1630 = arith.subf %mul3A_1628, %sub3A_1629 : vector<16xf32>
      %add3A_1631 = arith.constant 1792 : i32
      %add3A_1632 = arith.addi %mul3A_63, %add3A_1631 : i32
      %add3A_1633 = arith.constant 16 : i32
      %add3A_1634 = arith.addi %add3A_1632, %add3A_1633 : i32
      %get3A_1635 = arith.index_cast %add3A_1634 : i32 to index
      %get3A_1636 = tpu.vector_load %arg5[%get3A_1635] {strides = array<i32>} : memref<16384xf32, #tpu.memory_space<vmem>>, vector<16xf32>,
      %get3A_1637 = vector.shape_cast %get3A_1636 : vector<16xf32> to vector<16xf32>
      %mul3A_1638 = arith.constant 6.553700e+04 : f32
      %mul3A_1639 = vector.broadcast %mul3A_1638 : f32 to vector<16xf32>
      %mul3A_1640 = arith.mulf %get3A_1637, %mul3A_1639 : vector<16xf32>
      %sub3A_1641 = arith.subf %mul3A_1640, %get3A_1637 : vector<16xf32>
      %sub3A_1642 = arith.subf %mul3A_1640, %sub3A_1641 : vector<16xf32>
      %add3A_1643 = arith.constant 1792 : i32
      %add3A_1644 = arith.addi %mul3A_63, %add3A_1643 : i32
      %add3A_1645 = arith.constant 32 : i32
      %add3A_1646 = arith.addi %add3A_1644, %add3A_1645 : i32
      %get3A_1647 = arith.index_cast %add3A_1646 : i32 to index
      %get3A_1648 = tpu.vector_load %arg5[%get3A_1647] {strides = array<i32>} : memref<16384xf32, #tpu.memory_space<vmem>>, vector<16xf32>,
      %get3A_1649 = vector.shape_cast %get3A_1648 : vector<16xf32> to vector<16xf32>
      %mul3A_1650 = arith.constant 6.553700e+04 : f32
      %mul3A_1651 = vector.broadcast %mul3A_1650 : f32 to vector<16xf32>
      %mul3A_1652 = arith.mulf %get3A_1649, %mul3A_1651 : vector<16xf32>
      %sub3A_1653 = arith.subf %mul3A_1652, %get3A_1649 : vector<16xf32>
      %sub3A_1654 = arith.subf %mul3A_1652, %sub3A_1653 : vector<16xf32>
      %add3A_1655 = arith.constant 1792 : i32
      %add3A_1656 = arith.addi %mul3A_63, %add3A_1655 : i32
      %add3A_1657 = arith.constant 48 : i32
      %add3A_1658 = arith.addi %add3A_1656, %add3A_1657 : i32
      %get3A_1659 = arith.index_cast %add3A_1658 : i32 to index
      %get3A_1660 = tpu.vector_load %arg5[%get3A_1659] {strides = array<i32>} : memref<16384xf32, #tpu.memory_space<vmem>>, vector<16xf32>,
      %get3A_1661 = vector.shape_cast %get3A_1660 : vector<16xf32> to vector<16xf32>
      %mul3A_1662 = arith.constant 6.553700e+04 : f32
      %mul3A_1663 = vector.broadcast %mul3A_1662 : f32 to vector<16xf32>
      %mul3A_1664 = arith.mulf %get3A_1661, %mul3A_1663 : vector<16xf32>
      %sub3A_1665 = arith.subf %mul3A_1664, %get3A_1661 : vector<16xf32>
      %sub3A_1666 = arith.subf %mul3A_1664, %sub3A_1665 : vector<16xf32>
      %add3A_1667 = arith.constant 1792 : i32
      %add3A_1668 = arith.addi %mul3A_63, %add3A_1667 : i32
      %add3A_1669 = arith.constant 64 : i32
      %add3A_1670 = arith.addi %add3A_1668, %add3A_1669 : i32
      %get3A_1671 = arith.index_cast %add3A_1670 : i32 to index
      %get3A_1672 = tpu.vector_load %arg5[%get3A_1671] {strides = array<i32>} : memref<16384xf32, #tpu.memory_space<vmem>>, vector<16xf32>,
      %get3A_1673 = vector.shape_cast %get3A_1672 : vector<16xf32> to vector<16xf32>
      %mul3A_1674 = arith.constant 6.553700e+04 : f32
      %mul3A_1675 = vector.broadcast %mul3A_1674 : f32 to vector<16xf32>
      %mul3A_1676 = arith.mulf %get3A_1673, %mul3A_1675 : vector<16xf32>
      %sub3A_1677 = arith.subf %mul3A_1676, %get3A_1673 : vector<16xf32>
      %sub3A_1678 = arith.subf %mul3A_1676, %sub3A_1677 : vector<16xf32>
      %add3A_1679 = arith.constant 1792 : i32
      %add3A_1680 = arith.addi %mul3A_63, %add3A_1679 : i32
      %add3A_1681 = arith.constant 80 : i32
      %add3A_1682 = arith.addi %add3A_1680, %add3A_1681 : i32
      %get3A_1683 = arith.index_cast %add3A_1682 : i32 to index
      %get3A_1684 = tpu.vector_load %arg5[%get3A_1683] {strides = array<i32>} : memref<16384xf32, #tpu.memory_space<vmem>>, vector<16xf32>,
      %get3A_1685 = vector.shape_cast %get3A_1684 : vector<16xf32> to vector<16xf32>
      %mul3A_1686 = arith.constant 6.553700e+04 : f32
      %mul3A_1687 = vector.broadcast %mul3A_1686 : f32 to vector<16xf32>
      %mul3A_1688 = arith.mulf %get3A_1685, %mul3A_1687 : vector<16xf32>
      %sub3A_1689 = arith.subf %mul3A_1688, %get3A_1685 : vector<16xf32>
      %sub3A_1690 = arith.subf %mul3A_1688, %sub3A_1689 : vector<16xf32>
      %add3A_1691 = arith.constant 1792 : i32
      %add3A_1692 = arith.addi %mul3A_63, %add3A_1691 : i32
      %add3A_1693 = arith.constant 96 : i32
      %add3A_1694 = arith.addi %add3A_1692, %add3A_1693 : i32
      %get3A_1695 = arith.index_cast %add3A_1694 : i32 to index
      %get3A_1696 = tpu.vector_load %arg5[%get3A_1695] {strides = array<i32>} : memref<16384xf32, #tpu.memory_space<vmem>>, vector<16xf32>,
      %get3A_1697 = vector.shape_cast %get3A_1696 : vector<16xf32> to vector<16xf32>
      %mul3A_1698 = arith.constant 6.553700e+04 : f32
      %mul3A_1699 = vector.broadcast %mul3A_1698 : f32 to vector<16xf32>
      %mul3A_1700 = arith.mulf %get3A_1697, %mul3A_1699 : vector<16xf32>
      %sub3A_1701 = arith.subf %mul3A_1700, %get3A_1697 : vector<16xf32>
      %sub3A_1702 = arith.subf %mul3A_1700, %sub3A_1701 : vector<16xf32>
      %add3A_1703 = arith.constant 1792 : i32
      %add3A_1704 = arith.addi %mul3A_63, %add3A_1703 : i32
      %add3A_1705 = arith.constant 112 : i32
      %add3A_1706 = arith.addi %add3A_1704, %add3A_1705 : i32
      %get3A_1707 = arith.index_cast %add3A_1706 : i32 to index
      %get3A_1708 = tpu.vector_load %arg5[%get3A_1707] {strides = array<i32>} : memref<16384xf32, #tpu.memory_space<vmem>>, vector<16xf32>,
      %get3A_1709 = vector.shape_cast %get3A_1708 : vector<16xf32> to vector<16xf32>
      %mul3A_1710 = arith.constant 6.553700e+04 : f32
      %mul3A_1711 = vector.broadcast %mul3A_1710 : f32 to vector<16xf32>
      %mul3A_1712 = arith.mulf %get3A_1709, %mul3A_1711 : vector<16xf32>
      %sub3A_1713 = arith.subf %mul3A_1712, %get3A_1709 : vector<16xf32>
      %sub3A_1714 = arith.subf %mul3A_1712, %sub3A_1713 : vector<16xf32>
      %add3A_1715 = arith.constant 1920 : i32
      %add3A_1716 = arith.addi %mul3A_63, %add3A_1715 : i32
      %add3A_1717 = arith.constant 0 : i32
      %add3A_1718 = arith.addi %add3A_1716, %add3A_1717 : i32
      %get3A_1719 = arith.index_cast %add3A_1718 : i32 to index
      %get3A_1720 = tpu.vector_load %arg5[%get3A_1719] {strides = array<i32>} : memref<16384xf32, #tpu.memory_space<vmem>>, vector<16xf32>,
      %get3A_1721 = vector.shape_cast %get3A_1720 : vector<16xf32> to vector<16xf32>
      %mul3A_1722 = arith.constant 6.553700e+04 : f32
      %mul3A_1723 = vector.broadcast %mul3A_1722 : f32 to vector<16xf32>
      %mul3A_1724 = arith.mulf %get3A_1721, %mul3A_1723 : vector<16xf32>
      %sub3A_1725 = arith.subf %mul3A_1724, %get3A_1721 : vector<16xf32>
      %sub3A_1726 = arith.subf %mul3A_1724, %sub3A_1725 : vector<16xf32>
      %add3A_1727 = arith.constant 1920 : i32
      %add3A_1728 = arith.addi %mul3A_63, %add3A_1727 : i32
      %add3A_1729 = arith.constant 16 : i32
      %add3A_1730 = arith.addi %add3A_1728, %add3A_1729 : i32
      %get3A_1731 = arith.index_cast %add3A_1730 : i32 to index
      %get3A_1732 = tpu.vector_load %arg5[%get3A_1731] {strides = array<i32>} : memref<16384xf32, #tpu.memory_space<vmem>>, vector<16xf32>,
      %get3A_1733 = vector.shape_cast %get3A_1732 : vector<16xf32> to vector<16xf32>
      %mul3A_1734 = arith.constant 6.553700e+04 : f32
      %mul3A_1735 = vector.broadcast %mul3A_1734 : f32 to vector<16xf32>
      %mul3A_1736 = arith.mulf %get3A_1733, %mul3A_1735 : vector<16xf32>
      %sub3A_1737 = arith.subf %mul3A_1736, %get3A_1733 : vector<16xf32>
      %sub3A_1738 = arith.subf %mul3A_1736, %sub3A_1737 : vector<16xf32>
      %add3A_1739 = arith.constant 1920 : i32
      %add3A_1740 = arith.addi %mul3A_63, %add3A_1739 : i32
      %add3A_1741 = arith.constant 32 : i32
      %add3A_1742 = arith.addi %add3A_1740, %add3A_1741 : i32
      %get3A_1743 = arith.index_cast %add3A_1742 : i32 to index
      %get3A_1744 = tpu.vector_load %arg5[%get3A_1743] {strides = array<i32>} : memref<16384xf32, #tpu.memory_space<vmem>>, vector<16xf32>,
      %get3A_1745 = vector.shape_cast %get3A_1744 : vector<16xf32> to vector<16xf32>
      %mul3A_1746 = arith.constant 6.553700e+04 : f32
      %mul3A_1747 = vector.broadcast %mul3A_1746 : f32 to vector<16xf32>
      %mul3A_1748 = arith.mulf %get3A_1745, %mul3A_1747 : vector<16xf32>
      %sub3A_1749 = arith.subf %mul3A_1748, %get3A_1745 : vector<16xf32>
      %sub3A_1750 = arith.subf %mul3A_1748, %sub3A_1749 : vector<16xf32>
      %add3A_1751 = arith.constant 1920 : i32
      %add3A_1752 = arith.addi %mul3A_63, %add3A_1751 : i32
      %add3A_1753 = arith.constant 48 : i32
      %add3A_1754 = arith.addi %add3A_1752, %add3A_1753 : i32
      %get3A_1755 = arith.index_cast %add3A_1754 : i32 to index
      %get3A_1756 = tpu.vector_load %arg5[%get3A_1755] {strides = array<i32>} : memref<16384xf32, #tpu.memory_space<vmem>>, vector<16xf32>,
      %get3A_1757 = vector.shape_cast %get3A_1756 : vector<16xf32> to vector<16xf32>
      %mul3A_1758 = arith.constant 6.553700e+04 : f32
      %mul3A_1759 = vector.broadcast %mul3A_1758 : f32 to vector<16xf32>
      %mul3A_1760 = arith.mulf %get3A_1757, %mul3A_1759 : vector<16xf32>
      %sub3A_1761 = arith.subf %mul3A_1760, %get3A_1757 : vector<16xf32>
      %sub3A_1762 = arith.subf %mul3A_1760, %sub3A_1761 : vector<16xf32>
      %add3A_1763 = arith.constant 1920 : i32
      %add3A_1764 = arith.addi %mul3A_63, %add3A_1763 : i32
      %add3A_1765 = arith.constant 64 : i32
      %add3A_1766 = arith.addi %add3A_1764, %add3A_1765 : i32
      %get3A_1767 = arith.index_cast %add3A_1766 : i32 to index
      %get3A_1768 = tpu.vector_load %arg5[%get3A_1767] {strides = array<i32>} : memref<16384xf32, #tpu.memory_space<vmem>>, vector<16xf32>,
      %get3A_1769 = vector.shape_cast %get3A_1768 : vector<16xf32> to vector<16xf32>
      %mul3A_1770 = arith.constant 6.553700e+04 : f32
      %mul3A_1771 = vector.broadcast %mul3A_1770 : f32 to vector<16xf32>
      %mul3A_1772 = arith.mulf %get3A_1769, %mul3A_1771 : vector<16xf32>
      %sub3A_1773 = arith.subf %mul3A_1772, %get3A_1769 : vector<16xf32>
      %sub3A_1774 = arith.subf %mul3A_1772, %sub3A_1773 : vector<16xf32>
      %add3A_1775 = arith.constant 1920 : i32
      %add3A_1776 = arith.addi %mul3A_63, %add3A_1775 : i32
      %add3A_1777 = arith.constant 80 : i32
      %add3A_1778 = arith.addi %add3A_1776, %add3A_1777 : i32
      %get3A_1779 = arith.index_cast %add3A_1778 : i32 to index
      %get3A_1780 = tpu.vector_load %arg5[%get3A_1779] {strides = array<i32>} : memref<16384xf32, #tpu.memory_space<vmem>>, vector<16xf32>,
      %get3A_1781 = vector.shape_cast %get3A_1780 : vector<16xf32> to vector<16xf32>
      %mul3A_1782 = arith.constant 6.553700e+04 : f32
      %mul3A_1783 = vector.broadcast %mul3A_1782 : f32 to vector<16xf32>
      %mul3A_1784 = arith.mulf %get3A_1781, %mul3A_1783 : vector<16xf32>
      %sub3A_1785 = arith.subf %mul3A_1784, %get3A_1781 : vector<16xf32>
      %sub3A_1786 = arith.subf %mul3A_1784, %sub3A_1785 : vector<16xf32>
      %add3A_1787 = arith.constant 1920 : i32
      %add3A_1788 = arith.addi %mul3A_63, %add3A_1787 : i32
      %add3A_1789 = arith.constant 96 : i32
      %add3A_1790 = arith.addi %add3A_1788, %add3A_1789 : i32
      %get3A_1791 = arith.index_cast %add3A_1790 : i32 to index
      %get3A_1792 = tpu.vector_load %arg5[%get3A_1791] {strides = array<i32>} : memref<16384xf32, #tpu.memory_space<vmem>>, vector<16xf32>,
      %get3A_1793 = vector.shape_cast %get3A_1792 : vector<16xf32> to vector<16xf32>
      %mul3A_1794 = arith.constant 6.553700e+04 : f32
      %mul3A_1795 = vector.broadcast %mul3A_1794 : f32 to vector<16xf32>
      %mul3A_1796 = arith.mulf %get3A_1793, %mul3A_1795 : vector<16xf32>
      %sub3A_1797 = arith.subf %mul3A_1796, %get3A_1793 : vector<16xf32>
      %sub3A_1798 = arith.subf %mul3A_1796, %sub3A_1797 : vector<16xf32>
      %add3A_1799 = arith.constant 1920 : i32
      %add3A_1800 = arith.addi %mul3A_63, %add3A_1799 : i32
      %add3A_1801 = arith.constant 112 : i32
      %add3A_1802 = arith.addi %add3A_1800, %add3A_1801 : i32
      %get3A_1803 = arith.index_cast %add3A_1802 : i32 to index
      %get3A_1804 = tpu.vector_load %arg5[%get3A_1803] {strides = array<i32>} : memref<16384xf32, #tpu.memory_space<vmem>>, vector<16xf32>,
      %get3A_1805 = vector.shape_cast %get3A_1804 : vector<16xf32> to vector<16xf32>
      %mul3A_1806 = arith.constant 6.553700e+04 : f32
      %mul3A_1807 = vector.broadcast %mul3A_1806 : f32 to vector<16xf32>
      %mul3A_1808 = arith.mulf %get3A_1805, %mul3A_1807 : vector<16xf32>
      %sub3A_1809 = arith.subf %mul3A_1808, %get3A_1805 : vector<16xf32>
      %sub3A_1810 = arith.subf %mul3A_1808, %sub3A_1809 : vector<16xf32>
      %add3A_1811 = arith.addf %sub3A_1630, %sub3A_1642 : vector<16xf32>
      %add3A_1812 = arith.addf %sub3A_1654, %sub3A_1666 : vector<16xf32>
      %add3A_1813 = arith.addf %add3A_1811, %add3A_1812 : vector<16xf32>
      %add3A_1814 = arith.addf %sub3A_1678, %sub3A_1690 : vector<16xf32>
      %add3A_1815 = arith.addf %sub3A_1702, %sub3A_1714 : vector<16xf32>
      %add3A_1816 = arith.addf %add3A_1814, %add3A_1815 : vector<16xf32>
      %add3A_1817 = arith.addf %add3A_1813, %add3A_1816 : vector<16xf32>
      %add3A_1818 = arith.addf %sub3A_1726, %sub3A_1738 : vector<16xf32>
      %add3A_1819 = arith.addf %sub3A_1750, %sub3A_1762 : vector<16xf32>
      %add3A_1820 = arith.addf %add3A_1818, %add3A_1819 : vector<16xf32>
      %add3A_1821 = arith.addf %sub3A_1774, %sub3A_1786 : vector<16xf32>
      %add3A_1822 = arith.addf %sub3A_1798, %sub3A_1810 : vector<16xf32>
      %add3A_1823 = arith.addf %add3A_1821, %add3A_1822 : vector<16xf32>
      %add3A_1824 = arith.addf %add3A_1820, %add3A_1823 : vector<16xf32>
      %add3A_1825 = arith.constant 2048 : i32
      %add3A_1826 = arith.addi %add3A_1825, %mul3A_67 : i32
      %add3A_1827 = arith.constant 96 : i32
      %add3A_1828 = arith.addi %add3A_1826, %add3A_1827 : i32
      %swap3A_1829 = arith.index_cast %add3A_1828 : i32 to index
      %swap3A_1830 = tpu.vector_load %arg8[%swap3A_1829] {strides = array<i32>} : memref<4096xf32, #tpu.memory_space<vmem>>, vector<16xf32>,
      %swap3A_1831 = vector.shape_cast %swap3A_1830 : vector<16xf32> to vector<16xf32>
      %swap3A_1832 = vector.shape_cast %add3A_1817 : vector<16xf32> to vector<16xf32>
      tpu.vector_store %arg8[%swap3A_1829], %swap3A_1832 {strides = array<i32>} : memref<4096xf32, #tpu.memory_space<vmem>>, vector<16xf32>,
      %add3A_1833 = arith.constant 2048 : i32
      %add3A_1834 = arith.addi %add3A_1833, %mul3A_67 : i32
      %add3A_1835 = arith.constant 112 : i32
      %add3A_1836 = arith.addi %add3A_1834, %add3A_1835 : i32
      %swap3A_1837 = arith.index_cast %add3A_1836 : i32 to index
      %swap3A_1838 = tpu.vector_load %arg8[%swap3A_1837] {strides = array<i32>} : memref<4096xf32, #tpu.memory_space<vmem>>, vector<16xf32>,
      %swap3A_1839 = vector.shape_cast %swap3A_1838 : vector<16xf32> to vector<16xf32>
      %swap3A_1840 = vector.shape_cast %add3A_1824 : vector<16xf32> to vector<16xf32>
      tpu.vector_store %arg8[%swap3A_1837], %swap3A_1840 {strides = array<i32>} : memref<4096xf32, #tpu.memory_space<vmem>>, vector<16xf32>,
      %scan3A_1841 = arith.constant 0 : i32
      scf.yield %scan3A_1841 : i32
    }
    %scan3A_29 = arith.constant 8 : i32
    %mul3A_30 = arith.constant 128 : i32
    %mul3A_31 = arith.muli %mul3A_2, %mul3A_30 : i32
    %dma_start3A_32 = arith.constant 0 : i32
    %dma_start3A_33 = tpu.memref_slice %arg8[%dma_start3A_32] : memref<4096xf32, #tpu.memory_space<vmem>> -> memref<2048xf32, #tpu.memory_space<vmem>>
    %dma_start3A_34 = tpu.memref_slice %arg3[%mul3A_31] : memref<131072xf32, #tpu.memory_space<hbm>> -> memref<2048xf32, #tpu.memory_space<hbm>>
    %dma_start3A_35 = tpu.memref_slice %arg3[%mul3A_31] : memref<131072xf32, #tpu.memory_space<hbm>> -> memref<2048xf32, #tpu.memory_space<hbm>>
    %dma_start3A_36 = arith.constant 0 : i32
    %dma_start3A_37 = tpu.memref_slice %arg8[%dma_start3A_36] : memref<4096xf32, #tpu.memory_space<vmem>> -> memref<2048xf32, #tpu.memory_space<vmem>>
    tpu.enqueue_dma source(%dma_start3A_37 : memref<2048xf32, #tpu.memory_space<vmem>>) target(%dma_start3A_35 : memref<2048xf32, #tpu.memory_space<hbm>>) target_semaphore(%arg13 : memref<!tpu.dma_semaphore, #tpu.memory_space<semaphore_mem>>)
    %add3A_38 = arith.constant 512 : i32
    %add3A_39 = arith.addi %add3A_38, %mul3A_2 : i32
    %mul3A_40 = arith.constant 128 : i32
    %mul3A_41 = arith.muli %add3A_39, %mul3A_40 : i32
    %dma_start3A_42 = arith.constant 2048 : i32
    %dma_start3A_43 = tpu.memref_slice %arg8[%dma_start3A_42] : memref<4096xf32, #tpu.memory_space<vmem>> -> memref<2048xf32, #tpu.memory_space<vmem>>
    %dma_start3A_44 = tpu.memref_slice %arg3[%mul3A_41] : memref<131072xf32, #tpu.memory_space<hbm>> -> memref<2048xf32, #tpu.memory_space<hbm>>
    %dma_start3A_45 = tpu.memref_slice %arg3[%mul3A_41] : memref<131072xf32, #tpu.memory_space<hbm>> -> memref<2048xf32, #tpu.memory_space<hbm>>
    %dma_start3A_46 = arith.constant 2048 : i32
    %dma_start3A_47 = tpu.memref_slice %arg8[%dma_start3A_46] : memref<4096xf32, #tpu.memory_space<vmem>> -> memref<2048xf32, #tpu.memory_space<vmem>>
    tpu.enqueue_dma source(%dma_start3A_47 : memref<2048xf32, #tpu.memory_space<vmem>>) target(%dma_start3A_45 : memref<2048xf32, #tpu.memory_space<hbm>>) target_semaphore(%arg13 : memref<!tpu.dma_semaphore, #tpu.memory_space<semaphore_mem>>)
    %dma_wait3A_48 = arith.constant 0 : i32
    %dma_wait3A_49 = tpu.memref_slice %arg8[%dma_wait3A_48] : memref<4096xf32, #tpu.memory_space<vmem>> -> memref<2048xf32, #tpu.memory_space<vmem>>
    %dma_wait3A_50 = tpu.memref_slice %arg3[%mul3A_31] : memref<131072xf32, #tpu.memory_space<hbm>> -> memref<2048xf32, #tpu.memory_space<hbm>>
    %dma_wait3A_51 = tpu.memref_slice %arg3[%mul3A_31] : memref<131072xf32, #tpu.memory_space<hbm>> -> memref<2048xf32, #tpu.memory_space<hbm>>
    %dma_wait3A_52 = arith.constant 0 : i32
    %dma_wait3A_53 = tpu.memref_slice %arg8[%dma_wait3A_52] : memref<4096xf32, #tpu.memory_space<vmem>> -> memref<2048xf32, #tpu.memory_space<vmem>>
    tpu.wait_dma2 semaphore(%arg13 : memref<!tpu.dma_semaphore, #tpu.memory_space<semaphore_mem>>) src(%dma_wait3A_53 : memref<2048xf32, #tpu.memory_space<vmem>>) dst(%dma_wait3A_51 : memref<2048xf32, #tpu.memory_space<hbm>>)
    %dma_wait3A_54 = arith.constant 2048 : i32
    %dma_wait3A_55 = tpu.memref_slice %arg8[%dma_wait3A_54] : memref<4096xf32, #tpu.memory_space<vmem>> -> memref<2048xf32, #tpu.memory_space<vmem>>
    %dma_wait3A_56 = tpu.memref_slice %arg3[%mul3A_41] : memref<131072xf32, #tpu.memory_space<hbm>> -> memref<2048xf32, #tpu.memory_space<hbm>>
    %dma_wait3A_57 = tpu.memref_slice %arg3[%mul3A_41] : memref<131072xf32, #tpu.memory_space<hbm>> -> memref<2048xf32, #tpu.memory_space<hbm>>
    %dma_wait3A_58 = arith.constant 2048 : i32
    %dma_wait3A_59 = tpu.memref_slice %arg8[%dma_wait3A_58] : memref<4096xf32, #tpu.memory_space<vmem>> -> memref<2048xf32, #tpu.memory_space<vmem>>
    tpu.wait_dma2 semaphore(%arg13 : memref<!tpu.dma_semaphore, #tpu.memory_space<semaphore_mem>>) src(%dma_wait3A_59 : memref<2048xf32, #tpu.memory_space<vmem>>) dst(%dma_wait3A_57 : memref<2048xf32, #tpu.memory_space<hbm>>)
    return
  }
}

module attributes {stable_mosaic.version = 14 : i64} {
  func.func @_tc_body(%arg0: memref<2048x128xf32, #tpu.memory_space<vmem>>, %arg1: memref<1024x128xf32, #tpu.memory_space<vmem>>, %arg2: memref<1536x16xf32, #tpu.memory_space<vmem>>, %arg3: memref<16x128xf32, #tpu.memory_space<vmem>>, %arg4: memref<128x128xf32, #tpu.memory_space<vmem>>, %arg5: memref<128x128xf32, #tpu.memory_space<vmem>>, %arg6: memref<256x128xf32, #tpu.memory_space<vmem>>, %arg7: memref<16x128xf32, #tpu.memory_space<vmem>>) attributes {dimension_semantics = [], scalar_prefetch = 0 : i64, scratch_operands = 0 : i64, tpu.core_type = #tpu.core_type<tc>} {
    %get3A = arith.constant 0 : index
    %get3A_0 = arith.constant 0 : index
    %get3A_1 = vector.load %arg0[%get3A, %get3A_0] : memref<2048x128xf32, #tpu.memory_space<vmem>>, vector<2048x128xf32>
    %get3A_2 = arith.constant 0 : index
    %get3A_3 = arith.constant 0 : index
    %get3A_4 = vector.load %arg1[%get3A_2, %get3A_3] : memref<1024x128xf32, #tpu.memory_space<vmem>>, vector<512x128xf32>
    %get3A_5 = arith.constant 512 : index
    %get3A_6 = arith.constant 0 : index
    %get3A_7 = vector.load %arg1[%get3A_5, %get3A_6] : memref<1024x128xf32, #tpu.memory_space<vmem>>, vector<512x128xf32>
    %iota3A = tpu.iota {dimensions = array<i32: 0>} : vector<128x8xi32>
    %jit3A = arith.constant 16 : i32
    %div3A = vector.broadcast %jit3A : i32 to vector<128x8xi32>
    %div3A_8 = arith.divsi %iota3A, %div3A : vector<128x8xi32>
    %sign3A = arith.constant 0 : i32
    %sign3A_9 = vector.broadcast %sign3A : i32 to vector<128x8xi32>
    %sign3A_10 = arith.cmpi sgt, %iota3A, %sign3A_9 : vector<128x8xi32>
    %sign3A_11 = arith.extui %sign3A_10 : vector<128x8xi1> to vector<128x8xi32>
    %sign3A_12 = arith.constant 0 : i32
    %sign3A_13 = vector.broadcast %sign3A_12 : i32 to vector<128x8xi32>
    %sign3A_14 = arith.cmpi slt, %iota3A, %sign3A_13 : vector<128x8xi32>
    %sign3A_15 = arith.extui %sign3A_14 : vector<128x8xi1> to vector<128x8xi32>
    %sign3A_16 = arith.subi %sign3A_11, %sign3A_15 : vector<128x8xi32>
    %sign3A_17 = arith.constant 0 : i32
    %sign3A_18 = arith.cmpi sgt, %jit3A, %sign3A_17 : i32
    %sign3A_19 = arith.extui %sign3A_18 : i1 to i32
    %sign3A_20 = arith.constant 0 : i32
    %sign3A_21 = arith.cmpi slt, %jit3A, %sign3A_20 : i32
    %sign3A_22 = arith.extui %sign3A_21 : i1 to i32
    %sign3A_23 = arith.subi %sign3A_19, %sign3A_22 : i32
    %ne3A = vector.broadcast %sign3A_23 : i32 to vector<128x8xi32>
    %ne3A_24 = arith.cmpi ne, %sign3A_16, %ne3A : vector<128x8xi32>
    %rem3A = vector.broadcast %jit3A : i32 to vector<128x8xi32>
    %rem3A_25 = arith.remsi %iota3A, %rem3A : vector<128x8xi32>
    %ne3A_26 = arith.constant 0 : i32
    %ne3A_27 = vector.broadcast %ne3A_26 : i32 to vector<128x8xi32>
    %ne3A_28 = arith.cmpi ne, %rem3A_25, %ne3A_27 : vector<128x8xi32>
    %and3A = arith.andi %ne3A_24, %ne3A_28 : vector<128x8xi1>
    %sub3A = arith.constant 1 : i32
    %sub3A_29 = vector.broadcast %sub3A : i32 to vector<128x8xi32>
    %sub3A_30 = arith.subi %div3A_8, %sub3A_29 : vector<128x8xi32>
    %select_n3A = arith.select %and3A, %sub3A_30, %div3A_8 : vector<128x8xi1>, vector<128x8xi32>
    %iota3A_31 = tpu.iota {dimensions = array<i32: 1>} : vector<128x8xi32>
    %eq3A = arith.cmpi eq, %select_n3A, %iota3A_31 : vector<128x8xi32>
    %convert_element_type3A = arith.extui %eq3A : vector<128x8xi1> to vector<128x8xi32>
    %convert_element_type3A_32 = arith.sitofp %convert_element_type3A : vector<128x8xi32> to vector<128x8xf32>
    %dot_general3A = arith.constant dense<0.000000e+00> : vector<512x8xf32>
    %dot_general3A_33 = tpu.matmul %get3A_4, %convert_element_type3A_32, %dot_general3A {dimension_numbers = #tpu.dot_dimension_numbers<[1], [0], [0], [1], [0, 0, 1, 1], [], []>, precision = #tpu.contract_precision<fp32>, transpose_lhs_hint = false} : vector<512x128xf32>, vector<128x8xf32>, vector<512x8xf32> -> vector<512x8xf32>
    %dot_general3A_34 = arith.constant dense<0.000000e+00> : vector<512x8xf32>
    %dot_general3A_35 = tpu.matmul %get3A_7, %convert_element_type3A_32, %dot_general3A_34 {dimension_numbers = #tpu.dot_dimension_numbers<[1], [0], [0], [1], [0, 0, 1, 1], [], []>, precision = #tpu.contract_precision<fp32>, transpose_lhs_hint = false} : vector<512x128xf32>, vector<128x8xf32>, vector<512x8xf32> -> vector<512x8xf32>
    %get3A_36 = arith.constant 0 : index
    %get3A_37 = arith.constant 0 : index
    %get3A_38 = vector.load %arg2[%get3A_36, %get3A_37] : memref<1536x16xf32, #tpu.memory_space<vmem>>, vector<1536x16xf32>
    %get3A_39 = arith.constant 0 : index
    %get3A_40 = arith.constant 0 : index
    %get3A_41 = vector.load %arg3[%get3A_39, %get3A_40] : memref<16x128xf32, #tpu.memory_space<vmem>>, vector<16x128xf32>
    %convert_element_type3A_42 = arith.truncf %get3A_41 : vector<16x128xf32> to vector<16x128xbf16>
    %convert_element_type3A_43 = arith.extf %convert_element_type3A_42 : vector<16x128xbf16> to vector<16x128xf32>
    %slice3A = vector.extract_strided_slice %convert_element_type3A_43 {offsets = [0, 0], sizes = [8, 128], strides = [1, 1]} : vector<16x128xf32> to vector<8x128xf32>
    %dot_general3A_44 = arith.constant dense<0.000000e+00> : vector<512x128xf32>
    %dot_general3A_45 = tpu.matmul %dot_general3A_33, %slice3A, %dot_general3A_44 {dimension_numbers = #tpu.dot_dimension_numbers<[1], [0], [0], [1], [0, 0, 1, 1], [], []>, precision = #tpu.contract_precision<fp32>, transpose_lhs_hint = false} : vector<512x8xf32>, vector<8x128xf32>, vector<512x128xf32> -> vector<512x128xf32>
    %slice3A_46 = vector.extract_strided_slice %convert_element_type3A_43 {offsets = [8, 0], sizes = [8, 128], strides = [1, 1]} : vector<16x128xf32> to vector<8x128xf32>
    %dot_general3A_47 = arith.constant dense<0.000000e+00> : vector<512x128xf32>
    %dot_general3A_48 = tpu.matmul %dot_general3A_35, %slice3A_46, %dot_general3A_47 {dimension_numbers = #tpu.dot_dimension_numbers<[1], [0], [0], [1], [0, 0, 1, 1], [], []>, precision = #tpu.contract_precision<fp32>, transpose_lhs_hint = false} : vector<512x8xf32>, vector<8x128xf32>, vector<512x128xf32> -> vector<512x128xf32>
    %add3A = arith.addf %dot_general3A_45, %dot_general3A_48 : vector<512x128xf32>
    %dot_general3A_49 = arith.constant dense<0.000000e+00> : vector<1536x128xf32>
    %dot_general3A_50 = tpu.matmul %get3A_38, %convert_element_type3A_43, %dot_general3A_49 {dimension_numbers = #tpu.dot_dimension_numbers<[1], [0], [0], [1], [0, 0, 1, 1], [], []>, precision = #tpu.contract_precision<fp32>, transpose_lhs_hint = false} : vector<1536x16xf32>, vector<16x128xf32>, vector<1536x128xf32> -> vector<1536x128xf32>
    %concatenate3A = tpu.concatenate %add3A, %dot_general3A_50 in 0 : vector<512x128xf32>, vector<1536x128xf32> -> vector<2048x128xf32>
    %reduce_sum3A = arith.constant dense<0.000000e+00> : vector<512xf32>
    %reduce_sum3A_51 = vector.multi_reduction <add>, %dot_general3A_33, %reduce_sum3A [1] : vector<512x8xf32> to vector<512xf32>
    %broadcast_in_dim3A = vector.shape_cast %reduce_sum3A_51 : vector<512xf32> to vector<512x1xf32>
    %reduce_sum3A_52 = arith.constant dense<0.000000e+00> : vector<512xf32>
    %reduce_sum3A_53 = vector.multi_reduction <add>, %dot_general3A_35, %reduce_sum3A_52 [1] : vector<512x8xf32> to vector<512xf32>
    %broadcast_in_dim3A_54 = vector.shape_cast %reduce_sum3A_53 : vector<512xf32> to vector<512x1xf32>
    %add3A_55 = arith.addf %broadcast_in_dim3A, %broadcast_in_dim3A_54 : vector<512x1xf32>
    %reduce_sum3A_56 = arith.constant dense<0.000000e+00> : vector<1536xf32>
    %reduce_sum3A_57 = vector.multi_reduction <add>, %get3A_38, %reduce_sum3A_56 [1] : vector<1536x16xf32> to vector<1536xf32>
    %broadcast_in_dim3A_58 = vector.shape_cast %reduce_sum3A_57 : vector<1536xf32> to vector<1536x1xf32>
    %concatenate3A_59 = tpu.concatenate %add3A_55, %broadcast_in_dim3A_58 in 0 : vector<512x1xf32>, vector<1536x1xf32> -> vector<2048x1xf32>
    %ne3A_60 = arith.constant 0.000000e+00 : f32
    %ne3A_61 = vector.broadcast %ne3A_60 : f32 to vector<2048x1xf32>
    %ne3A_62 = arith.cmpf one, %concatenate3A_59, %ne3A_61 : vector<2048x1xf32>
    %convert_element_type3A_63 = arith.extui %ne3A_62 : vector<2048x1xi1> to vector<2048x1xi32>
    %convert_element_type3A_64 = arith.sitofp %convert_element_type3A_63 : vector<2048x1xi32> to vector<2048x1xf32>
    %get3A_65 = arith.constant 0 : index
    %get3A_66 = arith.constant 0 : index
    %get3A_67 = vector.load %arg4[%get3A_65, %get3A_66] : memref<128x128xf32, #tpu.memory_space<vmem>>, vector<128x128xf32>
    %convert_element_type3A_68 = arith.truncf %get3A_67 : vector<128x128xf32> to vector<128x128xbf16>
    %get3A_69 = arith.constant 0 : index
    %get3A_70 = arith.constant 0 : index
    %get3A_71 = vector.load %arg5[%get3A_69, %get3A_70] : memref<128x128xf32, #tpu.memory_space<vmem>>, vector<128x128xf32>
    %convert_element_type3A_72 = arith.truncf %get3A_71 : vector<128x128xf32> to vector<128x128xbf16>
    %reshape3A = vector.shape_cast %get3A_1 : vector<2048x128xf32> to vector<16x128x128xf32>
    %reduce_sum3A_73 = arith.constant dense<0.000000e+00> : vector<16x128xf32>
    %reduce_sum3A_74 = vector.multi_reduction <add>, %reshape3A, %reduce_sum3A_73 [1] : vector<16x128x128xf32> to vector<16x128xf32>
    %broadcast_in_dim3A_75 = vector.shape_cast %reduce_sum3A_74 : vector<16x128xf32> to vector<16x1x128xf32>
    %broadcast_in_dim3A_76 = vector.shape_cast %broadcast_in_dim3A_75 : vector<16x1x128xf32> to vector<16x1x128xf32>
    %broadcast_in_dim3A_77 = vector.broadcast %broadcast_in_dim3A_76 : vector<16x1x128xf32> to vector<16x128x128xf32>
    %reshape3A_78 = vector.shape_cast %broadcast_in_dim3A_77 : vector<16x128x128xf32> to vector<2048x128xf32>
    %add3A_79 = arith.addf %reshape3A_78, %concatenate3A : vector<2048x128xf32>
    %convert_element_type3A_80 = arith.truncf %get3A_1 : vector<2048x128xf32> to vector<2048x128xbf16>
    %dot_general3A_81 = arith.constant dense<0.000000e+00> : vector<2048x128xf32>
    %dot_general3A_82 = tpu.matmul %convert_element_type3A_80, %convert_element_type3A_68, %dot_general3A_81 {dimension_numbers = #tpu.dot_dimension_numbers<[1], [0], [0], [1], [0, 0, 1, 1], [], []>, transpose_lhs_hint = false} : vector<2048x128xbf16>, vector<128x128xbf16>, vector<2048x128xf32> -> vector<2048x128xf32>
    %convert_element_type3A_83 = arith.truncf %add3A_79 : vector<2048x128xf32> to vector<2048x128xbf16>
    %dot_general3A_84 = arith.constant dense<0.000000e+00> : vector<2048x128xf32>
    %dot_general3A_85 = tpu.matmul %convert_element_type3A_83, %convert_element_type3A_72, %dot_general3A_84 {dimension_numbers = #tpu.dot_dimension_numbers<[1], [0], [0], [1], [0, 0, 1, 1], [], []>, transpose_lhs_hint = false} : vector<2048x128xbf16>, vector<128x128xbf16>, vector<2048x128xf32> -> vector<2048x128xf32>
    %add3A_86 = arith.addf %dot_general3A_82, %dot_general3A_85 : vector<2048x128xf32>
    %tanh3A = math.tanh %add3A_86 : vector<2048x128xf32>
    %reshape3A_87 = vector.shape_cast %tanh3A : vector<2048x128xf32> to vector<16x128x128xf32>
    %reduce_sum3A_88 = arith.constant dense<0.000000e+00> : vector<16x128xf32>
    %reduce_sum3A_89 = vector.multi_reduction <add>, %reshape3A_87, %reduce_sum3A_88 [1] : vector<16x128x128xf32> to vector<16x128xf32>
    %broadcast_in_dim3A_90 = vector.shape_cast %reduce_sum3A_89 : vector<16x128xf32> to vector<16x1x128xf32>
    %broadcast_in_dim3A_91 = vector.shape_cast %broadcast_in_dim3A_90 : vector<16x1x128xf32> to vector<16x1x128xf32>
    %broadcast_in_dim3A_92 = vector.broadcast %broadcast_in_dim3A_91 : vector<16x1x128xf32> to vector<16x128x128xf32>
    %reshape3A_93 = vector.shape_cast %broadcast_in_dim3A_92 : vector<16x128x128xf32> to vector<2048x128xf32>
    %add3A_94 = arith.addf %reshape3A_93, %concatenate3A : vector<2048x128xf32>
    %convert_element_type3A_95 = arith.truncf %tanh3A : vector<2048x128xf32> to vector<2048x128xbf16>
    %dot_general3A_96 = arith.constant dense<0.000000e+00> : vector<2048x128xf32>
    %dot_general3A_97 = tpu.matmul %convert_element_type3A_95, %convert_element_type3A_68, %dot_general3A_96 {dimension_numbers = #tpu.dot_dimension_numbers<[1], [0], [0], [1], [0, 0, 1, 1], [], []>, transpose_lhs_hint = false} : vector<2048x128xbf16>, vector<128x128xbf16>, vector<2048x128xf32> -> vector<2048x128xf32>
    %convert_element_type3A_98 = arith.truncf %add3A_94 : vector<2048x128xf32> to vector<2048x128xbf16>
    %dot_general3A_99 = arith.constant dense<0.000000e+00> : vector<2048x128xf32>
    %dot_general3A_100 = tpu.matmul %convert_element_type3A_98, %convert_element_type3A_72, %dot_general3A_99 {dimension_numbers = #tpu.dot_dimension_numbers<[1], [0], [0], [1], [0, 0, 1, 1], [], []>, transpose_lhs_hint = false} : vector<2048x128xbf16>, vector<128x128xbf16>, vector<2048x128xf32> -> vector<2048x128xf32>
    %add3A_101 = arith.addf %dot_general3A_97, %dot_general3A_100 : vector<2048x128xf32>
    %tanh3A_102 = math.tanh %add3A_101 : vector<2048x128xf32>
    %reshape3A_103 = vector.shape_cast %tanh3A_102 : vector<2048x128xf32> to vector<16x128x128xf32>
    %reduce_sum3A_104 = arith.constant dense<0.000000e+00> : vector<16x128xf32>
    %reduce_sum3A_105 = vector.multi_reduction <add>, %reshape3A_103, %reduce_sum3A_104 [1] : vector<16x128x128xf32> to vector<16x128xf32>
    %broadcast_in_dim3A_106 = vector.shape_cast %reduce_sum3A_105 : vector<16x128xf32> to vector<16x1x128xf32>
    %broadcast_in_dim3A_107 = vector.shape_cast %broadcast_in_dim3A_106 : vector<16x1x128xf32> to vector<16x1x128xf32>
    %broadcast_in_dim3A_108 = vector.broadcast %broadcast_in_dim3A_107 : vector<16x1x128xf32> to vector<16x128x128xf32>
    %reshape3A_109 = vector.shape_cast %broadcast_in_dim3A_108 : vector<16x128x128xf32> to vector<2048x128xf32>
    %add3A_110 = arith.addf %reshape3A_109, %concatenate3A : vector<2048x128xf32>
    %convert_element_type3A_111 = arith.truncf %tanh3A_102 : vector<2048x128xf32> to vector<2048x128xbf16>
    %dot_general3A_112 = arith.constant dense<0.000000e+00> : vector<2048x128xf32>
    %dot_general3A_113 = tpu.matmul %convert_element_type3A_111, %convert_element_type3A_68, %dot_general3A_112 {dimension_numbers = #tpu.dot_dimension_numbers<[1], [0], [0], [1], [0, 0, 1, 1], [], []>, transpose_lhs_hint = false} : vector<2048x128xbf16>, vector<128x128xbf16>, vector<2048x128xf32> -> vector<2048x128xf32>
    %convert_element_type3A_114 = arith.truncf %add3A_110 : vector<2048x128xf32> to vector<2048x128xbf16>
    %dot_general3A_115 = arith.constant dense<0.000000e+00> : vector<2048x128xf32>
    %dot_general3A_116 = tpu.matmul %convert_element_type3A_114, %convert_element_type3A_72, %dot_general3A_115 {dimension_numbers = #tpu.dot_dimension_numbers<[1], [0], [0], [1], [0, 0, 1, 1], [], []>, transpose_lhs_hint = false} : vector<2048x128xbf16>, vector<128x128xbf16>, vector<2048x128xf32> -> vector<2048x128xf32>
    %add3A_117 = arith.addf %dot_general3A_113, %dot_general3A_116 : vector<2048x128xf32>
    %tanh3A_118 = math.tanh %add3A_117 : vector<2048x128xf32>
    %get3A_119 = arith.constant 0 : index
    %get3A_120 = arith.constant 0 : index
    %get3A_121 = vector.load %arg6[%get3A_119, %get3A_120] : memref<256x128xf32, #tpu.memory_space<vmem>>, vector<256x128xf32>
    %convert_element_type3A_122 = arith.truncf %get3A_121 : vector<256x128xf32> to vector<256x128xbf16>
    %convert_element_type3A_123 = arith.truncf %tanh3A_118 : vector<2048x128xf32> to vector<2048x128xbf16>
    %slice3A_124 = vector.extract_strided_slice %convert_element_type3A_122 {offsets = [0, 0], sizes = [128, 128], strides = [1, 1]} : vector<256x128xbf16> to vector<128x128xbf16>
    %dot_general3A_125 = arith.constant dense<0.000000e+00> : vector<2048x128xf32>
    %dot_general3A_126 = tpu.matmul %convert_element_type3A_123, %slice3A_124, %dot_general3A_125 {dimension_numbers = #tpu.dot_dimension_numbers<[1], [0], [0], [1], [0, 0, 1, 1], [], []>, transpose_lhs_hint = false} : vector<2048x128xbf16>, vector<128x128xbf16>, vector<2048x128xf32> -> vector<2048x128xf32>
    %convert_element_type3A_127 = arith.truncf %get3A_1 : vector<2048x128xf32> to vector<2048x128xbf16>
    %slice3A_128 = vector.extract_strided_slice %convert_element_type3A_122 {offsets = [128, 0], sizes = [128, 128], strides = [1, 1]} : vector<256x128xbf16> to vector<128x128xbf16>
    %dot_general3A_129 = arith.constant dense<0.000000e+00> : vector<2048x128xf32>
    %dot_general3A_130 = tpu.matmul %convert_element_type3A_127, %slice3A_128, %dot_general3A_129 {dimension_numbers = #tpu.dot_dimension_numbers<[1], [0], [0], [1], [0, 0, 1, 1], [], []>, transpose_lhs_hint = false} : vector<2048x128xbf16>, vector<128x128xbf16>, vector<2048x128xf32> -> vector<2048x128xf32>
    %add3A_131 = arith.addf %dot_general3A_126, %dot_general3A_130 : vector<2048x128xf32>
    %tanh3A_132 = math.tanh %add3A_131 : vector<2048x128xf32>
    %mul3A = vector.broadcast %convert_element_type3A_64 : vector<2048x1xf32> to vector<2048x128xf32>
    %mul3A_133 = arith.mulf %tanh3A_132, %mul3A : vector<2048x128xf32>
    %reshape3A_134 = vector.shape_cast %mul3A_133 : vector<2048x128xf32> to vector<16x128x128xf32>
    %reduce_sum3A_135 = arith.constant dense<0.000000e+00> : vector<16x128xf32>
    %reduce_sum3A_136 = vector.multi_reduction <add>, %reshape3A_134, %reduce_sum3A_135 [1] : vector<16x128x128xf32> to vector<16x128xf32>
    %swap3A = arith.constant 0 : index
    %swap3A_137 = arith.constant 0 : index
    %swap3A_138 = vector.load %arg7[%swap3A, %swap3A_137] : memref<16x128xf32, #tpu.memory_space<vmem>>, vector<16x128xf32>
    tpu.vector_store %arg7[%swap3A, %swap3A_137], %reduce_sum3A_136 {strides = array<i32>} : memref<16x128xf32, #tpu.memory_space<vmem>>, vector<16x128xf32>,
    return
  }
}

module attributes {stable_mosaic.version = 14 : i64} {
  func.func @_tcred_body(%arg0: i32, %arg1: memref<2048x128xf32, #tpu.memory_space<vmem>>, %arg2: memref<128x16xf32, #tpu.memory_space<vmem>>) attributes {dimension_semantics = [#tpu.dimension_semantics<arbitrary>], iteration_bounds = array<i64: 12>, scalar_prefetch = 0 : i64, scratch_operands = 0 : i64, tpu.core_type = #tpu.core_type<tc>, window_params = [{transform_indices = @transform_0, window_bounds = array<i64: 2048, 128>}, {transform_indices = @transform_1, window_bounds = array<i64: 128, 16>}]} {
    %get3A = arith.constant 0 : index
    %get3A_0 = arith.constant 0 : index
    %get3A_1 = vector.load %arg1[%get3A, %get3A_0] : memref<2048x128xf32, #tpu.memory_space<vmem>>, vector<2048x128xf32>
    %mul3A = arith.constant 6.553700e+04 : f32
    %mul3A_2 = vector.broadcast %mul3A : f32 to vector<2048x128xf32>
    %mul3A_3 = arith.mulf %get3A_1, %mul3A_2 : vector<2048x128xf32>
    %sub3A = arith.subf %mul3A_3, %get3A_1 : vector<2048x128xf32>
    %sub3A_4 = arith.subf %mul3A_3, %sub3A : vector<2048x128xf32>
    %reshape3A = vector.shape_cast %sub3A_4 : vector<2048x128xf32> to vector<128x16x128xf32>
    %reduce_sum3A = arith.constant dense<0.000000e+00> : vector<128x16xf32>
    %reduce_sum3A_5 = vector.multi_reduction <add>, %reshape3A, %reduce_sum3A [2] : vector<128x16x128xf32> to vector<128x16xf32>
    %swap3A = arith.constant 0 : index
    %swap3A_6 = arith.constant 0 : index
    %swap3A_7 = vector.load %arg2[%swap3A, %swap3A_6] : memref<128x16xf32, #tpu.memory_space<vmem>>, vector<128x16xf32>
    tpu.vector_store %arg2[%swap3A, %swap3A_6], %reduce_sum3A_5 {strides = array<i32>} : memref<128x16xf32, #tpu.memory_space<vmem>>, vector<128x16xf32>,
    return
  }
  func.func @transform_0(%arg0: i32) -> (i32, i32) {
    %add3A = arith.constant 4 : i32
    %add3A_0 = arith.addi %add3A, %arg0 : i32
    %c0_i32 = arith.constant 0 : i32
    %c0_i32_1 = arith.constant 0 : i32
    return %add3A_0, %c0_i32 : i32, i32
  }
  func.func @transform_1(%arg0: i32) -> (i32, i32) {
    %c0_i32 = arith.constant 0 : i32
    %c0_i32_0 = arith.constant 0 : i32
    return %arg0, %c0_i32 : i32, i32
  }
}

</mosaic_0001>

<sc_bundles>
// kernel: kernel.5.cloned.1.call-start
scs
__scs_entry_jumppad:
0x0: {  	(pc) =	sbr.rel $0x88, $3  }
0x1: {  	(tag) =	ssettag $0x0;
	lr =	simm.s32 $0x1  }
0x2: {  	[smem:$0x3F9B] =	sst lr;
	_ =	strace $0xD0000000  }
0x3: {  	_ = 	snop  }
0x4: {  	_ = 	snop  }
0x5: {  	_ = 	snop  }
0x6: {  	_ = 	snop  }
0x7: {  	_ = 	snop  }
__scs_overlays_trampoline_lowered:
0x8: {  	[smem:$0x3FAA] =	sst s0  }
0x9: {  	[smem:$0x3FAB] =	sst s1  }
0xa: {  	[smem:$0x3FAC] =	sst s2  }
0xb: {  	[smem:$0x3FAD] =	sst s3  }
0xc: {  	[smem:$0x3FAE] =	sst s4  }
0xd: {  	[smem:$0x3FAF] =	sst s5  }
0xe: {  	[smem:$0x3FB0] =	sst s6  }
0xf: {  	[smem:$0x3FB1] =	sst s7  }
0x10: {  	[smem:$0x3FB2] =	sst s8  }
0x11: {  	[smem:$0x3FB3] =	sst s9;
	s0 =	simm.s32 @!p0 $0x0  }
0x12: {  	s1 =	sld [smem:$0x3F99];
	s0 =	simm.s32 @p0 $0x1  }
0x13: {  	[smem:$0x3FB4] =	sst s0;
	s0 =	simm.s32 @!p1 $0x0  }
0x14: {  	s2 =	sld [smem:$0x3F98];
	s0 =	simm.s32 @p1 $0x1  }
0x15: {  	[smem:$0x3FB5] =	sst s0;
	s0 =	simm.s32 @!p2 $0x0  }
0x16: {  	s3 =	sld [smem:$0x3FDB];
	s0 =	simm.s32 @p2 $0x1  }
0x17: {  	s4 =	simm.s32 $0x1BF5;
	[smem:$0x3FB7] =	sst s0  }
0x18: {  	s0 =	sld [smem:$0x3F9A];
	_ =	swait.ge [sflag:s4], $0x0  }
0x19: {  	s7 =	sld [smem:$0x3F9B]  }
0x1a: {  	s8 =	sadd.s32 $0xFFFFE003, lr  }
0x1b: {  	s9 =	sadd.s32 $0xFFFFFEF7, lr;
	s5 =	simm.s32 $0xFFFFFFFF;
	p2 =	slt.u32 s8, $0xFFFFF086  }
0x1c: {  	p1 =	slt.u32 s9, $0xF7A;
	s5 =	simm.s32 @!p2 $0x0  }
0x1d: {  	s5 =	simm.s32 @p1 $0x1;
	p0 =	seq.s32 s7, s2  }
0x1e: {  	s7 =	smul.u32 @!p0 $0xF7A, s2;
	p2 =	seq.s32 @!p0 s5, $0x0  }
0x1f: {  	s9 =	smul.u32 $0xF7A, s1;
	s8 =	simm.s32 @!p0 $0x1BF5;
	p2 =	por !p2, p0  }
0x20: {  	[sflag:s8] =	ssyncset.s32 @!p0 $0xFFFFF086;
	s6 =	sadd.s32 @!p0 s3, s7;
	s7 =	simm.s32 @!p0 $0x108  }
0x21: {  	s3 =	sadd.s32 s3, s9;
	s6 =	sadd.s32 @!p0 $0x88, s6;
	s7 =	simm.s32 @p2 $0x1082  }
0x22: {  	[simem:s7], [sflag:s8] =	dma.local @!p0 [hbm:s6], $0xF7A  }
0x23: {  	s9 =	sor.u32 $0xD0000000, s2;
	s6 =	simm.s32 $0x108;
	_ =	swait.ge @!p0 [sflag:s8], $0x0  }
0x24: {  	s3 =	sadd.s32 $0x88, s3;
	s6 =	simm.s32 @!p1 $0x1082;
	[sflag:s4] =	ssyncset.s32 $0xFFFFF086  }
0x25: {  	[simem:s6], [sflag:s4] =	dma.local [hbm:s3], $0xF7A  }
0x26: {  	[smem:$0x3F9B] =	sst s1;
	(tag) =	ssettag s2;
	_ =	strace s9  }
0x27: {  	s1 =	sld [smem:$0x3FAB]  }
0x28: {  	s2 =	sld [smem:$0x3FAC]  }
0x29: {  	s4 =	sld [smem:$0x3FAE]  }
0x2a: {  	p0 =	seq.s32 s5, $0x0;
	s5 =	sld [smem:$0x3FAF]  }
0x2b: {  	s6 =	sld [smem:$0x3FB0]  }
0x2c: {  	s7 =	sld [smem:$0x3FB1]  }
0x2d: {  	s3 =	simm.s32 $0x108;
	s8 =	sld [smem:$0x3FB2]  }
0x2e: {  	s3 =	simm.s32 @!p0 $0x1082;
	s9 =	sld [smem:$0x3FB3]  }
0x2f: {  	lr =	sadd.s32 s0, s3;
	s0 =	sld [smem:$0x3FAA]  }
0x30: {  	s3 =	sld [smem:$0x3FAD]  }
0x31: {  	[smem:$0x3FB6] =	sst s10  }
0x32: {  	s10 =	sld [smem:$0x3FB4];
	_ =	sdelay $0x3  }
0x33: {  	p0 =	seq.s32 s10, $0x1;
	s10 =	sld [smem:$0x3FB6];
	_ =	sdelay $0x3  }
0x34: {  	[smem:$0x3FB6] =	sst s10  }
0x35: {  	s10 =	sld [smem:$0x3FB5];
	_ =	sdelay $0x3  }
0x36: {  	p1 =	seq.s32 s10, $0x1;
	s10 =	sld [smem:$0x3FB6];
	_ =	sdelay $0x3  }
0x37: {  	[smem:$0x3FB6] =	sst s10  }
0x38: {  	s10 =	sld [smem:$0x3FB7]  }
0x39: {  	_ = 	snop;
	(pc) =	sbr.ind lr, $3  }
0x3a: {  	_ = 	snop  }
0x3b: {  	_ = 	snop  }
0x3c: {  	p2 =	seq.s32 s10, $0x1;
	s10 =	sld [smem:$0x3FB6]  }
0x3d: {  	_ =	shalt  }
0x3e: {  	_ =	shalt  }
0x3f: {  	_ =	shalt  }
0x40: {  	_ =	shalt  }
0x41: {  	_ =	shalt  }
0x42: {  	_ =	shalt  }
0x43: {  	_ =	shalt  }
0x44: {  	_ =	shalt  }
0x45: {  	_ =	shalt  }
0x46: {  	_ =	shalt  }
0x47: {  	_ =	shalt  }
0x48: {  	_ =	shalt  }
0x49: {  	_ =	shalt  }
0x4a: {  	_ =	shalt  }
0x4b: {  	_ =	shalt  }
0x4c: {  	_ =	shalt  }
0x4d: {  	_ =	shalt  }
0x4e: {  	_ =	shalt  }
0x4f: {  	_ =	shalt  }
0x50: {  	_ =	shalt  }
0x51: {  	_ =	shalt  }
0x52: {  	_ =	shalt  }
0x53: {  	_ =	shalt  }
0x54: {  	_ =	shalt  }
0x55: {  	_ =	shalt  }
0x56: {  	_ =	shalt  }
0x57: {  	_ =	shalt  }
0x58: {  	_ =	shalt  }
0x59: {  	_ =	shalt  }
0x5a: {  	_ =	shalt  }
0x5b: {  	_ =	shalt  }
0x5c: {  	_ =	shalt  }
0x5d: {  	_ =	shalt  }
0x5e: {  	_ =	shalt  }
0x5f: {  	_ =	shalt  }
0x60: {  	_ =	shalt  }
0x61: {  	_ =	shalt  }
0x62: {  	_ =	shalt  }
0x63: {  	_ =	shalt  }
0x64: {  	_ =	shalt  }
0x65: {  	_ =	shalt  }
0x66: {  	_ =	shalt  }
0x67: {  	_ =	shalt  }
0x68: {  	_ =	shalt  }
0x69: {  	_ =	shalt  }
0x6a: {  	_ =	shalt  }
0x6b: {  	_ =	shalt  }
0x6c: {  	_ =	shalt  }
0x6d: {  	_ =	shalt  }
0x6e: {  	_ =	shalt  }
0x6f: {  	_ =	shalt  }
0x70: {  	_ =	shalt  }
0x71: {  	_ =	shalt  }
0x72: {  	_ =	shalt  }
0x73: {  	_ =	shalt  }
0x74: {  	_ =	shalt  }
0x75: {  	_ =	shalt  }
0x76: {  	_ =	shalt  }
0x77: {  	_ =	shalt  }
0x78: {  	_ =	shalt  }
0x79: {  	_ =	shalt  }
0x7a: {  	_ =	shalt  }
0x7b: {  	_ =	shalt  }
0x7c: {  	_ =	shalt  }
0x7d: {  	_ =	shalt  }
0x7e: {  	_ =	shalt  }
0x7f: {  	_ =	shalt  }
0x80: {  	_ =	shalt  }
0x81: {  	_ =	shalt  }
0x82: {  	_ =	shalt  }
0x83: {  	_ =	shalt  }
0x84: {  	_ =	shalt  }
0x85: {  	_ =	shalt  }
0x86: {  	_ =	shalt  }
0x87: {  	_ =	shalt  }
.Lfunc_end0:
.L_simem_size_0:
called_computation_lowered:
.L_overlay_start_0:
0x88: {  	s2 =	sld [smem:$0x3FD9]  }
0x89: {  	s3 =	sld [smem:$0x3FFE];
	_ =	sdelay $0x1  }
0x8a: {  	s1 =	srdreg.scid  }
0x8b: {  	s0 =	sand.u32 $0x1, s1  }
0x8c: {  	s17 =	sshll.u32 s0, $0xA;
	s2 =	sadd.s32 s3, s2  }
0x8d: {  	s2 =	sadd.s32 s2, s17  }
0x8e: {  	[smem:$0x3FC2] =	sst s2  }
0x8f: {  	_ = 	snop  }
0x90: {  	s2 =	sld [smem:$0x3FC8];
	(tm) =	ssettm $0x1  }
0x91: {  	s18 =	sld [smem:$0x3FFB];
	_ =	sdelay $0x3  }
0x92: {  	_ =	strace s18  }
0x93: {  	s3 =	sld [smem:$0x3FFC];
	_ =	sdelay $0x3  }
0x94: {  	_ =	strace s3  }
0x95: {  	s3 =	sld [smem:$0x3FFD];
	_ =	sdelay $0x3  }
0x96: {  	_ =	strace s3  }
0x97: {  	_ =	strace $0x8FFFFFFF  }
0x98: {  	s19 =	sld [smem:$0x3FDB];
	_ =	sdelay $0x1  }
0x99: {  	s4 =	simm.s32 $_scs_section_size  }
0x9a: {  	s5 =	simm.s32 $_size__tile_overlayer_lowered;
	s6 =	simm.s32 $_tile_overlayer_lowered  }
0x9b: {  	s22 =	simm.s32 $0x1BFF;
	s21 =	sshll.u32 s6, $0x1;
	s3 =	sadd.s32 s4, s19  }
0x9c: {  	s7 =	simm.s32 $0x0;
	s20 =	sshll.u32 s5, $0x1;
	s5 =	sadd.s32 s21, s3  }
0x9d: {  	[timem:s7], [sflag:s22] =	dma.local [hbm:s5], s20  }
0x9e: {  	_ =	swait.ge [sflag:s22], s20  }
0x9f: {  	s4 =	ssub.s32 $0x0, s20;
	[sflag:s22] =	ssyncset.done $0x0  }
0xa0: {  	[sflag:s22] =	ssyncadd.s32 s4;
	_ =	sdelay $0x1  }
0xa1: {  	s23 =	simm.s32 $0x1B8B  }
0xa2: {  	_ =	swait.ge [sflag:s23], $0x1  }
0xa3: {  	[sflag:s23] =	ssyncset.done $0x0  }
0xa4: {  	s25 =	simm.s32 $0x1B8E;
	s24 =	sld [smem:$0x3FFE];
	[sflag:s23] =	ssyncadd.s32 $0xFFFFFFFF  }
0xa5: {  	s26 =	simm.s32 $execute0_lowered;
	[smem:$0x3FD2] =	sst s25  }
0xa6: {  	s5 =	sshll.u32 s26, $0x1;
	_ =	strace $0x80000046;
	[dreg:$0x1] =	wrdreg $0xFFFFFFFF  }
0xa7: {  	s28 =	simm.s32 $_size_execute0_lowered;
	s3 =	sadd.s32 s3, s5;
	[dreg:$0x0] =	wrdreg $0x0  }
0xa8: {  	s5 =	sshll.u32 s28, $0x1;
	[dreg:$0x2] =	wrdreg s3  }
0xa9: {  	[dreg:$0x3] =	wrdreg s5  }
0xaa: {  	[dreg:$0x4] =	wrdreg $0xC0  }
0xab: {  	_ =	task [dreg:s7], $0x5FFFF  }
0xac: {  	[dreg:$0x1] =	wrdreg $0xFFFFFFFF  }
0xad: {  	[dreg:$0x0] =	wrdreg $0x60  }
0xae: {  	[dreg:$0x2] =	wrdreg s2  }
0xaf: {  	[dreg:$0x3] =	wrdreg s24  }
0xb0: {  	[dreg:$0x4] =	wrdreg $0x9  }
0xb1: {  	_ =	task.clear_ibuf [dreg:s7], $0x5FFFF;
	_ =	strace $0x90000046  }
0xb2: {  	s29 =	simm.s32 $0x9;
	_ =	strace $0x80000048  }
0xb3: {  	_ =	swait.ge [sflag:s29], $0x1  }
0xb4: {  	[sflag:s29] =	ssyncadd.s32 $0xFFFFFFFF  }
0xb5: {  	_ =	strace $0x90000048  }
0xb6: {  	_ =	sfence  }
0xb7: {  	s30 =	sld [smem:$0x0];
	_ =	sdelay $0x2  }
0xb8: {  	s31 =	sshll.u32 s1, $0xD;
	s1 =	sshrl.u32 s1, $0x2  }
0xb9: {  	s3 =	sand.u32 $0x4000, s31;
	s1 =	sadd.s32 s1, s30  }
0xba: {  	s0 =	sor.u32 s3, s0;
	s1 =	sshll.u32 s1, $0x11  }
0xbb: {  	s0 =	sor.u32 s1, s0  }
0xbc: {  	s0 =	sadd.s32 $0x8F2B, s0  }
0xbd: {  	[sflag:s0] =	ssyncadd.remote.s32 $0x1  }
0xbe: {  	_ =	sfence.sel $0xFFFF  }
0xbf: {  	[dreg:$0x0] =	wrdreg $0xFFFFFFFF;
	(pc) =	sbr.abs _section_cstart, $3  }
0xc0: {  	[dreg:$0x1] =	wrdreg $0xFFFFFFFF  }
0xc1: {  	_ =	task.clear_ibuf [dreg:s7], $0x2FFFF;
	_ =	strace $0x9FFFFFFF  }
0xc2: {  	(tm) =	ssettm $0x7FFFFFFF  }
0xc3: {  	_ =	shalt  }
tec
execute0_lowered:
.L_overlay_start_1:
0x0: {  	(tag) =	ssettag $0x1  }
0x1: {  	s3 =	rddreg [dreg:$0x0]  }
0x2: {  	s4 =	rddreg [dreg:$0x1]  }
0x3: {  	s0 =	rddreg [dreg:$0x2];
	s2 =	simm.s32 $0x0;
	s5 =	srdreg.scid  }
0x4: {  	s1 =	stileid.u32;
	s9 =	simm.s32 $0x1;
	s10 =	simm.s32 $0x2  }
0x5: {  	s11 =	simm.s32 $0x8000;
	s12 =	simm.s32 $0x8800;
	s13 =	simm.s32 $0x3  }
0x6: {  	[smem:$0x7FF] =	sst s2;
	s5 =	sand.u32 $0x1, s5;
	s6 =	sshll.u32 s1, $0x1  }
0x7: {  	s14 =	simm.s32 $0x0;
	_ =	strace $0x80000047;
	s6 =	sor.u32 s5, s6  }
0x8: {  	s5 =	ssub.s32 $0x2, s5;
	s7 =	sshll.u32 s6, $0x8;
	s6 =	sshll.u32 s6, $0xC  }
0x9: {  	s31 =	sshrl.u32 s5, $0x1;
	s7 =	sadd.s32 s7, s4;
	s3 =	sadd.s32 s3, s6  }
0xa: {  	s8 =	ssub.s32 s5, s31;
	s4 =	sadd.s32 $0x800, s3;
	s5 =	sadd.s32 $0x1200, s7  }
0xb: {  	s6 =	sadd.s32 $0x3200, s7;
	s7 =	smax.u32 s8, $0x1;
	s8 =	simm.s32 $0x4000  }
.LBB2_1:
0xc: {  	[tilespmem:s2], [sflag:$0x1] =	stream.linear.gather [hbm4b:s3+s2], $0x4000, $0x38;
	[tilespmem:$0x9000] =	vst v63  }
0xd: {  	_ = 	snop  }
0xe: {  	[tilespmem:s8], [sflag:$0x2] =	stream.linear.gather [hbm4b:s4+s2], $0x4000, $0x38;
	[tilespmem:$0x9000] =	vst v63  }
0xf: {  	_ =	swait.ge [sflag:s9], $0x4000  }
0x10: {  	[sflag:s9] =	ssyncset.done $0x0  }
0x11: {  	s15 =	simm.s32 $0x400;
	s16 =	simm.s32 $0x0;
	[sflag:s9] =	ssyncadd.s32 $0xFFFFC000  }
.LBB2_2:
0x12: {  	v0 =	vld [tilespmem:s15+$0xFFFFFC00]  }
0x13: {  	v1 =	vld [tilespmem:s15+$0xFFFFFC10]  }
0x14: {  	v2 =	vld [tilespmem:s15+$0xFFFFFC20]  }
0x15: {  	v3 =	vld [tilespmem:s15+$0xFFFFFC30]  }
0x16: {  	v4 =	vld [tilespmem:s15+$0xFFFFFC40]  }
0x17: {  	v6 =	vld [tilespmem:s15+$0xFFFFFC50]  }
0x18: {  	v8 =	vld [tilespmem:s15+$0xFFFFFC60]  }
0x19: {  	v10 =	vld [tilespmem:s15+$0xFFFFFC70]  }
0x1a: {  	v12 =	vld [tilespmem:s15+$0xFFFFFC80]  }
0x1b: {  	v13 =	vld [tilespmem:s15+$0xFFFFFC90]  }
0x1c: {  	v14 =	vld [tilespmem:s15+$0xFFFFFCA0];
	v5 =	vmul.f32 $6.553700000e+04, v0;
	v7 =	vmul.f32 $6.553700000e+04, v1  }
0x1d: {  	v15 =	vld [tilespmem:s15+$0xFFFFFCB0];
	v9 =	vmul.f32 $6.553700000e+04, v2;
	v11 =	vmul.f32 $6.553700000e+04, v3  }
0x1e: {  	v16 =	vld [tilespmem:s15+$0xFFFFFCC0];
	v46 =	vmul.f32 $6.553700000e+04, v4;
	v47 =	vmul.f32 $6.553700000e+04, v6  }
0x1f: {  	v17 =	vld [tilespmem:s15+$0xFFFFFCD0];
	v48 =	vmul.f32 $6.553700000e+04, v8;
	v49 =	vmul.f32 $6.553700000e+04, v10  }
0x20: {  	v18 =	vld [tilespmem:s15+$0xFFFFFCE0];
	v51 =	vmul.f32 $6.553700000e+04, v12;
	v53 =	vmul.f32 $6.553700000e+04, v13  }
0x21: {  	v19 =	vld [tilespmem:s15+$0xFFFFFCF0];
	v55 =	vmul.f32 $6.553700000e+04, v14;
	v0 =	vsub.f32 v5, v0;
	v1 =	vsub.f32 v7, v1  }
0x22: {  	v57 =	vmul.f32 $6.553700000e+04, v15;
	v2 =	vsub.f32 v9, v2;
	v3 =	vsub.f32 v11, v3  }
0x23: {  	v60 =	vmul.f32 $6.553700000e+04, v16;
	v4 =	vsub.f32 v46, v4;
	v6 =	vsub.f32 v47, v6  }
0x24: {  	v61 =	vmul.f32 $6.553700000e+04, v17;
	v50 =	vsub.f32 v48, v8;
	v52 =	vsub.f32 v49, v10  }
0x25: {  	v62 =	vmul.f32 $6.553700000e+04, v18;
	v54 =	vsub.f32 v51, v12;
	v56 =	vsub.f32 v53, v13  }
0x26: {  	v63 =	vmul.f32 $6.553700000e+04, v19;
	v58 =	vsub.f32 v55, v14;
	v59 =	vsub.f32 v57, v15  }
0x27: {  	v16 =	vsub.f32 v60, v16;
	v17 =	vsub.f32 v61, v17  }
0x28: {  	v18 =	vsub.f32 v62, v18;
	v19 =	vsub.f32 v63, v19  }
0x29: {  	v0 =	vsub.f32 v5, v0;
	v1 =	vsub.f32 v7, v1  }
0x2a: {  	v2 =	vsub.f32 v9, v2;
	v3 =	vsub.f32 v11, v3  }
0x2b: {  	v4 =	vsub.f32 v46, v4;
	v6 =	vsub.f32 v47, v6  }
0x2c: {  	v5 =	vsub.f32 v48, v50;
	v7 =	vsub.f32 v49, v52  }
0x2d: {  	v8 =	vsub.f32 v51, v54;
	v10 =	vsub.f32 v53, v56  }
0x2e: {  	v9 =	vsub.f32 v55, v58;
	v11 =	vsub.f32 v57, v59  }
0x2f: {  	v12 =	vsub.f32 v60, v16;
	v14 =	vsub.f32 v61, v17  }
0x30: {  	v13 =	vsub.f32 v62, v18;
	v15 =	vsub.f32 v63, v19  }
0x31: {  	v0 =	vadd.f32 v1, v0;
	v17 =	vadd.f32 v3, v2  }
0x32: {  	v18 =	vadd.f32 v6, v4;
	v19 =	vadd.f32 v7, v5  }
0x33: {  	v20 =	vadd.f32 v10, v8;
	v21 =	vadd.f32 v11, v9  }
0x34: {  	v22 =	vadd.f32 v14, v12;
	v23 =	vadd.f32 v15, v13  }
0x35: {  	v0 =	vadd.f32 v17, v0;
	v24 =	vadd.f32 v19, v18  }
0x36: {  	v25 =	vadd.f32 v21, v20;
	v26 =	vadd.f32 v23, v22  }
0x37: {  	v0 =	vadd.f32 v24, v0  }
0x38: {  	s17 =	sshra.s32 s16, $0x2;
	v27 =	vadd.f32 v26, v25  }
0x39: {  	[tilespmem:s17+$0x8000] =	vst v0  }
0x3a: {  	[tilespmem:s17+$0x8010] =	vst v27  }
0x3b: {  	v0 =	vld [tilespmem:s15+$0xFFFFFD00]  }
0x3c: {  	v1 =	vld [tilespmem:s15+$0xFFFFFD10]  }
0x3d: {  	v28 =	vld [tilespmem:s15+$0xFFFFFD20]  }
0x3e: {  	v29 =	vld [tilespmem:s15+$0xFFFFFD30]  }
0x3f: {  	v30 =	vld [tilespmem:s15+$0xFFFFFD40]  }
0x40: {  	v32 =	vld [tilespmem:s15+$0xFFFFFD50]  }
0x41: {  	v34 =	vld [tilespmem:s15+$0xFFFFFD60]  }
0x42: {  	v36 =	vld [tilespmem:s15+$0xFFFFFD70]  }
0x43: {  	v38 =	vld [tilespmem:s15+$0xFFFFFD80]  }
0x44: {  	v40 =	vld [tilespmem:s15+$0xFFFFFD90]  }
0x45: {  	v42 =	vld [tilespmem:s15+$0xFFFFFDA0];
	v31 =	vmul.f32 $6.553700000e+04, v0;
	v33 =	vmul.f32 $6.553700000e+04, v1  }
0x46: {  	v44 =	vld [tilespmem:s15+$0xFFFFFDB0];
	v35 =	vmul.f32 $6.553700000e+04, v28;
	v37 =	vmul.f32 $6.553700000e+04, v29  }
0x47: {  	v46 =	vld [tilespmem:s15+$0xFFFFFDC0];
	v39 =	vmul.f32 $6.553700000e+04, v30;
	v41 =	vmul.f32 $6.553700000e+04, v32  }
0x48: {  	v49 =	vld [tilespmem:s15+$0xFFFFFDD0];
	v43 =	vmul.f32 $6.553700000e+04, v34;
	v45 =	vmul.f32 $6.553700000e+04, v36  }
0x49: {  	v52 =	vld [tilespmem:s15+$0xFFFFFDE0];
	v48 =	vmul.f32 $6.553700000e+04, v38;
	v51 =	vmul.f32 $6.553700000e+04, v40  }
0x4a: {  	v55 =	vld [tilespmem:s15+$0xFFFFFDF0];
	v54 =	vmul.f32 $6.553700000e+04, v42;
	v0 =	vsub.f32 v31, v0;
	v1 =	vsub.f32 v33, v1  }
0x4b: {  	v57 =	vmul.f32 $6.553700000e+04, v44;
	v2 =	vsub.f32 v35, v28;
	v3 =	vsub.f32 v37, v29  }
0x4c: {  	v60 =	vmul.f32 $6.553700000e+04, v46;
	v4 =	vsub.f32 v39, v30;
	v6 =	vsub.f32 v41, v32  }
0x4d: {  	v61 =	vmul.f32 $6.553700000e+04, v49;
	v47 =	vsub.f32 v43, v34;
	v50 =	vsub.f32 v45, v36  }
0x4e: {  	v62 =	vmul.f32 $6.553700000e+04, v52;
	v53 =	vsub.f32 v48, v38;
	v56 =	vsub.f32 v51, v40  }
0x4f: {  	v63 =	vmul.f32 $6.553700000e+04, v55;
	v58 =	vsub.f32 v54, v42;
	v59 =	vsub.f32 v57, v44  }
0x50: {  	v16 =	vsub.f32 v60, v46;
	v17 =	vsub.f32 v61, v49  }
0x51: {  	v18 =	vsub.f32 v62, v52;
	v19 =	vsub.f32 v63, v55  }
0x52: {  	v0 =	vsub.f32 v31, v0;
	v1 =	vsub.f32 v33, v1  }
0x53: {  	v2 =	vsub.f32 v35, v2;
	v3 =	vsub.f32 v37, v3  }
0x54: {  	v4 =	vsub.f32 v39, v4;
	v6 =	vsub.f32 v41, v6  }
0x55: {  	v5 =	vsub.f32 v43, v47;
	v7 =	vsub.f32 v45, v50  }
0x56: {  	v8 =	vsub.f32 v48, v53;
	v10 =	vsub.f32 v51, v56  }
0x57: {  	v9 =	vsub.f32 v54, v58;
	v11 =	vsub.f32 v57, v59  }
0x58: {  	v12 =	vsub.f32 v60, v16;
	v14 =	vsub.f32 v61, v17  }
0x59: {  	v13 =	vsub.f32 v62, v18;
	v15 =	vsub.f32 v63, v19  }
0x5a: {  	v0 =	vadd.f32 v1, v0;
	v17 =	vadd.f32 v3, v2  }
0x5b: {  	v18 =	vadd.f32 v6, v4;
	v19 =	vadd.f32 v7, v5  }
0x5c: {  	v20 =	vadd.f32 v10, v8;
	v21 =	vadd.f32 v11, v9  }
0x5d: {  	v22 =	vadd.f32 v14, v12;
	v23 =	vadd.f32 v15, v13  }
0x5e: {  	v0 =	vadd.f32 v17, v0;
	v24 =	vadd.f32 v19, v18  }
0x5f: {  	v25 =	vadd.f32 v21, v20;
	v26 =	vadd.f32 v23, v22  }
0x60: {  	v0 =	vadd.f32 v24, v0  }
0x61: {  	v27 =	vadd.f32 v26, v25  }
0x62: {  	[tilespmem:s17+$0x8020] =	vst v0  }
0x63: {  	[tilespmem:s17+$0x8030] =	vst v27  }
0x64: {  	v0 =	vld [tilespmem:s15+$0xFFFFFE00]  }
0x65: {  	v1 =	vld [tilespmem:s15+$0xFFFFFE10]  }
0x66: {  	v28 =	vld [tilespmem:s15+$0xFFFFFE20]  }
0x67: {  	v29 =	vld [tilespmem:s15+$0xFFFFFE30]  }
0x68: {  	v30 =	vld [tilespmem:s15+$0xFFFFFE40]  }
0x69: {  	v32 =	vld [tilespmem:s15+$0xFFFFFE50]  }
0x6a: {  	v34 =	vld [tilespmem:s15+$0xFFFFFE60]  }
0x6b: {  	v36 =	vld [tilespmem:s15+$0xFFFFFE70]  }
0x6c: {  	v38 =	vld [tilespmem:s15+$0xFFFFFE80]  }
0x6d: {  	v40 =	vld [tilespmem:s15+$0xFFFFFE90]  }
0x6e: {  	v42 =	vld [tilespmem:s15+$0xFFFFFEA0];
	v31 =	vmul.f32 $6.553700000e+04, v0;
	v33 =	vmul.f32 $6.553700000e+04, v1  }
0x6f: {  	v44 =	vld [tilespmem:s15+$0xFFFFFEB0];
	v35 =	vmul.f32 $6.553700000e+04, v28;
	v37 =	vmul.f32 $6.553700000e+04, v29  }
0x70: {  	v46 =	vld [tilespmem:s15+$0xFFFFFEC0];
	v39 =	vmul.f32 $6.553700000e+04, v30;
	v41 =	vmul.f32 $6.553700000e+04, v32  }
0x71: {  	v49 =	vld [tilespmem:s15+$0xFFFFFED0];
	v43 =	vmul.f32 $6.553700000e+04, v34;
	v45 =	vmul.f32 $6.553700000e+04, v36  }
0x72: {  	v52 =	vld [tilespmem:s15+$0xFFFFFEE0];
	v48 =	vmul.f32 $6.553700000e+04, v38;
	v51 =	vmul.f32 $6.553700000e+04, v40  }
0x73: {  	v55 =	vld [tilespmem:s15+$0xFFFFFEF0];
	v54 =	vmul.f32 $6.553700000e+04, v42;
	v0 =	vsub.f32 v31, v0;
	v1 =	vsub.f32 v33, v1  }
0x74: {  	v57 =	vmul.f32 $6.553700000e+04, v44;
	v2 =	vsub.f32 v35, v28;
	v3 =	vsub.f32 v37, v29  }
0x75: {  	v60 =	vmul.f32 $6.553700000e+04, v46;
	v4 =	vsub.f32 v39, v30;
	v6 =	vsub.f32 v41, v32  }
0x76: {  	v61 =	vmul.f32 $6.553700000e+04, v49;
	v47 =	vsub.f32 v43, v34;
	v50 =	vsub.f32 v45, v36  }
0x77: {  	v62 =	vmul.f32 $6.553700000e+04, v52;
	v53 =	vsub.f32 v48, v38;
	v56 =	vsub.f32 v51, v40  }
0x78: {  	v63 =	vmul.f32 $6.553700000e+04, v55;
	v58 =	vsub.f32 v54, v42;
	v59 =	vsub.f32 v57, v44  }
0x79: {  	v16 =	vsub.f32 v60, v46;
	v17 =	vsub.f32 v61, v49  }
0x7a: {  	v18 =	vsub.f32 v62, v52;
	v19 =	vsub.f32 v63, v55  }
0x7b: {  	v0 =	vsub.f32 v31, v0;
	v1 =	vsub.f32 v33, v1  }
0x7c: {  	v2 =	vsub.f32 v35, v2;
	v3 =	vsub.f32 v37, v3  }
0x7d: {  	v4 =	vsub.f32 v39, v4;
	v6 =	vsub.f32 v41, v6  }
0x7e: {  	v5 =	vsub.f32 v43, v47;
	v7 =	vsub.f32 v45, v50  }
0x7f: {  	v8 =	vsub.f32 v48, v53;
	v10 =	vsub.f32 v51, v56  }
0x80: {  	v9 =	vsub.f32 v54, v58;
	v11 =	vsub.f32 v57, v59  }
0x81: {  	v12 =	vsub.f32 v60, v16;
	v14 =	vsub.f32 v61, v17  }
0x82: {  	v13 =	vsub.f32 v62, v18;
	v15 =	vsub.f32 v63, v19  }
0x83: {  	v0 =	vadd.f32 v1, v0;
	v16 =	vadd.f32 v3, v2  }
0x84: {  	v17 =	vadd.f32 v6, v4;
	v18 =	vadd.f32 v7, v5  }
0x85: {  	v19 =	vadd.f32 v10, v8;
	v20 =	vadd.f32 v11, v9  }
0x86: {  	v21 =	vadd.f32 v14, v12;
	v22 =	vadd.f32 v15, v13  }
0x87: {  	v0 =	vadd.f32 v16, v0;
	v23 =	vadd.f32 v18, v17  }
0x88: {  	v24 =	vadd.f32 v20, v19;
	v25 =	vadd.f32 v22, v21  }
0x89: {  	v0 =	vadd.f32 v23, v0  }
0x8a: {  	v26 =	vadd.f32 v25, v24  }
0x8b: {  	[tilespmem:s17+$0x8040] =	vst v0  }
0x8c: {  	[tilespmem:s17+$0x8050] =	vst v26  }
0x8d: {  	v0 =	vld [tilespmem:s15+$0xFFFFFF00]  }
0x8e: {  	v1 =	vld [tilespmem:s15+$0xFFFFFF10]  }
0x8f: {  	v27 =	vld [tilespmem:s15+$0xFFFFFF20]  }
0x90: {  	v28 =	vld [tilespmem:s15+$0xFFFFFF30]  }
0x91: {  	v29 =	vld [tilespmem:s15+$0xFFFFFF40]  }
0x92: {  	v31 =	vld [tilespmem:s15+$0xFFFFFF50]  }
0x93: {  	v33 =	vld [tilespmem:s15+$0xFFFFFF60]  }
0x94: {  	v35 =	vld [tilespmem:s15+$0xFFFFFF70]  }
0x95: {  	v37 =	vld [tilespmem:s15+$0xFFFFFF80]  }
0x96: {  	v39 =	vld [tilespmem:s15+$0xFFFFFF90]  }
0x97: {  	v41 =	vld [tilespmem:s15+$0xFFFFFFA0];
	v30 =	vmul.f32 $6.553700000e+04, v0;
	v32 =	vmul.f32 $6.553700000e+04, v1  }
0x98: {  	v43 =	vld [tilespmem:s15+$0xFFFFFFB0];
	v34 =	vmul.f32 $6.553700000e+04, v27;
	v36 =	vmul.f32 $6.553700000e+04, v28  }
0x99: {  	v45 =	vld [tilespmem:s15+$0xFFFFFFC0];
	v38 =	vmul.f32 $6.553700000e+04, v29;
	v40 =	vmul.f32 $6.553700000e+04, v31  }
0x9a: {  	v48 =	vld [tilespmem:s15+$0xFFFFFFD0];
	v42 =	vmul.f32 $6.553700000e+04, v33;
	v44 =	vmul.f32 $6.553700000e+04, v35  }
0x9b: {  	v51 =	vld [tilespmem:s15+$0xFFFFFFE0];
	v47 =	vmul.f32 $6.553700000e+04, v37;
	v50 =	vmul.f32 $6.553700000e+04, v39  }
0x9c: {  	v54 =	vld [tilespmem:s15+$0xFFFFFFF0];
	v53 =	vmul.f32 $6.553700000e+04, v41;
	v0 =	vsub.f32 v30, v0;
	v1 =	vsub.f32 v32, v1  }
0x9d: {  	v56 =	vmul.f32 $6.553700000e+04, v43;
	v2 =	vsub.f32 v34, v27;
	v3 =	vsub.f32 v36, v28  }
0x9e: {  	v59 =	vmul.f32 $6.553700000e+04, v45;
	v4 =	vsub.f32 v38, v29;
	v6 =	vsub.f32 v40, v31  }
0x9f: {  	v60 =	vmul.f32 $6.553700000e+04, v48;
	v46 =	vsub.f32 v42, v33;
	v49 =	vsub.f32 v44, v35  }
0xa0: {  	v61 =	vmul.f32 $6.553700000e+04, v51;
	v52 =	vsub.f32 v47, v37;
	v55 =	vsub.f32 v50, v39  }
0xa1: {  	v62 =	vmul.f32 $6.553700000e+04, v54;
	v57 =	vsub.f32 v53, v41;
	v58 =	vsub.f32 v56, v43  }
0xa2: {  	v16 =	vsub.f32 v59, v45;
	v17 =	vsub.f32 v60, v48  }
0xa3: {  	v18 =	vsub.f32 v61, v51;
	v19 =	vsub.f32 v62, v54  }
0xa4: {  	v0 =	vsub.f32 v30, v0;
	v1 =	vsub.f32 v32, v1  }
0xa5: {  	v2 =	vsub.f32 v34, v2;
	v3 =	vsub.f32 v36, v3  }
0xa6: {  	v4 =	vsub.f32 v38, v4;
	v6 =	vsub.f32 v40, v6  }
0xa7: {  	v5 =	vsub.f32 v42, v46;
	v7 =	vsub.f32 v44, v49  }
0xa8: {  	v8 =	vsub.f32 v47, v52;
	v10 =	vsub.f32 v50, v55  }
0xa9: {  	v9 =	vsub.f32 v53, v57;
	v11 =	vsub.f32 v56, v58  }
0xaa: {  	v12 =	vsub.f32 v59, v16;
	v14 =	vsub.f32 v60, v17  }
0xab: {  	v13 =	vsub.f32 v61, v18;
	v15 =	vsub.f32 v62, v19  }
0xac: {  	v0 =	vadd.f32 v1, v0;
	v63 =	vadd.f32 v3, v2  }
0xad: {  	v16 =	vadd.f32 v6, v4;
	v17 =	vadd.f32 v7, v5  }
0xae: {  	v18 =	vadd.f32 v10, v8;
	v19 =	vadd.f32 v11, v9  }
0xaf: {  	v20 =	vadd.f32 v14, v12;
	v21 =	vadd.f32 v15, v13  }
0xb0: {  	v0 =	vadd.f32 v63, v0;
	v22 =	vadd.f32 v17, v16  }
0xb1: {  	v23 =	vadd.f32 v19, v18;
	v24 =	vadd.f32 v21, v20  }
0xb2: {  	v0 =	vadd.f32 v22, v0  }
0xb3: {  	v25 =	vadd.f32 v24, v23  }
0xb4: {  	[tilespmem:s17+$0x8060] =	vst v0  }
0xb5: {  	[tilespmem:s17+$0x8070] =	vst v25  }
0xb6: {  	v0 =	vld [tilespmem:s15+$0x0]  }
0xb7: {  	v1 =	vld [tilespmem:s15+$0x10]  }
0xb8: {  	v26 =	vld [tilespmem:s15+$0x20]  }
0xb9: {  	v27 =	vld [tilespmem:s15+$0x30]  }
0xba: {  	v28 =	vld [tilespmem:s15+$0x40]  }
0xbb: {  	v30 =	vld [tilespmem:s15+$0x50]  }
0xbc: {  	v32 =	vld [tilespmem:s15+$0x60]  }
0xbd: {  	v34 =	vld [tilespmem:s15+$0x70]  }
0xbe: {  	v36 =	vld [tilespmem:s15+$0x80]  }
0xbf: {  	v38 =	vld [tilespmem:s15+$0x90]  }
0xc0: {  	v40 =	vld [tilespmem:s15+$0xA0];
	v29 =	vmul.f32 $6.553700000e+04, v0;
	v31 =	vmul.f32 $6.553700000e+04, v1  }
0xc1: {  	v42 =	vld [tilespmem:s15+$0xB0];
	v33 =	vmul.f32 $6.553700000e+04, v26;
	v35 =	vmul.f32 $6.553700000e+04, v27  }
0xc2: {  	v44 =	vld [tilespmem:s15+$0xC0];
	v37 =	vmul.f32 $6.553700000e+04, v28;
	v39 =	vmul.f32 $6.553700000e+04, v30  }
0xc3: {  	v47 =	vld [tilespmem:s15+$0xD0];
	v41 =	vmul.f32 $6.553700000e+04, v32;
	v43 =	vmul.f32 $6.553700000e+04, v34  }
0xc4: {  	v50 =	vld [tilespmem:s15+$0xE0];
	v46 =	vmul.f32 $6.553700000e+04, v36;
	v49 =	vmul.f32 $6.553700000e+04, v38  }
0xc5: {  	v53 =	vld [tilespmem:s15+$0xF0];
	v52 =	vmul.f32 $6.553700000e+04, v40;
	v0 =	vsub.f32 v29, v0;
	v1 =	vsub.f32 v31, v1  }
0xc6: {  	v55 =	vmul.f32 $6.553700000e+04, v42;
	v2 =	vsub.f32 v33, v26;
	v3 =	vsub.f32 v35, v27  }
0xc7: {  	v58 =	vmul.f32 $6.553700000e+04, v44;
	v4 =	vsub.f32 v37, v28;
	v6 =	vsub.f32 v39, v30  }
0xc8: {  	v59 =	vmul.f32 $6.553700000e+04, v47;
	v45 =	vsub.f32 v41, v32;
	v48 =	vsub.f32 v43, v34  }
0xc9: {  	v60 =	vmul.f32 $6.553700000e+04, v50;
	v51 =	vsub.f32 v46, v36;
	v54 =	vsub.f32 v49, v38  }
0xca: {  	v61 =	vmul.f32 $6.553700000e+04, v53;
	v56 =	vsub.f32 v52, v40;
	v57 =	vsub.f32 v55, v42  }
0xcb: {  	v16 =	vsub.f32 v58, v44;
	v17 =	vsub.f32 v59, v47  }
0xcc: {  	v18 =	vsub.f32 v60, v50;
	v19 =	vsub.f32 v61, v53  }
0xcd: {  	v0 =	vsub.f32 v29, v0;
	v1 =	vsub.f32 v31, v1  }
0xce: {  	v2 =	vsub.f32 v33, v2;
	v3 =	vsub.f32 v35, v3  }
0xcf: {  	v4 =	vsub.f32 v37, v4;
	v6 =	vsub.f32 v39, v6  }
0xd0: {  	v5 =	vsub.f32 v41, v45;
	v7 =	vsub.f32 v43, v48  }
0xd1: {  	v8 =	vsub.f32 v46, v51;
	v10 =	vsub.f32 v49, v54  }
0xd2: {  	v9 =	vsub.f32 v52, v56;
	v11 =	vsub.f32 v55, v57  }
0xd3: {  	v12 =	vsub.f32 v58, v16;
	v14 =	vsub.f32 v59, v17  }
0xd4: {  	v13 =	vsub.f32 v60, v18;
	v15 =	vsub.f32 v61, v19  }
0xd5: {  	v0 =	vadd.f32 v1, v0;
	v62 =	vadd.f32 v3, v2  }
0xd6: {  	v63 =	vadd.f32 v6, v4;
	v16 =	vadd.f32 v7, v5  }
0xd7: {  	v17 =	vadd.f32 v10, v8;
	v18 =	vadd.f32 v11, v9  }
0xd8: {  	v19 =	vadd.f32 v14, v12;
	v20 =	vadd.f32 v15, v13  }
0xd9: {  	v0 =	vadd.f32 v62, v0;
	v21 =	vadd.f32 v16, v63  }
0xda: {  	v22 =	vadd.f32 v18, v17;
	v23 =	vadd.f32 v20, v19  }
0xdb: {  	v0 =	vadd.f32 v21, v0  }
0xdc: {  	v24 =	vadd.f32 v23, v22  }
0xdd: {  	[tilespmem:s17+$0x8800] =	vst v0  }
0xde: {  	[tilespmem:s17+$0x8810] =	vst v24  }
0xdf: {  	v0 =	vld [tilespmem:s15+$0x100]  }
0xe0: {  	v1 =	vld [tilespmem:s15+$0x110]  }
0xe1: {  	v25 =	vld [tilespmem:s15+$0x120]  }
0xe2: {  	v26 =	vld [tilespmem:s15+$0x130]  }
0xe3: {  	v27 =	vld [tilespmem:s15+$0x140]  }
0xe4: {  	v29 =	vld [tilespmem:s15+$0x150]  }
0xe5: {  	v31 =	vld [tilespmem:s15+$0x160]  }
0xe6: {  	v33 =	vld [tilespmem:s15+$0x170]  }
0xe7: {  	v35 =	vld [tilespmem:s15+$0x180]  }
0xe8: {  	v37 =	vld [tilespmem:s15+$0x190]  }
0xe9: {  	v39 =	vld [tilespmem:s15+$0x1A0];
	v28 =	vmul.f32 $6.553700000e+04, v0;
	v30 =	vmul.f32 $6.553700000e+04, v1  }
0xea: {  	v41 =	vld [tilespmem:s15+$0x1B0];
	v32 =	vmul.f32 $6.553700000e+04, v25;
	v34 =	vmul.f32 $6.553700000e+04, v26  }
0xeb: {  	v43 =	vld [tilespmem:s15+$0x1C0];
	v36 =	vmul.f32 $6.553700000e+04, v27;
	v38 =	vmul.f32 $6.553700000e+04, v29  }
0xec: {  	v46 =	vld [tilespmem:s15+$0x1D0];
	v40 =	vmul.f32 $6.553700000e+04, v31;
	v42 =	vmul.f32 $6.553700000e+04, v33  }
0xed: {  	v49 =	vld [tilespmem:s15+$0x1E0];
	v45 =	vmul.f32 $6.553700000e+04, v35;
	v48 =	vmul.f32 $6.553700000e+04, v37  }
0xee: {  	v52 =	vld [tilespmem:s15+$0x1F0];
	v51 =	vmul.f32 $6.553700000e+04, v39;
	v0 =	vsub.f32 v28, v0;
	v1 =	vsub.f32 v30, v1  }
0xef: {  	v54 =	vmul.f32 $6.553700000e+04, v41;
	v2 =	vsub.f32 v32, v25;
	v3 =	vsub.f32 v34, v26  }
0xf0: {  	v57 =	vmul.f32 $6.553700000e+04, v43;
	v4 =	vsub.f32 v36, v27;
	v6 =	vsub.f32 v38, v29  }
0xf1: {  	v58 =	vmul.f32 $6.553700000e+04, v46;
	v44 =	vsub.f32 v40, v31;
	v47 =	vsub.f32 v42, v33  }
0xf2: {  	v59 =	vmul.f32 $6.553700000e+04, v49;
	v50 =	vsub.f32 v45, v35;
	v53 =	vsub.f32 v48, v37  }
0xf3: {  	v60 =	vmul.f32 $6.553700000e+04, v52;
	v55 =	vsub.f32 v51, v39;
	v56 =	vsub.f32 v54, v41  }
0xf4: {  	v16 =	vsub.f32 v57, v43;
	v17 =	vsub.f32 v58, v46  }
0xf5: {  	v18 =	vsub.f32 v59, v49;
	v19 =	vsub.f32 v60, v52  }
0xf6: {  	v0 =	vsub.f32 v28, v0;
	v1 =	vsub.f32 v30, v1  }
0xf7: {  	v2 =	vsub.f32 v32, v2;
	v3 =	vsub.f32 v34, v3  }
0xf8: {  	v4 =	vsub.f32 v36, v4;
	v6 =	vsub.f32 v38, v6  }
0xf9: {  	v5 =	vsub.f32 v40, v44;
	v7 =	vsub.f32 v42, v47  }
0xfa: {  	v8 =	vsub.f32 v45, v50;
	v10 =	vsub.f32 v48, v53  }
0xfb: {  	v9 =	vsub.f32 v51, v55;
	v11 =	vsub.f32 v54, v56  }
0xfc: {  	v12 =	vsub.f32 v57, v16;
	v14 =	vsub.f32 v58, v17  }
0xfd: {  	v13 =	vsub.f32 v59, v18;
	v15 =	vsub.f32 v60, v19  }
0xfe: {  	v0 =	vadd.f32 v1, v0;
	v61 =	vadd.f32 v3, v2  }
0xff: {  	v62 =	vadd.f32 v6, v4;
	v63 =	vadd.f32 v7, v5  }
0x100: {  	v16 =	vadd.f32 v10, v8;
	v17 =	vadd.f32 v11, v9  }
0x101: {  	v18 =	vadd.f32 v14, v12;
	v19 =	vadd.f32 v15, v13  }
0x102: {  	v0 =	vadd.f32 v61, v0;
	v20 =	vadd.f32 v63, v62  }
0x103: {  	v21 =	vadd.f32 v17, v16;
	v22 =	vadd.f32 v19, v18  }
0x104: {  	v0 =	vadd.f32 v20, v0  }
0x105: {  	v23 =	vadd.f32 v22, v21  }
0x106: {  	[tilespmem:s17+$0x8820] =	vst v0  }
0x107: {  	[tilespmem:s17+$0x8830] =	vst v23  }
0x108: {  	v0 =	vld [tilespmem:s15+$0x200]  }
0x109: {  	v1 =	vld [tilespmem:s15+$0x210]  }
0x10a: {  	v24 =	vld [tilespmem:s15+$0x220]  }
0x10b: {  	v25 =	vld [tilespmem:s15+$0x230]  }
0x10c: {  	v26 =	vld [tilespmem:s15+$0x240]  }
0x10d: {  	v28 =	vld [tilespmem:s15+$0x250]  }
0x10e: {  	v30 =	vld [tilespmem:s15+$0x260]  }
0x10f: {  	v32 =	vld [tilespmem:s15+$0x270]  }
0x110: {  	v34 =	vld [tilespmem:s15+$0x280]  }
0x111: {  	v36 =	vld [tilespmem:s15+$0x290]  }
0x112: {  	v38 =	vld [tilespmem:s15+$0x2A0];
	v27 =	vmul.f32 $6.553700000e+04, v0;
	v29 =	vmul.f32 $6.553700000e+04, v1  }
0x113: {  	v40 =	vld [tilespmem:s15+$0x2B0];
	v31 =	vmul.f32 $6.553700000e+04, v24;
	v33 =	vmul.f32 $6.553700000e+04, v25  }
0x114: {  	v42 =	vld [tilespmem:s15+$0x2C0];
	v35 =	vmul.f32 $6.553700000e+04, v26;
	v37 =	vmul.f32 $6.553700000e+04, v28  }
0x115: {  	v45 =	vld [tilespmem:s15+$0x2D0];
	v39 =	vmul.f32 $6.553700000e+04, v30;
	v41 =	vmul.f32 $6.553700000e+04, v32  }
0x116: {  	v48 =	vld [tilespmem:s15+$0x2E0];
	v44 =	vmul.f32 $6.553700000e+04, v34;
	v47 =	vmul.f32 $6.553700000e+04, v36  }
0x117: {  	v51 =	vld [tilespmem:s15+$0x2F0];
	v50 =	vmul.f32 $6.553700000e+04, v38;
	v0 =	vsub.f32 v27, v0;
	v1 =	vsub.f32 v29, v1  }
0x118: {  	v53 =	vmul.f32 $6.553700000e+04, v40;
	v2 =	vsub.f32 v31, v24;
	v3 =	vsub.f32 v33, v25  }
0x119: {  	v56 =	vmul.f32 $6.553700000e+04, v42;
	v4 =	vsub.f32 v35, v26;
	v6 =	vsub.f32 v37, v28  }
0x11a: {  	v57 =	vmul.f32 $6.553700000e+04, v45;
	v43 =	vsub.f32 v39, v30;
	v46 =	vsub.f32 v41, v32  }
0x11b: {  	v58 =	vmul.f32 $6.553700000e+04, v48;
	v49 =	vsub.f32 v44, v34;
	v52 =	vsub.f32 v47, v36  }
0x11c: {  	v59 =	vmul.f32 $6.553700000e+04, v51;
	v54 =	vsub.f32 v50, v38;
	v55 =	vsub.f32 v53, v40  }
0x11d: {  	v16 =	vsub.f32 v56, v42;
	v17 =	vsub.f32 v57, v45  }
0x11e: {  	v18 =	vsub.f32 v58, v48;
	v19 =	vsub.f32 v59, v51  }
0x11f: {  	v0 =	vsub.f32 v27, v0;
	v1 =	vsub.f32 v29, v1  }
0x120: {  	v2 =	vsub.f32 v31, v2;
	v3 =	vsub.f32 v33, v3  }
0x121: {  	v4 =	vsub.f32 v35, v4;
	v6 =	vsub.f32 v37, v6  }
0x122: {  	v5 =	vsub.f32 v39, v43;
	v7 =	vsub.f32 v41, v46  }
0x123: {  	v8 =	vsub.f32 v44, v49;
	v10 =	vsub.f32 v47, v52  }
0x124: {  	v9 =	vsub.f32 v50, v54;
	v11 =	vsub.f32 v53, v55  }
0x125: {  	v12 =	vsub.f32 v56, v16;
	v14 =	vsub.f32 v57, v17  }
0x126: {  	v13 =	vsub.f32 v58, v18;
	v15 =	vsub.f32 v59, v19  }
0x127: {  	v0 =	vadd.f32 v1, v0;
	v60 =	vadd.f32 v3, v2  }
0x128: {  	v61 =	vadd.f32 v6, v4;
	v62 =	vadd.f32 v7, v5  }
0x129: {  	v63 =	vadd.f32 v10, v8;
	v10 =	vadd.f32 v11, v9  }
0x12a: {  	v11 =	vadd.f32 v14, v12;
	v12 =	vadd.f32 v15, v13  }
0x12b: {  	v0 =	vadd.f32 v60, v0;
	v13 =	vadd.f32 v62, v61  }
0x12c: {  	v14 =	vadd.f32 v10, v63;
	v15 =	vadd.f32 v12, v11  }
0x12d: {  	v0 =	vadd.f32 v13, v0  }
0x12e: {  	v16 =	vadd.f32 v15, v14  }
0x12f: {  	[tilespmem:s17+$0x8840] =	vst v0  }
0x130: {  	[tilespmem:s17+$0x8850] =	vst v16  }
0x131: {  	v0 =	vld [tilespmem:s15+$0x300]  }
0x132: {  	v1 =	vld [tilespmem:s15+$0x310]  }
0x133: {  	v17 =	vld [tilespmem:s15+$0x320]  }
0x134: {  	v18 =	vld [tilespmem:s15+$0x330]  }
0x135: {  	v19 =	vld [tilespmem:s15+$0x340]  }
0x136: {  	v21 =	vld [tilespmem:s15+$0x350]  }
0x137: {  	v23 =	vld [tilespmem:s15+$0x360]  }
0x138: {  	v25 =	vld [tilespmem:s15+$0x370]  }
0x139: {  	v27 =	vld [tilespmem:s15+$0x380]  }
0x13a: {  	v29 =	vld [tilespmem:s15+$0x390]  }
0x13b: {  	v31 =	vld [tilespmem:s15+$0x3A0];
	v20 =	vmul.f32 $6.553700000e+04, v0;
	v22 =	vmul.f32 $6.553700000e+04, v1  }
0x13c: {  	v33 =	vld [tilespmem:s15+$0x3B0];
	v24 =	vmul.f32 $6.553700000e+04, v17;
	v26 =	vmul.f32 $6.553700000e+04, v18  }
0x13d: {  	v35 =	vld [tilespmem:s15+$0x3C0];
	v28 =	vmul.f32 $6.553700000e+04, v19;
	v30 =	vmul.f32 $6.553700000e+04, v21  }
0x13e: {  	v38 =	vld [tilespmem:s15+$0x3D0];
	v32 =	vmul.f32 $6.553700000e+04, v23;
	v34 =	vmul.f32 $6.553700000e+04, v25  }
0x13f: {  	v41 =	vld [tilespmem:s15+$0x3E0];
	v37 =	vmul.f32 $6.553700000e+04, v27;
	v40 =	vmul.f32 $6.553700000e+04, v29  }
0x140: {  	v44 =	vld [tilespmem:s15+$0x3F0];
	v43 =	vmul.f32 $6.553700000e+04, v31;
	v0 =	vsub.f32 v20, v0;
	v1 =	vsub.f32 v22, v1  }
0x141: {  	v46 =	vmul.f32 $6.553700000e+04, v33;
	v2 =	vsub.f32 v24, v17;
	v3 =	vsub.f32 v26, v18  }
0x142: {  	v49 =	vmul.f32 $6.553700000e+04, v35;
	v4 =	vsub.f32 v28, v19;
	v6 =	vsub.f32 v30, v21  }
0x143: {  	v50 =	vmul.f32 $6.553700000e+04, v38;
	v36 =	vsub.f32 v32, v23;
	v39 =	vsub.f32 v34, v25  }
0x144: {  	v51 =	vmul.f32 $6.553700000e+04, v41;
	v42 =	vsub.f32 v37, v27;
	v45 =	vsub.f32 v40, v29  }
0x145: {  	v52 =	vmul.f32 $6.553700000e+04, v44;
	v47 =	vsub.f32 v43, v31;
	v48 =	vsub.f32 v46, v33  }
0x146: {  	v16 =	vsub.f32 v49, v35;
	v17 =	vsub.f32 v50, v38  }
0x147: {  	v18 =	vsub.f32 v51, v41;
	v19 =	vsub.f32 v52, v44  }
0x148: {  	v0 =	vsub.f32 v20, v0;
	v1 =	vsub.f32 v22, v1  }
0x149: {  	v2 =	vsub.f32 v24, v2;
	v3 =	vsub.f32 v26, v3  }
0x14a: {  	v4 =	vsub.f32 v28, v4;
	v6 =	vsub.f32 v30, v6  }
0x14b: {  	v5 =	vsub.f32 v32, v36;
	v7 =	vsub.f32 v34, v39  }
0x14c: {  	v8 =	vsub.f32 v37, v42;
	v10 =	vsub.f32 v40, v45  }
0x14d: {  	v9 =	vsub.f32 v43, v47;
	v11 =	vsub.f32 v46, v48  }
0x14e: {  	v12 =	vsub.f32 v49, v16;
	v14 =	vsub.f32 v50, v17  }
0x14f: {  	v13 =	vsub.f32 v51, v18;
	v15 =	vsub.f32 v52, v19  }
0x150: {  	v0 =	vadd.f32 v1, v0;
	v53 =	vadd.f32 v3, v2  }
0x151: {  	v54 =	vadd.f32 v6, v4;
	v55 =	vadd.f32 v7, v5  }
0x152: {  	v56 =	vadd.f32 v10, v8;
	v57 =	vadd.f32 v11, v9  }
0x153: {  	v58 =	vadd.f32 v14, v12;
	v59 =	vadd.f32 v15, v13  }
0x154: {  	p0 =	sne.s32 s16, $0xE00;
	v0 =	vadd.f32 v53, v0;
	v60 =	vadd.f32 v55, v54  }
.Ltmp0:
0x155: {  	v61 =	vadd.f32 v57, v56;
	v62 =	vadd.f32 v59, v58;
	(pc) =	sbr.rel @p0 .LBB2_2-.Ltmp0, $4  }
0x156: {  	v0 =	vadd.f32 v60, v0  }
0x157: {  	v63 =	vadd.f32 v62, v61  }
0x158: {  	[tilespmem:s17+$0x8860] =	vst v0  }
0x159: {  	s16 =	sadd.s32 $0x200, s16;
	s15 =	sadd.s32 $0x800, s15;
	[tilespmem:s17+$0x8870] =	vst v63  }
0x15a: {  	_ =	swait.ge [sflag:s10], $0x4000  }
0x15b: {  	[sflag:s10] =	ssyncset.done $0x0  }
0x15c: {  	s15 =	simm.s32 $0x0;
	s16 =	simm.s32 $0x4400;
	[sflag:s10] =	ssyncadd.s32 $0xFFFFC000  }
.LBB2_4:
0x15d: {  	v0 =	vld [tilespmem:s16+$0xFFFFFC00]  }
0x15e: {  	v1 =	vld [tilespmem:s16+$0xFFFFFC10]  }
0x15f: {  	v2 =	vld [tilespmem:s16+$0xFFFFFC20]  }
0x160: {  	v3 =	vld [tilespmem:s16+$0xFFFFFC30]  }
0x161: {  	v4 =	vld [tilespmem:s16+$0xFFFFFC40]  }
0x162: {  	v6 =	vld [tilespmem:s16+$0xFFFFFC50]  }
0x163: {  	v8 =	vld [tilespmem:s16+$0xFFFFFC60]  }
0x164: {  	v10 =	vld [tilespmem:s16+$0xFFFFFC70]  }
0x165: {  	v12 =	vld [tilespmem:s16+$0xFFFFFC80]  }
0x166: {  	v13 =	vld [tilespmem:s16+$0xFFFFFC90]  }
0x167: {  	v14 =	vld [tilespmem:s16+$0xFFFFFCA0];
	v5 =	vmul.f32 $6.553700000e+04, v0;
	v7 =	vmul.f32 $6.553700000e+04, v1  }
0x168: {  	v15 =	vld [tilespmem:s16+$0xFFFFFCB0];
	v9 =	vmul.f32 $6.553700000e+04, v2;
	v11 =	vmul.f32 $6.553700000e+04, v3  }
0x169: {  	v16 =	vld [tilespmem:s16+$0xFFFFFCC0];
	v46 =	vmul.f32 $6.553700000e+04, v4;
	v47 =	vmul.f32 $6.553700000e+04, v6  }
0x16a: {  	v17 =	vld [tilespmem:s16+$0xFFFFFCD0];
	v48 =	vmul.f32 $6.553700000e+04, v8;
	v49 =	vmul.f32 $6.553700000e+04, v10  }
0x16b: {  	v18 =	vld [tilespmem:s16+$0xFFFFFCE0];
	v51 =	vmul.f32 $6.553700000e+04, v12;
	v53 =	vmul.f32 $6.553700000e+04, v13  }
0x16c: {  	v19 =	vld [tilespmem:s16+$0xFFFFFCF0];
	v55 =	vmul.f32 $6.553700000e+04, v14;
	v0 =	vsub.f32 v5, v0;
	v1 =	vsub.f32 v7, v1  }
0x16d: {  	v57 =	vmul.f32 $6.553700000e+04, v15;
	v2 =	vsub.f32 v9, v2;
	v3 =	vsub.f32 v11, v3  }
0x16e: {  	v60 =	vmul.f32 $6.553700000e+04, v16;
	v4 =	vsub.f32 v46, v4;
	v6 =	vsub.f32 v47, v6  }
0x16f: {  	v61 =	vmul.f32 $6.553700000e+04, v17;
	v50 =	vsub.f32 v48, v8;
	v52 =	vsub.f32 v49, v10  }
0x170: {  	v62 =	vmul.f32 $6.553700000e+04, v18;
	v54 =	vsub.f32 v51, v12;
	v56 =	vsub.f32 v53, v13  }
0x171: {  	v63 =	vmul.f32 $6.553700000e+04, v19;
	v58 =	vsub.f32 v55, v14;
	v59 =	vsub.f32 v57, v15  }
0x172: {  	v16 =	vsub.f32 v60, v16;
	v17 =	vsub.f32 v61, v17  }
0x173: {  	v18 =	vsub.f32 v62, v18;
	v19 =	vsub.f32 v63, v19  }
0x174: {  	v0 =	vsub.f32 v5, v0;
	v1 =	vsub.f32 v7, v1  }
0x175: {  	v2 =	vsub.f32 v9, v2;
	v3 =	vsub.f32 v11, v3  }
0x176: {  	v4 =	vsub.f32 v46, v4;
	v6 =	vsub.f32 v47, v6  }
0x177: {  	v5 =	vsub.f32 v48, v50;
	v7 =	vsub.f32 v49, v52  }
0x178: {  	v8 =	vsub.f32 v51, v54;
	v10 =	vsub.f32 v53, v56  }
0x179: {  	v9 =	vsub.f32 v55, v58;
	v11 =	vsub.f32 v57, v59  }
0x17a: {  	v12 =	vsub.f32 v60, v16;
	v14 =	vsub.f32 v61, v17  }
0x17b: {  	v13 =	vsub.f32 v62, v18;
	v15 =	vsub.f32 v63, v19  }
0x17c: {  	v0 =	vadd.f32 v1, v0;
	v17 =	vadd.f32 v3, v2  }
0x17d: {  	v18 =	vadd.f32 v6, v4;
	v19 =	vadd.f32 v7, v5  }
0x17e: {  	v20 =	vadd.f32 v10, v8;
	v21 =	vadd.f32 v11, v9  }
0x17f: {  	v22 =	vadd.f32 v14, v12;
	v23 =	vadd.f32 v15, v13  }
0x180: {  	v0 =	vadd.f32 v17, v0;
	v24 =	vadd.f32 v19, v18  }
0x181: {  	v25 =	vadd.f32 v21, v20;
	v26 =	vadd.f32 v23, v22  }
0x182: {  	v0 =	vadd.f32 v24, v0  }
0x183: {  	s17 =	sshra.s32 s15, $0x2;
	v27 =	vadd.f32 v26, v25  }
0x184: {  	[tilespmem:s17+$0x8400] =	vst v0  }
0x185: {  	[tilespmem:s17+$0x8410] =	vst v27  }
0x186: {  	v0 =	vld [tilespmem:s16+$0xFFFFFD00]  }
0x187: {  	v1 =	vld [tilespmem:s16+$0xFFFFFD10]  }
0x188: {  	v28 =	vld [tilespmem:s16+$0xFFFFFD20]  }
0x189: {  	v29 =	vld [tilespmem:s16+$0xFFFFFD30]  }
0x18a: {  	v30 =	vld [tilespmem:s16+$0xFFFFFD40]  }
0x18b: {  	v32 =	vld [tilespmem:s16+$0xFFFFFD50]  }
0x18c: {  	v34 =	vld [tilespmem:s16+$0xFFFFFD60]  }
0x18d: {  	v36 =	vld [tilespmem:s16+$0xFFFFFD70]  }
0x18e: {  	v38 =	vld [tilespmem:s16+$0xFFFFFD80]  }
0x18f: {  	v40 =	vld [tilespmem:s16+$0xFFFFFD90]  }
0x190: {  	v42 =	vld [tilespmem:s16+$0xFFFFFDA0];
	v31 =	vmul.f32 $6.553700000e+04, v0;
	v33 =	vmul.f32 $6.553700000e+04, v1  }
0x191: {  	v44 =	vld [tilespmem:s16+$0xFFFFFDB0];
	v35 =	vmul.f32 $6.553700000e+04, v28;
	v37 =	vmul.f32 $6.553700000e+04, v29  }
0x192: {  	v46 =	vld [tilespmem:s16+$0xFFFFFDC0];
	v39 =	vmul.f32 $6.553700000e+04, v30;
	v41 =	vmul.f32 $6.553700000e+04, v32  }
0x193: {  	v49 =	vld [tilespmem:s16+$0xFFFFFDD0];
	v43 =	vmul.f32 $6.553700000e+04, v34;
	v45 =	vmul.f32 $6.553700000e+04, v36  }
0x194: {  	v52 =	vld [tilespmem:s16+$0xFFFFFDE0];
	v48 =	vmul.f32 $6.553700000e+04, v38;
	v51 =	vmul.f32 $6.553700000e+04, v40  }
0x195: {  	v55 =	vld [tilespmem:s16+$0xFFFFFDF0];
	v54 =	vmul.f32 $6.553700000e+04, v42;
	v0 =	vsub.f32 v31, v0;
	v1 =	vsub.f32 v33, v1  }
0x196: {  	v57 =	vmul.f32 $6.553700000e+04, v44;
	v2 =	vsub.f32 v35, v28;
	v3 =	vsub.f32 v37, v29  }
0x197: {  	v60 =	vmul.f32 $6.553700000e+04, v46;
	v4 =	vsub.f32 v39, v30;
	v6 =	vsub.f32 v41, v32  }
0x198: {  	v61 =	vmul.f32 $6.553700000e+04, v49;
	v47 =	vsub.f32 v43, v34;
	v50 =	vsub.f32 v45, v36  }
0x199: {  	v62 =	vmul.f32 $6.553700000e+04, v52;
	v53 =	vsub.f32 v48, v38;
	v56 =	vsub.f32 v51, v40  }
0x19a: {  	v63 =	vmul.f32 $6.553700000e+04, v55;
	v58 =	vsub.f32 v54, v42;
	v59 =	vsub.f32 v57, v44  }
0x19b: {  	v16 =	vsub.f32 v60, v46;
	v17 =	vsub.f32 v61, v49  }
0x19c: {  	v18 =	vsub.f32 v62, v52;
	v19 =	vsub.f32 v63, v55  }
0x19d: {  	v0 =	vsub.f32 v31, v0;
	v1 =	vsub.f32 v33, v1  }
0x19e: {  	v2 =	vsub.f32 v35, v2;
	v3 =	vsub.f32 v37, v3  }
0x19f: {  	v4 =	vsub.f32 v39, v4;
	v6 =	vsub.f32 v41, v6  }
0x1a0: {  	v5 =	vsub.f32 v43, v47;
	v7 =	vsub.f32 v45, v50  }
0x1a1: {  	v8 =	vsub.f32 v48, v53;
	v10 =	vsub.f32 v51, v56  }
0x1a2: {  	v9 =	vsub.f32 v54, v58;
	v11 =	vsub.f32 v57, v59  }
0x1a3: {  	v12 =	vsub.f32 v60, v16;
	v14 =	vsub.f32 v61, v17  }
0x1a4: {  	v13 =	vsub.f32 v62, v18;
	v15 =	vsub.f32 v63, v19  }
0x1a5: {  	v0 =	vadd.f32 v1, v0;
	v17 =	vadd.f32 v3, v2  }
0x1a6: {  	v18 =	vadd.f32 v6, v4;
	v19 =	vadd.f32 v7, v5  }
0x1a7: {  	v20 =	vadd.f32 v10, v8;
	v21 =	vadd.f32 v11, v9  }
0x1a8: {  	v22 =	vadd.f32 v14, v12;
	v23 =	vadd.f32 v15, v13  }
0x1a9: {  	v0 =	vadd.f32 v17, v0;
	v24 =	vadd.f32 v19, v18  }
0x1aa: {  	v25 =	vadd.f32 v21, v20;
	v26 =	vadd.f32 v23, v22  }
0x1ab: {  	v0 =	vadd.f32 v24, v0  }
0x1ac: {  	v27 =	vadd.f32 v26, v25  }
0x1ad: {  	[tilespmem:s17+$0x8420] =	vst v0  }
0x1ae: {  	[tilespmem:s17+$0x8430] =	vst v27  }
0x1af: {  	v0 =	vld [tilespmem:s16+$0xFFFFFE00]  }
0x1b0: {  	v1 =	vld [tilespmem:s16+$0xFFFFFE10]  }
0x1b1: {  	v28 =	vld [tilespmem:s16+$0xFFFFFE20]  }
0x1b2: {  	v29 =	vld [tilespmem:s16+$0xFFFFFE30]  }
0x1b3: {  	v30 =	vld [tilespmem:s16+$0xFFFFFE40]  }
0x1b4: {  	v32 =	vld [tilespmem:s16+$0xFFFFFE50]  }
0x1b5: {  	v34 =	vld [tilespmem:s16+$0xFFFFFE60]  }
0x1b6: {  	v36 =	vld [tilespmem:s16+$0xFFFFFE70]  }
0x1b7: {  	v38 =	vld [tilespmem:s16+$0xFFFFFE80]  }
0x1b8: {  	v40 =	vld [tilespmem:s16+$0xFFFFFE90]  }
0x1b9: {  	v42 =	vld [tilespmem:s16+$0xFFFFFEA0];
	v31 =	vmul.f32 $6.553700000e+04, v0;
	v33 =	vmul.f32 $6.553700000e+04, v1  }
0x1ba: {  	v44 =	vld [tilespmem:s16+$0xFFFFFEB0];
	v35 =	vmul.f32 $6.553700000e+04, v28;
	v37 =	vmul.f32 $6.553700000e+04, v29  }
0x1bb: {  	v46 =	vld [tilespmem:s16+$0xFFFFFEC0];
	v39 =	vmul.f32 $6.553700000e+04, v30;
	v41 =	vmul.f32 $6.553700000e+04, v32  }
0x1bc: {  	v49 =	vld [tilespmem:s16+$0xFFFFFED0];
	v43 =	vmul.f32 $6.553700000e+04, v34;
	v45 =	vmul.f32 $6.553700000e+04, v36  }
0x1bd: {  	v52 =	vld [tilespmem:s16+$0xFFFFFEE0];
	v48 =	vmul.f32 $6.553700000e+04, v38;
	v51 =	vmul.f32 $6.553700000e+04, v40  }
0x1be: {  	v55 =	vld [tilespmem:s16+$0xFFFFFEF0];
	v54 =	vmul.f32 $6.553700000e+04, v42;
	v0 =	vsub.f32 v31, v0;
	v1 =	vsub.f32 v33, v1  }
0x1bf: {  	v57 =	vmul.f32 $6.553700000e+04, v44;
	v2 =	vsub.f32 v35, v28;
	v3 =	vsub.f32 v37, v29  }
0x1c0: {  	v60 =	vmul.f32 $6.553700000e+04, v46;
	v4 =	vsub.f32 v39, v30;
	v6 =	vsub.f32 v41, v32  }
0x1c1: {  	v61 =	vmul.f32 $6.553700000e+04, v49;
	v47 =	vsub.f32 v43, v34;
	v50 =	vsub.f32 v45, v36  }
0x1c2: {  	v62 =	vmul.f32 $6.553700000e+04, v52;
	v53 =	vsub.f32 v48, v38;
	v56 =	vsub.f32 v51, v40  }
0x1c3: {  	v63 =	vmul.f32 $6.553700000e+04, v55;
	v58 =	vsub.f32 v54, v42;
	v59 =	vsub.f32 v57, v44  }
0x1c4: {  	v16 =	vsub.f32 v60, v46;
	v17 =	vsub.f32 v61, v49  }
0x1c5: {  	v18 =	vsub.f32 v62, v52;
	v19 =	vsub.f32 v63, v55  }
0x1c6: {  	v0 =	vsub.f32 v31, v0;
	v1 =	vsub.f32 v33, v1  }
0x1c7: {  	v2 =	vsub.f32 v35, v2;
	v3 =	vsub.f32 v37, v3  }
0x1c8: {  	v4 =	vsub.f32 v39, v4;
	v6 =	vsub.f32 v41, v6  }
0x1c9: {  	v5 =	vsub.f32 v43, v47;
	v7 =	vsub.f32 v45, v50  }
0x1ca: {  	v8 =	vsub.f32 v48, v53;
	v10 =	vsub.f32 v51, v56  }
0x1cb: {  	v9 =	vsub.f32 v54, v58;
	v11 =	vsub.f32 v57, v59  }
0x1cc: {  	v12 =	vsub.f32 v60, v16;
	v14 =	vsub.f32 v61, v17  }
0x1cd: {  	v13 =	vsub.f32 v62, v18;
	v15 =	vsub.f32 v63, v19  }
0x1ce: {  	v0 =	vadd.f32 v1, v0;
	v16 =	vadd.f32 v3, v2  }
0x1cf: {  	v17 =	vadd.f32 v6, v4;
	v18 =	vadd.f32 v7, v5  }
0x1d0: {  	v19 =	vadd.f32 v10, v8;
	v20 =	vadd.f32 v11, v9  }
0x1d1: {  	v21 =	vadd.f32 v14, v12;
	v22 =	vadd.f32 v15, v13  }
0x1d2: {  	v0 =	vadd.f32 v16, v0;
	v23 =	vadd.f32 v18, v17  }
0x1d3: {  	v24 =	vadd.f32 v20, v19;
	v25 =	vadd.f32 v22, v21  }
0x1d4: {  	v0 =	vadd.f32 v23, v0  }
0x1d5: {  	v26 =	vadd.f32 v25, v24  }
0x1d6: {  	[tilespmem:s17+$0x8440] =	vst v0  }
0x1d7: {  	[tilespmem:s17+$0x8450] =	vst v26  }
0x1d8: {  	v0 =	vld [tilespmem:s16+$0xFFFFFF00]  }
0x1d9: {  	v1 =	vld [tilespmem:s16+$0xFFFFFF10]  }
0x1da: {  	v27 =	vld [tilespmem:s16+$0xFFFFFF20]  }
0x1db: {  	v28 =	vld [tilespmem:s16+$0xFFFFFF30]  }
0x1dc: {  	v29 =	vld [tilespmem:s16+$0xFFFFFF40]  }
0x1dd: {  	v31 =	vld [tilespmem:s16+$0xFFFFFF50]  }
0x1de: {  	v33 =	vld [tilespmem:s16+$0xFFFFFF60]  }
0x1df: {  	v35 =	vld [tilespmem:s16+$0xFFFFFF70]  }
0x1e0: {  	v37 =	vld [tilespmem:s16+$0xFFFFFF80]  }
0x1e1: {  	v39 =	vld [tilespmem:s16+$0xFFFFFF90]  }
0x1e2: {  	v41 =	vld [tilespmem:s16+$0xFFFFFFA0];
	v30 =	vmul.f32 $6.553700000e+04, v0;
	v32 =	vmul.f32 $6.553700000e+04, v1  }
0x1e3: {  	v43 =	vld [tilespmem:s16+$0xFFFFFFB0];
	v34 =	vmul.f32 $6.553700000e+04, v27;
	v36 =	vmul.f32 $6.553700000e+04, v28  }
0x1e4: {  	v45 =	vld [tilespmem:s16+$0xFFFFFFC0];
	v38 =	vmul.f32 $6.553700000e+04, v29;
	v40 =	vmul.f32 $6.553700000e+04, v31  }
0x1e5: {  	v48 =	vld [tilespmem:s16+$0xFFFFFFD0];
	v42 =	vmul.f32 $6.553700000e+04, v33;
	v44 =	vmul.f32 $6.553700000e+04, v35  }
0x1e6: {  	v51 =	vld [tilespmem:s16+$0xFFFFFFE0];
	v47 =	vmul.f32 $6.553700000e+04, v37;
	v50 =	vmul.f32 $6.553700000e+04, v39  }
0x1e7: {  	v54 =	vld [tilespmem:s16+$0xFFFFFFF0];
	v53 =	vmul.f32 $6.553700000e+04, v41;
	v0 =	vsub.f32 v30, v0;
	v1 =	vsub.f32 v32, v1  }
0x1e8: {  	v56 =	vmul.f32 $6.553700000e+04, v43;
	v2 =	vsub.f32 v34, v27;
	v3 =	vsub.f32 v36, v28  }
0x1e9: {  	v59 =	vmul.f32 $6.553700000e+04, v45;
	v4 =	vsub.f32 v38, v29;
	v6 =	vsub.f32 v40, v31  }
0x1ea: {  	v60 =	vmul.f32 $6.553700000e+04, v48;
	v46 =	vsub.f32 v42, v33;
	v49 =	vsub.f32 v44, v35  }
0x1eb: {  	v61 =	vmul.f32 $6.553700000e+04, v51;
	v52 =	vsub.f32 v47, v37;
	v55 =	vsub.f32 v50, v39  }
0x1ec: {  	v62 =	vmul.f32 $6.553700000e+04, v54;
	v57 =	vsub.f32 v53, v41;
	v58 =	vsub.f32 v56, v43  }
0x1ed: {  	v16 =	vsub.f32 v59, v45;
	v17 =	vsub.f32 v60, v48  }
0x1ee: {  	v18 =	vsub.f32 v61, v51;
	v19 =	vsub.f32 v62, v54  }
0x1ef: {  	v0 =	vsub.f32 v30, v0;
	v1 =	vsub.f32 v32, v1  }
0x1f0: {  	v2 =	vsub.f32 v34, v2;
	v3 =	vsub.f32 v36, v3  }
0x1f1: {  	v4 =	vsub.f32 v38, v4;
	v6 =	vsub.f32 v40, v6  }
0x1f2: {  	v5 =	vsub.f32 v42, v46;
	v7 =	vsub.f32 v44, v49  }
0x1f3: {  	v8 =	vsub.f32 v47, v52;
	v10 =	vsub.f32 v50, v55  }
0x1f4: {  	v9 =	vsub.f32 v53, v57;
	v11 =	vsub.f32 v56, v58  }
0x1f5: {  	v12 =	vsub.f32 v59, v16;
	v14 =	vsub.f32 v60, v17  }
0x1f6: {  	v13 =	vsub.f32 v61, v18;
	v15 =	vsub.f32 v62, v19  }
0x1f7: {  	v0 =	vadd.f32 v1, v0;
	v63 =	vadd.f32 v3, v2  }
0x1f8: {  	v16 =	vadd.f32 v6, v4;
	v17 =	vadd.f32 v7, v5  }
0x1f9: {  	v18 =	vadd.f32 v10, v8;
	v19 =	vadd.f32 v11, v9  }
0x1fa: {  	v20 =	vadd.f32 v14, v12;
	v21 =	vadd.f32 v15, v13  }
0x1fb: {  	v0 =	vadd.f32 v63, v0;
	v22 =	vadd.f32 v17, v16  }
0x1fc: {  	v23 =	vadd.f32 v19, v18;
	v24 =	vadd.f32 v21, v20  }
0x1fd: {  	v0 =	vadd.f32 v22, v0  }
0x1fe: {  	v25 =	vadd.f32 v24, v23  }
0x1ff: {  	[tilespmem:s17+$0x8460] =	vst v0  }
0x200: {  	[tilespmem:s17+$0x8470] =	vst v25  }
0x201: {  	v0 =	vld [tilespmem:s16+$0x0]  }
0x202: {  	v1 =	vld [tilespmem:s16+$0x10]  }
0x203: {  	v26 =	vld [tilespmem:s16+$0x20]  }
0x204: {  	v27 =	vld [tilespmem:s16+$0x30]  }
0x205: {  	v28 =	vld [tilespmem:s16+$0x40]  }
0x206: {  	v30 =	vld [tilespmem:s16+$0x50]  }
0x207: {  	v32 =	vld [tilespmem:s16+$0x60]  }
0x208: {  	v34 =	vld [tilespmem:s16+$0x70]  }
0x209: {  	v36 =	vld [tilespmem:s16+$0x80]  }
0x20a: {  	v38 =	vld [tilespmem:s16+$0x90]  }
0x20b: {  	v40 =	vld [tilespmem:s16+$0xA0];
	v29 =	vmul.f32 $6.553700000e+04, v0;
	v31 =	vmul.f32 $6.553700000e+04, v1  }
0x20c: {  	v42 =	vld [tilespmem:s16+$0xB0];
	v33 =	vmul.f32 $6.553700000e+04, v26;
	v35 =	vmul.f32 $6.553700000e+04, v27  }
0x20d: {  	v44 =	vld [tilespmem:s16+$0xC0];
	v37 =	vmul.f32 $6.553700000e+04, v28;
	v39 =	vmul.f32 $6.553700000e+04, v30  }
0x20e: {  	v47 =	vld [tilespmem:s16+$0xD0];
	v41 =	vmul.f32 $6.553700000e+04, v32;
	v43 =	vmul.f32 $6.553700000e+04, v34  }
0x20f: {  	v50 =	vld [tilespmem:s16+$0xE0];
	v46 =	vmul.f32 $6.553700000e+04, v36;
	v49 =	vmul.f32 $6.553700000e+04, v38  }
0x210: {  	v53 =	vld [tilespmem:s16+$0xF0];
	v52 =	vmul.f32 $6.553700000e+04, v40;
	v0 =	vsub.f32 v29, v0;
	v1 =	vsub.f32 v31, v1  }
0x211: {  	v55 =	vmul.f32 $6.553700000e+04, v42;
	v2 =	vsub.f32 v33, v26;
	v3 =	vsub.f32 v35, v27  }
0x212: {  	v58 =	vmul.f32 $6.553700000e+04, v44;
	v4 =	vsub.f32 v37, v28;
	v6 =	vsub.f32 v39, v30  }
0x213: {  	v59 =	vmul.f32 $6.553700000e+04, v47;
	v45 =	vsub.f32 v41, v32;
	v48 =	vsub.f32 v43, v34  }
0x214: {  	v60 =	vmul.f32 $6.553700000e+04, v50;
	v51 =	vsub.f32 v46, v36;
	v54 =	vsub.f32 v49, v38  }
0x215: {  	v61 =	vmul.f32 $6.553700000e+04, v53;
	v56 =	vsub.f32 v52, v40;
	v57 =	vsub.f32 v55, v42  }
0x216: {  	v16 =	vsub.f32 v58, v44;
	v17 =	vsub.f32 v59, v47  }
0x217: {  	v18 =	vsub.f32 v60, v50;
	v19 =	vsub.f32 v61, v53  }
0x218: {  	v0 =	vsub.f32 v29, v0;
	v1 =	vsub.f32 v31, v1  }
0x219: {  	v2 =	vsub.f32 v33, v2;
	v3 =	vsub.f32 v35, v3  }
0x21a: {  	v4 =	vsub.f32 v37, v4;
	v6 =	vsub.f32 v39, v6  }
0x21b: {  	v5 =	vsub.f32 v41, v45;
	v7 =	vsub.f32 v43, v48  }
0x21c: {  	v8 =	vsub.f32 v46, v51;
	v10 =	vsub.f32 v49, v54  }
0x21d: {  	v9 =	vsub.f32 v52, v56;
	v11 =	vsub.f32 v55, v57  }
0x21e: {  	v12 =	vsub.f32 v58, v16;
	v14 =	vsub.f32 v59, v17  }
0x21f: {  	v13 =	vsub.f32 v60, v18;
	v15 =	vsub.f32 v61, v19  }
0x220: {  	v0 =	vadd.f32 v1, v0;
	v62 =	vadd.f32 v3, v2  }
0x221: {  	v63 =	vadd.f32 v6, v4;
	v16 =	vadd.f32 v7, v5  }
0x222: {  	v17 =	vadd.f32 v10, v8;
	v18 =	vadd.f32 v11, v9  }
0x223: {  	v19 =	vadd.f32 v14, v12;
	v20 =	vadd.f32 v15, v13  }
0x224: {  	v0 =	vadd.f32 v62, v0;
	v21 =	vadd.f32 v16, v63  }
0x225: {  	v22 =	vadd.f32 v18, v17;
	v23 =	vadd.f32 v20, v19  }
0x226: {  	v0 =	vadd.f32 v21, v0  }
0x227: {  	v24 =	vadd.f32 v23, v22  }
0x228: {  	[tilespmem:s17+$0x8C00] =	vst v0  }
0x229: {  	[tilespmem:s17+$0x8C10] =	vst v24  }
0x22a: {  	v0 =	vld [tilespmem:s16+$0x100]  }
0x22b: {  	v1 =	vld [tilespmem:s16+$0x110]  }
0x22c: {  	v25 =	vld [tilespmem:s16+$0x120]  }
0x22d: {  	v26 =	vld [tilespmem:s16+$0x130]  }
0x22e: {  	v27 =	vld [tilespmem:s16+$0x140]  }
0x22f: {  	v29 =	vld [tilespmem:s16+$0x150]  }
0x230: {  	v31 =	vld [tilespmem:s16+$0x160]  }
0x231: {  	v33 =	vld [tilespmem:s16+$0x170]  }
0x232: {  	v35 =	vld [tilespmem:s16+$0x180]  }
0x233: {  	v37 =	vld [tilespmem:s16+$0x190]  }
0x234: {  	v39 =	vld [tilespmem:s16+$0x1A0];
	v28 =	vmul.f32 $6.553700000e+04, v0;
	v30 =	vmul.f32 $6.553700000e+04, v1  }
0x235: {  	v41 =	vld [tilespmem:s16+$0x1B0];
	v32 =	vmul.f32 $6.553700000e+04, v25;
	v34 =	vmul.f32 $6.553700000e+04, v26  }
0x236: {  	v43 =	vld [tilespmem:s16+$0x1C0];
	v36 =	vmul.f32 $6.553700000e+04, v27;
	v38 =	vmul.f32 $6.553700000e+04, v29  }
0x237: {  	v46 =	vld [tilespmem:s16+$0x1D0];
	v40 =	vmul.f32 $6.553700000e+04, v31;
	v42 =	vmul.f32 $6.553700000e+04, v33  }
0x238: {  	v49 =	vld [tilespmem:s16+$0x1E0];
	v45 =	vmul.f32 $6.553700000e+04, v35;
	v48 =	vmul.f32 $6.553700000e+04, v37  }
0x239: {  	v52 =	vld [tilespmem:s16+$0x1F0];
	v51 =	vmul.f32 $6.553700000e+04, v39;
	v0 =	vsub.f32 v28, v0;
	v1 =	vsub.f32 v30, v1  }
0x23a: {  	v54 =	vmul.f32 $6.553700000e+04, v41;
	v2 =	vsub.f32 v32, v25;
	v3 =	vsub.f32 v34, v26  }
0x23b: {  	v57 =	vmul.f32 $6.553700000e+04, v43;
	v4 =	vsub.f32 v36, v27;
	v6 =	vsub.f32 v38, v29  }
0x23c: {  	v58 =	vmul.f32 $6.553700000e+04, v46;
	v44 =	vsub.f32 v40, v31;
	v47 =	vsub.f32 v42, v33  }
0x23d: {  	v59 =	vmul.f32 $6.553700000e+04, v49;
	v50 =	vsub.f32 v45, v35;
	v53 =	vsub.f32 v48, v37  }
0x23e: {  	v60 =	vmul.f32 $6.553700000e+04, v52;
	v55 =	vsub.f32 v51, v39;
	v56 =	vsub.f32 v54, v41  }
0x23f: {  	v16 =	vsub.f32 v57, v43;
	v17 =	vsub.f32 v58, v46  }
0x240: {  	v18 =	vsub.f32 v59, v49;
	v19 =	vsub.f32 v60, v52  }
0x241: {  	v0 =	vsub.f32 v28, v0;
	v1 =	vsub.f32 v30, v1  }
0x242: {  	v2 =	vsub.f32 v32, v2;
	v3 =	vsub.f32 v34, v3  }
0x243: {  	v4 =	vsub.f32 v36, v4;
	v6 =	vsub.f32 v38, v6  }
0x244: {  	v5 =	vsub.f32 v40, v44;
	v7 =	vsub.f32 v42, v47  }
0x245: {  	v8 =	vsub.f32 v45, v50;
	v10 =	vsub.f32 v48, v53  }
0x246: {  	v9 =	vsub.f32 v51, v55;
	v11 =	vsub.f32 v54, v56  }
0x247: {  	v12 =	vsub.f32 v57, v16;
	v14 =	vsub.f32 v58, v17  }
0x248: {  	v13 =	vsub.f32 v59, v18;
	v15 =	vsub.f32 v60, v19  }
0x249: {  	v0 =	vadd.f32 v1, v0;
	v61 =	vadd.f32 v3, v2  }
0x24a: {  	v62 =	vadd.f32 v6, v4;
	v63 =	vadd.f32 v7, v5  }
0x24b: {  	v16 =	vadd.f32 v10, v8;
	v17 =	vadd.f32 v11, v9  }
0x24c: {  	v18 =	vadd.f32 v14, v12;
	v19 =	vadd.f32 v15, v13  }
0x24d: {  	v0 =	vadd.f32 v61, v0;
	v20 =	vadd.f32 v63, v62  }
0x24e: {  	v21 =	vadd.f32 v17, v16;
	v22 =	vadd.f32 v19, v18  }
0x24f: {  	v0 =	vadd.f32 v20, v0  }
0x250: {  	v23 =	vadd.f32 v22, v21  }
0x251: {  	[tilespmem:s17+$0x8C20] =	vst v0  }
0x252: {  	[tilespmem:s17+$0x8C30] =	vst v23  }
0x253: {  	v0 =	vld [tilespmem:s16+$0x200]  }
0x254: {  	v1 =	vld [tilespmem:s16+$0x210]  }
0x255: {  	v24 =	vld [tilespmem:s16+$0x220]  }
0x256: {  	v25 =	vld [tilespmem:s16+$0x230]  }
0x257: {  	v26 =	vld [tilespmem:s16+$0x240]  }
0x258: {  	v28 =	vld [tilespmem:s16+$0x250]  }
0x259: {  	v30 =	vld [tilespmem:s16+$0x260]  }
0x25a: {  	v32 =	vld [tilespmem:s16+$0x270]  }
0x25b: {  	v34 =	vld [tilespmem:s16+$0x280]  }
0x25c: {  	v36 =	vld [tilespmem:s16+$0x290]  }
0x25d: {  	v38 =	vld [tilespmem:s16+$0x2A0];
	v27 =	vmul.f32 $6.553700000e+04, v0;
	v29 =	vmul.f32 $6.553700000e+04, v1  }
0x25e: {  	v40 =	vld [tilespmem:s16+$0x2B0];
	v31 =	vmul.f32 $6.553700000e+04, v24;
	v33 =	vmul.f32 $6.553700000e+04, v25  }
0x25f: {  	v42 =	vld [tilespmem:s16+$0x2C0];
	v35 =	vmul.f32 $6.553700000e+04, v26;
	v37 =	vmul.f32 $6.553700000e+04, v28  }
0x260: {  	v45 =	vld [tilespmem:s16+$0x2D0];
	v39 =	vmul.f32 $6.553700000e+04, v30;
	v41 =	vmul.f32 $6.553700000e+04, v32  }
0x261: {  	v48 =	vld [tilespmem:s16+$0x2E0];
	v44 =	vmul.f32 $6.553700000e+04, v34;
	v47 =	vmul.f32 $6.553700000e+04, v36  }
0x262: {  	v51 =	vld [tilespmem:s16+$0x2F0];
	v50 =	vmul.f32 $6.553700000e+04, v38;
	v0 =	vsub.f32 v27, v0;
	v1 =	vsub.f32 v29, v1  }
0x263: {  	v53 =	vmul.f32 $6.553700000e+04, v40;
	v2 =	vsub.f32 v31, v24;
	v3 =	vsub.f32 v33, v25  }
0x264: {  	v56 =	vmul.f32 $6.553700000e+04, v42;
	v4 =	vsub.f32 v35, v26;
	v6 =	vsub.f32 v37, v28  }
0x265: {  	v57 =	vmul.f32 $6.553700000e+04, v45;
	v43 =	vsub.f32 v39, v30;
	v46 =	vsub.f32 v41, v32  }
0x266: {  	v58 =	vmul.f32 $6.553700000e+04, v48;
	v49 =	vsub.f32 v44, v34;
	v52 =	vsub.f32 v47, v36  }
0x267: {  	v59 =	vmul.f32 $6.553700000e+04, v51;
	v54 =	vsub.f32 v50, v38;
	v55 =	vsub.f32 v53, v40  }
0x268: {  	v16 =	vsub.f32 v56, v42;
	v17 =	vsub.f32 v57, v45  }
0x269: {  	v18 =	vsub.f32 v58, v48;
	v19 =	vsub.f32 v59, v51  }
0x26a: {  	v0 =	vsub.f32 v27, v0;
	v1 =	vsub.f32 v29, v1  }
0x26b: {  	v2 =	vsub.f32 v31, v2;
	v3 =	vsub.f32 v33, v3  }
0x26c: {  	v4 =	vsub.f32 v35, v4;
	v6 =	vsub.f32 v37, v6  }
0x26d: {  	v5 =	vsub.f32 v39, v43;
	v7 =	vsub.f32 v41, v46  }
0x26e: {  	v8 =	vsub.f32 v44, v49;
	v10 =	vsub.f32 v47, v52  }
0x26f: {  	v9 =	vsub.f32 v50, v54;
	v11 =	vsub.f32 v53, v55  }
0x270: {  	v12 =	vsub.f32 v56, v16;
	v14 =	vsub.f32 v57, v17  }
0x271: {  	v13 =	vsub.f32 v58, v18;
	v15 =	vsub.f32 v59, v19  }
0x272: {  	v0 =	vadd.f32 v1, v0;
	v60 =	vadd.f32 v3, v2  }
0x273: {  	v61 =	vadd.f32 v6, v4;
	v62 =	vadd.f32 v7, v5  }
0x274: {  	v63 =	vadd.f32 v10, v8;
	v10 =	vadd.f32 v11, v9  }
0x275: {  	v11 =	vadd.f32 v14, v12;
	v12 =	vadd.f32 v15, v13  }
0x276: {  	v0 =	vadd.f32 v60, v0;
	v13 =	vadd.f32 v62, v61  }
0x277: {  	v14 =	vadd.f32 v10, v63;
	v15 =	vadd.f32 v12, v11  }
0x278: {  	v0 =	vadd.f32 v13, v0  }
0x279: {  	v16 =	vadd.f32 v15, v14  }
0x27a: {  	[tilespmem:s17+$0x8C40] =	vst v0  }
0x27b: {  	[tilespmem:s17+$0x8C50] =	vst v16  }
0x27c: {  	v0 =	vld [tilespmem:s16+$0x300]  }
0x27d: {  	v1 =	vld [tilespmem:s16+$0x310]  }
0x27e: {  	v17 =	vld [tilespmem:s16+$0x320]  }
0x27f: {  	v18 =	vld [tilespmem:s16+$0x330]  }
0x280: {  	v19 =	vld [tilespmem:s16+$0x340]  }
0x281: {  	v21 =	vld [tilespmem:s16+$0x350]  }
0x282: {  	v23 =	vld [tilespmem:s16+$0x360]  }
0x283: {  	v25 =	vld [tilespmem:s16+$0x370]  }
0x284: {  	v27 =	vld [tilespmem:s16+$0x380]  }
0x285: {  	v29 =	vld [tilespmem:s16+$0x390]  }
0x286: {  	v31 =	vld [tilespmem:s16+$0x3A0];
	v20 =	vmul.f32 $6.553700000e+04, v0;
	v22 =	vmul.f32 $6.553700000e+04, v1  }
0x287: {  	v33 =	vld [tilespmem:s16+$0x3B0];
	v24 =	vmul.f32 $6.553700000e+04, v17;
	v26 =	vmul.f32 $6.553700000e+04, v18  }
0x288: {  	v35 =	vld [tilespmem:s16+$0x3C0];
	v28 =	vmul.f32 $6.553700000e+04, v19;
	v30 =	vmul.f32 $6.553700000e+04, v21  }
0x289: {  	v38 =	vld [tilespmem:s16+$0x3D0];
	v32 =	vmul.f32 $6.553700000e+04, v23;
	v34 =	vmul.f32 $6.553700000e+04, v25  }
0x28a: {  	v41 =	vld [tilespmem:s16+$0x3E0];
	v37 =	vmul.f32 $6.553700000e+04, v27;
	v40 =	vmul.f32 $6.553700000e+04, v29  }
0x28b: {  	v44 =	vld [tilespmem:s16+$0x3F0];
	v43 =	vmul.f32 $6.553700000e+04, v31;
	v0 =	vsub.f32 v20, v0;
	v1 =	vsub.f32 v22, v1  }
0x28c: {  	v46 =	vmul.f32 $6.553700000e+04, v33;
	v2 =	vsub.f32 v24, v17;
	v3 =	vsub.f32 v26, v18  }
0x28d: {  	v49 =	vmul.f32 $6.553700000e+04, v35;
	v4 =	vsub.f32 v28, v19;
	v6 =	vsub.f32 v30, v21  }
0x28e: {  	v50 =	vmul.f32 $6.553700000e+04, v38;
	v36 =	vsub.f32 v32, v23;
	v39 =	vsub.f32 v34, v25  }
0x28f: {  	v51 =	vmul.f32 $6.553700000e+04, v41;
	v42 =	vsub.f32 v37, v27;
	v45 =	vsub.f32 v40, v29  }
0x290: {  	v52 =	vmul.f32 $6.553700000e+04, v44;
	v47 =	vsub.f32 v43, v31;
	v48 =	vsub.f32 v46, v33  }
0x291: {  	v16 =	vsub.f32 v49, v35;
	v17 =	vsub.f32 v50, v38  }
0x292: {  	v18 =	vsub.f32 v51, v41;
	v19 =	vsub.f32 v52, v44  }
0x293: {  	v0 =	vsub.f32 v20, v0;
	v1 =	vsub.f32 v22, v1  }
0x294: {  	v2 =	vsub.f32 v24, v2;
	v3 =	vsub.f32 v26, v3  }
0x295: {  	v4 =	vsub.f32 v28, v4;
	v6 =	vsub.f32 v30, v6  }
0x296: {  	v5 =	vsub.f32 v32, v36;
	v7 =	vsub.f32 v34, v39  }
0x297: {  	v8 =	vsub.f32 v37, v42;
	v10 =	vsub.f32 v40, v45  }
0x298: {  	v9 =	vsub.f32 v43, v47;
	v11 =	vsub.f32 v46, v48  }
0x299: {  	v12 =	vsub.f32 v49, v16;
	v14 =	vsub.f32 v50, v17  }
0x29a: {  	v13 =	vsub.f32 v51, v18;
	v15 =	vsub.f32 v52, v19  }
0x29b: {  	v0 =	vadd.f32 v1, v0;
	v53 =	vadd.f32 v3, v2  }
0x29c: {  	v54 =	vadd.f32 v6, v4;
	v55 =	vadd.f32 v7, v5  }
0x29d: {  	v56 =	vadd.f32 v10, v8;
	v57 =	vadd.f32 v11, v9  }
0x29e: {  	v58 =	vadd.f32 v14, v12;
	v59 =	vadd.f32 v15, v13  }
0x29f: {  	p0 =	sne.s32 s15, $0xE00;
	v0 =	vadd.f32 v53, v0;
	v60 =	vadd.f32 v55, v54  }
.Ltmp1:
0x2a0: {  	v61 =	vadd.f32 v57, v56;
	v62 =	vadd.f32 v59, v58;
	(pc) =	sbr.rel @p0 .LBB2_4-.Ltmp1, $4  }
0x2a1: {  	v0 =	vadd.f32 v60, v0  }
0x2a2: {  	v63 =	vadd.f32 v62, v61  }
0x2a3: {  	[tilespmem:s17+$0x8C60] =	vst v0  }
0x2a4: {  	s15 =	sadd.s32 $0x200, s15;
	s16 =	sadd.s32 $0x800, s16;
	[tilespmem:s17+$0x8C70] =	vst v63  }
0x2a5: {  	[hbm4b:s5+s2] =	stream.linear.scatter [tilespmem:s11], [sflag:$0x3], $0x800, $0x38;
	[tilespmem:$0x9000] =	vst v63  }
0x2a6: {  	s14 =	sadd.s32 $0x1, s14  }
0x2a7: {  	[hbm4b:s6+s2] =	stream.linear.scatter [tilespmem:s12], [sflag:$0x3], $0x800, $0x38;
	[tilespmem:$0x9000] =	vst v63  }
0x2a8: {  	p0 =	sne.s32 s14, s7;
	_ =	swait.ge [sflag:s13], $0x800  }
.Ltmp2:
0x2a9: {  	[sflag:s13] =	ssyncset.done $0x0;
	(pc) =	sbr.rel @p0 .LBB2_1-.Ltmp2, $4  }
0x2aa: {  	[sflag:s13] =	ssyncadd.s32 $0xFFFFF800  }
0x2ab: {  	_ =	swait.ge [sflag:s13], $0x800  }
0x2ac: {  	[sflag:s13] =	ssyncset.done $0x0  }
0x2ad: {  	[sflag:s13] =	ssyncadd.s32 $0xFFFFF800  }
0x2ae: {  	_ =	sfence.sel $0x180000  }
0x2af: {  	[bflag:$0x0] =	sbarrier.arrive $0xFFFF  }
0x2b0: {  	p0 =	sne.s32 s1, $0x0;
	_ =	strace $0x90000047  }
0x2b1: {  	s0 =	sadd.s32 @!p0 $0x100000, s0;
	[bflag:$0x2] =	sbarrier.arrive $0xFFFF  }
0x2b2: {  	[sflag:s0] =	ssyncadd.tile.s32 @!p0 $0x1;
	_ =	shalt  }
.Lfunc_end2:
_tile_overlayer_lowered:
.L_overlay_start_2:
0x2b3: {  	(tag) =	ssettag $0x2  }
0x2b4: {  	s0 =	rddreg [dreg:$0x0];
	s2 =	stileid.u32  }
0x2b5: {  	s1 =	rddreg [dreg:$0x1];
	p0 =	sne.s32 s2, $0x0  }
0x2b6: {  	s3 =	rddreg [dreg:$0x2];
	[bflag:$0x3] =	sbarrier.arrive $0xFFFF;
	s2 =	simm.s32 @!p0 $0x1C04  }
0x2b7: {  	[timem:s3], [sflag:s2] =	dma.local @!p0 [hbm:s0], s1  }
0x2b8: {  	s0 =	simm.s32 @!p0 $0x4  }
0x2b9: {  	_ =	swait.ge @!p0 [sflag:s0], s1  }
0x2ba: {  	s1 =	ssub.s32 @!p0 $0x0, s1;
	[sflag:s0] =	ssyncset.done @!p0 $0x0  }
0x2bb: {  	[sflag:s0] =	ssyncadd.s32 @!p0 s1  }
0x2bc: {  	[bflag:$0x3] =	sbarrier.arrive $0xFFFF  }
0x2bd: {  	_ =	shalt  }

</sc_bundles>
